<compile_context>
chip_gen: v7x
topology: tpu7x:2x2x1
jax: 0.10.2.dev20260603
libtpu: 0.0.44.dev20260713+nightly
codegen_flags: <defaults>
</compile_context>

<pallas_src>
import functools

import jax
import jax.numpy as jnp
from jax import lax
from jax.experimental import pallas as pl
from jax.experimental.pallas import tpu as pltpu
from jax.experimental.pallas import tpu_sc as plsc

N_NODES = 10000
N_PAD = 10112
E_EDGES = 320000
CHUNK = 128
CH_TOT = E_EDGES // CHUNK
BASE_CH = CH_TOT // 32
EXTRA_W = CH_TOT - 32 * BASE_CH
NBUF = 8
RING_CH = 72
D_IN = 128
D_HID = 32
D_CLS = 10
D_CLS_PAD = 16
ZROWS = N_PAD // 16

_mesh = plsc.VectorSubcoreMesh(core_axis_name="c", subcore_axis_name="s")
_sc_params = pltpu.CompilerParams(use_tc_tiling_on_sc=False)


def _load_idx(idx_hbm, idx_v, wid):
    pltpu.sync_copy(idx_hbm.at[pl.ds(wid * BASE_CH, BASE_CH)],
                    idx_v.at[pl.ds(0, BASE_CH)])

    @pl.when(wid < EXTRA_W)
    def _():
        pltpu.sync_copy(idx_hbm.at[pl.ds(32 * BASE_CH + wid, 1)],
                        idx_v.at[pl.ds(BASE_CH, 1)])


@functools.partial(
    pl.kernel,
    mesh=_mesh,
    compiler_params=_sc_params,
    out_type=jax.ShapeDtypeStruct((2, N_PAD, 16), jnp.float32),
    scratch_types=[
        pltpu.VMEM((BASE_CH + 1, CHUNK), jnp.int32),
        pltpu.VMEM((CHUNK, 16), jnp.float32),
        pltpu.VMEM((ZROWS, 16), jnp.float32),
        pltpu.VMEM_SHARED((N_PAD, 16), jnp.float32),
        pltpu.SemaphoreType.DMA,
    ],
)
def _sc_degree(dst_hbm, out_hbm, idx_v, ones_v, zero_v, acc_sh, sem):
    c = lax.axis_index("c")
    s = lax.axis_index("s")
    wid = c * 16 + s
    nch = BASE_CH + jnp.where(wid < EXTRA_W, 1, 0)

    @pl.loop(0, CHUNK)
    def _(r):
        ones_v[r, :] = jnp.full((16,), 1.0, jnp.float32)

    @pl.loop(0, ZROWS)
    def _(r):
        zero_v[r, :] = jnp.zeros((16,), jnp.float32)

    pltpu.sync_copy(zero_v, acc_sh.at[pl.ds(s * ZROWS, ZROWS)])
    _load_idx(dst_hbm, idx_v, wid)
    plsc.subcore_barrier()

    DEPTH = 8
    for j in range(DEPTH):
        pltpu.async_copy(ones_v, acc_sh.at[idx_v.at[j]], sem, add=True)

    @pl.loop(DEPTH, RING_CH)
    def _(j):
        pltpu.make_async_copy(ones_v, acc_sh.at[idx_v.at[j]], sem).wait()
        pltpu.async_copy(ones_v, acc_sh.at[idx_v.at[j]], sem, add=True)

    for j in range(DEPTH):
        pltpu.make_async_copy(ones_v, acc_sh.at[idx_v.at[j]], sem).wait()

    for k in range(RING_CH, BASE_CH + 1):
        @pl.when(k < nch)
        def _():
            pltpu.sync_copy(ones_v, acc_sh.at[idx_v.at[k]], add=True)

    plsc.subcore_barrier()
    pltpu.sync_copy(acc_sh.at[pl.ds(s * ZROWS, ZROWS)],
                    out_hbm.at[c, pl.ds(s * ZROWS, ZROWS)])


def _make_sc_agg(depth):

    @functools.partial(
        pl.kernel,
        mesh=_mesh,
        compiler_params=_sc_params,
        out_type=jax.ShapeDtypeStruct((2, N_PAD, depth), jnp.float32),
        scratch_types=[
            pltpu.VMEM((BASE_CH + 1, CHUNK), jnp.int32),
            pltpu.VMEM((BASE_CH + 1, CHUNK), jnp.int32),
            pltpu.VMEM((NBUF, CHUNK, depth), jnp.float32),
            pltpu.VMEM((ZROWS, depth), jnp.float32),
            pltpu.VMEM_SHARED((N_PAD, depth), jnp.float32),
        ] + [pltpu.SemaphoreType.DMA] * (2 * NBUF),
    )
    def _agg(g_hbm, src_hbm, dst_hbm, out_hbm,
             src_v, dst_v, bufs, zero_v, acc_sh, *sems):
        c = lax.axis_index("c")
        s = lax.axis_index("s")
        wid = c * 16 + s
        nch = BASE_CH + jnp.where(wid < EXTRA_W, 1, 0)
        gsem = sems[:NBUF]
        ssem = sems[NBUF:]

        @pl.loop(0, ZROWS)
        def _(r):
            for t in range(depth // 16):
                zero_v[r, pl.ds(t * 16, 16)] = jnp.zeros((16,), jnp.float32)

        pltpu.sync_copy(zero_v, acc_sh.at[pl.ds(s * ZROWS, ZROWS)])
        _load_idx(src_hbm, src_v, wid)
        _load_idx(dst_hbm, dst_v, wid)

        for b in range(NBUF):
            pltpu.async_copy(g_hbm.at[src_v.at[b]], bufs.at[b], gsem[b])
        plsc.subcore_barrier()

        @pl.loop(0, RING_CH, step=NBUF)
        def _(j):
            for b in range(NBUF):
                pltpu.make_async_copy(
                    g_hbm.at[src_v.at[j + b]], bufs.at[b], gsem[b]).wait()
                pltpu.async_copy(
                    bufs.at[b], acc_sh.at[dst_v.at[j + b]], ssem[b], add=True)
            for b in range(NBUF):
                pltpu.make_async_copy(
                    bufs.at[b], acc_sh.at[dst_v.at[j + b]], ssem[b]).wait()

                @pl.when(j + NBUF + b < RING_CH)
                def _():
                    pltpu.async_copy(
                        g_hbm.at[src_v.at[j + NBUF + b]], bufs.at[b], gsem[b])

        for k in range(RING_CH, BASE_CH + 1):
            @pl.when(k < nch)
            def _():
                pltpu.async_copy(g_hbm.at[src_v.at[k]],
                                 bufs.at[k - RING_CH], gsem[k - RING_CH])
        for k in range(RING_CH, BASE_CH + 1):
            @pl.when(k < nch)
            def _():
                pltpu.make_async_copy(g_hbm.at[src_v.at[k]],
                                      bufs.at[k - RING_CH],
                                      gsem[k - RING_CH]).wait()
                pltpu.sync_copy(bufs.at[k - RING_CH],
                                acc_sh.at[dst_v.at[k]], add=True)

        plsc.subcore_barrier()
        pltpu.sync_copy(acc_sh.at[pl.ds(s * ZROWS, ZROWS)],
                        out_hbm.at[c, pl.ds(s * ZROWS, ZROWS)])

    return _agg


_sc_agg32 = _make_sc_agg(D_HID)
_sc_agg16 = _make_sc_agg(D_CLS_PAD)


def _tc_mm1(x, w1):
    def body(x_ref, w_ref, o_ref):
        o_ref[pl.ds(0, N_NODES), :] = jnp.dot(
            x_ref[...], w_ref[...], preferred_element_type=jnp.float32)
        o_ref[pl.ds(N_NODES, N_PAD - N_NODES), :] = jnp.zeros(
            (N_PAD - N_NODES, D_HID), jnp.float32)

    return pl.pallas_call(
        body,
        out_shape=jax.ShapeDtypeStruct((N_PAD, D_HID), jnp.float32),
    )(x, w1)


_GB = 8
_BR = N_PAD // _GB


def _tc_scale(degp, h1):
    def body(d_ref, h_ref, dis_ref, g_ref):
        d = d_ref[...]
        deg = d[0, :, 0:1] + d[1, :, 0:1] + 1.0
        dis = lax.rsqrt(deg)
        dis_ref[...] = dis
        g_ref[...] = h_ref[...] * dis

    return pl.pallas_call(
        body,
        out_shape=[
            jax.ShapeDtypeStruct((N_PAD, 1), jnp.float32),
            jax.ShapeDtypeStruct((N_PAD, D_HID), jnp.float32),
        ],
    )(degp, h1)


def _tc_layer2(aggp, g1, dis, b1r, w2p):
    def body(a_ref, g_ref, dis_ref, b_ref, w_ref, o_ref):
        a = a_ref[...]
        dis = dis_ref[...]
        u = (a[0] + a[1] + g_ref[...]) * dis + b_ref[...]
        t = jnp.tanh(u)
        h2 = jnp.dot(t, w_ref[...], preferred_element_type=jnp.float32)
        o_ref[...] = h2 * dis

    return pl.pallas_call(
        body,
        out_shape=jax.ShapeDtypeStruct((N_PAD, D_CLS_PAD), jnp.float32),
    )(aggp, g1, dis, b1r, w2p)


def _tc_out(aggp, g2, dis, b2r):
    def body(a_ref, g_ref, dis_ref, b_ref, o_ref):
        a = a_ref[...]
        u = (a[0] + a[1] + g_ref[...]) * dis_ref[...] + b_ref[...]
        logits = u[:N_NODES, :D_CLS]
        m = jnp.max(logits, axis=1, keepdims=True)
        sh = logits - m
        lse = jnp.log(jnp.sum(jnp.exp(sh), axis=1, keepdims=True))
        o_ref[...] = sh - lse

    return pl.pallas_call(
        body,
        out_shape=jax.ShapeDtypeStruct((N_NODES, D_CLS), jnp.float32),
    )(aggp, g2, dis, b2r)


def kernel(x, edge_index, W1, b1, W2, b2):
    src2 = edge_index[0].reshape(CH_TOT, CHUNK)
    dst2 = edge_index[1].reshape(CH_TOT, CHUNK)
    w2p = jnp.pad(W2, ((0, 0), (0, D_CLS_PAD - D_CLS)))
    b1r = b1.reshape(1, D_HID)
    b2r = jnp.pad(b2, (0, D_CLS_PAD - D_CLS)).reshape(1, D_CLS_PAD)

    h1 = _tc_mm1(x, W1)
    degp = _sc_degree(dst2)
    dis, g1 = _tc_scale(degp, h1)
    agg1 = _sc_agg32(g1, src2, dst2)
    g2 = _tc_layer2(agg1, g1, dis, b1r, w2p)
    agg2 = _sc_agg16(g2, src2, dst2)
    return _tc_out(agg2, g2, dis, b2r)

# --- scband reference (transcript-rebuilt; emitter-appended) ---
"""Pipeline reference for scband-gcn-75453985456218 (READ-ONLY COPY).

The authoritative reference and input builder live on the scoring server;
editing this copy changes nothing except your own understanding.
"""

import jax, jax.numpy as jnp
import numpy as np

N = 10000
E = 320000
D_IN = 128
D_HID = 32
N_CLASSES = 10


def setup_inputs(seed: int = 0) -> dict:
    key = jax.random.key(seed)
    k1, k2, k3, k4, k5, k6 = jax.random.split(key, 6)
    x = jax.random.normal(k1, (N, D_IN), dtype=jnp.float32)
    edge_index = jax.random.randint(k2, (2, E), 0, N, dtype=jnp.int32)
    W1 = jax.random.normal(k3, (D_IN, D_HID), dtype=jnp.float32) * (1.0 / np.sqrt(D_IN))
    b1 = jnp.zeros((D_HID,), dtype=jnp.float32)
    W2 = jax.random.normal(k4, (D_HID, N_CLASSES), dtype=jnp.float32) * (1.0 / np.sqrt(D_HID))
    b2 = jnp.zeros((N_CLASSES,), dtype=jnp.float32)
    return {"x": x, "edge_index": edge_index, "W1": W1, "b1": b1, "W2": W2, "b2": b2}


def _gcn_conv(x, edge_index, W, b, num_nodes):
    # GCNConv (PyG semantics): add self-loops, symmetric normalization, linear, scatter-add, bias
    loop = jnp.arange(num_nodes, dtype=edge_index.dtype)
    src = jnp.concatenate([edge_index[0], loop])
    dst = jnp.concatenate([edge_index[1], loop])
    h = x @ W
    deg = jnp.zeros((num_nodes,), dtype=h.dtype).at[dst].add(1.0)
    deg_inv_sqrt = jnp.where(deg > 0, jax.lax.rsqrt(jnp.maximum(deg, 1e-12)), 0.0)
    norm = deg_inv_sqrt[src] * deg_inv_sqrt[dst]
    msgs = h[src] * norm[:, None]
    out = jnp.zeros((num_nodes, h.shape[1]), dtype=h.dtype).at[dst].add(msgs)
    return out + b


def reference(x, edge_index, W1, b1, W2, b2):
    h = _gcn_conv(x, edge_index, W1, b1, N)
    h = jnp.tanh(h)
    # dropout(p=0.5) is identity in eval mode (self.training == False)
    out = _gcn_conv(h, edge_index, W2, b2, N)
    return jax.nn.log_softmax(out, axis=1)

if __name__ == "__main__":
    import jax
    _d = setup_inputs()
    print(jax.jit(kernel)(*tuple(_d.values())))

</pallas_src>

<mosaic_0001>
#map = affine_map<(d0, d1) -> (0, 0)>
#map1 = affine_map<(d0, d1) -> (0, 0, 0)>
module attributes {stable_mosaic.version = 14 : i64} {
  func.func @_sc_degree(%arg0: i32, %arg1: i32, %arg2: memref<2500x128xi32, #tpu.memory_space<hbm>>, %arg3: memref<2x10112x16xf32, #tpu.memory_space<hbm>>, %arg4: memref<79x128xi32, #tpu.memory_space<vmem>>, %arg5: memref<128x16xf32, #tpu.memory_space<vmem>>, %arg6: memref<632x16xf32, #tpu.memory_space<vmem>>, %arg7: memref<10112x16xf32, #tpu.memory_space<vmem_shared>>, %arg8: memref<!tpu.dma_semaphore, #tpu.memory_space<semaphore_mem>>) attributes {dimension_semantics = [#tpu.dimension_semantics<core_parallel>, #tpu.dimension_semantics<subcore_parallel>], iteration_bounds = array<i64: 2, 16>, scalar_prefetch = 0 : i64, scratch_operands = 5 : i64, tpu.core_type = #tpu.core_type<sc_vector_subcore>, window_params = [{transform_indices = #map}, {transform_indices = #map1}]} {
    %mul3A = arith.constant 16 : i32
    %mul3A_0 = arith.muli %arg0, %mul3A : i32
    %add3A = arith.addi %mul3A_0, %arg1 : i32
    %lt3A = arith.constant 4 : i32
    %lt3A_1 = arith.cmpi slt, %add3A, %lt3A : i32
    %jit3A = arith.constant 1 : i32
    %jit3A_2 = arith.constant 0 : i32
    %select_n3A = arith.select %lt3A_1, %jit3A, %jit3A_2 : i32
    %add3A_3 = arith.constant 78 : i32
    %add3A_4 = arith.addi %add3A_3, %select_n3A : i32
    %scan3A = arith.constant 0 : i32
    %scan3A_5 = arith.constant 128 : i32
    %scan3A_6 = arith.addi %scan3A, %scan3A_5 : i32
    %scan3A_7 = arith.constant 1 : i32
    scf.for %scan3A_175 = %scan3A to %scan3A_6 step %scan3A_7  : i32 {
      %mul3A_176 = arith.constant 1 : i32
      %mul3A_177 = arith.muli %scan3A_175, %mul3A_176 : i32
      %add3A_178 = arith.constant 0 : i32
      %add3A_179 = arith.addi %add3A_178, %mul3A_177 : i32
      %broadcast_in_dim3A = arith.constant 1.000000e+00 : f32
      %broadcast_in_dim3A_180 = vector.broadcast %broadcast_in_dim3A : f32 to vector<16xf32>
      %swap3A = arith.index_cast %add3A_179 : i32 to index
      %swap3A_181 = arith.constant 0 : index
      %swap3A_182 = tpu.vector_load %arg5[%swap3A, %swap3A_181] {strides = array<i32>} : memref<128x16xf32, #tpu.memory_space<vmem>>, vector<1x16xf32>,
      %swap3A_183 = vector.shape_cast %swap3A_182 : vector<1x16xf32> to vector<16xf32>
      %swap3A_184 = vector.shape_cast %broadcast_in_dim3A_180 : vector<16xf32> to vector<1x16xf32>
      tpu.vector_store %arg5[%swap3A, %swap3A_181], %swap3A_184 {strides = array<i32>} : memref<128x16xf32, #tpu.memory_space<vmem>>, vector<1x16xf32>,
    }
    %scan3A_8 = arith.constant 128 : i32
    %scan3A_9 = arith.constant 0 : i32
    %scan3A_10 = arith.constant 632 : i32
    %scan3A_11 = arith.addi %scan3A_9, %scan3A_10 : i32
    %scan3A_12 = arith.constant 1 : i32
    scf.for %scan3A_175 = %scan3A_9 to %scan3A_11 step %scan3A_12  : i32 {
      %mul3A_176 = arith.constant 1 : i32
      %mul3A_177 = arith.muli %scan3A_175, %mul3A_176 : i32
      %add3A_178 = arith.constant 0 : i32
      %add3A_179 = arith.addi %add3A_178, %mul3A_177 : i32
      %broadcast_in_dim3A = arith.constant 0.000000e+00 : f32
      %broadcast_in_dim3A_180 = vector.broadcast %broadcast_in_dim3A : f32 to vector<16xf32>
      %swap3A = arith.index_cast %add3A_179 : i32 to index
      %swap3A_181 = arith.constant 0 : index
      %swap3A_182 = tpu.vector_load %arg6[%swap3A, %swap3A_181] {strides = array<i32>} : memref<632x16xf32, #tpu.memory_space<vmem>>, vector<1x16xf32>,
      %swap3A_183 = vector.shape_cast %swap3A_182 : vector<1x16xf32> to vector<16xf32>
      %swap3A_184 = vector.shape_cast %broadcast_in_dim3A_180 : vector<16xf32> to vector<1x16xf32>
      tpu.vector_store %arg6[%swap3A, %swap3A_181], %swap3A_184 {strides = array<i32>} : memref<632x16xf32, #tpu.memory_space<vmem>>, vector<1x16xf32>,
    }
    %scan3A_13 = arith.constant 632 : i32
    %mul3A_14 = arith.constant 632 : i32
    %mul3A_15 = arith.muli %arg1, %mul3A_14 : i32
    "tpu.region"() ({
      %run_scoped3A = tpu.sem_alloc : memref<!tpu.dma_semaphore, #tpu.memory_space<semaphore_mem>>
      %dma_start3A_175 = arith.constant 0 : i32
      %dma_start3A_176 = tpu.memref_slice %arg7[%mul3A_15, %dma_start3A_175] : memref<10112x16xf32, #tpu.memory_space<vmem_shared>> -> memref<632x16xf32, #tpu.memory_space<vmem_shared>>
      %dma_start3A_177 = arith.constant 0 : i32
      %dma_start3A_178 = tpu.memref_slice %arg7[%mul3A_15, %dma_start3A_177] : memref<10112x16xf32, #tpu.memory_space<vmem_shared>> -> memref<632x16xf32, #tpu.memory_space<vmem_shared>>
      tpu.enqueue_dma source(%arg6 : memref<632x16xf32, #tpu.memory_space<vmem>>) target(%dma_start3A_178 : memref<632x16xf32, #tpu.memory_space<vmem_shared>>) target_semaphore(%run_scoped3A : memref<!tpu.dma_semaphore, #tpu.memory_space<semaphore_mem>>)
      %dma_wait3A_179 = arith.constant 0 : i32
      %dma_wait3A_180 = tpu.memref_slice %arg7[%mul3A_15, %dma_wait3A_179] : memref<10112x16xf32, #tpu.memory_space<vmem_shared>> -> memref<632x16xf32, #tpu.memory_space<vmem_shared>>
      %dma_wait3A_181 = arith.constant 0 : i32
      %dma_wait3A_182 = tpu.memref_slice %arg7[%mul3A_15, %dma_wait3A_181] : memref<10112x16xf32, #tpu.memory_space<vmem_shared>> -> memref<632x16xf32, #tpu.memory_space<vmem_shared>>
      tpu.wait_dma2 semaphore(%run_scoped3A : memref<!tpu.dma_semaphore, #tpu.memory_space<semaphore_mem>>) src(%arg6 : memref<632x16xf32, #tpu.memory_space<vmem>>) dst(%dma_wait3A_182 : memref<632x16xf32, #tpu.memory_space<vmem_shared>>)
      tpu.yield
    }) : () -> ()
    %mul3A_16 = arith.constant 78 : i32
    %mul3A_17 = arith.muli %add3A, %mul3A_16 : i32
    "tpu.region"() ({
      %run_scoped3A = tpu.sem_alloc : memref<!tpu.dma_semaphore, #tpu.memory_space<semaphore_mem>>
      %dma_start3A_175 = arith.constant 0 : i32
      %dma_start3A_176 = arith.constant 0 : i32
      %dma_start3A_177 = tpu.memref_slice %arg4[%dma_start3A_175, %dma_start3A_176] : memref<79x128xi32, #tpu.memory_space<vmem>> -> memref<78x128xi32, #tpu.memory_space<vmem>>
      %dma_start3A_178 = arith.constant 0 : i32
      %dma_start3A_179 = tpu.memref_slice %arg2[%mul3A_17, %dma_start3A_178] : memref<2500x128xi32, #tpu.memory_space<hbm>> -> memref<78x128xi32, #tpu.memory_space<hbm>>
      %dma_start3A_180 = arith.constant 0 : i32
      %dma_start3A_181 = arith.constant 0 : i32
      %dma_start3A_182 = tpu.memref_slice %arg4[%dma_start3A_180, %dma_start3A_181] : memref<79x128xi32, #tpu.memory_space<vmem>> -> memref<78x128xi32, #tpu.memory_space<vmem>>
      %dma_start3A_183 = arith.constant 0 : i32
      %dma_start3A_184 = tpu.memref_slice %arg2[%mul3A_17, %dma_start3A_183] : memref<2500x128xi32, #tpu.memory_space<hbm>> -> memref<78x128xi32, #tpu.memory_space<hbm>>
      tpu.enqueue_dma source(%dma_start3A_184 : memref<78x128xi32, #tpu.memory_space<hbm>>) target(%dma_start3A_182 : memref<78x128xi32, #tpu.memory_space<vmem>>) target_semaphore(%run_scoped3A : memref<!tpu.dma_semaphore, #tpu.memory_space<semaphore_mem>>)
      %dma_wait3A_185 = arith.constant 0 : i32
      %dma_wait3A_186 = arith.constant 0 : i32
      %dma_wait3A_187 = tpu.memref_slice %arg4[%dma_wait3A_185, %dma_wait3A_186] : memref<79x128xi32, #tpu.memory_space<vmem>> -> memref<78x128xi32, #tpu.memory_space<vmem>>
      %dma_wait3A_188 = arith.constant 0 : i32
      %dma_wait3A_189 = tpu.memref_slice %arg2[%mul3A_17, %dma_wait3A_188] : memref<2500x128xi32, #tpu.memory_space<hbm>> -> memref<78x128xi32, #tpu.memory_space<hbm>>
      %dma_wait3A_190 = arith.constant 0 : i32
      %dma_wait3A_191 = arith.constant 0 : i32
      %dma_wait3A_192 = tpu.memref_slice %arg4[%dma_wait3A_190, %dma_wait3A_191] : memref<79x128xi32, #tpu.memory_space<vmem>> -> memref<78x128xi32, #tpu.memory_space<vmem>>
      %dma_wait3A_193 = arith.constant 0 : i32
      %dma_wait3A_194 = tpu.memref_slice %arg2[%mul3A_17, %dma_wait3A_193] : memref<2500x128xi32, #tpu.memory_space<hbm>> -> memref<78x128xi32, #tpu.memory_space<hbm>>
      tpu.wait_dma2 semaphore(%run_scoped3A : memref<!tpu.dma_semaphore, #tpu.memory_space<semaphore_mem>>) src(%dma_wait3A_194 : memref<78x128xi32, #tpu.memory_space<hbm>>) dst(%dma_wait3A_192 : memref<78x128xi32, #tpu.memory_space<vmem>>)
      tpu.yield
    }) : () -> ()
    %lt3A_18 = arith.constant 4 : i32
    %lt3A_19 = arith.cmpi slt, %add3A, %lt3A_18 : i32
    %convert_element_type3A = arith.extui %lt3A_19 : i1 to i32
    %cond3A = arith.constant 0 : i32
    %cond3A_20 = arith.cmpi ne, %convert_element_type3A, %cond3A : i32
    scf.if %cond3A_20 {
      %add3A_175 = arith.constant 2496 : i32
      %add3A_176 = arith.addi %add3A_175, %add3A : i32
      "tpu.region"() ({
        %run_scoped3A = tpu.sem_alloc : memref<!tpu.dma_semaphore, #tpu.memory_space<semaphore_mem>>
        %dma_start3A_177 = arith.constant 78 : i32
        %dma_start3A_178 = arith.constant 0 : i32
        %dma_start3A_179 = tpu.memref_slice %arg4[%dma_start3A_177, %dma_start3A_178] : memref<79x128xi32, #tpu.memory_space<vmem>> -> memref<1x128xi32, #tpu.memory_space<vmem>>
        %dma_start3A_180 = arith.constant 0 : i32
        %dma_start3A_181 = tpu.memref_slice %arg2[%add3A_176, %dma_start3A_180] : memref<2500x128xi32, #tpu.memory_space<hbm>> -> memref<1x128xi32, #tpu.memory_space<hbm>>
        %dma_start3A_182 = arith.constant 78 : i32
        %dma_start3A_183 = arith.constant 0 : i32
        %dma_start3A_184 = tpu.memref_slice %arg4[%dma_start3A_182, %dma_start3A_183] : memref<79x128xi32, #tpu.memory_space<vmem>> -> memref<1x128xi32, #tpu.memory_space<vmem>>
        %dma_start3A_185 = arith.constant 0 : i32
        %dma_start3A_186 = tpu.memref_slice %arg2[%add3A_176, %dma_start3A_185] : memref<2500x128xi32, #tpu.memory_space<hbm>> -> memref<1x128xi32, #tpu.memory_space<hbm>>
        tpu.enqueue_dma source(%dma_start3A_186 : memref<1x128xi32, #tpu.memory_space<hbm>>) target(%dma_start3A_184 : memref<1x128xi32, #tpu.memory_space<vmem>>) target_semaphore(%run_scoped3A : memref<!tpu.dma_semaphore, #tpu.memory_space<semaphore_mem>>)
        %dma_wait3A_187 = arith.constant 78 : i32
        %dma_wait3A_188 = arith.constant 0 : i32
        %dma_wait3A_189 = tpu.memref_slice %arg4[%dma_wait3A_187, %dma_wait3A_188] : memref<79x128xi32, #tpu.memory_space<vmem>> -> memref<1x128xi32, #tpu.memory_space<vmem>>
        %dma_wait3A_190 = arith.constant 0 : i32
        %dma_wait3A_191 = tpu.memref_slice %arg2[%add3A_176, %dma_wait3A_190] : memref<2500x128xi32, #tpu.memory_space<hbm>> -> memref<1x128xi32, #tpu.memory_space<hbm>>
        %dma_wait3A_192 = arith.constant 78 : i32
        %dma_wait3A_193 = arith.constant 0 : i32
        %dma_wait3A_194 = tpu.memref_slice %arg4[%dma_wait3A_192, %dma_wait3A_193] : memref<79x128xi32, #tpu.memory_space<vmem>> -> memref<1x128xi32, #tpu.memory_space<vmem>>
        %dma_wait3A_195 = arith.constant 0 : i32
        %dma_wait3A_196 = tpu.memref_slice %arg2[%add3A_176, %dma_wait3A_195] : memref<2500x128xi32, #tpu.memory_space<hbm>> -> memref<1x128xi32, #tpu.memory_space<hbm>>
        tpu.wait_dma2 semaphore(%run_scoped3A : memref<!tpu.dma_semaphore, #tpu.memory_space<semaphore_mem>>) src(%dma_wait3A_196 : memref<1x128xi32, #tpu.memory_space<hbm>>) dst(%dma_wait3A_194 : memref<1x128xi32, #tpu.memory_space<vmem>>)
        tpu.yield
      }) : () -> ()
    } else {
    }
    %barrier3A = arith.constant 0 : index
    tpu.barrier barrier_id(%barrier3A)
    %dma_start3A = arith.constant 0 : i32
    %dma_start3A_21 = arith.constant 0 : i32
    %dma_start3A_22 = tpu.memref_slice %arg4[%dma_start3A, %dma_start3A_21] : memref<79x128xi32, #tpu.memory_space<vmem>> -> memref<1x128xi32, #tpu.memory_space<vmem>>
    %dma_start3A_23 = tpu.memref_squeeze %dma_start3A_22 : memref<1x128xi32, #tpu.memory_space<vmem>> -> memref<128xi32, #tpu.memory_space<vmem>>
    %dma_start3A_24 = arith.constant 0 : i32
    %dma_start3A_25 = arith.constant 0 : i32
    %dma_start3A_26 = tpu.memref_slice %arg7[%dma_start3A_24, %dma_start3A_25] : memref<10112x16xf32, #tpu.memory_space<vmem_shared>> -> memref<10112x16xf32, #tpu.memory_space<vmem_shared>>
    tpu.enqueue_indirect_dma source(%arg5 : memref<128x16xf32, #tpu.memory_space<vmem>>) target(%dma_start3A_26 : memref<10112x16xf32, #tpu.memory_space<vmem_shared>>) offsets(%dma_start3A_23 : memref<128xi32, #tpu.memory_space<vmem>>) semaphore(%arg8 : memref<!tpu.dma_semaphore, #tpu.memory_space<semaphore_mem>>) {add = true}
    %dma_start3A_27 = arith.constant 1 : i32
    %dma_start3A_28 = arith.constant 0 : i32
    %dma_start3A_29 = tpu.memref_slice %arg4[%dma_start3A_27, %dma_start3A_28] : memref<79x128xi32, #tpu.memory_space<vmem>> -> memref<1x128xi32, #tpu.memory_space<vmem>>
    %dma_start3A_30 = tpu.memref_squeeze %dma_start3A_29 : memref<1x128xi32, #tpu.memory_space<vmem>> -> memref<128xi32, #tpu.memory_space<vmem>>
    %dma_start3A_31 = arith.constant 0 : i32
    %dma_start3A_32 = arith.constant 0 : i32
    %dma_start3A_33 = tpu.memref_slice %arg7[%dma_start3A_31, %dma_start3A_32] : memref<10112x16xf32, #tpu.memory_space<vmem_shared>> -> memref<10112x16xf32, #tpu.memory_space<vmem_shared>>
    tpu.enqueue_indirect_dma source(%arg5 : memref<128x16xf32, #tpu.memory_space<vmem>>) target(%dma_start3A_33 : memref<10112x16xf32, #tpu.memory_space<vmem_shared>>) offsets(%dma_start3A_30 : memref<128xi32, #tpu.memory_space<vmem>>) semaphore(%arg8 : memref<!tpu.dma_semaphore, #tpu.memory_space<semaphore_mem>>) {add = true}
    %dma_start3A_34 = arith.constant 2 : i32
    %dma_start3A_35 = arith.constant 0 : i32
    %dma_start3A_36 = tpu.memref_slice %arg4[%dma_start3A_34, %dma_start3A_35] : memref<79x128xi32, #tpu.memory_space<vmem>> -> memref<1x128xi32, #tpu.memory_space<vmem>>
    %dma_start3A_37 = tpu.memref_squeeze %dma_start3A_36 : memref<1x128xi32, #tpu.memory_space<vmem>> -> memref<128xi32, #tpu.memory_space<vmem>>
    %dma_start3A_38 = arith.constant 0 : i32
    %dma_start3A_39 = arith.constant 0 : i32
    %dma_start3A_40 = tpu.memref_slice %arg7[%dma_start3A_38, %dma_start3A_39] : memref<10112x16xf32, #tpu.memory_space<vmem_shared>> -> memref<10112x16xf32, #tpu.memory_space<vmem_shared>>
    tpu.enqueue_indirect_dma source(%arg5 : memref<128x16xf32, #tpu.memory_space<vmem>>) target(%dma_start3A_40 : memref<10112x16xf32, #tpu.memory_space<vmem_shared>>) offsets(%dma_start3A_37 : memref<128xi32, #tpu.memory_space<vmem>>) semaphore(%arg8 : memref<!tpu.dma_semaphore, #tpu.memory_space<semaphore_mem>>) {add = true}
    %dma_start3A_41 = arith.constant 3 : i32
    %dma_start3A_42 = arith.constant 0 : i32
    %dma_start3A_43 = tpu.memref_slice %arg4[%dma_start3A_41, %dma_start3A_42] : memref<79x128xi32, #tpu.memory_space<vmem>> -> memref<1x128xi32, #tpu.memory_space<vmem>>
    %dma_start3A_44 = tpu.memref_squeeze %dma_start3A_43 : memref<1x128xi32, #tpu.memory_space<vmem>> -> memref<128xi32, #tpu.memory_space<vmem>>
    %dma_start3A_45 = arith.constant 0 : i32
    %dma_start3A_46 = arith.constant 0 : i32
    %dma_start3A_47 = tpu.memref_slice %arg7[%dma_start3A_45, %dma_start3A_46] : memref<10112x16xf32, #tpu.memory_space<vmem_shared>> -> memref<10112x16xf32, #tpu.memory_space<vmem_shared>>
    tpu.enqueue_indirect_dma source(%arg5 : memref<128x16xf32, #tpu.memory_space<vmem>>) target(%dma_start3A_47 : memref<10112x16xf32, #tpu.memory_space<vmem_shared>>) offsets(%dma_start3A_44 : memref<128xi32, #tpu.memory_space<vmem>>) semaphore(%arg8 : memref<!tpu.dma_semaphore, #tpu.memory_space<semaphore_mem>>) {add = true}
    %dma_start3A_48 = arith.constant 4 : i32
    %dma_start3A_49 = arith.constant 0 : i32
    %dma_start3A_50 = tpu.memref_slice %arg4[%dma_start3A_48, %dma_start3A_49] : memref<79x128xi32, #tpu.memory_space<vmem>> -> memref<1x128xi32, #tpu.memory_space<vmem>>
    %dma_start3A_51 = tpu.memref_squeeze %dma_start3A_50 : memref<1x128xi32, #tpu.memory_space<vmem>> -> memref<128xi32, #tpu.memory_space<vmem>>
    %dma_start3A_52 = arith.constant 0 : i32
    %dma_start3A_53 = arith.constant 0 : i32
    %dma_start3A_54 = tpu.memref_slice %arg7[%dma_start3A_52, %dma_start3A_53] : memref<10112x16xf32, #tpu.memory_space<vmem_shared>> -> memref<10112x16xf32, #tpu.memory_space<vmem_shared>>
    tpu.enqueue_indirect_dma source(%arg5 : memref<128x16xf32, #tpu.memory_space<vmem>>) target(%dma_start3A_54 : memref<10112x16xf32, #tpu.memory_space<vmem_shared>>) offsets(%dma_start3A_51 : memref<128xi32, #tpu.memory_space<vmem>>) semaphore(%arg8 : memref<!tpu.dma_semaphore, #tpu.memory_space<semaphore_mem>>) {add = true}
    %dma_start3A_55 = arith.constant 5 : i32
    %dma_start3A_56 = arith.constant 0 : i32
    %dma_start3A_57 = tpu.memref_slice %arg4[%dma_start3A_55, %dma_start3A_56] : memref<79x128xi32, #tpu.memory_space<vmem>> -> memref<1x128xi32, #tpu.memory_space<vmem>>
    %dma_start3A_58 = tpu.memref_squeeze %dma_start3A_57 : memref<1x128xi32, #tpu.memory_space<vmem>> -> memref<128xi32, #tpu.memory_space<vmem>>
    %dma_start3A_59 = arith.constant 0 : i32
    %dma_start3A_60 = arith.constant 0 : i32
    %dma_start3A_61 = tpu.memref_slice %arg7[%dma_start3A_59, %dma_start3A_60] : memref<10112x16xf32, #tpu.memory_space<vmem_shared>> -> memref<10112x16xf32, #tpu.memory_space<vmem_shared>>
    tpu.enqueue_indirect_dma source(%arg5 : memref<128x16xf32, #tpu.memory_space<vmem>>) target(%dma_start3A_61 : memref<10112x16xf32, #tpu.memory_space<vmem_shared>>) offsets(%dma_start3A_58 : memref<128xi32, #tpu.memory_space<vmem>>) semaphore(%arg8 : memref<!tpu.dma_semaphore, #tpu.memory_space<semaphore_mem>>) {add = true}
    %dma_start3A_62 = arith.constant 6 : i32
    %dma_start3A_63 = arith.constant 0 : i32
    %dma_start3A_64 = tpu.memref_slice %arg4[%dma_start3A_62, %dma_start3A_63] : memref<79x128xi32, #tpu.memory_space<vmem>> -> memref<1x128xi32, #tpu.memory_space<vmem>>
    %dma_start3A_65 = tpu.memref_squeeze %dma_start3A_64 : memref<1x128xi32, #tpu.memory_space<vmem>> -> memref<128xi32, #tpu.memory_space<vmem>>
    %dma_start3A_66 = arith.constant 0 : i32
    %dma_start3A_67 = arith.constant 0 : i32
    %dma_start3A_68 = tpu.memref_slice %arg7[%dma_start3A_66, %dma_start3A_67] : memref<10112x16xf32, #tpu.memory_space<vmem_shared>> -> memref<10112x16xf32, #tpu.memory_space<vmem_shared>>
    tpu.enqueue_indirect_dma source(%arg5 : memref<128x16xf32, #tpu.memory_space<vmem>>) target(%dma_start3A_68 : memref<10112x16xf32, #tpu.memory_space<vmem_shared>>) offsets(%dma_start3A_65 : memref<128xi32, #tpu.memory_space<vmem>>) semaphore(%arg8 : memref<!tpu.dma_semaphore, #tpu.memory_space<semaphore_mem>>) {add = true}
    %dma_start3A_69 = arith.constant 7 : i32
    %dma_start3A_70 = arith.constant 0 : i32
    %dma_start3A_71 = tpu.memref_slice %arg4[%dma_start3A_69, %dma_start3A_70] : memref<79x128xi32, #tpu.memory_space<vmem>> -> memref<1x128xi32, #tpu.memory_space<vmem>>
    %dma_start3A_72 = tpu.memref_squeeze %dma_start3A_71 : memref<1x128xi32, #tpu.memory_space<vmem>> -> memref<128xi32, #tpu.memory_space<vmem>>
    %dma_start3A_73 = arith.constant 0 : i32
    %dma_start3A_74 = arith.constant 0 : i32
    %dma_start3A_75 = tpu.memref_slice %arg7[%dma_start3A_73, %dma_start3A_74] : memref<10112x16xf32, #tpu.memory_space<vmem_shared>> -> memref<10112x16xf32, #tpu.memory_space<vmem_shared>>
    tpu.enqueue_indirect_dma source(%arg5 : memref<128x16xf32, #tpu.memory_space<vmem>>) target(%dma_start3A_75 : memref<10112x16xf32, #tpu.memory_space<vmem_shared>>) offsets(%dma_start3A_72 : memref<128xi32, #tpu.memory_space<vmem>>) semaphore(%arg8 : memref<!tpu.dma_semaphore, #tpu.memory_space<semaphore_mem>>) {add = true}
    %scan3A_76 = arith.constant 0 : i32
    %scan3A_77 = arith.constant 64 : i32
    %scan3A_78 = arith.addi %scan3A_76, %scan3A_77 : i32
    %scan3A_79 = arith.constant 1 : i32
    scf.for %scan3A_175 = %scan3A_76 to %scan3A_78 step %scan3A_79  : i32 {
      %mul3A_176 = arith.constant 1 : i32
      %mul3A_177 = arith.muli %scan3A_175, %mul3A_176 : i32
      %add3A_178 = arith.constant 8 : i32
      %add3A_179 = arith.addi %add3A_178, %mul3A_177 : i32
      %dma_wait3A_180 = arith.constant 0 : i32
      %dma_wait3A_181 = tpu.memref_slice %arg4[%add3A_179, %dma_wait3A_180] : memref<79x128xi32, #tpu.memory_space<vmem>> -> memref<1x128xi32, #tpu.memory_space<vmem>>
      %dma_wait3A_182 = tpu.memref_squeeze %dma_wait3A_181 : memref<1x128xi32, #tpu.memory_space<vmem>> -> memref<128xi32, #tpu.memory_space<vmem>>
      %dma_wait3A_183 = arith.constant 0 : i32
      %dma_wait3A_184 = arith.constant 0 : i32
      %dma_wait3A_185 = tpu.memref_slice %arg7[%dma_wait3A_183, %dma_wait3A_184] : memref<10112x16xf32, #tpu.memory_space<vmem_shared>> -> memref<10112x16xf32, #tpu.memory_space<vmem_shared>>
      tpu.wait_indirect_dma semaphore(%arg8 : memref<!tpu.dma_semaphore, #tpu.memory_space<semaphore_mem>>) src(%arg5 : memref<128x16xf32, #tpu.memory_space<vmem>>) dst(%dma_wait3A_185 : memref<10112x16xf32, #tpu.memory_space<vmem_shared>>)
      %dma_start3A_186 = arith.constant 0 : i32
      %dma_start3A_187 = tpu.memref_slice %arg4[%add3A_179, %dma_start3A_186] : memref<79x128xi32, #tpu.memory_space<vmem>> -> memref<1x128xi32, #tpu.memory_space<vmem>>
      %dma_start3A_188 = tpu.memref_squeeze %dma_start3A_187 : memref<1x128xi32, #tpu.memory_space<vmem>> -> memref<128xi32, #tpu.memory_space<vmem>>
      %dma_start3A_189 = arith.constant 0 : i32
      %dma_start3A_190 = arith.constant 0 : i32
      %dma_start3A_191 = tpu.memref_slice %arg7[%dma_start3A_189, %dma_start3A_190] : memref<10112x16xf32, #tpu.memory_space<vmem_shared>> -> memref<10112x16xf32, #tpu.memory_space<vmem_shared>>
      tpu.enqueue_indirect_dma source(%arg5 : memref<128x16xf32, #tpu.memory_space<vmem>>) target(%dma_start3A_191 : memref<10112x16xf32, #tpu.memory_space<vmem_shared>>) offsets(%dma_start3A_188 : memref<128xi32, #tpu.memory_space<vmem>>) semaphore(%arg8 : memref<!tpu.dma_semaphore, #tpu.memory_space<semaphore_mem>>) {add = true}
    }
    %scan3A_80 = arith.constant 64 : i32
    %dma_wait3A = arith.constant 0 : i32
    %dma_wait3A_81 = arith.constant 0 : i32
    %dma_wait3A_82 = tpu.memref_slice %arg4[%dma_wait3A, %dma_wait3A_81] : memref<79x128xi32, #tpu.memory_space<vmem>> -> memref<1x128xi32, #tpu.memory_space<vmem>>
    %dma_wait3A_83 = tpu.memref_squeeze %dma_wait3A_82 : memref<1x128xi32, #tpu.memory_space<vmem>> -> memref<128xi32, #tpu.memory_space<vmem>>
    %dma_wait3A_84 = arith.constant 0 : i32
    %dma_wait3A_85 = arith.constant 0 : i32
    %dma_wait3A_86 = tpu.memref_slice %arg7[%dma_wait3A_84, %dma_wait3A_85] : memref<10112x16xf32, #tpu.memory_space<vmem_shared>> -> memref<10112x16xf32, #tpu.memory_space<vmem_shared>>
    tpu.wait_indirect_dma semaphore(%arg8 : memref<!tpu.dma_semaphore, #tpu.memory_space<semaphore_mem>>) src(%arg5 : memref<128x16xf32, #tpu.memory_space<vmem>>) dst(%dma_wait3A_86 : memref<10112x16xf32, #tpu.memory_space<vmem_shared>>)
    %dma_wait3A_87 = arith.constant 1 : i32
    %dma_wait3A_88 = arith.constant 0 : i32
    %dma_wait3A_89 = tpu.memref_slice %arg4[%dma_wait3A_87, %dma_wait3A_88] : memref<79x128xi32, #tpu.memory_space<vmem>> -> memref<1x128xi32, #tpu.memory_space<vmem>>
    %dma_wait3A_90 = tpu.memref_squeeze %dma_wait3A_89 : memref<1x128xi32, #tpu.memory_space<vmem>> -> memref<128xi32, #tpu.memory_space<vmem>>
    %dma_wait3A_91 = arith.constant 0 : i32
    %dma_wait3A_92 = arith.constant 0 : i32
    %dma_wait3A_93 = tpu.memref_slice %arg7[%dma_wait3A_91, %dma_wait3A_92] : memref<10112x16xf32, #tpu.memory_space<vmem_shared>> -> memref<10112x16xf32, #tpu.memory_space<vmem_shared>>
    tpu.wait_indirect_dma semaphore(%arg8 : memref<!tpu.dma_semaphore, #tpu.memory_space<semaphore_mem>>) src(%arg5 : memref<128x16xf32, #tpu.memory_space<vmem>>) dst(%dma_wait3A_93 : memref<10112x16xf32, #tpu.memory_space<vmem_shared>>)
    %dma_wait3A_94 = arith.constant 2 : i32
    %dma_wait3A_95 = arith.constant 0 : i32
    %dma_wait3A_96 = tpu.memref_slice %arg4[%dma_wait3A_94, %dma_wait3A_95] : memref<79x128xi32, #tpu.memory_space<vmem>> -> memref<1x128xi32, #tpu.memory_space<vmem>>
    %dma_wait3A_97 = tpu.memref_squeeze %dma_wait3A_96 : memref<1x128xi32, #tpu.memory_space<vmem>> -> memref<128xi32, #tpu.memory_space<vmem>>
    %dma_wait3A_98 = arith.constant 0 : i32
    %dma_wait3A_99 = arith.constant 0 : i32
    %dma_wait3A_100 = tpu.memref_slice %arg7[%dma_wait3A_98, %dma_wait3A_99] : memref<10112x16xf32, #tpu.memory_space<vmem_shared>> -> memref<10112x16xf32, #tpu.memory_space<vmem_shared>>
    tpu.wait_indirect_dma semaphore(%arg8 : memref<!tpu.dma_semaphore, #tpu.memory_space<semaphore_mem>>) src(%arg5 : memref<128x16xf32, #tpu.memory_space<vmem>>) dst(%dma_wait3A_100 : memref<10112x16xf32, #tpu.memory_space<vmem_shared>>)
    %dma_wait3A_101 = arith.constant 3 : i32
    %dma_wait3A_102 = arith.constant 0 : i32
    %dma_wait3A_103 = tpu.memref_slice %arg4[%dma_wait3A_101, %dma_wait3A_102] : memref<79x128xi32, #tpu.memory_space<vmem>> -> memref<1x128xi32, #tpu.memory_space<vmem>>
    %dma_wait3A_104 = tpu.memref_squeeze %dma_wait3A_103 : memref<1x128xi32, #tpu.memory_space<vmem>> -> memref<128xi32, #tpu.memory_space<vmem>>
    %dma_wait3A_105 = arith.constant 0 : i32
    %dma_wait3A_106 = arith.constant 0 : i32
    %dma_wait3A_107 = tpu.memref_slice %arg7[%dma_wait3A_105, %dma_wait3A_106] : memref<10112x16xf32, #tpu.memory_space<vmem_shared>> -> memref<10112x16xf32, #tpu.memory_space<vmem_shared>>
    tpu.wait_indirect_dma semaphore(%arg8 : memref<!tpu.dma_semaphore, #tpu.memory_space<semaphore_mem>>) src(%arg5 : memref<128x16xf32, #tpu.memory_space<vmem>>) dst(%dma_wait3A_107 : memref<10112x16xf32, #tpu.memory_space<vmem_shared>>)
    %dma_wait3A_108 = arith.constant 4 : i32
    %dma_wait3A_109 = arith.constant 0 : i32
    %dma_wait3A_110 = tpu.memref_slice %arg4[%dma_wait3A_108, %dma_wait3A_109] : memref<79x128xi32, #tpu.memory_space<vmem>> -> memref<1x128xi32, #tpu.memory_space<vmem>>
    %dma_wait3A_111 = tpu.memref_squeeze %dma_wait3A_110 : memref<1x128xi32, #tpu.memory_space<vmem>> -> memref<128xi32, #tpu.memory_space<vmem>>
    %dma_wait3A_112 = arith.constant 0 : i32
    %dma_wait3A_113 = arith.constant 0 : i32
    %dma_wait3A_114 = tpu.memref_slice %arg7[%dma_wait3A_112, %dma_wait3A_113] : memref<10112x16xf32, #tpu.memory_space<vmem_shared>> -> memref<10112x16xf32, #tpu.memory_space<vmem_shared>>
    tpu.wait_indirect_dma semaphore(%arg8 : memref<!tpu.dma_semaphore, #tpu.memory_space<semaphore_mem>>) src(%arg5 : memref<128x16xf32, #tpu.memory_space<vmem>>) dst(%dma_wait3A_114 : memref<10112x16xf32, #tpu.memory_space<vmem_shared>>)
    %dma_wait3A_115 = arith.constant 5 : i32
    %dma_wait3A_116 = arith.constant 0 : i32
    %dma_wait3A_117 = tpu.memref_slice %arg4[%dma_wait3A_115, %dma_wait3A_116] : memref<79x128xi32, #tpu.memory_space<vmem>> -> memref<1x128xi32, #tpu.memory_space<vmem>>
    %dma_wait3A_118 = tpu.memref_squeeze %dma_wait3A_117 : memref<1x128xi32, #tpu.memory_space<vmem>> -> memref<128xi32, #tpu.memory_space<vmem>>
    %dma_wait3A_119 = arith.constant 0 : i32
    %dma_wait3A_120 = arith.constant 0 : i32
    %dma_wait3A_121 = tpu.memref_slice %arg7[%dma_wait3A_119, %dma_wait3A_120] : memref<10112x16xf32, #tpu.memory_space<vmem_shared>> -> memref<10112x16xf32, #tpu.memory_space<vmem_shared>>
    tpu.wait_indirect_dma semaphore(%arg8 : memref<!tpu.dma_semaphore, #tpu.memory_space<semaphore_mem>>) src(%arg5 : memref<128x16xf32, #tpu.memory_space<vmem>>) dst(%dma_wait3A_121 : memref<10112x16xf32, #tpu.memory_space<vmem_shared>>)
    %dma_wait3A_122 = arith.constant 6 : i32
    %dma_wait3A_123 = arith.constant 0 : i32
    %dma_wait3A_124 = tpu.memref_slice %arg4[%dma_wait3A_122, %dma_wait3A_123] : memref<79x128xi32, #tpu.memory_space<vmem>> -> memref<1x128xi32, #tpu.memory_space<vmem>>
    %dma_wait3A_125 = tpu.memref_squeeze %dma_wait3A_124 : memref<1x128xi32, #tpu.memory_space<vmem>> -> memref<128xi32, #tpu.memory_space<vmem>>
    %dma_wait3A_126 = arith.constant 0 : i32
    %dma_wait3A_127 = arith.constant 0 : i32
    %dma_wait3A_128 = tpu.memref_slice %arg7[%dma_wait3A_126, %dma_wait3A_127] : memref<10112x16xf32, #tpu.memory_space<vmem_shared>> -> memref<10112x16xf32, #tpu.memory_space<vmem_shared>>
    tpu.wait_indirect_dma semaphore(%arg8 : memref<!tpu.dma_semaphore, #tpu.memory_space<semaphore_mem>>) src(%arg5 : memref<128x16xf32, #tpu.memory_space<vmem>>) dst(%dma_wait3A_128 : memref<10112x16xf32, #tpu.memory_space<vmem_shared>>)
    %dma_wait3A_129 = arith.constant 7 : i32
    %dma_wait3A_130 = arith.constant 0 : i32
    %dma_wait3A_131 = tpu.memref_slice %arg4[%dma_wait3A_129, %dma_wait3A_130] : memref<79x128xi32, #tpu.memory_space<vmem>> -> memref<1x128xi32, #tpu.memory_space<vmem>>
    %dma_wait3A_132 = tpu.memref_squeeze %dma_wait3A_131 : memref<1x128xi32, #tpu.memory_space<vmem>> -> memref<128xi32, #tpu.memory_space<vmem>>
    %dma_wait3A_133 = arith.constant 0 : i32
    %dma_wait3A_134 = arith.constant 0 : i32
    %dma_wait3A_135 = tpu.memref_slice %arg7[%dma_wait3A_133, %dma_wait3A_134] : memref<10112x16xf32, #tpu.memory_space<vmem_shared>> -> memref<10112x16xf32, #tpu.memory_space<vmem_shared>>
    tpu.wait_indirect_dma semaphore(%arg8 : memref<!tpu.dma_semaphore, #tpu.memory_space<semaphore_mem>>) src(%arg5 : memref<128x16xf32, #tpu.memory_space<vmem>>) dst(%dma_wait3A_135 : memref<10112x16xf32, #tpu.memory_space<vmem_shared>>)
    %gt3A = arith.constant 72 : i32
    %gt3A_136 = arith.cmpi sgt, %add3A_4, %gt3A : i32
    %convert_element_type3A_137 = arith.extui %gt3A_136 : i1 to i32
    %cond3A_138 = arith.constant 0 : i32
    %cond3A_139 = arith.cmpi ne, %convert_element_type3A_137, %cond3A_138 : i32
    scf.if %cond3A_139 {
      %run_scoped3A = arith.constant 72 : i32
      "tpu.region"() ({
        %run_scoped3A_175 = tpu.sem_alloc : memref<!tpu.dma_semaphore, #tpu.memory_space<semaphore_mem>>
        %dma_start3A_176 = arith.constant 0 : i32
        %dma_start3A_177 = tpu.memref_slice %arg4[%run_scoped3A, %dma_start3A_176] : memref<79x128xi32, #tpu.memory_space<vmem>> -> memref<1x128xi32, #tpu.memory_space<vmem>>
        %dma_start3A_178 = tpu.memref_squeeze %dma_start3A_177 : memref<1x128xi32, #tpu.memory_space<vmem>> -> memref<128xi32, #tpu.memory_space<vmem>>
        %dma_start3A_179 = arith.constant 0 : i32
        %dma_start3A_180 = arith.constant 0 : i32
        %dma_start3A_181 = tpu.memref_slice %arg7[%dma_start3A_179, %dma_start3A_180] : memref<10112x16xf32, #tpu.memory_space<vmem_shared>> -> memref<10112x16xf32, #tpu.memory_space<vmem_shared>>
        tpu.enqueue_indirect_dma source(%arg5 : memref<128x16xf32, #tpu.memory_space<vmem>>) target(%dma_start3A_181 : memref<10112x16xf32, #tpu.memory_space<vmem_shared>>) offsets(%dma_start3A_178 : memref<128xi32, #tpu.memory_space<vmem>>) semaphore(%run_scoped3A_175 : memref<!tpu.dma_semaphore, #tpu.memory_space<semaphore_mem>>) {add = true}
        %dma_wait3A_182 = arith.constant 0 : i32
        %dma_wait3A_183 = tpu.memref_slice %arg4[%run_scoped3A, %dma_wait3A_182] : memref<79x128xi32, #tpu.memory_space<vmem>> -> memref<1x128xi32, #tpu.memory_space<vmem>>
        %dma_wait3A_184 = tpu.memref_squeeze %dma_wait3A_183 : memref<1x128xi32, #tpu.memory_space<vmem>> -> memref<128xi32, #tpu.memory_space<vmem>>
        %dma_wait3A_185 = arith.constant 0 : i32
        %dma_wait3A_186 = arith.constant 0 : i32
        %dma_wait3A_187 = tpu.memref_slice %arg7[%dma_wait3A_185, %dma_wait3A_186] : memref<10112x16xf32, #tpu.memory_space<vmem_shared>> -> memref<10112x16xf32, #tpu.memory_space<vmem_shared>>
        tpu.wait_indirect_dma semaphore(%run_scoped3A_175 : memref<!tpu.dma_semaphore, #tpu.memory_space<semaphore_mem>>) src(%arg5 : memref<128x16xf32, #tpu.memory_space<vmem>>) dst(%dma_wait3A_187 : memref<10112x16xf32, #tpu.memory_space<vmem_shared>>)
        tpu.yield
      }) : () -> ()
    } else {
    }
    %gt3A_140 = arith.constant 73 : i32
    %gt3A_141 = arith.cmpi sgt, %add3A_4, %gt3A_140 : i32
    %convert_element_type3A_142 = arith.extui %gt3A_141 : i1 to i32
    %cond3A_143 = arith.constant 0 : i32
    %cond3A_144 = arith.cmpi ne, %convert_element_type3A_142, %cond3A_143 : i32
    scf.if %cond3A_144 {
      %run_scoped3A = arith.constant 73 : i32
      "tpu.region"() ({
        %run_scoped3A_175 = tpu.sem_alloc : memref<!tpu.dma_semaphore, #tpu.memory_space<semaphore_mem>>
        %dma_start3A_176 = arith.constant 0 : i32
        %dma_start3A_177 = tpu.memref_slice %arg4[%run_scoped3A, %dma_start3A_176] : memref<79x128xi32, #tpu.memory_space<vmem>> -> memref<1x128xi32, #tpu.memory_space<vmem>>
        %dma_start3A_178 = tpu.memref_squeeze %dma_start3A_177 : memref<1x128xi32, #tpu.memory_space<vmem>> -> memref<128xi32, #tpu.memory_space<vmem>>
        %dma_start3A_179 = arith.constant 0 : i32
        %dma_start3A_180 = arith.constant 0 : i32
        %dma_start3A_181 = tpu.memref_slice %arg7[%dma_start3A_179, %dma_start3A_180] : memref<10112x16xf32, #tpu.memory_space<vmem_shared>> -> memref<10112x16xf32, #tpu.memory_space<vmem_shared>>
        tpu.enqueue_indirect_dma source(%arg5 : memref<128x16xf32, #tpu.memory_space<vmem>>) target(%dma_start3A_181 : memref<10112x16xf32, #tpu.memory_space<vmem_shared>>) offsets(%dma_start3A_178 : memref<128xi32, #tpu.memory_space<vmem>>) semaphore(%run_scoped3A_175 : memref<!tpu.dma_semaphore, #tpu.memory_space<semaphore_mem>>) {add = true}
        %dma_wait3A_182 = arith.constant 0 : i32
        %dma_wait3A_183 = tpu.memref_slice %arg4[%run_scoped3A, %dma_wait3A_182] : memref<79x128xi32, #tpu.memory_space<vmem>> -> memref<1x128xi32, #tpu.memory_space<vmem>>
        %dma_wait3A_184 = tpu.memref_squeeze %dma_wait3A_183 : memref<1x128xi32, #tpu.memory_space<vmem>> -> memref<128xi32, #tpu.memory_space<vmem>>
        %dma_wait3A_185 = arith.constant 0 : i32
        %dma_wait3A_186 = arith.constant 0 : i32
        %dma_wait3A_187 = tpu.memref_slice %arg7[%dma_wait3A_185, %dma_wait3A_186] : memref<10112x16xf32, #tpu.memory_space<vmem_shared>> -> memref<10112x16xf32, #tpu.memory_space<vmem_shared>>
        tpu.wait_indirect_dma semaphore(%run_scoped3A_175 : memref<!tpu.dma_semaphore, #tpu.memory_space<semaphore_mem>>) src(%arg5 : memref<128x16xf32, #tpu.memory_space<vmem>>) dst(%dma_wait3A_187 : memref<10112x16xf32, #tpu.memory_space<vmem_shared>>)
        tpu.yield
      }) : () -> ()
    } else {
    }
    %gt3A_145 = arith.constant 74 : i32
    %gt3A_146 = arith.cmpi sgt, %add3A_4, %gt3A_145 : i32
    %convert_element_type3A_147 = arith.extui %gt3A_146 : i1 to i32
    %cond3A_148 = arith.constant 0 : i32
    %cond3A_149 = arith.cmpi ne, %convert_element_type3A_147, %cond3A_148 : i32
    scf.if %cond3A_149 {
      %run_scoped3A = arith.constant 74 : i32
      "tpu.region"() ({
        %run_scoped3A_175 = tpu.sem_alloc : memref<!tpu.dma_semaphore, #tpu.memory_space<semaphore_mem>>
        %dma_start3A_176 = arith.constant 0 : i32
        %dma_start3A_177 = tpu.memref_slice %arg4[%run_scoped3A, %dma_start3A_176] : memref<79x128xi32, #tpu.memory_space<vmem>> -> memref<1x128xi32, #tpu.memory_space<vmem>>
        %dma_start3A_178 = tpu.memref_squeeze %dma_start3A_177 : memref<1x128xi32, #tpu.memory_space<vmem>> -> memref<128xi32, #tpu.memory_space<vmem>>
        %dma_start3A_179 = arith.constant 0 : i32
        %dma_start3A_180 = arith.constant 0 : i32
        %dma_start3A_181 = tpu.memref_slice %arg7[%dma_start3A_179, %dma_start3A_180] : memref<10112x16xf32, #tpu.memory_space<vmem_shared>> -> memref<10112x16xf32, #tpu.memory_space<vmem_shared>>
        tpu.enqueue_indirect_dma source(%arg5 : memref<128x16xf32, #tpu.memory_space<vmem>>) target(%dma_start3A_181 : memref<10112x16xf32, #tpu.memory_space<vmem_shared>>) offsets(%dma_start3A_178 : memref<128xi32, #tpu.memory_space<vmem>>) semaphore(%run_scoped3A_175 : memref<!tpu.dma_semaphore, #tpu.memory_space<semaphore_mem>>) {add = true}
        %dma_wait3A_182 = arith.constant 0 : i32
        %dma_wait3A_183 = tpu.memref_slice %arg4[%run_scoped3A, %dma_wait3A_182] : memref<79x128xi32, #tpu.memory_space<vmem>> -> memref<1x128xi32, #tpu.memory_space<vmem>>
        %dma_wait3A_184 = tpu.memref_squeeze %dma_wait3A_183 : memref<1x128xi32, #tpu.memory_space<vmem>> -> memref<128xi32, #tpu.memory_space<vmem>>
        %dma_wait3A_185 = arith.constant 0 : i32
        %dma_wait3A_186 = arith.constant 0 : i32
        %dma_wait3A_187 = tpu.memref_slice %arg7[%dma_wait3A_185, %dma_wait3A_186] : memref<10112x16xf32, #tpu.memory_space<vmem_shared>> -> memref<10112x16xf32, #tpu.memory_space<vmem_shared>>
        tpu.wait_indirect_dma semaphore(%run_scoped3A_175 : memref<!tpu.dma_semaphore, #tpu.memory_space<semaphore_mem>>) src(%arg5 : memref<128x16xf32, #tpu.memory_space<vmem>>) dst(%dma_wait3A_187 : memref<10112x16xf32, #tpu.memory_space<vmem_shared>>)
        tpu.yield
      }) : () -> ()
    } else {
    }
    %gt3A_150 = arith.constant 75 : i32
    %gt3A_151 = arith.cmpi sgt, %add3A_4, %gt3A_150 : i32
    %convert_element_type3A_152 = arith.extui %gt3A_151 : i1 to i32
    %cond3A_153 = arith.constant 0 : i32
    %cond3A_154 = arith.cmpi ne, %convert_element_type3A_152, %cond3A_153 : i32
    scf.if %cond3A_154 {
      %run_scoped3A = arith.constant 75 : i32
      "tpu.region"() ({
        %run_scoped3A_175 = tpu.sem_alloc : memref<!tpu.dma_semaphore, #tpu.memory_space<semaphore_mem>>
        %dma_start3A_176 = arith.constant 0 : i32
        %dma_start3A_177 = tpu.memref_slice %arg4[%run_scoped3A, %dma_start3A_176] : memref<79x128xi32, #tpu.memory_space<vmem>> -> memref<1x128xi32, #tpu.memory_space<vmem>>
        %dma_start3A_178 = tpu.memref_squeeze %dma_start3A_177 : memref<1x128xi32, #tpu.memory_space<vmem>> -> memref<128xi32, #tpu.memory_space<vmem>>
        %dma_start3A_179 = arith.constant 0 : i32
        %dma_start3A_180 = arith.constant 0 : i32
        %dma_start3A_181 = tpu.memref_slice %arg7[%dma_start3A_179, %dma_start3A_180] : memref<10112x16xf32, #tpu.memory_space<vmem_shared>> -> memref<10112x16xf32, #tpu.memory_space<vmem_shared>>
        tpu.enqueue_indirect_dma source(%arg5 : memref<128x16xf32, #tpu.memory_space<vmem>>) target(%dma_start3A_181 : memref<10112x16xf32, #tpu.memory_space<vmem_shared>>) offsets(%dma_start3A_178 : memref<128xi32, #tpu.memory_space<vmem>>) semaphore(%run_scoped3A_175 : memref<!tpu.dma_semaphore, #tpu.memory_space<semaphore_mem>>) {add = true}
        %dma_wait3A_182 = arith.constant 0 : i32
        %dma_wait3A_183 = tpu.memref_slice %arg4[%run_scoped3A, %dma_wait3A_182] : memref<79x128xi32, #tpu.memory_space<vmem>> -> memref<1x128xi32, #tpu.memory_space<vmem>>
        %dma_wait3A_184 = tpu.memref_squeeze %dma_wait3A_183 : memref<1x128xi32, #tpu.memory_space<vmem>> -> memref<128xi32, #tpu.memory_space<vmem>>
        %dma_wait3A_185 = arith.constant 0 : i32
        %dma_wait3A_186 = arith.constant 0 : i32
        %dma_wait3A_187 = tpu.memref_slice %arg7[%dma_wait3A_185, %dma_wait3A_186] : memref<10112x16xf32, #tpu.memory_space<vmem_shared>> -> memref<10112x16xf32, #tpu.memory_space<vmem_shared>>
        tpu.wait_indirect_dma semaphore(%run_scoped3A_175 : memref<!tpu.dma_semaphore, #tpu.memory_space<semaphore_mem>>) src(%arg5 : memref<128x16xf32, #tpu.memory_space<vmem>>) dst(%dma_wait3A_187 : memref<10112x16xf32, #tpu.memory_space<vmem_shared>>)
        tpu.yield
      }) : () -> ()
    } else {
    }
    %gt3A_155 = arith.constant 76 : i32
    %gt3A_156 = arith.cmpi sgt, %add3A_4, %gt3A_155 : i32
    %convert_element_type3A_157 = arith.extui %gt3A_156 : i1 to i32
    %cond3A_158 = arith.constant 0 : i32
    %cond3A_159 = arith.cmpi ne, %convert_element_type3A_157, %cond3A_158 : i32
    scf.if %cond3A_159 {
      %run_scoped3A = arith.constant 76 : i32
      "tpu.region"() ({
        %run_scoped3A_175 = tpu.sem_alloc : memref<!tpu.dma_semaphore, #tpu.memory_space<semaphore_mem>>
        %dma_start3A_176 = arith.constant 0 : i32
        %dma_start3A_177 = tpu.memref_slice %arg4[%run_scoped3A, %dma_start3A_176] : memref<79x128xi32, #tpu.memory_space<vmem>> -> memref<1x128xi32, #tpu.memory_space<vmem>>
        %dma_start3A_178 = tpu.memref_squeeze %dma_start3A_177 : memref<1x128xi32, #tpu.memory_space<vmem>> -> memref<128xi32, #tpu.memory_space<vmem>>
        %dma_start3A_179 = arith.constant 0 : i32
        %dma_start3A_180 = arith.constant 0 : i32
        %dma_start3A_181 = tpu.memref_slice %arg7[%dma_start3A_179, %dma_start3A_180] : memref<10112x16xf32, #tpu.memory_space<vmem_shared>> -> memref<10112x16xf32, #tpu.memory_space<vmem_shared>>
        tpu.enqueue_indirect_dma source(%arg5 : memref<128x16xf32, #tpu.memory_space<vmem>>) target(%dma_start3A_181 : memref<10112x16xf32, #tpu.memory_space<vmem_shared>>) offsets(%dma_start3A_178 : memref<128xi32, #tpu.memory_space<vmem>>) semaphore(%run_scoped3A_175 : memref<!tpu.dma_semaphore, #tpu.memory_space<semaphore_mem>>) {add = true}
        %dma_wait3A_182 = arith.constant 0 : i32
        %dma_wait3A_183 = tpu.memref_slice %arg4[%run_scoped3A, %dma_wait3A_182] : memref<79x128xi32, #tpu.memory_space<vmem>> -> memref<1x128xi32, #tpu.memory_space<vmem>>
        %dma_wait3A_184 = tpu.memref_squeeze %dma_wait3A_183 : memref<1x128xi32, #tpu.memory_space<vmem>> -> memref<128xi32, #tpu.memory_space<vmem>>
        %dma_wait3A_185 = arith.constant 0 : i32
        %dma_wait3A_186 = arith.constant 0 : i32
        %dma_wait3A_187 = tpu.memref_slice %arg7[%dma_wait3A_185, %dma_wait3A_186] : memref<10112x16xf32, #tpu.memory_space<vmem_shared>> -> memref<10112x16xf32, #tpu.memory_space<vmem_shared>>
        tpu.wait_indirect_dma semaphore(%run_scoped3A_175 : memref<!tpu.dma_semaphore, #tpu.memory_space<semaphore_mem>>) src(%arg5 : memref<128x16xf32, #tpu.memory_space<vmem>>) dst(%dma_wait3A_187 : memref<10112x16xf32, #tpu.memory_space<vmem_shared>>)
        tpu.yield
      }) : () -> ()
    } else {
    }
    %gt3A_160 = arith.constant 77 : i32
    %gt3A_161 = arith.cmpi sgt, %add3A_4, %gt3A_160 : i32
    %convert_element_type3A_162 = arith.extui %gt3A_161 : i1 to i32
    %cond3A_163 = arith.constant 0 : i32
    %cond3A_164 = arith.cmpi ne, %convert_element_type3A_162, %cond3A_163 : i32
    scf.if %cond3A_164 {
      %run_scoped3A = arith.constant 77 : i32
      "tpu.region"() ({
        %run_scoped3A_175 = tpu.sem_alloc : memref<!tpu.dma_semaphore, #tpu.memory_space<semaphore_mem>>
        %dma_start3A_176 = arith.constant 0 : i32
        %dma_start3A_177 = tpu.memref_slice %arg4[%run_scoped3A, %dma_start3A_176] : memref<79x128xi32, #tpu.memory_space<vmem>> -> memref<1x128xi32, #tpu.memory_space<vmem>>
        %dma_start3A_178 = tpu.memref_squeeze %dma_start3A_177 : memref<1x128xi32, #tpu.memory_space<vmem>> -> memref<128xi32, #tpu.memory_space<vmem>>
        %dma_start3A_179 = arith.constant 0 : i32
        %dma_start3A_180 = arith.constant 0 : i32
        %dma_start3A_181 = tpu.memref_slice %arg7[%dma_start3A_179, %dma_start3A_180] : memref<10112x16xf32, #tpu.memory_space<vmem_shared>> -> memref<10112x16xf32, #tpu.memory_space<vmem_shared>>
        tpu.enqueue_indirect_dma source(%arg5 : memref<128x16xf32, #tpu.memory_space<vmem>>) target(%dma_start3A_181 : memref<10112x16xf32, #tpu.memory_space<vmem_shared>>) offsets(%dma_start3A_178 : memref<128xi32, #tpu.memory_space<vmem>>) semaphore(%run_scoped3A_175 : memref<!tpu.dma_semaphore, #tpu.memory_space<semaphore_mem>>) {add = true}
        %dma_wait3A_182 = arith.constant 0 : i32
        %dma_wait3A_183 = tpu.memref_slice %arg4[%run_scoped3A, %dma_wait3A_182] : memref<79x128xi32, #tpu.memory_space<vmem>> -> memref<1x128xi32, #tpu.memory_space<vmem>>
        %dma_wait3A_184 = tpu.memref_squeeze %dma_wait3A_183 : memref<1x128xi32, #tpu.memory_space<vmem>> -> memref<128xi32, #tpu.memory_space<vmem>>
        %dma_wait3A_185 = arith.constant 0 : i32
        %dma_wait3A_186 = arith.constant 0 : i32
        %dma_wait3A_187 = tpu.memref_slice %arg7[%dma_wait3A_185, %dma_wait3A_186] : memref<10112x16xf32, #tpu.memory_space<vmem_shared>> -> memref<10112x16xf32, #tpu.memory_space<vmem_shared>>
        tpu.wait_indirect_dma semaphore(%run_scoped3A_175 : memref<!tpu.dma_semaphore, #tpu.memory_space<semaphore_mem>>) src(%arg5 : memref<128x16xf32, #tpu.memory_space<vmem>>) dst(%dma_wait3A_187 : memref<10112x16xf32, #tpu.memory_space<vmem_shared>>)
        tpu.yield
      }) : () -> ()
    } else {
    }
    %gt3A_165 = arith.constant 78 : i32
    %gt3A_166 = arith.cmpi sgt, %add3A_4, %gt3A_165 : i32
    %convert_element_type3A_167 = arith.extui %gt3A_166 : i1 to i32
    %cond3A_168 = arith.constant 0 : i32
    %cond3A_169 = arith.cmpi ne, %convert_element_type3A_167, %cond3A_168 : i32
    scf.if %cond3A_169 {
      %run_scoped3A = arith.constant 78 : i32
      "tpu.region"() ({
        %run_scoped3A_175 = tpu.sem_alloc : memref<!tpu.dma_semaphore, #tpu.memory_space<semaphore_mem>>
        %dma_start3A_176 = arith.constant 0 : i32
        %dma_start3A_177 = tpu.memref_slice %arg4[%run_scoped3A, %dma_start3A_176] : memref<79x128xi32, #tpu.memory_space<vmem>> -> memref<1x128xi32, #tpu.memory_space<vmem>>
        %dma_start3A_178 = tpu.memref_squeeze %dma_start3A_177 : memref<1x128xi32, #tpu.memory_space<vmem>> -> memref<128xi32, #tpu.memory_space<vmem>>
        %dma_start3A_179 = arith.constant 0 : i32
        %dma_start3A_180 = arith.constant 0 : i32
        %dma_start3A_181 = tpu.memref_slice %arg7[%dma_start3A_179, %dma_start3A_180] : memref<10112x16xf32, #tpu.memory_space<vmem_shared>> -> memref<10112x16xf32, #tpu.memory_space<vmem_shared>>
        tpu.enqueue_indirect_dma source(%arg5 : memref<128x16xf32, #tpu.memory_space<vmem>>) target(%dma_start3A_181 : memref<10112x16xf32, #tpu.memory_space<vmem_shared>>) offsets(%dma_start3A_178 : memref<128xi32, #tpu.memory_space<vmem>>) semaphore(%run_scoped3A_175 : memref<!tpu.dma_semaphore, #tpu.memory_space<semaphore_mem>>) {add = true}
        %dma_wait3A_182 = arith.constant 0 : i32
        %dma_wait3A_183 = tpu.memref_slice %arg4[%run_scoped3A, %dma_wait3A_182] : memref<79x128xi32, #tpu.memory_space<vmem>> -> memref<1x128xi32, #tpu.memory_space<vmem>>
        %dma_wait3A_184 = tpu.memref_squeeze %dma_wait3A_183 : memref<1x128xi32, #tpu.memory_space<vmem>> -> memref<128xi32, #tpu.memory_space<vmem>>
        %dma_wait3A_185 = arith.constant 0 : i32
        %dma_wait3A_186 = arith.constant 0 : i32
        %dma_wait3A_187 = tpu.memref_slice %arg7[%dma_wait3A_185, %dma_wait3A_186] : memref<10112x16xf32, #tpu.memory_space<vmem_shared>> -> memref<10112x16xf32, #tpu.memory_space<vmem_shared>>
        tpu.wait_indirect_dma semaphore(%run_scoped3A_175 : memref<!tpu.dma_semaphore, #tpu.memory_space<semaphore_mem>>) src(%arg5 : memref<128x16xf32, #tpu.memory_space<vmem>>) dst(%dma_wait3A_187 : memref<10112x16xf32, #tpu.memory_space<vmem_shared>>)
        tpu.yield
      }) : () -> ()
    } else {
    }
    %barrier3A_170 = arith.constant 0 : index
    tpu.barrier barrier_id(%barrier3A_170)
    %mul3A_171 = arith.constant 632 : i32
    %mul3A_172 = arith.muli %arg1, %mul3A_171 : i32
    %mul3A_173 = arith.constant 632 : i32
    %mul3A_174 = arith.muli %arg1, %mul3A_173 : i32
    "tpu.region"() ({
      %run_scoped3A = tpu.sem_alloc : memref<!tpu.dma_semaphore, #tpu.memory_space<semaphore_mem>>
      %dma_start3A_175 = arith.constant 0 : i32
      %dma_start3A_176 = tpu.memref_slice %arg3[%arg0, %mul3A_174, %dma_start3A_175] : memref<2x10112x16xf32, #tpu.memory_space<hbm>> -> memref<1x632x16xf32, #tpu.memory_space<hbm>>
      %dma_start3A_177 = tpu.memref_squeeze %dma_start3A_176 : memref<1x632x16xf32, #tpu.memory_space<hbm>> -> memref<632x16xf32, #tpu.memory_space<hbm>>
      %dma_start3A_178 = arith.constant 0 : i32
      %dma_start3A_179 = tpu.memref_slice %arg7[%mul3A_172, %dma_start3A_178] : memref<10112x16xf32, #tpu.memory_space<vmem_shared>> -> memref<632x16xf32, #tpu.memory_space<vmem_shared>>
      tpu.enqueue_dma source(%dma_start3A_179 : memref<632x16xf32, #tpu.memory_space<vmem_shared>>) target(%dma_start3A_177 : memref<632x16xf32, #tpu.memory_space<hbm>>) target_semaphore(%run_scoped3A : memref<!tpu.dma_semaphore, #tpu.memory_space<semaphore_mem>>)
      %dma_wait3A_180 = arith.constant 0 : i32
      %dma_wait3A_181 = tpu.memref_slice %arg3[%arg0, %mul3A_174, %dma_wait3A_180] : memref<2x10112x16xf32, #tpu.memory_space<hbm>> -> memref<1x632x16xf32, #tpu.memory_space<hbm>>
      %dma_wait3A_182 = tpu.memref_squeeze %dma_wait3A_181 : memref<1x632x16xf32, #tpu.memory_space<hbm>> -> memref<632x16xf32, #tpu.memory_space<hbm>>
      %dma_wait3A_183 = arith.constant 0 : i32
      %dma_wait3A_184 = tpu.memref_slice %arg7[%mul3A_172, %dma_wait3A_183] : memref<10112x16xf32, #tpu.memory_space<vmem_shared>> -> memref<632x16xf32, #tpu.memory_space<vmem_shared>>
      tpu.wait_dma2 semaphore(%run_scoped3A : memref<!tpu.dma_semaphore, #tpu.memory_space<semaphore_mem>>) src(%dma_wait3A_184 : memref<632x16xf32, #tpu.memory_space<vmem_shared>>) dst(%dma_wait3A_182 : memref<632x16xf32, #tpu.memory_space<hbm>>)
      tpu.yield
    }) : () -> ()
    return
  }
}

#map = affine_map<(d0, d1) -> (0, 0)>
#map1 = affine_map<(d0, d1) -> (0, 0, 0)>
module attributes {stable_mosaic.version = 14 : i64} {
  func.func @_agg(%arg0: i32, %arg1: i32, %arg2: memref<10112x32xf32, #tpu.memory_space<hbm>>, %arg3: memref<2500x128xi32, #tpu.memory_space<hbm>>, %arg4: memref<2500x128xi32, #tpu.memory_space<hbm>>, %arg5: memref<2x10112x32xf32, #tpu.memory_space<hbm>>, %arg6: memref<79x128xi32, #tpu.memory_space<vmem>>, %arg7: memref<79x128xi32, #tpu.memory_space<vmem>>, %arg8: memref<8x128x32xf32, #tpu.memory_space<vmem>>, %arg9: memref<632x32xf32, #tpu.memory_space<vmem>>, %arg10: memref<10112x32xf32, #tpu.memory_space<vmem_shared>>, %arg11: memref<!tpu.dma_semaphore, #tpu.memory_space<semaphore_mem>>, %arg12: memref<!tpu.dma_semaphore, #tpu.memory_space<semaphore_mem>>, %arg13: memref<!tpu.dma_semaphore, #tpu.memory_space<semaphore_mem>>, %arg14: memref<!tpu.dma_semaphore, #tpu.memory_space<semaphore_mem>>, %arg15: memref<!tpu.dma_semaphore, #tpu.memory_space<semaphore_mem>>, %arg16: memref<!tpu.dma_semaphore, #tpu.memory_space<semaphore_mem>>, %arg17: memref<!tpu.dma_semaphore, #tpu.memory_space<semaphore_mem>>, %arg18: memref<!tpu.dma_semaphore, #tpu.memory_space<semaphore_mem>>, %arg19: memref<!tpu.dma_semaphore, #tpu.memory_space<semaphore_mem>>, %arg20: memref<!tpu.dma_semaphore, #tpu.memory_space<semaphore_mem>>, %arg21: memref<!tpu.dma_semaphore, #tpu.memory_space<semaphore_mem>>, %arg22: memref<!tpu.dma_semaphore, #tpu.memory_space<semaphore_mem>>, %arg23: memref<!tpu.dma_semaphore, #tpu.memory_space<semaphore_mem>>, %arg24: memref<!tpu.dma_semaphore, #tpu.memory_space<semaphore_mem>>, %arg25: memref<!tpu.dma_semaphore, #tpu.memory_space<semaphore_mem>>, %arg26: memref<!tpu.dma_semaphore, #tpu.memory_space<semaphore_mem>>) attributes {dimension_semantics = [#tpu.dimension_semantics<core_parallel>, #tpu.dimension_semantics<subcore_parallel>], iteration_bounds = array<i64: 2, 16>, scalar_prefetch = 0 : i64, scratch_operands = 21 : i64, tpu.core_type = #tpu.core_type<sc_vector_subcore>, window_params = [{transform_indices = #map}, {transform_indices = #map}, {transform_indices = #map}, {transform_indices = #map1}]} {
    %mul3A = arith.constant 16 : i32
    %mul3A_0 = arith.muli %arg0, %mul3A : i32
    %add3A = arith.addi %mul3A_0, %arg1 : i32
    %lt3A = arith.constant 4 : i32
    %lt3A_1 = arith.cmpi slt, %add3A, %lt3A : i32
    %jit3A = arith.constant 1 : i32
    %jit3A_2 = arith.constant 0 : i32
    %select_n3A = arith.select %lt3A_1, %jit3A, %jit3A_2 : i32
    %add3A_3 = arith.constant 78 : i32
    %add3A_4 = arith.addi %add3A_3, %select_n3A : i32
    %scan3A = arith.constant 0 : i32
    %scan3A_5 = arith.constant 632 : i32
    %scan3A_6 = arith.addi %scan3A, %scan3A_5 : i32
    %scan3A_7 = arith.constant 1 : i32
    scf.for %scan3A_197 = %scan3A to %scan3A_6 step %scan3A_7  : i32 {
      %mul3A_198 = arith.constant 1 : i32
      %mul3A_199 = arith.muli %scan3A_197, %mul3A_198 : i32
      %add3A_200 = arith.constant 0 : i32
      %add3A_201 = arith.addi %add3A_200, %mul3A_199 : i32
      %broadcast_in_dim3A = arith.constant 0.000000e+00 : f32
      %broadcast_in_dim3A_202 = vector.broadcast %broadcast_in_dim3A : f32 to vector<16xf32>
      %swap3A = arith.index_cast %add3A_201 : i32 to index
      %swap3A_203 = arith.constant 0 : index
      %swap3A_204 = tpu.vector_load %arg9[%swap3A, %swap3A_203] {strides = array<i32>} : memref<632x32xf32, #tpu.memory_space<vmem>>, vector<1x16xf32>,
      %swap3A_205 = vector.shape_cast %swap3A_204 : vector<1x16xf32> to vector<16xf32>
      %swap3A_206 = vector.shape_cast %broadcast_in_dim3A_202 : vector<16xf32> to vector<1x16xf32>
      tpu.vector_store %arg9[%swap3A, %swap3A_203], %swap3A_206 {strides = array<i32>} : memref<632x32xf32, #tpu.memory_space<vmem>>, vector<1x16xf32>,
      %broadcast_in_dim3A_207 = arith.constant 0.000000e+00 : f32
      %broadcast_in_dim3A_208 = vector.broadcast %broadcast_in_dim3A_207 : f32 to vector<16xf32>
      %swap3A_209 = arith.index_cast %add3A_201 : i32 to index
      %swap3A_210 = arith.constant 16 : index
      %swap3A_211 = tpu.vector_load %arg9[%swap3A_209, %swap3A_210] {strides = array<i32>} : memref<632x32xf32, #tpu.memory_space<vmem>>, vector<1x16xf32>,
      %swap3A_212 = vector.shape_cast %swap3A_211 : vector<1x16xf32> to vector<16xf32>
      %swap3A_213 = vector.shape_cast %broadcast_in_dim3A_208 : vector<16xf32> to vector<1x16xf32>
      tpu.vector_store %arg9[%swap3A_209, %swap3A_210], %swap3A_213 {strides = array<i32>} : memref<632x32xf32, #tpu.memory_space<vmem>>, vector<1x16xf32>,
    }
    %scan3A_8 = arith.constant 632 : i32
    %mul3A_9 = arith.constant 632 : i32
    %mul3A_10 = arith.muli %arg1, %mul3A_9 : i32
    "tpu.region"() ({
      %run_scoped3A = tpu.sem_alloc : memref<!tpu.dma_semaphore, #tpu.memory_space<semaphore_mem>>
      %dma_start3A_197 = arith.constant 0 : i32
      %dma_start3A_198 = tpu.memref_slice %arg10[%mul3A_10, %dma_start3A_197] : memref<10112x32xf32, #tpu.memory_space<vmem_shared>> -> memref<632x32xf32, #tpu.memory_space<vmem_shared>>
      %dma_start3A_199 = arith.constant 0 : i32
      %dma_start3A_200 = tpu.memref_slice %arg10[%mul3A_10, %dma_start3A_199] : memref<10112x32xf32, #tpu.memory_space<vmem_shared>> -> memref<632x32xf32, #tpu.memory_space<vmem_shared>>
      tpu.enqueue_dma source(%arg9 : memref<632x32xf32, #tpu.memory_space<vmem>>) target(%dma_start3A_200 : memref<632x32xf32, #tpu.memory_space<vmem_shared>>) target_semaphore(%run_scoped3A : memref<!tpu.dma_semaphore, #tpu.memory_space<semaphore_mem>>)
      %dma_wait3A = arith.constant 0 : i32
      %dma_wait3A_201 = tpu.memref_slice %arg10[%mul3A_10, %dma_wait3A] : memref<10112x32xf32, #tpu.memory_space<vmem_shared>> -> memref<632x32xf32, #tpu.memory_space<vmem_shared>>
      %dma_wait3A_202 = arith.constant 0 : i32
      %dma_wait3A_203 = tpu.memref_slice %arg10[%mul3A_10, %dma_wait3A_202] : memref<10112x32xf32, #tpu.memory_space<vmem_shared>> -> memref<632x32xf32, #tpu.memory_space<vmem_shared>>
      tpu.wait_dma2 semaphore(%run_scoped3A : memref<!tpu.dma_semaphore, #tpu.memory_space<semaphore_mem>>) src(%arg9 : memref<632x32xf32, #tpu.memory_space<vmem>>) dst(%dma_wait3A_203 : memref<632x32xf32, #tpu.memory_space<vmem_shared>>)
      tpu.yield
    }) : () -> ()
    %mul3A_11 = arith.constant 78 : i32
    %mul3A_12 = arith.muli %add3A, %mul3A_11 : i32
    "tpu.region"() ({
      %run_scoped3A = tpu.sem_alloc : memref<!tpu.dma_semaphore, #tpu.memory_space<semaphore_mem>>
      %dma_start3A_197 = arith.constant 0 : i32
      %dma_start3A_198 = arith.constant 0 : i32
      %dma_start3A_199 = tpu.memref_slice %arg6[%dma_start3A_197, %dma_start3A_198] : memref<79x128xi32, #tpu.memory_space<vmem>> -> memref<78x128xi32, #tpu.memory_space<vmem>>
      %dma_start3A_200 = arith.constant 0 : i32
      %dma_start3A_201 = tpu.memref_slice %arg3[%mul3A_12, %dma_start3A_200] : memref<2500x128xi32, #tpu.memory_space<hbm>> -> memref<78x128xi32, #tpu.memory_space<hbm>>
      %dma_start3A_202 = arith.constant 0 : i32
      %dma_start3A_203 = arith.constant 0 : i32
      %dma_start3A_204 = tpu.memref_slice %arg6[%dma_start3A_202, %dma_start3A_203] : memref<79x128xi32, #tpu.memory_space<vmem>> -> memref<78x128xi32, #tpu.memory_space<vmem>>
      %dma_start3A_205 = arith.constant 0 : i32
      %dma_start3A_206 = tpu.memref_slice %arg3[%mul3A_12, %dma_start3A_205] : memref<2500x128xi32, #tpu.memory_space<hbm>> -> memref<78x128xi32, #tpu.memory_space<hbm>>
      tpu.enqueue_dma source(%dma_start3A_206 : memref<78x128xi32, #tpu.memory_space<hbm>>) target(%dma_start3A_204 : memref<78x128xi32, #tpu.memory_space<vmem>>) target_semaphore(%run_scoped3A : memref<!tpu.dma_semaphore, #tpu.memory_space<semaphore_mem>>)
      %dma_wait3A = arith.constant 0 : i32
      %dma_wait3A_207 = arith.constant 0 : i32
      %dma_wait3A_208 = tpu.memref_slice %arg6[%dma_wait3A, %dma_wait3A_207] : memref<79x128xi32, #tpu.memory_space<vmem>> -> memref<78x128xi32, #tpu.memory_space<vmem>>
      %dma_wait3A_209 = arith.constant 0 : i32
      %dma_wait3A_210 = tpu.memref_slice %arg3[%mul3A_12, %dma_wait3A_209] : memref<2500x128xi32, #tpu.memory_space<hbm>> -> memref<78x128xi32, #tpu.memory_space<hbm>>
      %dma_wait3A_211 = arith.constant 0 : i32
      %dma_wait3A_212 = arith.constant 0 : i32
      %dma_wait3A_213 = tpu.memref_slice %arg6[%dma_wait3A_211, %dma_wait3A_212] : memref<79x128xi32, #tpu.memory_space<vmem>> -> memref<78x128xi32, #tpu.memory_space<vmem>>
      %dma_wait3A_214 = arith.constant 0 : i32
      %dma_wait3A_215 = tpu.memref_slice %arg3[%mul3A_12, %dma_wait3A_214] : memref<2500x128xi32, #tpu.memory_space<hbm>> -> memref<78x128xi32, #tpu.memory_space<hbm>>
      tpu.wait_dma2 semaphore(%run_scoped3A : memref<!tpu.dma_semaphore, #tpu.memory_space<semaphore_mem>>) src(%dma_wait3A_215 : memref<78x128xi32, #tpu.memory_space<hbm>>) dst(%dma_wait3A_213 : memref<78x128xi32, #tpu.memory_space<vmem>>)
      tpu.yield
    }) : () -> ()
    %lt3A_13 = arith.constant 4 : i32
    %lt3A_14 = arith.cmpi slt, %add3A, %lt3A_13 : i32
    %convert_element_type3A = arith.extui %lt3A_14 : i1 to i32
    %cond3A = arith.constant 0 : i32
    %cond3A_15 = arith.cmpi ne, %convert_element_type3A, %cond3A : i32
    scf.if %cond3A_15 {
      %add3A_197 = arith.constant 2496 : i32
      %add3A_198 = arith.addi %add3A_197, %add3A : i32
      "tpu.region"() ({
        %run_scoped3A = tpu.sem_alloc : memref<!tpu.dma_semaphore, #tpu.memory_space<semaphore_mem>>
        %dma_start3A_199 = arith.constant 78 : i32
        %dma_start3A_200 = arith.constant 0 : i32
        %dma_start3A_201 = tpu.memref_slice %arg6[%dma_start3A_199, %dma_start3A_200] : memref<79x128xi32, #tpu.memory_space<vmem>> -> memref<1x128xi32, #tpu.memory_space<vmem>>
        %dma_start3A_202 = arith.constant 0 : i32
        %dma_start3A_203 = tpu.memref_slice %arg3[%add3A_198, %dma_start3A_202] : memref<2500x128xi32, #tpu.memory_space<hbm>> -> memref<1x128xi32, #tpu.memory_space<hbm>>
        %dma_start3A_204 = arith.constant 78 : i32
        %dma_start3A_205 = arith.constant 0 : i32
        %dma_start3A_206 = tpu.memref_slice %arg6[%dma_start3A_204, %dma_start3A_205] : memref<79x128xi32, #tpu.memory_space<vmem>> -> memref<1x128xi32, #tpu.memory_space<vmem>>
        %dma_start3A_207 = arith.constant 0 : i32
        %dma_start3A_208 = tpu.memref_slice %arg3[%add3A_198, %dma_start3A_207] : memref<2500x128xi32, #tpu.memory_space<hbm>> -> memref<1x128xi32, #tpu.memory_space<hbm>>
        tpu.enqueue_dma source(%dma_start3A_208 : memref<1x128xi32, #tpu.memory_space<hbm>>) target(%dma_start3A_206 : memref<1x128xi32, #tpu.memory_space<vmem>>) target_semaphore(%run_scoped3A : memref<!tpu.dma_semaphore, #tpu.memory_space<semaphore_mem>>)
        %dma_wait3A = arith.constant 78 : i32
        %dma_wait3A_209 = arith.constant 0 : i32
        %dma_wait3A_210 = tpu.memref_slice %arg6[%dma_wait3A, %dma_wait3A_209] : memref<79x128xi32, #tpu.memory_space<vmem>> -> memref<1x128xi32, #tpu.memory_space<vmem>>
        %dma_wait3A_211 = arith.constant 0 : i32
        %dma_wait3A_212 = tpu.memref_slice %arg3[%add3A_198, %dma_wait3A_211] : memref<2500x128xi32, #tpu.memory_space<hbm>> -> memref<1x128xi32, #tpu.memory_space<hbm>>
        %dma_wait3A_213 = arith.constant 78 : i32
        %dma_wait3A_214 = arith.constant 0 : i32
        %dma_wait3A_215 = tpu.memref_slice %arg6[%dma_wait3A_213, %dma_wait3A_214] : memref<79x128xi32, #tpu.memory_space<vmem>> -> memref<1x128xi32, #tpu.memory_space<vmem>>
        %dma_wait3A_216 = arith.constant 0 : i32
        %dma_wait3A_217 = tpu.memref_slice %arg3[%add3A_198, %dma_wait3A_216] : memref<2500x128xi32, #tpu.memory_space<hbm>> -> memref<1x128xi32, #tpu.memory_space<hbm>>
        tpu.wait_dma2 semaphore(%run_scoped3A : memref<!tpu.dma_semaphore, #tpu.memory_space<semaphore_mem>>) src(%dma_wait3A_217 : memref<1x128xi32, #tpu.memory_space<hbm>>) dst(%dma_wait3A_215 : memref<1x128xi32, #tpu.memory_space<vmem>>)
        tpu.yield
      }) : () -> ()
    } else {
    }
    %mul3A_16 = arith.constant 78 : i32
    %mul3A_17 = arith.muli %add3A, %mul3A_16 : i32
    "tpu.region"() ({
      %run_scoped3A = tpu.sem_alloc : memref<!tpu.dma_semaphore, #tpu.memory_space<semaphore_mem>>
      %dma_start3A_197 = arith.constant 0 : i32
      %dma_start3A_198 = arith.constant 0 : i32
      %dma_start3A_199 = tpu.memref_slice %arg7[%dma_start3A_197, %dma_start3A_198] : memref<79x128xi32, #tpu.memory_space<vmem>> -> memref<78x128xi32, #tpu.memory_space<vmem>>
      %dma_start3A_200 = arith.constant 0 : i32
      %dma_start3A_201 = tpu.memref_slice %arg4[%mul3A_17, %dma_start3A_200] : memref<2500x128xi32, #tpu.memory_space<hbm>> -> memref<78x128xi32, #tpu.memory_space<hbm>>
      %dma_start3A_202 = arith.constant 0 : i32
      %dma_start3A_203 = arith.constant 0 : i32
      %dma_start3A_204 = tpu.memref_slice %arg7[%dma_start3A_202, %dma_start3A_203] : memref<79x128xi32, #tpu.memory_space<vmem>> -> memref<78x128xi32, #tpu.memory_space<vmem>>
      %dma_start3A_205 = arith.constant 0 : i32
      %dma_start3A_206 = tpu.memref_slice %arg4[%mul3A_17, %dma_start3A_205] : memref<2500x128xi32, #tpu.memory_space<hbm>> -> memref<78x128xi32, #tpu.memory_space<hbm>>
      tpu.enqueue_dma source(%dma_start3A_206 : memref<78x128xi32, #tpu.memory_space<hbm>>) target(%dma_start3A_204 : memref<78x128xi32, #tpu.memory_space<vmem>>) target_semaphore(%run_scoped3A : memref<!tpu.dma_semaphore, #tpu.memory_space<semaphore_mem>>)
      %dma_wait3A = arith.constant 0 : i32
      %dma_wait3A_207 = arith.constant 0 : i32
      %dma_wait3A_208 = tpu.memref_slice %arg7[%dma_wait3A, %dma_wait3A_207] : memref<79x128xi32, #tpu.memory_space<vmem>> -> memref<78x128xi32, #tpu.memory_space<vmem>>
      %dma_wait3A_209 = arith.constant 0 : i32
      %dma_wait3A_210 = tpu.memref_slice %arg4[%mul3A_17, %dma_wait3A_209] : memref<2500x128xi32, #tpu.memory_space<hbm>> -> memref<78x128xi32, #tpu.memory_space<hbm>>
      %dma_wait3A_211 = arith.constant 0 : i32
      %dma_wait3A_212 = arith.constant 0 : i32
      %dma_wait3A_213 = tpu.memref_slice %arg7[%dma_wait3A_211, %dma_wait3A_212] : memref<79x128xi32, #tpu.memory_space<vmem>> -> memref<78x128xi32, #tpu.memory_space<vmem>>
      %dma_wait3A_214 = arith.constant 0 : i32
      %dma_wait3A_215 = tpu.memref_slice %arg4[%mul3A_17, %dma_wait3A_214] : memref<2500x128xi32, #tpu.memory_space<hbm>> -> memref<78x128xi32, #tpu.memory_space<hbm>>
      tpu.wait_dma2 semaphore(%run_scoped3A : memref<!tpu.dma_semaphore, #tpu.memory_space<semaphore_mem>>) src(%dma_wait3A_215 : memref<78x128xi32, #tpu.memory_space<hbm>>) dst(%dma_wait3A_213 : memref<78x128xi32, #tpu.memory_space<vmem>>)
      tpu.yield
    }) : () -> ()
    %lt3A_18 = arith.constant 4 : i32
    %lt3A_19 = arith.cmpi slt, %add3A, %lt3A_18 : i32
    %convert_element_type3A_20 = arith.extui %lt3A_19 : i1 to i32
    %cond3A_21 = arith.constant 0 : i32
    %cond3A_22 = arith.cmpi ne, %convert_element_type3A_20, %cond3A_21 : i32
    scf.if %cond3A_22 {
      %add3A_197 = arith.constant 2496 : i32
      %add3A_198 = arith.addi %add3A_197, %add3A : i32
      "tpu.region"() ({
        %run_scoped3A = tpu.sem_alloc : memref<!tpu.dma_semaphore, #tpu.memory_space<semaphore_mem>>
        %dma_start3A_199 = arith.constant 78 : i32
        %dma_start3A_200 = arith.constant 0 : i32
        %dma_start3A_201 = tpu.memref_slice %arg7[%dma_start3A_199, %dma_start3A_200] : memref<79x128xi32, #tpu.memory_space<vmem>> -> memref<1x128xi32, #tpu.memory_space<vmem>>
        %dma_start3A_202 = arith.constant 0 : i32
        %dma_start3A_203 = tpu.memref_slice %arg4[%add3A_198, %dma_start3A_202] : memref<2500x128xi32, #tpu.memory_space<hbm>> -> memref<1x128xi32, #tpu.memory_space<hbm>>
        %dma_start3A_204 = arith.constant 78 : i32
        %dma_start3A_205 = arith.constant 0 : i32
        %dma_start3A_206 = tpu.memref_slice %arg7[%dma_start3A_204, %dma_start3A_205] : memref<79x128xi32, #tpu.memory_space<vmem>> -> memref<1x128xi32, #tpu.memory_space<vmem>>
        %dma_start3A_207 = arith.constant 0 : i32
        %dma_start3A_208 = tpu.memref_slice %arg4[%add3A_198, %dma_start3A_207] : memref<2500x128xi32, #tpu.memory_space<hbm>> -> memref<1x128xi32, #tpu.memory_space<hbm>>
        tpu.enqueue_dma source(%dma_start3A_208 : memref<1x128xi32, #tpu.memory_space<hbm>>) target(%dma_start3A_206 : memref<1x128xi32, #tpu.memory_space<vmem>>) target_semaphore(%run_scoped3A : memref<!tpu.dma_semaphore, #tpu.memory_space<semaphore_mem>>)
        %dma_wait3A = arith.constant 78 : i32
        %dma_wait3A_209 = arith.constant 0 : i32
        %dma_wait3A_210 = tpu.memref_slice %arg7[%dma_wait3A, %dma_wait3A_209] : memref<79x128xi32, #tpu.memory_space<vmem>> -> memref<1x128xi32, #tpu.memory_space<vmem>>
        %dma_wait3A_211 = arith.constant 0 : i32
        %dma_wait3A_212 = tpu.memref_slice %arg4[%add3A_198, %dma_wait3A_211] : memref<2500x128xi32, #tpu.memory_space<hbm>> -> memref<1x128xi32, #tpu.memory_space<hbm>>
        %dma_wait3A_213 = arith.constant 78 : i32
        %dma_wait3A_214 = arith.constant 0 : i32
        %dma_wait3A_215 = tpu.memref_slice %arg7[%dma_wait3A_213, %dma_wait3A_214] : memref<79x128xi32, #tpu.memory_space<vmem>> -> memref<1x128xi32, #tpu.memory_space<vmem>>
        %dma_wait3A_216 = arith.constant 0 : i32
        %dma_wait3A_217 = tpu.memref_slice %arg4[%add3A_198, %dma_wait3A_216] : memref<2500x128xi32, #tpu.memory_space<hbm>> -> memref<1x128xi32, #tpu.memory_space<hbm>>
        tpu.wait_dma2 semaphore(%run_scoped3A : memref<!tpu.dma_semaphore, #tpu.memory_space<semaphore_mem>>) src(%dma_wait3A_217 : memref<1x128xi32, #tpu.memory_space<hbm>>) dst(%dma_wait3A_215 : memref<1x128xi32, #tpu.memory_space<vmem>>)
        tpu.yield
      }) : () -> ()
    } else {
    }
    %dma_start3A = arith.constant 0 : i32
    %dma_start3A_23 = arith.constant 0 : i32
    %dma_start3A_24 = arith.constant 0 : i32
    %dma_start3A_25 = arith.constant 0 : i32
    %dma_start3A_26 = tpu.memref_slice %arg8[%dma_start3A_23, %dma_start3A_24, %dma_start3A_25] : memref<8x128x32xf32, #tpu.memory_space<vmem>> -> memref<1x128x32xf32, #tpu.memory_space<vmem>>
    %dma_start3A_27 = tpu.memref_squeeze %dma_start3A_26 : memref<1x128x32xf32, #tpu.memory_space<vmem>> -> memref<128x32xf32, #tpu.memory_space<vmem>>
    %dma_start3A_28 = arith.constant 0 : i32
    %dma_start3A_29 = tpu.memref_slice %arg6[%dma_start3A, %dma_start3A_28] : memref<79x128xi32, #tpu.memory_space<vmem>> -> memref<1x128xi32, #tpu.memory_space<vmem>>
    %dma_start3A_30 = tpu.memref_squeeze %dma_start3A_29 : memref<1x128xi32, #tpu.memory_space<vmem>> -> memref<128xi32, #tpu.memory_space<vmem>>
    %dma_start3A_31 = arith.constant 0 : i32
    %dma_start3A_32 = arith.constant 0 : i32
    %dma_start3A_33 = tpu.memref_slice %arg2[%dma_start3A_31, %dma_start3A_32] : memref<10112x32xf32, #tpu.memory_space<hbm>> -> memref<10112x32xf32, #tpu.memory_space<hbm>>
    tpu.enqueue_indirect_dma source(%dma_start3A_33 : memref<10112x32xf32, #tpu.memory_space<hbm>>) target(%dma_start3A_27 : memref<128x32xf32, #tpu.memory_space<vmem>>) offsets(%dma_start3A_30 : memref<128xi32, #tpu.memory_space<vmem>>) semaphore(%arg11 : memref<!tpu.dma_semaphore, #tpu.memory_space<semaphore_mem>>)
    %dma_start3A_34 = arith.constant 1 : i32
    %dma_start3A_35 = arith.constant 1 : i32
    %dma_start3A_36 = arith.constant 0 : i32
    %dma_start3A_37 = arith.constant 0 : i32
    %dma_start3A_38 = tpu.memref_slice %arg8[%dma_start3A_35, %dma_start3A_36, %dma_start3A_37] : memref<8x128x32xf32, #tpu.memory_space<vmem>> -> memref<1x128x32xf32, #tpu.memory_space<vmem>>
    %dma_start3A_39 = tpu.memref_squeeze %dma_start3A_38 : memref<1x128x32xf32, #tpu.memory_space<vmem>> -> memref<128x32xf32, #tpu.memory_space<vmem>>
    %dma_start3A_40 = arith.constant 0 : i32
    %dma_start3A_41 = tpu.memref_slice %arg6[%dma_start3A_34, %dma_start3A_40] : memref<79x128xi32, #tpu.memory_space<vmem>> -> memref<1x128xi32, #tpu.memory_space<vmem>>
    %dma_start3A_42 = tpu.memref_squeeze %dma_start3A_41 : memref<1x128xi32, #tpu.memory_space<vmem>> -> memref<128xi32, #tpu.memory_space<vmem>>
    %dma_start3A_43 = arith.constant 0 : i32
    %dma_start3A_44 = arith.constant 0 : i32
    %dma_start3A_45 = tpu.memref_slice %arg2[%dma_start3A_43, %dma_start3A_44] : memref<10112x32xf32, #tpu.memory_space<hbm>> -> memref<10112x32xf32, #tpu.memory_space<hbm>>
    tpu.enqueue_indirect_dma source(%dma_start3A_45 : memref<10112x32xf32, #tpu.memory_space<hbm>>) target(%dma_start3A_39 : memref<128x32xf32, #tpu.memory_space<vmem>>) offsets(%dma_start3A_42 : memref<128xi32, #tpu.memory_space<vmem>>) semaphore(%arg12 : memref<!tpu.dma_semaphore, #tpu.memory_space<semaphore_mem>>)
    %dma_start3A_46 = arith.constant 2 : i32
    %dma_start3A_47 = arith.constant 2 : i32
    %dma_start3A_48 = arith.constant 0 : i32
    %dma_start3A_49 = arith.constant 0 : i32
    %dma_start3A_50 = tpu.memref_slice %arg8[%dma_start3A_47, %dma_start3A_48, %dma_start3A_49] : memref<8x128x32xf32, #tpu.memory_space<vmem>> -> memref<1x128x32xf32, #tpu.memory_space<vmem>>
    %dma_start3A_51 = tpu.memref_squeeze %dma_start3A_50 : memref<1x128x32xf32, #tpu.memory_space<vmem>> -> memref<128x32xf32, #tpu.memory_space<vmem>>
    %dma_start3A_52 = arith.constant 0 : i32
    %dma_start3A_53 = tpu.memref_slice %arg6[%dma_start3A_46, %dma_start3A_52] : memref<79x128xi32, #tpu.memory_space<vmem>> -> memref<1x128xi32, #tpu.memory_space<vmem>>
    %dma_start3A_54 = tpu.memref_squeeze %dma_start3A_53 : memref<1x128xi32, #tpu.memory_space<vmem>> -> memref<128xi32, #tpu.memory_space<vmem>>
    %dma_start3A_55 = arith.constant 0 : i32
    %dma_start3A_56 = arith.constant 0 : i32
    %dma_start3A_57 = tpu.memref_slice %arg2[%dma_start3A_55, %dma_start3A_56] : memref<10112x32xf32, #tpu.memory_space<hbm>> -> memref<10112x32xf32, #tpu.memory_space<hbm>>
    tpu.enqueue_indirect_dma source(%dma_start3A_57 : memref<10112x32xf32, #tpu.memory_space<hbm>>) target(%dma_start3A_51 : memref<128x32xf32, #tpu.memory_space<vmem>>) offsets(%dma_start3A_54 : memref<128xi32, #tpu.memory_space<vmem>>) semaphore(%arg13 : memref<!tpu.dma_semaphore, #tpu.memory_space<semaphore_mem>>)
    %dma_start3A_58 = arith.constant 3 : i32
    %dma_start3A_59 = arith.constant 3 : i32
    %dma_start3A_60 = arith.constant 0 : i32
    %dma_start3A_61 = arith.constant 0 : i32
    %dma_start3A_62 = tpu.memref_slice %arg8[%dma_start3A_59, %dma_start3A_60, %dma_start3A_61] : memref<8x128x32xf32, #tpu.memory_space<vmem>> -> memref<1x128x32xf32, #tpu.memory_space<vmem>>
    %dma_start3A_63 = tpu.memref_squeeze %dma_start3A_62 : memref<1x128x32xf32, #tpu.memory_space<vmem>> -> memref<128x32xf32, #tpu.memory_space<vmem>>
    %dma_start3A_64 = arith.constant 0 : i32
    %dma_start3A_65 = tpu.memref_slice %arg6[%dma_start3A_58, %dma_start3A_64] : memref<79x128xi32, #tpu.memory_space<vmem>> -> memref<1x128xi32, #tpu.memory_space<vmem>>
    %dma_start3A_66 = tpu.memref_squeeze %dma_start3A_65 : memref<1x128xi32, #tpu.memory_space<vmem>> -> memref<128xi32, #tpu.memory_space<vmem>>
    %dma_start3A_67 = arith.constant 0 : i32
    %dma_start3A_68 = arith.constant 0 : i32
    %dma_start3A_69 = tpu.memref_slice %arg2[%dma_start3A_67, %dma_start3A_68] : memref<10112x32xf32, #tpu.memory_space<hbm>> -> memref<10112x32xf32, #tpu.memory_space<hbm>>
    tpu.enqueue_indirect_dma source(%dma_start3A_69 : memref<10112x32xf32, #tpu.memory_space<hbm>>) target(%dma_start3A_63 : memref<128x32xf32, #tpu.memory_space<vmem>>) offsets(%dma_start3A_66 : memref<128xi32, #tpu.memory_space<vmem>>) semaphore(%arg14 : memref<!tpu.dma_semaphore, #tpu.memory_space<semaphore_mem>>)
    %dma_start3A_70 = arith.constant 4 : i32
    %dma_start3A_71 = arith.constant 4 : i32
    %dma_start3A_72 = arith.constant 0 : i32
    %dma_start3A_73 = arith.constant 0 : i32
    %dma_start3A_74 = tpu.memref_slice %arg8[%dma_start3A_71, %dma_start3A_72, %dma_start3A_73] : memref<8x128x32xf32, #tpu.memory_space<vmem>> -> memref<1x128x32xf32, #tpu.memory_space<vmem>>
    %dma_start3A_75 = tpu.memref_squeeze %dma_start3A_74 : memref<1x128x32xf32, #tpu.memory_space<vmem>> -> memref<128x32xf32, #tpu.memory_space<vmem>>
    %dma_start3A_76 = arith.constant 0 : i32
    %dma_start3A_77 = tpu.memref_slice %arg6[%dma_start3A_70, %dma_start3A_76] : memref<79x128xi32, #tpu.memory_space<vmem>> -> memref<1x128xi32, #tpu.memory_space<vmem>>
    %dma_start3A_78 = tpu.memref_squeeze %dma_start3A_77 : memref<1x128xi32, #tpu.memory_space<vmem>> -> memref<128xi32, #tpu.memory_space<vmem>>
    %dma_start3A_79 = arith.constant 0 : i32
    %dma_start3A_80 = arith.constant 0 : i32
    %dma_start3A_81 = tpu.memref_slice %arg2[%dma_start3A_79, %dma_start3A_80] : memref<10112x32xf32, #tpu.memory_space<hbm>> -> memref<10112x32xf32, #tpu.memory_space<hbm>>
    tpu.enqueue_indirect_dma source(%dma_start3A_81 : memref<10112x32xf32, #tpu.memory_space<hbm>>) target(%dma_start3A_75 : memref<128x32xf32, #tpu.memory_space<vmem>>) offsets(%dma_start3A_78 : memref<128xi32, #tpu.memory_space<vmem>>) semaphore(%arg15 : memref<!tpu.dma_semaphore, #tpu.memory_space<semaphore_mem>>)
    %dma_start3A_82 = arith.constant 5 : i32
    %dma_start3A_83 = arith.constant 5 : i32
    %dma_start3A_84 = arith.constant 0 : i32
    %dma_start3A_85 = arith.constant 0 : i32
    %dma_start3A_86 = tpu.memref_slice %arg8[%dma_start3A_83, %dma_start3A_84, %dma_start3A_85] : memref<8x128x32xf32, #tpu.memory_space<vmem>> -> memref<1x128x32xf32, #tpu.memory_space<vmem>>
    %dma_start3A_87 = tpu.memref_squeeze %dma_start3A_86 : memref<1x128x32xf32, #tpu.memory_space<vmem>> -> memref<128x32xf32, #tpu.memory_space<vmem>>
    %dma_start3A_88 = arith.constant 0 : i32
    %dma_start3A_89 = tpu.memref_slice %arg6[%dma_start3A_82, %dma_start3A_88] : memref<79x128xi32, #tpu.memory_space<vmem>> -> memref<1x128xi32, #tpu.memory_space<vmem>>
    %dma_start3A_90 = tpu.memref_squeeze %dma_start3A_89 : memref<1x128xi32, #tpu.memory_space<vmem>> -> memref<128xi32, #tpu.memory_space<vmem>>
    %dma_start3A_91 = arith.constant 0 : i32
    %dma_start3A_92 = arith.constant 0 : i32
    %dma_start3A_93 = tpu.memref_slice %arg2[%dma_start3A_91, %dma_start3A_92] : memref<10112x32xf32, #tpu.memory_space<hbm>> -> memref<10112x32xf32, #tpu.memory_space<hbm>>
    tpu.enqueue_indirect_dma source(%dma_start3A_93 : memref<10112x32xf32, #tpu.memory_space<hbm>>) target(%dma_start3A_87 : memref<128x32xf32, #tpu.memory_space<vmem>>) offsets(%dma_start3A_90 : memref<128xi32, #tpu.memory_space<vmem>>) semaphore(%arg16 : memref<!tpu.dma_semaphore, #tpu.memory_space<semaphore_mem>>)
    %dma_start3A_94 = arith.constant 6 : i32
    %dma_start3A_95 = arith.constant 6 : i32
    %dma_start3A_96 = arith.constant 0 : i32
    %dma_start3A_97 = arith.constant 0 : i32
    %dma_start3A_98 = tpu.memref_slice %arg8[%dma_start3A_95, %dma_start3A_96, %dma_start3A_97] : memref<8x128x32xf32, #tpu.memory_space<vmem>> -> memref<1x128x32xf32, #tpu.memory_space<vmem>>
    %dma_start3A_99 = tpu.memref_squeeze %dma_start3A_98 : memref<1x128x32xf32, #tpu.memory_space<vmem>> -> memref<128x32xf32, #tpu.memory_space<vmem>>
    %dma_start3A_100 = arith.constant 0 : i32
    %dma_start3A_101 = tpu.memref_slice %arg6[%dma_start3A_94, %dma_start3A_100] : memref<79x128xi32, #tpu.memory_space<vmem>> -> memref<1x128xi32, #tpu.memory_space<vmem>>
    %dma_start3A_102 = tpu.memref_squeeze %dma_start3A_101 : memref<1x128xi32, #tpu.memory_space<vmem>> -> memref<128xi32, #tpu.memory_space<vmem>>
    %dma_start3A_103 = arith.constant 0 : i32
    %dma_start3A_104 = arith.constant 0 : i32
    %dma_start3A_105 = tpu.memref_slice %arg2[%dma_start3A_103, %dma_start3A_104] : memref<10112x32xf32, #tpu.memory_space<hbm>> -> memref<10112x32xf32, #tpu.memory_space<hbm>>
    tpu.enqueue_indirect_dma source(%dma_start3A_105 : memref<10112x32xf32, #tpu.memory_space<hbm>>) target(%dma_start3A_99 : memref<128x32xf32, #tpu.memory_space<vmem>>) offsets(%dma_start3A_102 : memref<128xi32, #tpu.memory_space<vmem>>) semaphore(%arg17 : memref<!tpu.dma_semaphore, #tpu.memory_space<semaphore_mem>>)
    %dma_start3A_106 = arith.constant 7 : i32
    %dma_start3A_107 = arith.constant 7 : i32
    %dma_start3A_108 = arith.constant 0 : i32
    %dma_start3A_109 = arith.constant 0 : i32
    %dma_start3A_110 = tpu.memref_slice %arg8[%dma_start3A_107, %dma_start3A_108, %dma_start3A_109] : memref<8x128x32xf32, #tpu.memory_space<vmem>> -> memref<1x128x32xf32, #tpu.memory_space<vmem>>
    %dma_start3A_111 = tpu.memref_squeeze %dma_start3A_110 : memref<1x128x32xf32, #tpu.memory_space<vmem>> -> memref<128x32xf32, #tpu.memory_space<vmem>>
    %dma_start3A_112 = arith.constant 0 : i32
    %dma_start3A_113 = tpu.memref_slice %arg6[%dma_start3A_106, %dma_start3A_112] : memref<79x128xi32, #tpu.memory_space<vmem>> -> memref<1x128xi32, #tpu.memory_space<vmem>>
    %dma_start3A_114 = tpu.memref_squeeze %dma_start3A_113 : memref<1x128xi32, #tpu.memory_space<vmem>> -> memref<128xi32, #tpu.memory_space<vmem>>
    %dma_start3A_115 = arith.constant 0 : i32
    %dma_start3A_116 = arith.constant 0 : i32
    %dma_start3A_117 = tpu.memref_slice %arg2[%dma_start3A_115, %dma_start3A_116] : memref<10112x32xf32, #tpu.memory_space<hbm>> -> memref<10112x32xf32, #tpu.memory_space<hbm>>
    tpu.enqueue_indirect_dma source(%dma_start3A_117 : memref<10112x32xf32, #tpu.memory_space<hbm>>) target(%dma_start3A_111 : memref<128x32xf32, #tpu.memory_space<vmem>>) offsets(%dma_start3A_114 : memref<128xi32, #tpu.memory_space<vmem>>) semaphore(%arg18 : memref<!tpu.dma_semaphore, #tpu.memory_space<semaphore_mem>>)
    %barrier3A = arith.constant 0 : index
    tpu.barrier barrier_id(%barrier3A)
    %scan3A_118 = arith.constant 0 : i32
    %scan3A_119 = arith.constant 9 : i32
    %scan3A_120 = arith.addi %scan3A_118, %scan3A_119 : i32
    %scan3A_121 = arith.constant 1 : i32
    scf.for %scan3A_197 = %scan3A_118 to %scan3A_120 step %scan3A_121  : i32 {
      %mul3A_198 = arith.constant 8 : i32
      %mul3A_199 = arith.muli %scan3A_197, %mul3A_198 : i32
      %add3A_200 = arith.constant 0 : i32
      %add3A_201 = arith.addi %add3A_200, %mul3A_199 : i32
      %add3A_202 = arith.constant 0 : i32
      %add3A_203 = arith.addi %add3A_201, %add3A_202 : i32
      %dma_wait3A = arith.constant 0 : i32
      %dma_wait3A_204 = arith.constant 0 : i32
      %dma_wait3A_205 = arith.constant 0 : i32
      %dma_wait3A_206 = tpu.memref_slice %arg8[%dma_wait3A, %dma_wait3A_204, %dma_wait3A_205] : memref<8x128x32xf32, #tpu.memory_space<vmem>> -> memref<1x128x32xf32, #tpu.memory_space<vmem>>
      %dma_wait3A_207 = tpu.memref_squeeze %dma_wait3A_206 : memref<1x128x32xf32, #tpu.memory_space<vmem>> -> memref<128x32xf32, #tpu.memory_space<vmem>>
      %dma_wait3A_208 = arith.constant 0 : i32
      %dma_wait3A_209 = tpu.memref_slice %arg6[%add3A_203, %dma_wait3A_208] : memref<79x128xi32, #tpu.memory_space<vmem>> -> memref<1x128xi32, #tpu.memory_space<vmem>>
      %dma_wait3A_210 = tpu.memref_squeeze %dma_wait3A_209 : memref<1x128xi32, #tpu.memory_space<vmem>> -> memref<128xi32, #tpu.memory_space<vmem>>
      %dma_wait3A_211 = arith.constant 0 : i32
      %dma_wait3A_212 = arith.constant 0 : i32
      %dma_wait3A_213 = tpu.memref_slice %arg2[%dma_wait3A_211, %dma_wait3A_212] : memref<10112x32xf32, #tpu.memory_space<hbm>> -> memref<10112x32xf32, #tpu.memory_space<hbm>>
      tpu.wait_indirect_dma semaphore(%arg11 : memref<!tpu.dma_semaphore, #tpu.memory_space<semaphore_mem>>) src(%dma_wait3A_213 : memref<10112x32xf32, #tpu.memory_space<hbm>>) dst(%dma_wait3A_207 : memref<128x32xf32, #tpu.memory_space<vmem>>)
      %add3A_214 = arith.constant 0 : i32
      %add3A_215 = arith.addi %add3A_201, %add3A_214 : i32
      %dma_start3A_216 = arith.constant 0 : i32
      %dma_start3A_217 = arith.constant 0 : i32
      %dma_start3A_218 = arith.constant 0 : i32
      %dma_start3A_219 = tpu.memref_slice %arg8[%dma_start3A_216, %dma_start3A_217, %dma_start3A_218] : memref<8x128x32xf32, #tpu.memory_space<vmem>> -> memref<1x128x32xf32, #tpu.memory_space<vmem>>
      %dma_start3A_220 = tpu.memref_squeeze %dma_start3A_219 : memref<1x128x32xf32, #tpu.memory_space<vmem>> -> memref<128x32xf32, #tpu.memory_space<vmem>>
      %dma_start3A_221 = arith.constant 0 : i32
      %dma_start3A_222 = tpu.memref_slice %arg7[%add3A_215, %dma_start3A_221] : memref<79x128xi32, #tpu.memory_space<vmem>> -> memref<1x128xi32, #tpu.memory_space<vmem>>
      %dma_start3A_223 = tpu.memref_squeeze %dma_start3A_222 : memref<1x128xi32, #tpu.memory_space<vmem>> -> memref<128xi32, #tpu.memory_space<vmem>>
      %dma_start3A_224 = arith.constant 0 : i32
      %dma_start3A_225 = arith.constant 0 : i32
      %dma_start3A_226 = tpu.memref_slice %arg10[%dma_start3A_224, %dma_start3A_225] : memref<10112x32xf32, #tpu.memory_space<vmem_shared>> -> memref<10112x32xf32, #tpu.memory_space<vmem_shared>>
      tpu.enqueue_indirect_dma source(%dma_start3A_220 : memref<128x32xf32, #tpu.memory_space<vmem>>) target(%dma_start3A_226 : memref<10112x32xf32, #tpu.memory_space<vmem_shared>>) offsets(%dma_start3A_223 : memref<128xi32, #tpu.memory_space<vmem>>) semaphore(%arg19 : memref<!tpu.dma_semaphore, #tpu.memory_space<semaphore_mem>>) {add = true}
      %add3A_227 = arith.constant 1 : i32
      %add3A_228 = arith.addi %add3A_201, %add3A_227 : i32
      %dma_wait3A_229 = arith.constant 1 : i32
      %dma_wait3A_230 = arith.constant 0 : i32
      %dma_wait3A_231 = arith.constant 0 : i32
      %dma_wait3A_232 = tpu.memref_slice %arg8[%dma_wait3A_229, %dma_wait3A_230, %dma_wait3A_231] : memref<8x128x32xf32, #tpu.memory_space<vmem>> -> memref<1x128x32xf32, #tpu.memory_space<vmem>>
      %dma_wait3A_233 = tpu.memref_squeeze %dma_wait3A_232 : memref<1x128x32xf32, #tpu.memory_space<vmem>> -> memref<128x32xf32, #tpu.memory_space<vmem>>
      %dma_wait3A_234 = arith.constant 0 : i32
      %dma_wait3A_235 = tpu.memref_slice %arg6[%add3A_228, %dma_wait3A_234] : memref<79x128xi32, #tpu.memory_space<vmem>> -> memref<1x128xi32, #tpu.memory_space<vmem>>
      %dma_wait3A_236 = tpu.memref_squeeze %dma_wait3A_235 : memref<1x128xi32, #tpu.memory_space<vmem>> -> memref<128xi32, #tpu.memory_space<vmem>>
      %dma_wait3A_237 = arith.constant 0 : i32
      %dma_wait3A_238 = arith.constant 0 : i32
      %dma_wait3A_239 = tpu.memref_slice %arg2[%dma_wait3A_237, %dma_wait3A_238] : memref<10112x32xf32, #tpu.memory_space<hbm>> -> memref<10112x32xf32, #tpu.memory_space<hbm>>
      tpu.wait_indirect_dma semaphore(%arg12 : memref<!tpu.dma_semaphore, #tpu.memory_space<semaphore_mem>>) src(%dma_wait3A_239 : memref<10112x32xf32, #tpu.memory_space<hbm>>) dst(%dma_wait3A_233 : memref<128x32xf32, #tpu.memory_space<vmem>>)
      %add3A_240 = arith.constant 1 : i32
      %add3A_241 = arith.addi %add3A_201, %add3A_240 : i32
      %dma_start3A_242 = arith.constant 1 : i32
      %dma_start3A_243 = arith.constant 0 : i32
      %dma_start3A_244 = arith.constant 0 : i32
      %dma_start3A_245 = tpu.memref_slice %arg8[%dma_start3A_242, %dma_start3A_243, %dma_start3A_244] : memref<8x128x32xf32, #tpu.memory_space<vmem>> -> memref<1x128x32xf32, #tpu.memory_space<vmem>>
      %dma_start3A_246 = tpu.memref_squeeze %dma_start3A_245 : memref<1x128x32xf32, #tpu.memory_space<vmem>> -> memref<128x32xf32, #tpu.memory_space<vmem>>
      %dma_start3A_247 = arith.constant 0 : i32
      %dma_start3A_248 = tpu.memref_slice %arg7[%add3A_241, %dma_start3A_247] : memref<79x128xi32, #tpu.memory_space<vmem>> -> memref<1x128xi32, #tpu.memory_space<vmem>>
      %dma_start3A_249 = tpu.memref_squeeze %dma_start3A_248 : memref<1x128xi32, #tpu.memory_space<vmem>> -> memref<128xi32, #tpu.memory_space<vmem>>
      %dma_start3A_250 = arith.constant 0 : i32
      %dma_start3A_251 = arith.constant 0 : i32
      %dma_start3A_252 = tpu.memref_slice %arg10[%dma_start3A_250, %dma_start3A_251] : memref<10112x32xf32, #tpu.memory_space<vmem_shared>> -> memref<10112x32xf32, #tpu.memory_space<vmem_shared>>
      tpu.enqueue_indirect_dma source(%dma_start3A_246 : memref<128x32xf32, #tpu.memory_space<vmem>>) target(%dma_start3A_252 : memref<10112x32xf32, #tpu.memory_space<vmem_shared>>) offsets(%dma_start3A_249 : memref<128xi32, #tpu.memory_space<vmem>>) semaphore(%arg20 : memref<!tpu.dma_semaphore, #tpu.memory_space<semaphore_mem>>) {add = true}
      %add3A_253 = arith.constant 2 : i32
      %add3A_254 = arith.addi %add3A_201, %add3A_253 : i32
      %dma_wait3A_255 = arith.constant 2 : i32
      %dma_wait3A_256 = arith.constant 0 : i32
      %dma_wait3A_257 = arith.constant 0 : i32
      %dma_wait3A_258 = tpu.memref_slice %arg8[%dma_wait3A_255, %dma_wait3A_256, %dma_wait3A_257] : memref<8x128x32xf32, #tpu.memory_space<vmem>> -> memref<1x128x32xf32, #tpu.memory_space<vmem>>
      %dma_wait3A_259 = tpu.memref_squeeze %dma_wait3A_258 : memref<1x128x32xf32, #tpu.memory_space<vmem>> -> memref<128x32xf32, #tpu.memory_space<vmem>>
      %dma_wait3A_260 = arith.constant 0 : i32
      %dma_wait3A_261 = tpu.memref_slice %arg6[%add3A_254, %dma_wait3A_260] : memref<79x128xi32, #tpu.memory_space<vmem>> -> memref<1x128xi32, #tpu.memory_space<vmem>>
      %dma_wait3A_262 = tpu.memref_squeeze %dma_wait3A_261 : memref<1x128xi32, #tpu.memory_space<vmem>> -> memref<128xi32, #tpu.memory_space<vmem>>
      %dma_wait3A_263 = arith.constant 0 : i32
      %dma_wait3A_264 = arith.constant 0 : i32
      %dma_wait3A_265 = tpu.memref_slice %arg2[%dma_wait3A_263, %dma_wait3A_264] : memref<10112x32xf32, #tpu.memory_space<hbm>> -> memref<10112x32xf32, #tpu.memory_space<hbm>>
      tpu.wait_indirect_dma semaphore(%arg13 : memref<!tpu.dma_semaphore, #tpu.memory_space<semaphore_mem>>) src(%dma_wait3A_265 : memref<10112x32xf32, #tpu.memory_space<hbm>>) dst(%dma_wait3A_259 : memref<128x32xf32, #tpu.memory_space<vmem>>)
      %add3A_266 = arith.constant 2 : i32
      %add3A_267 = arith.addi %add3A_201, %add3A_266 : i32
      %dma_start3A_268 = arith.constant 2 : i32
      %dma_start3A_269 = arith.constant 0 : i32
      %dma_start3A_270 = arith.constant 0 : i32
      %dma_start3A_271 = tpu.memref_slice %arg8[%dma_start3A_268, %dma_start3A_269, %dma_start3A_270] : memref<8x128x32xf32, #tpu.memory_space<vmem>> -> memref<1x128x32xf32, #tpu.memory_space<vmem>>
      %dma_start3A_272 = tpu.memref_squeeze %dma_start3A_271 : memref<1x128x32xf32, #tpu.memory_space<vmem>> -> memref<128x32xf32, #tpu.memory_space<vmem>>
      %dma_start3A_273 = arith.constant 0 : i32
      %dma_start3A_274 = tpu.memref_slice %arg7[%add3A_267, %dma_start3A_273] : memref<79x128xi32, #tpu.memory_space<vmem>> -> memref<1x128xi32, #tpu.memory_space<vmem>>
      %dma_start3A_275 = tpu.memref_squeeze %dma_start3A_274 : memref<1x128xi32, #tpu.memory_space<vmem>> -> memref<128xi32, #tpu.memory_space<vmem>>
      %dma_start3A_276 = arith.constant 0 : i32
      %dma_start3A_277 = arith.constant 0 : i32
      %dma_start3A_278 = tpu.memref_slice %arg10[%dma_start3A_276, %dma_start3A_277] : memref<10112x32xf32, #tpu.memory_space<vmem_shared>> -> memref<10112x32xf32, #tpu.memory_space<vmem_shared>>
      tpu.enqueue_indirect_dma source(%dma_start3A_272 : memref<128x32xf32, #tpu.memory_space<vmem>>) target(%dma_start3A_278 : memref<10112x32xf32, #tpu.memory_space<vmem_shared>>) offsets(%dma_start3A_275 : memref<128xi32, #tpu.memory_space<vmem>>) semaphore(%arg21 : memref<!tpu.dma_semaphore, #tpu.memory_space<semaphore_mem>>) {add = true}
      %add3A_279 = arith.constant 3 : i32
      %add3A_280 = arith.addi %add3A_201, %add3A_279 : i32
      %dma_wait3A_281 = arith.constant 3 : i32
      %dma_wait3A_282 = arith.constant 0 : i32
      %dma_wait3A_283 = arith.constant 0 : i32
      %dma_wait3A_284 = tpu.memref_slice %arg8[%dma_wait3A_281, %dma_wait3A_282, %dma_wait3A_283] : memref<8x128x32xf32, #tpu.memory_space<vmem>> -> memref<1x128x32xf32, #tpu.memory_space<vmem>>
      %dma_wait3A_285 = tpu.memref_squeeze %dma_wait3A_284 : memref<1x128x32xf32, #tpu.memory_space<vmem>> -> memref<128x32xf32, #tpu.memory_space<vmem>>
      %dma_wait3A_286 = arith.constant 0 : i32
      %dma_wait3A_287 = tpu.memref_slice %arg6[%add3A_280, %dma_wait3A_286] : memref<79x128xi32, #tpu.memory_space<vmem>> -> memref<1x128xi32, #tpu.memory_space<vmem>>
      %dma_wait3A_288 = tpu.memref_squeeze %dma_wait3A_287 : memref<1x128xi32, #tpu.memory_space<vmem>> -> memref<128xi32, #tpu.memory_space<vmem>>
      %dma_wait3A_289 = arith.constant 0 : i32
      %dma_wait3A_290 = arith.constant 0 : i32
      %dma_wait3A_291 = tpu.memref_slice %arg2[%dma_wait3A_289, %dma_wait3A_290] : memref<10112x32xf32, #tpu.memory_space<hbm>> -> memref<10112x32xf32, #tpu.memory_space<hbm>>
      tpu.wait_indirect_dma semaphore(%arg14 : memref<!tpu.dma_semaphore, #tpu.memory_space<semaphore_mem>>) src(%dma_wait3A_291 : memref<10112x32xf32, #tpu.memory_space<hbm>>) dst(%dma_wait3A_285 : memref<128x32xf32, #tpu.memory_space<vmem>>)
      %add3A_292 = arith.constant 3 : i32
      %add3A_293 = arith.addi %add3A_201, %add3A_292 : i32
      %dma_start3A_294 = arith.constant 3 : i32
      %dma_start3A_295 = arith.constant 0 : i32
      %dma_start3A_296 = arith.constant 0 : i32
      %dma_start3A_297 = tpu.memref_slice %arg8[%dma_start3A_294, %dma_start3A_295, %dma_start3A_296] : memref<8x128x32xf32, #tpu.memory_space<vmem>> -> memref<1x128x32xf32, #tpu.memory_space<vmem>>
      %dma_start3A_298 = tpu.memref_squeeze %dma_start3A_297 : memref<1x128x32xf32, #tpu.memory_space<vmem>> -> memref<128x32xf32, #tpu.memory_space<vmem>>
      %dma_start3A_299 = arith.constant 0 : i32
      %dma_start3A_300 = tpu.memref_slice %arg7[%add3A_293, %dma_start3A_299] : memref<79x128xi32, #tpu.memory_space<vmem>> -> memref<1x128xi32, #tpu.memory_space<vmem>>
      %dma_start3A_301 = tpu.memref_squeeze %dma_start3A_300 : memref<1x128xi32, #tpu.memory_space<vmem>> -> memref<128xi32, #tpu.memory_space<vmem>>
      %dma_start3A_302 = arith.constant 0 : i32
      %dma_start3A_303 = arith.constant 0 : i32
      %dma_start3A_304 = tpu.memref_slice %arg10[%dma_start3A_302, %dma_start3A_303] : memref<10112x32xf32, #tpu.memory_space<vmem_shared>> -> memref<10112x32xf32, #tpu.memory_space<vmem_shared>>
      tpu.enqueue_indirect_dma source(%dma_start3A_298 : memref<128x32xf32, #tpu.memory_space<vmem>>) target(%dma_start3A_304 : memref<10112x32xf32, #tpu.memory_space<vmem_shared>>) offsets(%dma_start3A_301 : memref<128xi32, #tpu.memory_space<vmem>>) semaphore(%arg22 : memref<!tpu.dma_semaphore, #tpu.memory_space<semaphore_mem>>) {add = true}
      %add3A_305 = arith.constant 4 : i32
      %add3A_306 = arith.addi %add3A_201, %add3A_305 : i32
      %dma_wait3A_307 = arith.constant 4 : i32
      %dma_wait3A_308 = arith.constant 0 : i32
      %dma_wait3A_309 = arith.constant 0 : i32
      %dma_wait3A_310 = tpu.memref_slice %arg8[%dma_wait3A_307, %dma_wait3A_308, %dma_wait3A_309] : memref<8x128x32xf32, #tpu.memory_space<vmem>> -> memref<1x128x32xf32, #tpu.memory_space<vmem>>
      %dma_wait3A_311 = tpu.memref_squeeze %dma_wait3A_310 : memref<1x128x32xf32, #tpu.memory_space<vmem>> -> memref<128x32xf32, #tpu.memory_space<vmem>>
      %dma_wait3A_312 = arith.constant 0 : i32
      %dma_wait3A_313 = tpu.memref_slice %arg6[%add3A_306, %dma_wait3A_312] : memref<79x128xi32, #tpu.memory_space<vmem>> -> memref<1x128xi32, #tpu.memory_space<vmem>>
      %dma_wait3A_314 = tpu.memref_squeeze %dma_wait3A_313 : memref<1x128xi32, #tpu.memory_space<vmem>> -> memref<128xi32, #tpu.memory_space<vmem>>
      %dma_wait3A_315 = arith.constant 0 : i32
      %dma_wait3A_316 = arith.constant 0 : i32
      %dma_wait3A_317 = tpu.memref_slice %arg2[%dma_wait3A_315, %dma_wait3A_316] : memref<10112x32xf32, #tpu.memory_space<hbm>> -> memref<10112x32xf32, #tpu.memory_space<hbm>>
      tpu.wait_indirect_dma semaphore(%arg15 : memref<!tpu.dma_semaphore, #tpu.memory_space<semaphore_mem>>) src(%dma_wait3A_317 : memref<10112x32xf32, #tpu.memory_space<hbm>>) dst(%dma_wait3A_311 : memref<128x32xf32, #tpu.memory_space<vmem>>)
      %add3A_318 = arith.constant 4 : i32
      %add3A_319 = arith.addi %add3A_201, %add3A_318 : i32
      %dma_start3A_320 = arith.constant 4 : i32
      %dma_start3A_321 = arith.constant 0 : i32
      %dma_start3A_322 = arith.constant 0 : i32
      %dma_start3A_323 = tpu.memref_slice %arg8[%dma_start3A_320, %dma_start3A_321, %dma_start3A_322] : memref<8x128x32xf32, #tpu.memory_space<vmem>> -> memref<1x128x32xf32, #tpu.memory_space<vmem>>
      %dma_start3A_324 = tpu.memref_squeeze %dma_start3A_323 : memref<1x128x32xf32, #tpu.memory_space<vmem>> -> memref<128x32xf32, #tpu.memory_space<vmem>>
      %dma_start3A_325 = arith.constant 0 : i32
      %dma_start3A_326 = tpu.memref_slice %arg7[%add3A_319, %dma_start3A_325] : memref<79x128xi32, #tpu.memory_space<vmem>> -> memref<1x128xi32, #tpu.memory_space<vmem>>
      %dma_start3A_327 = tpu.memref_squeeze %dma_start3A_326 : memref<1x128xi32, #tpu.memory_space<vmem>> -> memref<128xi32, #tpu.memory_space<vmem>>
      %dma_start3A_328 = arith.constant 0 : i32
      %dma_start3A_329 = arith.constant 0 : i32
      %dma_start3A_330 = tpu.memref_slice %arg10[%dma_start3A_328, %dma_start3A_329] : memref<10112x32xf32, #tpu.memory_space<vmem_shared>> -> memref<10112x32xf32, #tpu.memory_space<vmem_shared>>
      tpu.enqueue_indirect_dma source(%dma_start3A_324 : memref<128x32xf32, #tpu.memory_space<vmem>>) target(%dma_start3A_330 : memref<10112x32xf32, #tpu.memory_space<vmem_shared>>) offsets(%dma_start3A_327 : memref<128xi32, #tpu.memory_space<vmem>>) semaphore(%arg23 : memref<!tpu.dma_semaphore, #tpu.memory_space<semaphore_mem>>) {add = true}
      %add3A_331 = arith.constant 5 : i32
      %add3A_332 = arith.addi %add3A_201, %add3A_331 : i32
      %dma_wait3A_333 = arith.constant 5 : i32
      %dma_wait3A_334 = arith.constant 0 : i32
      %dma_wait3A_335 = arith.constant 0 : i32
      %dma_wait3A_336 = tpu.memref_slice %arg8[%dma_wait3A_333, %dma_wait3A_334, %dma_wait3A_335] : memref<8x128x32xf32, #tpu.memory_space<vmem>> -> memref<1x128x32xf32, #tpu.memory_space<vmem>>
      %dma_wait3A_337 = tpu.memref_squeeze %dma_wait3A_336 : memref<1x128x32xf32, #tpu.memory_space<vmem>> -> memref<128x32xf32, #tpu.memory_space<vmem>>
      %dma_wait3A_338 = arith.constant 0 : i32
      %dma_wait3A_339 = tpu.memref_slice %arg6[%add3A_332, %dma_wait3A_338] : memref<79x128xi32, #tpu.memory_space<vmem>> -> memref<1x128xi32, #tpu.memory_space<vmem>>
      %dma_wait3A_340 = tpu.memref_squeeze %dma_wait3A_339 : memref<1x128xi32, #tpu.memory_space<vmem>> -> memref<128xi32, #tpu.memory_space<vmem>>
      %dma_wait3A_341 = arith.constant 0 : i32
      %dma_wait3A_342 = arith.constant 0 : i32
      %dma_wait3A_343 = tpu.memref_slice %arg2[%dma_wait3A_341, %dma_wait3A_342] : memref<10112x32xf32, #tpu.memory_space<hbm>> -> memref<10112x32xf32, #tpu.memory_space<hbm>>
      tpu.wait_indirect_dma semaphore(%arg16 : memref<!tpu.dma_semaphore, #tpu.memory_space<semaphore_mem>>) src(%dma_wait3A_343 : memref<10112x32xf32, #tpu.memory_space<hbm>>) dst(%dma_wait3A_337 : memref<128x32xf32, #tpu.memory_space<vmem>>)
      %add3A_344 = arith.constant 5 : i32
      %add3A_345 = arith.addi %add3A_201, %add3A_344 : i32
      %dma_start3A_346 = arith.constant 5 : i32
      %dma_start3A_347 = arith.constant 0 : i32
      %dma_start3A_348 = arith.constant 0 : i32
      %dma_start3A_349 = tpu.memref_slice %arg8[%dma_start3A_346, %dma_start3A_347, %dma_start3A_348] : memref<8x128x32xf32, #tpu.memory_space<vmem>> -> memref<1x128x32xf32, #tpu.memory_space<vmem>>
      %dma_start3A_350 = tpu.memref_squeeze %dma_start3A_349 : memref<1x128x32xf32, #tpu.memory_space<vmem>> -> memref<128x32xf32, #tpu.memory_space<vmem>>
      %dma_start3A_351 = arith.constant 0 : i32
      %dma_start3A_352 = tpu.memref_slice %arg7[%add3A_345, %dma_start3A_351] : memref<79x128xi32, #tpu.memory_space<vmem>> -> memref<1x128xi32, #tpu.memory_space<vmem>>
      %dma_start3A_353 = tpu.memref_squeeze %dma_start3A_352 : memref<1x128xi32, #tpu.memory_space<vmem>> -> memref<128xi32, #tpu.memory_space<vmem>>
      %dma_start3A_354 = arith.constant 0 : i32
      %dma_start3A_355 = arith.constant 0 : i32
      %dma_start3A_356 = tpu.memref_slice %arg10[%dma_start3A_354, %dma_start3A_355] : memref<10112x32xf32, #tpu.memory_space<vmem_shared>> -> memref<10112x32xf32, #tpu.memory_space<vmem_shared>>
      tpu.enqueue_indirect_dma source(%dma_start3A_350 : memref<128x32xf32, #tpu.memory_space<vmem>>) target(%dma_start3A_356 : memref<10112x32xf32, #tpu.memory_space<vmem_shared>>) offsets(%dma_start3A_353 : memref<128xi32, #tpu.memory_space<vmem>>) semaphore(%arg24 : memref<!tpu.dma_semaphore, #tpu.memory_space<semaphore_mem>>) {add = true}
      %add3A_357 = arith.constant 6 : i32
      %add3A_358 = arith.addi %add3A_201, %add3A_357 : i32
      %dma_wait3A_359 = arith.constant 6 : i32
      %dma_wait3A_360 = arith.constant 0 : i32
      %dma_wait3A_361 = arith.constant 0 : i32
      %dma_wait3A_362 = tpu.memref_slice %arg8[%dma_wait3A_359, %dma_wait3A_360, %dma_wait3A_361] : memref<8x128x32xf32, #tpu.memory_space<vmem>> -> memref<1x128x32xf32, #tpu.memory_space<vmem>>
      %dma_wait3A_363 = tpu.memref_squeeze %dma_wait3A_362 : memref<1x128x32xf32, #tpu.memory_space<vmem>> -> memref<128x32xf32, #tpu.memory_space<vmem>>
      %dma_wait3A_364 = arith.constant 0 : i32
      %dma_wait3A_365 = tpu.memref_slice %arg6[%add3A_358, %dma_wait3A_364] : memref<79x128xi32, #tpu.memory_space<vmem>> -> memref<1x128xi32, #tpu.memory_space<vmem>>
      %dma_wait3A_366 = tpu.memref_squeeze %dma_wait3A_365 : memref<1x128xi32, #tpu.memory_space<vmem>> -> memref<128xi32, #tpu.memory_space<vmem>>
      %dma_wait3A_367 = arith.constant 0 : i32
      %dma_wait3A_368 = arith.constant 0 : i32
      %dma_wait3A_369 = tpu.memref_slice %arg2[%dma_wait3A_367, %dma_wait3A_368] : memref<10112x32xf32, #tpu.memory_space<hbm>> -> memref<10112x32xf32, #tpu.memory_space<hbm>>
      tpu.wait_indirect_dma semaphore(%arg17 : memref<!tpu.dma_semaphore, #tpu.memory_space<semaphore_mem>>) src(%dma_wait3A_369 : memref<10112x32xf32, #tpu.memory_space<hbm>>) dst(%dma_wait3A_363 : memref<128x32xf32, #tpu.memory_space<vmem>>)
      %add3A_370 = arith.constant 6 : i32
      %add3A_371 = arith.addi %add3A_201, %add3A_370 : i32
      %dma_start3A_372 = arith.constant 6 : i32
      %dma_start3A_373 = arith.constant 0 : i32
      %dma_start3A_374 = arith.constant 0 : i32
      %dma_start3A_375 = tpu.memref_slice %arg8[%dma_start3A_372, %dma_start3A_373, %dma_start3A_374] : memref<8x128x32xf32, #tpu.memory_space<vmem>> -> memref<1x128x32xf32, #tpu.memory_space<vmem>>
      %dma_start3A_376 = tpu.memref_squeeze %dma_start3A_375 : memref<1x128x32xf32, #tpu.memory_space<vmem>> -> memref<128x32xf32, #tpu.memory_space<vmem>>
      %dma_start3A_377 = arith.constant 0 : i32
      %dma_start3A_378 = tpu.memref_slice %arg7[%add3A_371, %dma_start3A_377] : memref<79x128xi32, #tpu.memory_space<vmem>> -> memref<1x128xi32, #tpu.memory_space<vmem>>
      %dma_start3A_379 = tpu.memref_squeeze %dma_start3A_378 : memref<1x128xi32, #tpu.memory_space<vmem>> -> memref<128xi32, #tpu.memory_space<vmem>>
      %dma_start3A_380 = arith.constant 0 : i32
      %dma_start3A_381 = arith.constant 0 : i32
      %dma_start3A_382 = tpu.memref_slice %arg10[%dma_start3A_380, %dma_start3A_381] : memref<10112x32xf32, #tpu.memory_space<vmem_shared>> -> memref<10112x32xf32, #tpu.memory_space<vmem_shared>>
      tpu.enqueue_indirect_dma source(%dma_start3A_376 : memref<128x32xf32, #tpu.memory_space<vmem>>) target(%dma_start3A_382 : memref<10112x32xf32, #tpu.memory_space<vmem_shared>>) offsets(%dma_start3A_379 : memref<128xi32, #tpu.memory_space<vmem>>) semaphore(%arg25 : memref<!tpu.dma_semaphore, #tpu.memory_space<semaphore_mem>>) {add = true}
      %add3A_383 = arith.constant 7 : i32
      %add3A_384 = arith.addi %add3A_201, %add3A_383 : i32
      %dma_wait3A_385 = arith.constant 7 : i32
      %dma_wait3A_386 = arith.constant 0 : i32
      %dma_wait3A_387 = arith.constant 0 : i32
      %dma_wait3A_388 = tpu.memref_slice %arg8[%dma_wait3A_385, %dma_wait3A_386, %dma_wait3A_387] : memref<8x128x32xf32, #tpu.memory_space<vmem>> -> memref<1x128x32xf32, #tpu.memory_space<vmem>>
      %dma_wait3A_389 = tpu.memref_squeeze %dma_wait3A_388 : memref<1x128x32xf32, #tpu.memory_space<vmem>> -> memref<128x32xf32, #tpu.memory_space<vmem>>
      %dma_wait3A_390 = arith.constant 0 : i32
      %dma_wait3A_391 = tpu.memref_slice %arg6[%add3A_384, %dma_wait3A_390] : memref<79x128xi32, #tpu.memory_space<vmem>> -> memref<1x128xi32, #tpu.memory_space<vmem>>
      %dma_wait3A_392 = tpu.memref_squeeze %dma_wait3A_391 : memref<1x128xi32, #tpu.memory_space<vmem>> -> memref<128xi32, #tpu.memory_space<vmem>>
      %dma_wait3A_393 = arith.constant 0 : i32
      %dma_wait3A_394 = arith.constant 0 : i32
      %dma_wait3A_395 = tpu.memref_slice %arg2[%dma_wait3A_393, %dma_wait3A_394] : memref<10112x32xf32, #tpu.memory_space<hbm>> -> memref<10112x32xf32, #tpu.memory_space<hbm>>
      tpu.wait_indirect_dma semaphore(%arg18 : memref<!tpu.dma_semaphore, #tpu.memory_space<semaphore_mem>>) src(%dma_wait3A_395 : memref<10112x32xf32, #tpu.memory_space<hbm>>) dst(%dma_wait3A_389 : memref<128x32xf32, #tpu.memory_space<vmem>>)
      %add3A_396 = arith.constant 7 : i32
      %add3A_397 = arith.addi %add3A_201, %add3A_396 : i32
      %dma_start3A_398 = arith.constant 7 : i32
      %dma_start3A_399 = arith.constant 0 : i32
      %dma_start3A_400 = arith.constant 0 : i32
      %dma_start3A_401 = tpu.memref_slice %arg8[%dma_start3A_398, %dma_start3A_399, %dma_start3A_400] : memref<8x128x32xf32, #tpu.memory_space<vmem>> -> memref<1x128x32xf32, #tpu.memory_space<vmem>>
      %dma_start3A_402 = tpu.memref_squeeze %dma_start3A_401 : memref<1x128x32xf32, #tpu.memory_space<vmem>> -> memref<128x32xf32, #tpu.memory_space<vmem>>
      %dma_start3A_403 = arith.constant 0 : i32
      %dma_start3A_404 = tpu.memref_slice %arg7[%add3A_397, %dma_start3A_403] : memref<79x128xi32, #tpu.memory_space<vmem>> -> memref<1x128xi32, #tpu.memory_space<vmem>>
      %dma_start3A_405 = tpu.memref_squeeze %dma_start3A_404 : memref<1x128xi32, #tpu.memory_space<vmem>> -> memref<128xi32, #tpu.memory_space<vmem>>
      %dma_start3A_406 = arith.constant 0 : i32
      %dma_start3A_407 = arith.constant 0 : i32
      %dma_start3A_408 = tpu.memref_slice %arg10[%dma_start3A_406, %dma_start3A_407] : memref<10112x32xf32, #tpu.memory_space<vmem_shared>> -> memref<10112x32xf32, #tpu.memory_space<vmem_shared>>
      tpu.enqueue_indirect_dma source(%dma_start3A_402 : memref<128x32xf32, #tpu.memory_space<vmem>>) target(%dma_start3A_408 : memref<10112x32xf32, #tpu.memory_space<vmem_shared>>) offsets(%dma_start3A_405 : memref<128xi32, #tpu.memory_space<vmem>>) semaphore(%arg26 : memref<!tpu.dma_semaphore, #tpu.memory_space<semaphore_mem>>) {add = true}
      %add3A_409 = arith.constant 0 : i32
      %add3A_410 = arith.addi %add3A_201, %add3A_409 : i32
      %dma_wait3A_411 = arith.constant 0 : i32
      %dma_wait3A_412 = arith.constant 0 : i32
      %dma_wait3A_413 = arith.constant 0 : i32
      %dma_wait3A_414 = tpu.memref_slice %arg8[%dma_wait3A_411, %dma_wait3A_412, %dma_wait3A_413] : memref<8x128x32xf32, #tpu.memory_space<vmem>> -> memref<1x128x32xf32, #tpu.memory_space<vmem>>
      %dma_wait3A_415 = tpu.memref_squeeze %dma_wait3A_414 : memref<1x128x32xf32, #tpu.memory_space<vmem>> -> memref<128x32xf32, #tpu.memory_space<vmem>>
      %dma_wait3A_416 = arith.constant 0 : i32
      %dma_wait3A_417 = tpu.memref_slice %arg7[%add3A_410, %dma_wait3A_416] : memref<79x128xi32, #tpu.memory_space<vmem>> -> memref<1x128xi32, #tpu.memory_space<vmem>>
      %dma_wait3A_418 = tpu.memref_squeeze %dma_wait3A_417 : memref<1x128xi32, #tpu.memory_space<vmem>> -> memref<128xi32, #tpu.memory_space<vmem>>
      %dma_wait3A_419 = arith.constant 0 : i32
      %dma_wait3A_420 = arith.constant 0 : i32
      %dma_wait3A_421 = tpu.memref_slice %arg10[%dma_wait3A_419, %dma_wait3A_420] : memref<10112x32xf32, #tpu.memory_space<vmem_shared>> -> memref<10112x32xf32, #tpu.memory_space<vmem_shared>>
      tpu.wait_indirect_dma semaphore(%arg19 : memref<!tpu.dma_semaphore, #tpu.memory_space<semaphore_mem>>) src(%dma_wait3A_415 : memref<128x32xf32, #tpu.memory_space<vmem>>) dst(%dma_wait3A_421 : memref<10112x32xf32, #tpu.memory_space<vmem_shared>>)
      %add3A_422 = arith.constant 8 : i32
      %add3A_423 = arith.addi %add3A_201, %add3A_422 : i32
      %add3A_424 = arith.constant 0 : i32
      %add3A_425 = arith.addi %add3A_423, %add3A_424 : i32
      %lt3A_426 = arith.constant 72 : i32
      %lt3A_427 = arith.cmpi slt, %add3A_425, %lt3A_426 : i32
      %convert_element_type3A_428 = arith.extui %lt3A_427 : i1 to i32
      %cond3A_429 = arith.constant 0 : i32
      %cond3A_430 = arith.cmpi ne, %convert_element_type3A_428, %cond3A_429 : i32
      scf.if %cond3A_430 {
        %add3A_585 = arith.constant 8 : i32
        %add3A_586 = arith.addi %add3A_201, %add3A_585 : i32
        %add3A_587 = arith.constant 0 : i32
        %add3A_588 = arith.addi %add3A_586, %add3A_587 : i32
        %dma_start3A_589 = arith.constant 0 : i32
        %dma_start3A_590 = arith.constant 0 : i32
        %dma_start3A_591 = arith.constant 0 : i32
        %dma_start3A_592 = tpu.memref_slice %arg8[%dma_start3A_589, %dma_start3A_590, %dma_start3A_591] : memref<8x128x32xf32, #tpu.memory_space<vmem>> -> memref<1x128x32xf32, #tpu.memory_space<vmem>>
        %dma_start3A_593 = tpu.memref_squeeze %dma_start3A_592 : memref<1x128x32xf32, #tpu.memory_space<vmem>> -> memref<128x32xf32, #tpu.memory_space<vmem>>
        %dma_start3A_594 = arith.constant 0 : i32
        %dma_start3A_595 = tpu.memref_slice %arg6[%add3A_588, %dma_start3A_594] : memref<79x128xi32, #tpu.memory_space<vmem>> -> memref<1x128xi32, #tpu.memory_space<vmem>>
        %dma_start3A_596 = tpu.memref_squeeze %dma_start3A_595 : memref<1x128xi32, #tpu.memory_space<vmem>> -> memref<128xi32, #tpu.memory_space<vmem>>
        %dma_start3A_597 = arith.constant 0 : i32
        %dma_start3A_598 = arith.constant 0 : i32
        %dma_start3A_599 = tpu.memref_slice %arg2[%dma_start3A_597, %dma_start3A_598] : memref<10112x32xf32, #tpu.memory_space<hbm>> -> memref<10112x32xf32, #tpu.memory_space<hbm>>
        tpu.enqueue_indirect_dma source(%dma_start3A_599 : memref<10112x32xf32, #tpu.memory_space<hbm>>) target(%dma_start3A_593 : memref<128x32xf32, #tpu.memory_space<vmem>>) offsets(%dma_start3A_596 : memref<128xi32, #tpu.memory_space<vmem>>) semaphore(%arg11 : memref<!tpu.dma_semaphore, #tpu.memory_space<semaphore_mem>>)
      } else {
      }
      %add3A_431 = arith.constant 1 : i32
      %add3A_432 = arith.addi %add3A_201, %add3A_431 : i32
      %dma_wait3A_433 = arith.constant 1 : i32
      %dma_wait3A_434 = arith.constant 0 : i32
      %dma_wait3A_435 = arith.constant 0 : i32
      %dma_wait3A_436 = tpu.memref_slice %arg8[%dma_wait3A_433, %dma_wait3A_434, %dma_wait3A_435] : memref<8x128x32xf32, #tpu.memory_space<vmem>> -> memref<1x128x32xf32, #tpu.memory_space<vmem>>
      %dma_wait3A_437 = tpu.memref_squeeze %dma_wait3A_436 : memref<1x128x32xf32, #tpu.memory_space<vmem>> -> memref<128x32xf32, #tpu.memory_space<vmem>>
      %dma_wait3A_438 = arith.constant 0 : i32
      %dma_wait3A_439 = tpu.memref_slice %arg7[%add3A_432, %dma_wait3A_438] : memref<79x128xi32, #tpu.memory_space<vmem>> -> memref<1x128xi32, #tpu.memory_space<vmem>>
      %dma_wait3A_440 = tpu.memref_squeeze %dma_wait3A_439 : memref<1x128xi32, #tpu.memory_space<vmem>> -> memref<128xi32, #tpu.memory_space<vmem>>
      %dma_wait3A_441 = arith.constant 0 : i32
      %dma_wait3A_442 = arith.constant 0 : i32
      %dma_wait3A_443 = tpu.memref_slice %arg10[%dma_wait3A_441, %dma_wait3A_442] : memref<10112x32xf32, #tpu.memory_space<vmem_shared>> -> memref<10112x32xf32, #tpu.memory_space<vmem_shared>>
      tpu.wait_indirect_dma semaphore(%arg20 : memref<!tpu.dma_semaphore, #tpu.memory_space<semaphore_mem>>) src(%dma_wait3A_437 : memref<128x32xf32, #tpu.memory_space<vmem>>) dst(%dma_wait3A_443 : memref<10112x32xf32, #tpu.memory_space<vmem_shared>>)
      %add3A_444 = arith.constant 8 : i32
      %add3A_445 = arith.addi %add3A_201, %add3A_444 : i32
      %add3A_446 = arith.constant 1 : i32
      %add3A_447 = arith.addi %add3A_445, %add3A_446 : i32
      %lt3A_448 = arith.constant 72 : i32
      %lt3A_449 = arith.cmpi slt, %add3A_447, %lt3A_448 : i32
      %convert_element_type3A_450 = arith.extui %lt3A_449 : i1 to i32
      %cond3A_451 = arith.constant 0 : i32
      %cond3A_452 = arith.cmpi ne, %convert_element_type3A_450, %cond3A_451 : i32
      scf.if %cond3A_452 {
        %add3A_585 = arith.constant 8 : i32
        %add3A_586 = arith.addi %add3A_201, %add3A_585 : i32
        %add3A_587 = arith.constant 1 : i32
        %add3A_588 = arith.addi %add3A_586, %add3A_587 : i32
        %dma_start3A_589 = arith.constant 1 : i32
        %dma_start3A_590 = arith.constant 0 : i32
        %dma_start3A_591 = arith.constant 0 : i32
        %dma_start3A_592 = tpu.memref_slice %arg8[%dma_start3A_589, %dma_start3A_590, %dma_start3A_591] : memref<8x128x32xf32, #tpu.memory_space<vmem>> -> memref<1x128x32xf32, #tpu.memory_space<vmem>>
        %dma_start3A_593 = tpu.memref_squeeze %dma_start3A_592 : memref<1x128x32xf32, #tpu.memory_space<vmem>> -> memref<128x32xf32, #tpu.memory_space<vmem>>
        %dma_start3A_594 = arith.constant 0 : i32
        %dma_start3A_595 = tpu.memref_slice %arg6[%add3A_588, %dma_start3A_594] : memref<79x128xi32, #tpu.memory_space<vmem>> -> memref<1x128xi32, #tpu.memory_space<vmem>>
        %dma_start3A_596 = tpu.memref_squeeze %dma_start3A_595 : memref<1x128xi32, #tpu.memory_space<vmem>> -> memref<128xi32, #tpu.memory_space<vmem>>
        %dma_start3A_597 = arith.constant 0 : i32
        %dma_start3A_598 = arith.constant 0 : i32
        %dma_start3A_599 = tpu.memref_slice %arg2[%dma_start3A_597, %dma_start3A_598] : memref<10112x32xf32, #tpu.memory_space<hbm>> -> memref<10112x32xf32, #tpu.memory_space<hbm>>
        tpu.enqueue_indirect_dma source(%dma_start3A_599 : memref<10112x32xf32, #tpu.memory_space<hbm>>) target(%dma_start3A_593 : memref<128x32xf32, #tpu.memory_space<vmem>>) offsets(%dma_start3A_596 : memref<128xi32, #tpu.memory_space<vmem>>) semaphore(%arg12 : memref<!tpu.dma_semaphore, #tpu.memory_space<semaphore_mem>>)
      } else {
      }
      %add3A_453 = arith.constant 2 : i32
      %add3A_454 = arith.addi %add3A_201, %add3A_453 : i32
      %dma_wait3A_455 = arith.constant 2 : i32
      %dma_wait3A_456 = arith.constant 0 : i32
      %dma_wait3A_457 = arith.constant 0 : i32
      %dma_wait3A_458 = tpu.memref_slice %arg8[%dma_wait3A_455, %dma_wait3A_456, %dma_wait3A_457] : memref<8x128x32xf32, #tpu.memory_space<vmem>> -> memref<1x128x32xf32, #tpu.memory_space<vmem>>
      %dma_wait3A_459 = tpu.memref_squeeze %dma_wait3A_458 : memref<1x128x32xf32, #tpu.memory_space<vmem>> -> memref<128x32xf32, #tpu.memory_space<vmem>>
      %dma_wait3A_460 = arith.constant 0 : i32
      %dma_wait3A_461 = tpu.memref_slice %arg7[%add3A_454, %dma_wait3A_460] : memref<79x128xi32, #tpu.memory_space<vmem>> -> memref<1x128xi32, #tpu.memory_space<vmem>>
      %dma_wait3A_462 = tpu.memref_squeeze %dma_wait3A_461 : memref<1x128xi32, #tpu.memory_space<vmem>> -> memref<128xi32, #tpu.memory_space<vmem>>
      %dma_wait3A_463 = arith.constant 0 : i32
      %dma_wait3A_464 = arith.constant 0 : i32
      %dma_wait3A_465 = tpu.memref_slice %arg10[%dma_wait3A_463, %dma_wait3A_464] : memref<10112x32xf32, #tpu.memory_space<vmem_shared>> -> memref<10112x32xf32, #tpu.memory_space<vmem_shared>>
      tpu.wait_indirect_dma semaphore(%arg21 : memref<!tpu.dma_semaphore, #tpu.memory_space<semaphore_mem>>) src(%dma_wait3A_459 : memref<128x32xf32, #tpu.memory_space<vmem>>) dst(%dma_wait3A_465 : memref<10112x32xf32, #tpu.memory_space<vmem_shared>>)
      %add3A_466 = arith.constant 8 : i32
      %add3A_467 = arith.addi %add3A_201, %add3A_466 : i32
      %add3A_468 = arith.constant 2 : i32
      %add3A_469 = arith.addi %add3A_467, %add3A_468 : i32
      %lt3A_470 = arith.constant 72 : i32
      %lt3A_471 = arith.cmpi slt, %add3A_469, %lt3A_470 : i32
      %convert_element_type3A_472 = arith.extui %lt3A_471 : i1 to i32
      %cond3A_473 = arith.constant 0 : i32
      %cond3A_474 = arith.cmpi ne, %convert_element_type3A_472, %cond3A_473 : i32
      scf.if %cond3A_474 {
        %add3A_585 = arith.constant 8 : i32
        %add3A_586 = arith.addi %add3A_201, %add3A_585 : i32
        %add3A_587 = arith.constant 2 : i32
        %add3A_588 = arith.addi %add3A_586, %add3A_587 : i32
        %dma_start3A_589 = arith.constant 2 : i32
        %dma_start3A_590 = arith.constant 0 : i32
        %dma_start3A_591 = arith.constant 0 : i32
        %dma_start3A_592 = tpu.memref_slice %arg8[%dma_start3A_589, %dma_start3A_590, %dma_start3A_591] : memref<8x128x32xf32, #tpu.memory_space<vmem>> -> memref<1x128x32xf32, #tpu.memory_space<vmem>>
        %dma_start3A_593 = tpu.memref_squeeze %dma_start3A_592 : memref<1x128x32xf32, #tpu.memory_space<vmem>> -> memref<128x32xf32, #tpu.memory_space<vmem>>
        %dma_start3A_594 = arith.constant 0 : i32
        %dma_start3A_595 = tpu.memref_slice %arg6[%add3A_588, %dma_start3A_594] : memref<79x128xi32, #tpu.memory_space<vmem>> -> memref<1x128xi32, #tpu.memory_space<vmem>>
        %dma_start3A_596 = tpu.memref_squeeze %dma_start3A_595 : memref<1x128xi32, #tpu.memory_space<vmem>> -> memref<128xi32, #tpu.memory_space<vmem>>
        %dma_start3A_597 = arith.constant 0 : i32
        %dma_start3A_598 = arith.constant 0 : i32
        %dma_start3A_599 = tpu.memref_slice %arg2[%dma_start3A_597, %dma_start3A_598] : memref<10112x32xf32, #tpu.memory_space<hbm>> -> memref<10112x32xf32, #tpu.memory_space<hbm>>
        tpu.enqueue_indirect_dma source(%dma_start3A_599 : memref<10112x32xf32, #tpu.memory_space<hbm>>) target(%dma_start3A_593 : memref<128x32xf32, #tpu.memory_space<vmem>>) offsets(%dma_start3A_596 : memref<128xi32, #tpu.memory_space<vmem>>) semaphore(%arg13 : memref<!tpu.dma_semaphore, #tpu.memory_space<semaphore_mem>>)
      } else {
      }
      %add3A_475 = arith.constant 3 : i32
      %add3A_476 = arith.addi %add3A_201, %add3A_475 : i32
      %dma_wait3A_477 = arith.constant 3 : i32
      %dma_wait3A_478 = arith.constant 0 : i32
      %dma_wait3A_479 = arith.constant 0 : i32
      %dma_wait3A_480 = tpu.memref_slice %arg8[%dma_wait3A_477, %dma_wait3A_478, %dma_wait3A_479] : memref<8x128x32xf32, #tpu.memory_space<vmem>> -> memref<1x128x32xf32, #tpu.memory_space<vmem>>
      %dma_wait3A_481 = tpu.memref_squeeze %dma_wait3A_480 : memref<1x128x32xf32, #tpu.memory_space<vmem>> -> memref<128x32xf32, #tpu.memory_space<vmem>>
      %dma_wait3A_482 = arith.constant 0 : i32
      %dma_wait3A_483 = tpu.memref_slice %arg7[%add3A_476, %dma_wait3A_482] : memref<79x128xi32, #tpu.memory_space<vmem>> -> memref<1x128xi32, #tpu.memory_space<vmem>>
      %dma_wait3A_484 = tpu.memref_squeeze %dma_wait3A_483 : memref<1x128xi32, #tpu.memory_space<vmem>> -> memref<128xi32, #tpu.memory_space<vmem>>
      %dma_wait3A_485 = arith.constant 0 : i32
      %dma_wait3A_486 = arith.constant 0 : i32
      %dma_wait3A_487 = tpu.memref_slice %arg10[%dma_wait3A_485, %dma_wait3A_486] : memref<10112x32xf32, #tpu.memory_space<vmem_shared>> -> memref<10112x32xf32, #tpu.memory_space<vmem_shared>>
      tpu.wait_indirect_dma semaphore(%arg22 : memref<!tpu.dma_semaphore, #tpu.memory_space<semaphore_mem>>) src(%dma_wait3A_481 : memref<128x32xf32, #tpu.memory_space<vmem>>) dst(%dma_wait3A_487 : memref<10112x32xf32, #tpu.memory_space<vmem_shared>>)
      %add3A_488 = arith.constant 8 : i32
      %add3A_489 = arith.addi %add3A_201, %add3A_488 : i32
      %add3A_490 = arith.constant 3 : i32
      %add3A_491 = arith.addi %add3A_489, %add3A_490 : i32
      %lt3A_492 = arith.constant 72 : i32
      %lt3A_493 = arith.cmpi slt, %add3A_491, %lt3A_492 : i32
      %convert_element_type3A_494 = arith.extui %lt3A_493 : i1 to i32
      %cond3A_495 = arith.constant 0 : i32
      %cond3A_496 = arith.cmpi ne, %convert_element_type3A_494, %cond3A_495 : i32
      scf.if %cond3A_496 {
        %add3A_585 = arith.constant 8 : i32
        %add3A_586 = arith.addi %add3A_201, %add3A_585 : i32
        %add3A_587 = arith.constant 3 : i32
        %add3A_588 = arith.addi %add3A_586, %add3A_587 : i32
        %dma_start3A_589 = arith.constant 3 : i32
        %dma_start3A_590 = arith.constant 0 : i32
        %dma_start3A_591 = arith.constant 0 : i32
        %dma_start3A_592 = tpu.memref_slice %arg8[%dma_start3A_589, %dma_start3A_590, %dma_start3A_591] : memref<8x128x32xf32, #tpu.memory_space<vmem>> -> memref<1x128x32xf32, #tpu.memory_space<vmem>>
        %dma_start3A_593 = tpu.memref_squeeze %dma_start3A_592 : memref<1x128x32xf32, #tpu.memory_space<vmem>> -> memref<128x32xf32, #tpu.memory_space<vmem>>
        %dma_start3A_594 = arith.constant 0 : i32
        %dma_start3A_595 = tpu.memref_slice %arg6[%add3A_588, %dma_start3A_594] : memref<79x128xi32, #tpu.memory_space<vmem>> -> memref<1x128xi32, #tpu.memory_space<vmem>>
        %dma_start3A_596 = tpu.memref_squeeze %dma_start3A_595 : memref<1x128xi32, #tpu.memory_space<vmem>> -> memref<128xi32, #tpu.memory_space<vmem>>
        %dma_start3A_597 = arith.constant 0 : i32
        %dma_start3A_598 = arith.constant 0 : i32
        %dma_start3A_599 = tpu.memref_slice %arg2[%dma_start3A_597, %dma_start3A_598] : memref<10112x32xf32, #tpu.memory_space<hbm>> -> memref<10112x32xf32, #tpu.memory_space<hbm>>
        tpu.enqueue_indirect_dma source(%dma_start3A_599 : memref<10112x32xf32, #tpu.memory_space<hbm>>) target(%dma_start3A_593 : memref<128x32xf32, #tpu.memory_space<vmem>>) offsets(%dma_start3A_596 : memref<128xi32, #tpu.memory_space<vmem>>) semaphore(%arg14 : memref<!tpu.dma_semaphore, #tpu.memory_space<semaphore_mem>>)
      } else {
      }
      %add3A_497 = arith.constant 4 : i32
      %add3A_498 = arith.addi %add3A_201, %add3A_497 : i32
      %dma_wait3A_499 = arith.constant 4 : i32
      %dma_wait3A_500 = arith.constant 0 : i32
      %dma_wait3A_501 = arith.constant 0 : i32
      %dma_wait3A_502 = tpu.memref_slice %arg8[%dma_wait3A_499, %dma_wait3A_500, %dma_wait3A_501] : memref<8x128x32xf32, #tpu.memory_space<vmem>> -> memref<1x128x32xf32, #tpu.memory_space<vmem>>
      %dma_wait3A_503 = tpu.memref_squeeze %dma_wait3A_502 : memref<1x128x32xf32, #tpu.memory_space<vmem>> -> memref<128x32xf32, #tpu.memory_space<vmem>>
      %dma_wait3A_504 = arith.constant 0 : i32
      %dma_wait3A_505 = tpu.memref_slice %arg7[%add3A_498, %dma_wait3A_504] : memref<79x128xi32, #tpu.memory_space<vmem>> -> memref<1x128xi32, #tpu.memory_space<vmem>>
      %dma_wait3A_506 = tpu.memref_squeeze %dma_wait3A_505 : memref<1x128xi32, #tpu.memory_space<vmem>> -> memref<128xi32, #tpu.memory_space<vmem>>
      %dma_wait3A_507 = arith.constant 0 : i32
      %dma_wait3A_508 = arith.constant 0 : i32
      %dma_wait3A_509 = tpu.memref_slice %arg10[%dma_wait3A_507, %dma_wait3A_508] : memref<10112x32xf32, #tpu.memory_space<vmem_shared>> -> memref<10112x32xf32, #tpu.memory_space<vmem_shared>>
      tpu.wait_indirect_dma semaphore(%arg23 : memref<!tpu.dma_semaphore, #tpu.memory_space<semaphore_mem>>) src(%dma_wait3A_503 : memref<128x32xf32, #tpu.memory_space<vmem>>) dst(%dma_wait3A_509 : memref<10112x32xf32, #tpu.memory_space<vmem_shared>>)
      %add3A_510 = arith.constant 8 : i32
      %add3A_511 = arith.addi %add3A_201, %add3A_510 : i32
      %add3A_512 = arith.constant 4 : i32
      %add3A_513 = arith.addi %add3A_511, %add3A_512 : i32
      %lt3A_514 = arith.constant 72 : i32
      %lt3A_515 = arith.cmpi slt, %add3A_513, %lt3A_514 : i32
      %convert_element_type3A_516 = arith.extui %lt3A_515 : i1 to i32
      %cond3A_517 = arith.constant 0 : i32
      %cond3A_518 = arith.cmpi ne, %convert_element_type3A_516, %cond3A_517 : i32
      scf.if %cond3A_518 {
        %add3A_585 = arith.constant 8 : i32
        %add3A_586 = arith.addi %add3A_201, %add3A_585 : i32
        %add3A_587 = arith.constant 4 : i32
        %add3A_588 = arith.addi %add3A_586, %add3A_587 : i32
        %dma_start3A_589 = arith.constant 4 : i32
        %dma_start3A_590 = arith.constant 0 : i32
        %dma_start3A_591 = arith.constant 0 : i32
        %dma_start3A_592 = tpu.memref_slice %arg8[%dma_start3A_589, %dma_start3A_590, %dma_start3A_591] : memref<8x128x32xf32, #tpu.memory_space<vmem>> -> memref<1x128x32xf32, #tpu.memory_space<vmem>>
        %dma_start3A_593 = tpu.memref_squeeze %dma_start3A_592 : memref<1x128x32xf32, #tpu.memory_space<vmem>> -> memref<128x32xf32, #tpu.memory_space<vmem>>
        %dma_start3A_594 = arith.constant 0 : i32
        %dma_start3A_595 = tpu.memref_slice %arg6[%add3A_588, %dma_start3A_594] : memref<79x128xi32, #tpu.memory_space<vmem>> -> memref<1x128xi32, #tpu.memory_space<vmem>>
        %dma_start3A_596 = tpu.memref_squeeze %dma_start3A_595 : memref<1x128xi32, #tpu.memory_space<vmem>> -> memref<128xi32, #tpu.memory_space<vmem>>
        %dma_start3A_597 = arith.constant 0 : i32
        %dma_start3A_598 = arith.constant 0 : i32
        %dma_start3A_599 = tpu.memref_slice %arg2[%dma_start3A_597, %dma_start3A_598] : memref<10112x32xf32, #tpu.memory_space<hbm>> -> memref<10112x32xf32, #tpu.memory_space<hbm>>
        tpu.enqueue_indirect_dma source(%dma_start3A_599 : memref<10112x32xf32, #tpu.memory_space<hbm>>) target(%dma_start3A_593 : memref<128x32xf32, #tpu.memory_space<vmem>>) offsets(%dma_start3A_596 : memref<128xi32, #tpu.memory_space<vmem>>) semaphore(%arg15 : memref<!tpu.dma_semaphore, #tpu.memory_space<semaphore_mem>>)
      } else {
      }
      %add3A_519 = arith.constant 5 : i32
      %add3A_520 = arith.addi %add3A_201, %add3A_519 : i32
      %dma_wait3A_521 = arith.constant 5 : i32
      %dma_wait3A_522 = arith.constant 0 : i32
      %dma_wait3A_523 = arith.constant 0 : i32
      %dma_wait3A_524 = tpu.memref_slice %arg8[%dma_wait3A_521, %dma_wait3A_522, %dma_wait3A_523] : memref<8x128x32xf32, #tpu.memory_space<vmem>> -> memref<1x128x32xf32, #tpu.memory_space<vmem>>
      %dma_wait3A_525 = tpu.memref_squeeze %dma_wait3A_524 : memref<1x128x32xf32, #tpu.memory_space<vmem>> -> memref<128x32xf32, #tpu.memory_space<vmem>>
      %dma_wait3A_526 = arith.constant 0 : i32
      %dma_wait3A_527 = tpu.memref_slice %arg7[%add3A_520, %dma_wait3A_526] : memref<79x128xi32, #tpu.memory_space<vmem>> -> memref<1x128xi32, #tpu.memory_space<vmem>>
      %dma_wait3A_528 = tpu.memref_squeeze %dma_wait3A_527 : memref<1x128xi32, #tpu.memory_space<vmem>> -> memref<128xi32, #tpu.memory_space<vmem>>
      %dma_wait3A_529 = arith.constant 0 : i32
      %dma_wait3A_530 = arith.constant 0 : i32
      %dma_wait3A_531 = tpu.memref_slice %arg10[%dma_wait3A_529, %dma_wait3A_530] : memref<10112x32xf32, #tpu.memory_space<vmem_shared>> -> memref<10112x32xf32, #tpu.memory_space<vmem_shared>>
      tpu.wait_indirect_dma semaphore(%arg24 : memref<!tpu.dma_semaphore, #tpu.memory_space<semaphore_mem>>) src(%dma_wait3A_525 : memref<128x32xf32, #tpu.memory_space<vmem>>) dst(%dma_wait3A_531 : memref<10112x32xf32, #tpu.memory_space<vmem_shared>>)
      %add3A_532 = arith.constant 8 : i32
      %add3A_533 = arith.addi %add3A_201, %add3A_532 : i32
      %add3A_534 = arith.constant 5 : i32
      %add3A_535 = arith.addi %add3A_533, %add3A_534 : i32
      %lt3A_536 = arith.constant 72 : i32
      %lt3A_537 = arith.cmpi slt, %add3A_535, %lt3A_536 : i32
      %convert_element_type3A_538 = arith.extui %lt3A_537 : i1 to i32
      %cond3A_539 = arith.constant 0 : i32
      %cond3A_540 = arith.cmpi ne, %convert_element_type3A_538, %cond3A_539 : i32
      scf.if %cond3A_540 {
        %add3A_585 = arith.constant 8 : i32
        %add3A_586 = arith.addi %add3A_201, %add3A_585 : i32
        %add3A_587 = arith.constant 5 : i32
        %add3A_588 = arith.addi %add3A_586, %add3A_587 : i32
        %dma_start3A_589 = arith.constant 5 : i32
        %dma_start3A_590 = arith.constant 0 : i32
        %dma_start3A_591 = arith.constant 0 : i32
        %dma_start3A_592 = tpu.memref_slice %arg8[%dma_start3A_589, %dma_start3A_590, %dma_start3A_591] : memref<8x128x32xf32, #tpu.memory_space<vmem>> -> memref<1x128x32xf32, #tpu.memory_space<vmem>>
        %dma_start3A_593 = tpu.memref_squeeze %dma_start3A_592 : memref<1x128x32xf32, #tpu.memory_space<vmem>> -> memref<128x32xf32, #tpu.memory_space<vmem>>
        %dma_start3A_594 = arith.constant 0 : i32
        %dma_start3A_595 = tpu.memref_slice %arg6[%add3A_588, %dma_start3A_594] : memref<79x128xi32, #tpu.memory_space<vmem>> -> memref<1x128xi32, #tpu.memory_space<vmem>>
        %dma_start3A_596 = tpu.memref_squeeze %dma_start3A_595 : memref<1x128xi32, #tpu.memory_space<vmem>> -> memref<128xi32, #tpu.memory_space<vmem>>
        %dma_start3A_597 = arith.constant 0 : i32
        %dma_start3A_598 = arith.constant 0 : i32
        %dma_start3A_599 = tpu.memref_slice %arg2[%dma_start3A_597, %dma_start3A_598] : memref<10112x32xf32, #tpu.memory_space<hbm>> -> memref<10112x32xf32, #tpu.memory_space<hbm>>
        tpu.enqueue_indirect_dma source(%dma_start3A_599 : memref<10112x32xf32, #tpu.memory_space<hbm>>) target(%dma_start3A_593 : memref<128x32xf32, #tpu.memory_space<vmem>>) offsets(%dma_start3A_596 : memref<128xi32, #tpu.memory_space<vmem>>) semaphore(%arg16 : memref<!tpu.dma_semaphore, #tpu.memory_space<semaphore_mem>>)
      } else {
      }
      %add3A_541 = arith.constant 6 : i32
      %add3A_542 = arith.addi %add3A_201, %add3A_541 : i32
      %dma_wait3A_543 = arith.constant 6 : i32
      %dma_wait3A_544 = arith.constant 0 : i32
      %dma_wait3A_545 = arith.constant 0 : i32
      %dma_wait3A_546 = tpu.memref_slice %arg8[%dma_wait3A_543, %dma_wait3A_544, %dma_wait3A_545] : memref<8x128x32xf32, #tpu.memory_space<vmem>> -> memref<1x128x32xf32, #tpu.memory_space<vmem>>
      %dma_wait3A_547 = tpu.memref_squeeze %dma_wait3A_546 : memref<1x128x32xf32, #tpu.memory_space<vmem>> -> memref<128x32xf32, #tpu.memory_space<vmem>>
      %dma_wait3A_548 = arith.constant 0 : i32
      %dma_wait3A_549 = tpu.memref_slice %arg7[%add3A_542, %dma_wait3A_548] : memref<79x128xi32, #tpu.memory_space<vmem>> -> memref<1x128xi32, #tpu.memory_space<vmem>>
      %dma_wait3A_550 = tpu.memref_squeeze %dma_wait3A_549 : memref<1x128xi32, #tpu.memory_space<vmem>> -> memref<128xi32, #tpu.memory_space<vmem>>
      %dma_wait3A_551 = arith.constant 0 : i32
      %dma_wait3A_552 = arith.constant 0 : i32
      %dma_wait3A_553 = tpu.memref_slice %arg10[%dma_wait3A_551, %dma_wait3A_552] : memref<10112x32xf32, #tpu.memory_space<vmem_shared>> -> memref<10112x32xf32, #tpu.memory_space<vmem_shared>>
      tpu.wait_indirect_dma semaphore(%arg25 : memref<!tpu.dma_semaphore, #tpu.memory_space<semaphore_mem>>) src(%dma_wait3A_547 : memref<128x32xf32, #tpu.memory_space<vmem>>) dst(%dma_wait3A_553 : memref<10112x32xf32, #tpu.memory_space<vmem_shared>>)
      %add3A_554 = arith.constant 8 : i32
      %add3A_555 = arith.addi %add3A_201, %add3A_554 : i32
      %add3A_556 = arith.constant 6 : i32
      %add3A_557 = arith.addi %add3A_555, %add3A_556 : i32
      %lt3A_558 = arith.constant 72 : i32
      %lt3A_559 = arith.cmpi slt, %add3A_557, %lt3A_558 : i32
      %convert_element_type3A_560 = arith.extui %lt3A_559 : i1 to i32
      %cond3A_561 = arith.constant 0 : i32
      %cond3A_562 = arith.cmpi ne, %convert_element_type3A_560, %cond3A_561 : i32
      scf.if %cond3A_562 {
        %add3A_585 = arith.constant 8 : i32
        %add3A_586 = arith.addi %add3A_201, %add3A_585 : i32
        %add3A_587 = arith.constant 6 : i32
        %add3A_588 = arith.addi %add3A_586, %add3A_587 : i32
        %dma_start3A_589 = arith.constant 6 : i32
        %dma_start3A_590 = arith.constant 0 : i32
        %dma_start3A_591 = arith.constant 0 : i32
        %dma_start3A_592 = tpu.memref_slice %arg8[%dma_start3A_589, %dma_start3A_590, %dma_start3A_591] : memref<8x128x32xf32, #tpu.memory_space<vmem>> -> memref<1x128x32xf32, #tpu.memory_space<vmem>>
        %dma_start3A_593 = tpu.memref_squeeze %dma_start3A_592 : memref<1x128x32xf32, #tpu.memory_space<vmem>> -> memref<128x32xf32, #tpu.memory_space<vmem>>
        %dma_start3A_594 = arith.constant 0 : i32
        %dma_start3A_595 = tpu.memref_slice %arg6[%add3A_588, %dma_start3A_594] : memref<79x128xi32, #tpu.memory_space<vmem>> -> memref<1x128xi32, #tpu.memory_space<vmem>>
        %dma_start3A_596 = tpu.memref_squeeze %dma_start3A_595 : memref<1x128xi32, #tpu.memory_space<vmem>> -> memref<128xi32, #tpu.memory_space<vmem>>
        %dma_start3A_597 = arith.constant 0 : i32
        %dma_start3A_598 = arith.constant 0 : i32
        %dma_start3A_599 = tpu.memref_slice %arg2[%dma_start3A_597, %dma_start3A_598] : memref<10112x32xf32, #tpu.memory_space<hbm>> -> memref<10112x32xf32, #tpu.memory_space<hbm>>
        tpu.enqueue_indirect_dma source(%dma_start3A_599 : memref<10112x32xf32, #tpu.memory_space<hbm>>) target(%dma_start3A_593 : memref<128x32xf32, #tpu.memory_space<vmem>>) offsets(%dma_start3A_596 : memref<128xi32, #tpu.memory_space<vmem>>) semaphore(%arg17 : memref<!tpu.dma_semaphore, #tpu.memory_space<semaphore_mem>>)
      } else {
      }
      %add3A_563 = arith.constant 7 : i32
      %add3A_564 = arith.addi %add3A_201, %add3A_563 : i32
      %dma_wait3A_565 = arith.constant 7 : i32
      %dma_wait3A_566 = arith.constant 0 : i32
      %dma_wait3A_567 = arith.constant 0 : i32
      %dma_wait3A_568 = tpu.memref_slice %arg8[%dma_wait3A_565, %dma_wait3A_566, %dma_wait3A_567] : memref<8x128x32xf32, #tpu.memory_space<vmem>> -> memref<1x128x32xf32, #tpu.memory_space<vmem>>
      %dma_wait3A_569 = tpu.memref_squeeze %dma_wait3A_568 : memref<1x128x32xf32, #tpu.memory_space<vmem>> -> memref<128x32xf32, #tpu.memory_space<vmem>>
      %dma_wait3A_570 = arith.constant 0 : i32
      %dma_wait3A_571 = tpu.memref_slice %arg7[%add3A_564, %dma_wait3A_570] : memref<79x128xi32, #tpu.memory_space<vmem>> -> memref<1x128xi32, #tpu.memory_space<vmem>>
      %dma_wait3A_572 = tpu.memref_squeeze %dma_wait3A_571 : memref<1x128xi32, #tpu.memory_space<vmem>> -> memref<128xi32, #tpu.memory_space<vmem>>
      %dma_wait3A_573 = arith.constant 0 : i32
      %dma_wait3A_574 = arith.constant 0 : i32
      %dma_wait3A_575 = tpu.memref_slice %arg10[%dma_wait3A_573, %dma_wait3A_574] : memref<10112x32xf32, #tpu.memory_space<vmem_shared>> -> memref<10112x32xf32, #tpu.memory_space<vmem_shared>>
      tpu.wait_indirect_dma semaphore(%arg26 : memref<!tpu.dma_semaphore, #tpu.memory_space<semaphore_mem>>) src(%dma_wait3A_569 : memref<128x32xf32, #tpu.memory_space<vmem>>) dst(%dma_wait3A_575 : memref<10112x32xf32, #tpu.memory_space<vmem_shared>>)
      %add3A_576 = arith.constant 8 : i32
      %add3A_577 = arith.addi %add3A_201, %add3A_576 : i32
      %add3A_578 = arith.constant 7 : i32
      %add3A_579 = arith.addi %add3A_577, %add3A_578 : i32
      %lt3A_580 = arith.constant 72 : i32
      %lt3A_581 = arith.cmpi slt, %add3A_579, %lt3A_580 : i32
      %convert_element_type3A_582 = arith.extui %lt3A_581 : i1 to i32
      %cond3A_583 = arith.constant 0 : i32
      %cond3A_584 = arith.cmpi ne, %convert_element_type3A_582, %cond3A_583 : i32
      scf.if %cond3A_584 {
        %add3A_585 = arith.constant 8 : i32
        %add3A_586 = arith.addi %add3A_201, %add3A_585 : i32
        %add3A_587 = arith.constant 7 : i32
        %add3A_588 = arith.addi %add3A_586, %add3A_587 : i32
        %dma_start3A_589 = arith.constant 7 : i32
        %dma_start3A_590 = arith.constant 0 : i32
        %dma_start3A_591 = arith.constant 0 : i32
        %dma_start3A_592 = tpu.memref_slice %arg8[%dma_start3A_589, %dma_start3A_590, %dma_start3A_591] : memref<8x128x32xf32, #tpu.memory_space<vmem>> -> memref<1x128x32xf32, #tpu.memory_space<vmem>>
        %dma_start3A_593 = tpu.memref_squeeze %dma_start3A_592 : memref<1x128x32xf32, #tpu.memory_space<vmem>> -> memref<128x32xf32, #tpu.memory_space<vmem>>
        %dma_start3A_594 = arith.constant 0 : i32
        %dma_start3A_595 = tpu.memref_slice %arg6[%add3A_588, %dma_start3A_594] : memref<79x128xi32, #tpu.memory_space<vmem>> -> memref<1x128xi32, #tpu.memory_space<vmem>>
        %dma_start3A_596 = tpu.memref_squeeze %dma_start3A_595 : memref<1x128xi32, #tpu.memory_space<vmem>> -> memref<128xi32, #tpu.memory_space<vmem>>
        %dma_start3A_597 = arith.constant 0 : i32
        %dma_start3A_598 = arith.constant 0 : i32
        %dma_start3A_599 = tpu.memref_slice %arg2[%dma_start3A_597, %dma_start3A_598] : memref<10112x32xf32, #tpu.memory_space<hbm>> -> memref<10112x32xf32, #tpu.memory_space<hbm>>
        tpu.enqueue_indirect_dma source(%dma_start3A_599 : memref<10112x32xf32, #tpu.memory_space<hbm>>) target(%dma_start3A_593 : memref<128x32xf32, #tpu.memory_space<vmem>>) offsets(%dma_start3A_596 : memref<128xi32, #tpu.memory_space<vmem>>) semaphore(%arg18 : memref<!tpu.dma_semaphore, #tpu.memory_space<semaphore_mem>>)
      } else {
      }
    }
    %scan3A_122 = arith.constant 9 : i32
    %gt3A = arith.constant 72 : i32
    %gt3A_123 = arith.cmpi sgt, %add3A_4, %gt3A : i32
    %convert_element_type3A_124 = arith.extui %gt3A_123 : i1 to i32
    %cond3A_125 = arith.constant 0 : i32
    %cond3A_126 = arith.cmpi ne, %convert_element_type3A_124, %cond3A_125 : i32
    scf.if %cond3A_126 {
      %dma_start3A_197 = arith.constant 72 : i32
      %dma_start3A_198 = arith.constant 0 : i32
      %dma_start3A_199 = arith.constant 0 : i32
      %dma_start3A_200 = arith.constant 0 : i32
      %dma_start3A_201 = tpu.memref_slice %arg8[%dma_start3A_198, %dma_start3A_199, %dma_start3A_200] : memref<8x128x32xf32, #tpu.memory_space<vmem>> -> memref<1x128x32xf32, #tpu.memory_space<vmem>>
      %dma_start3A_202 = tpu.memref_squeeze %dma_start3A_201 : memref<1x128x32xf32, #tpu.memory_space<vmem>> -> memref<128x32xf32, #tpu.memory_space<vmem>>
      %dma_start3A_203 = arith.constant 0 : i32
      %dma_start3A_204 = tpu.memref_slice %arg6[%dma_start3A_197, %dma_start3A_203] : memref<79x128xi32, #tpu.memory_space<vmem>> -> memref<1x128xi32, #tpu.memory_space<vmem>>
      %dma_start3A_205 = tpu.memref_squeeze %dma_start3A_204 : memref<1x128xi32, #tpu.memory_space<vmem>> -> memref<128xi32, #tpu.memory_space<vmem>>
      %dma_start3A_206 = arith.constant 0 : i32
      %dma_start3A_207 = arith.constant 0 : i32
      %dma_start3A_208 = tpu.memref_slice %arg2[%dma_start3A_206, %dma_start3A_207] : memref<10112x32xf32, #tpu.memory_space<hbm>> -> memref<10112x32xf32, #tpu.memory_space<hbm>>
      tpu.enqueue_indirect_dma source(%dma_start3A_208 : memref<10112x32xf32, #tpu.memory_space<hbm>>) target(%dma_start3A_202 : memref<128x32xf32, #tpu.memory_space<vmem>>) offsets(%dma_start3A_205 : memref<128xi32, #tpu.memory_space<vmem>>) semaphore(%arg11 : memref<!tpu.dma_semaphore, #tpu.memory_space<semaphore_mem>>)
    } else {
    }
    %gt3A_127 = arith.constant 73 : i32
    %gt3A_128 = arith.cmpi sgt, %add3A_4, %gt3A_127 : i32
    %convert_element_type3A_129 = arith.extui %gt3A_128 : i1 to i32
    %cond3A_130 = arith.constant 0 : i32
    %cond3A_131 = arith.cmpi ne, %convert_element_type3A_129, %cond3A_130 : i32
    scf.if %cond3A_131 {
      %dma_start3A_197 = arith.constant 73 : i32
      %dma_start3A_198 = arith.constant 1 : i32
      %dma_start3A_199 = arith.constant 0 : i32
      %dma_start3A_200 = arith.constant 0 : i32
      %dma_start3A_201 = tpu.memref_slice %arg8[%dma_start3A_198, %dma_start3A_199, %dma_start3A_200] : memref<8x128x32xf32, #tpu.memory_space<vmem>> -> memref<1x128x32xf32, #tpu.memory_space<vmem>>
      %dma_start3A_202 = tpu.memref_squeeze %dma_start3A_201 : memref<1x128x32xf32, #tpu.memory_space<vmem>> -> memref<128x32xf32, #tpu.memory_space<vmem>>
      %dma_start3A_203 = arith.constant 0 : i32
      %dma_start3A_204 = tpu.memref_slice %arg6[%dma_start3A_197, %dma_start3A_203] : memref<79x128xi32, #tpu.memory_space<vmem>> -> memref<1x128xi32, #tpu.memory_space<vmem>>
      %dma_start3A_205 = tpu.memref_squeeze %dma_start3A_204 : memref<1x128xi32, #tpu.memory_space<vmem>> -> memref<128xi32, #tpu.memory_space<vmem>>
      %dma_start3A_206 = arith.constant 0 : i32
      %dma_start3A_207 = arith.constant 0 : i32
      %dma_start3A_208 = tpu.memref_slice %arg2[%dma_start3A_206, %dma_start3A_207] : memref<10112x32xf32, #tpu.memory_space<hbm>> -> memref<10112x32xf32, #tpu.memory_space<hbm>>
      tpu.enqueue_indirect_dma source(%dma_start3A_208 : memref<10112x32xf32, #tpu.memory_space<hbm>>) target(%dma_start3A_202 : memref<128x32xf32, #tpu.memory_space<vmem>>) offsets(%dma_start3A_205 : memref<128xi32, #tpu.memory_space<vmem>>) semaphore(%arg12 : memref<!tpu.dma_semaphore, #tpu.memory_space<semaphore_mem>>)
    } else {
    }
    %gt3A_132 = arith.constant 74 : i32
    %gt3A_133 = arith.cmpi sgt, %add3A_4, %gt3A_132 : i32
    %convert_element_type3A_134 = arith.extui %gt3A_133 : i1 to i32
    %cond3A_135 = arith.constant 0 : i32
    %cond3A_136 = arith.cmpi ne, %convert_element_type3A_134, %cond3A_135 : i32
    scf.if %cond3A_136 {
      %dma_start3A_197 = arith.constant 74 : i32
      %dma_start3A_198 = arith.constant 2 : i32
      %dma_start3A_199 = arith.constant 0 : i32
      %dma_start3A_200 = arith.constant 0 : i32
      %dma_start3A_201 = tpu.memref_slice %arg8[%dma_start3A_198, %dma_start3A_199, %dma_start3A_200] : memref<8x128x32xf32, #tpu.memory_space<vmem>> -> memref<1x128x32xf32, #tpu.memory_space<vmem>>
      %dma_start3A_202 = tpu.memref_squeeze %dma_start3A_201 : memref<1x128x32xf32, #tpu.memory_space<vmem>> -> memref<128x32xf32, #tpu.memory_space<vmem>>
      %dma_start3A_203 = arith.constant 0 : i32
      %dma_start3A_204 = tpu.memref_slice %arg6[%dma_start3A_197, %dma_start3A_203] : memref<79x128xi32, #tpu.memory_space<vmem>> -> memref<1x128xi32, #tpu.memory_space<vmem>>
      %dma_start3A_205 = tpu.memref_squeeze %dma_start3A_204 : memref<1x128xi32, #tpu.memory_space<vmem>> -> memref<128xi32, #tpu.memory_space<vmem>>
      %dma_start3A_206 = arith.constant 0 : i32
      %dma_start3A_207 = arith.constant 0 : i32
      %dma_start3A_208 = tpu.memref_slice %arg2[%dma_start3A_206, %dma_start3A_207] : memref<10112x32xf32, #tpu.memory_space<hbm>> -> memref<10112x32xf32, #tpu.memory_space<hbm>>
      tpu.enqueue_indirect_dma source(%dma_start3A_208 : memref<10112x32xf32, #tpu.memory_space<hbm>>) target(%dma_start3A_202 : memref<128x32xf32, #tpu.memory_space<vmem>>) offsets(%dma_start3A_205 : memref<128xi32, #tpu.memory_space<vmem>>) semaphore(%arg13 : memref<!tpu.dma_semaphore, #tpu.memory_space<semaphore_mem>>)
    } else {
    }
    %gt3A_137 = arith.constant 75 : i32
    %gt3A_138 = arith.cmpi sgt, %add3A_4, %gt3A_137 : i32
    %convert_element_type3A_139 = arith.extui %gt3A_138 : i1 to i32
    %cond3A_140 = arith.constant 0 : i32
    %cond3A_141 = arith.cmpi ne, %convert_element_type3A_139, %cond3A_140 : i32
    scf.if %cond3A_141 {
      %dma_start3A_197 = arith.constant 75 : i32
      %dma_start3A_198 = arith.constant 3 : i32
      %dma_start3A_199 = arith.constant 0 : i32
      %dma_start3A_200 = arith.constant 0 : i32
      %dma_start3A_201 = tpu.memref_slice %arg8[%dma_start3A_198, %dma_start3A_199, %dma_start3A_200] : memref<8x128x32xf32, #tpu.memory_space<vmem>> -> memref<1x128x32xf32, #tpu.memory_space<vmem>>
      %dma_start3A_202 = tpu.memref_squeeze %dma_start3A_201 : memref<1x128x32xf32, #tpu.memory_space<vmem>> -> memref<128x32xf32, #tpu.memory_space<vmem>>
      %dma_start3A_203 = arith.constant 0 : i32
      %dma_start3A_204 = tpu.memref_slice %arg6[%dma_start3A_197, %dma_start3A_203] : memref<79x128xi32, #tpu.memory_space<vmem>> -> memref<1x128xi32, #tpu.memory_space<vmem>>
      %dma_start3A_205 = tpu.memref_squeeze %dma_start3A_204 : memref<1x128xi32, #tpu.memory_space<vmem>> -> memref<128xi32, #tpu.memory_space<vmem>>
      %dma_start3A_206 = arith.constant 0 : i32
      %dma_start3A_207 = arith.constant 0 : i32
      %dma_start3A_208 = tpu.memref_slice %arg2[%dma_start3A_206, %dma_start3A_207] : memref<10112x32xf32, #tpu.memory_space<hbm>> -> memref<10112x32xf32, #tpu.memory_space<hbm>>
      tpu.enqueue_indirect_dma source(%dma_start3A_208 : memref<10112x32xf32, #tpu.memory_space<hbm>>) target(%dma_start3A_202 : memref<128x32xf32, #tpu.memory_space<vmem>>) offsets(%dma_start3A_205 : memref<128xi32, #tpu.memory_space<vmem>>) semaphore(%arg14 : memref<!tpu.dma_semaphore, #tpu.memory_space<semaphore_mem>>)
    } else {
    }
    %gt3A_142 = arith.constant 76 : i32
    %gt3A_143 = arith.cmpi sgt, %add3A_4, %gt3A_142 : i32
    %convert_element_type3A_144 = arith.extui %gt3A_143 : i1 to i32
    %cond3A_145 = arith.constant 0 : i32
    %cond3A_146 = arith.cmpi ne, %convert_element_type3A_144, %cond3A_145 : i32
    scf.if %cond3A_146 {
      %dma_start3A_197 = arith.constant 76 : i32
      %dma_start3A_198 = arith.constant 4 : i32
      %dma_start3A_199 = arith.constant 0 : i32
      %dma_start3A_200 = arith.constant 0 : i32
      %dma_start3A_201 = tpu.memref_slice %arg8[%dma_start3A_198, %dma_start3A_199, %dma_start3A_200] : memref<8x128x32xf32, #tpu.memory_space<vmem>> -> memref<1x128x32xf32, #tpu.memory_space<vmem>>
      %dma_start3A_202 = tpu.memref_squeeze %dma_start3A_201 : memref<1x128x32xf32, #tpu.memory_space<vmem>> -> memref<128x32xf32, #tpu.memory_space<vmem>>
      %dma_start3A_203 = arith.constant 0 : i32
      %dma_start3A_204 = tpu.memref_slice %arg6[%dma_start3A_197, %dma_start3A_203] : memref<79x128xi32, #tpu.memory_space<vmem>> -> memref<1x128xi32, #tpu.memory_space<vmem>>
      %dma_start3A_205 = tpu.memref_squeeze %dma_start3A_204 : memref<1x128xi32, #tpu.memory_space<vmem>> -> memref<128xi32, #tpu.memory_space<vmem>>
      %dma_start3A_206 = arith.constant 0 : i32
      %dma_start3A_207 = arith.constant 0 : i32
      %dma_start3A_208 = tpu.memref_slice %arg2[%dma_start3A_206, %dma_start3A_207] : memref<10112x32xf32, #tpu.memory_space<hbm>> -> memref<10112x32xf32, #tpu.memory_space<hbm>>
      tpu.enqueue_indirect_dma source(%dma_start3A_208 : memref<10112x32xf32, #tpu.memory_space<hbm>>) target(%dma_start3A_202 : memref<128x32xf32, #tpu.memory_space<vmem>>) offsets(%dma_start3A_205 : memref<128xi32, #tpu.memory_space<vmem>>) semaphore(%arg15 : memref<!tpu.dma_semaphore, #tpu.memory_space<semaphore_mem>>)
    } else {
    }
    %gt3A_147 = arith.constant 77 : i32
    %gt3A_148 = arith.cmpi sgt, %add3A_4, %gt3A_147 : i32
    %convert_element_type3A_149 = arith.extui %gt3A_148 : i1 to i32
    %cond3A_150 = arith.constant 0 : i32
    %cond3A_151 = arith.cmpi ne, %convert_element_type3A_149, %cond3A_150 : i32
    scf.if %cond3A_151 {
      %dma_start3A_197 = arith.constant 77 : i32
      %dma_start3A_198 = arith.constant 5 : i32
      %dma_start3A_199 = arith.constant 0 : i32
      %dma_start3A_200 = arith.constant 0 : i32
      %dma_start3A_201 = tpu.memref_slice %arg8[%dma_start3A_198, %dma_start3A_199, %dma_start3A_200] : memref<8x128x32xf32, #tpu.memory_space<vmem>> -> memref<1x128x32xf32, #tpu.memory_space<vmem>>
      %dma_start3A_202 = tpu.memref_squeeze %dma_start3A_201 : memref<1x128x32xf32, #tpu.memory_space<vmem>> -> memref<128x32xf32, #tpu.memory_space<vmem>>
      %dma_start3A_203 = arith.constant 0 : i32
      %dma_start3A_204 = tpu.memref_slice %arg6[%dma_start3A_197, %dma_start3A_203] : memref<79x128xi32, #tpu.memory_space<vmem>> -> memref<1x128xi32, #tpu.memory_space<vmem>>
      %dma_start3A_205 = tpu.memref_squeeze %dma_start3A_204 : memref<1x128xi32, #tpu.memory_space<vmem>> -> memref<128xi32, #tpu.memory_space<vmem>>
      %dma_start3A_206 = arith.constant 0 : i32
      %dma_start3A_207 = arith.constant 0 : i32
      %dma_start3A_208 = tpu.memref_slice %arg2[%dma_start3A_206, %dma_start3A_207] : memref<10112x32xf32, #tpu.memory_space<hbm>> -> memref<10112x32xf32, #tpu.memory_space<hbm>>
      tpu.enqueue_indirect_dma source(%dma_start3A_208 : memref<10112x32xf32, #tpu.memory_space<hbm>>) target(%dma_start3A_202 : memref<128x32xf32, #tpu.memory_space<vmem>>) offsets(%dma_start3A_205 : memref<128xi32, #tpu.memory_space<vmem>>) semaphore(%arg16 : memref<!tpu.dma_semaphore, #tpu.memory_space<semaphore_mem>>)
    } else {
    }
    %gt3A_152 = arith.constant 78 : i32
    %gt3A_153 = arith.cmpi sgt, %add3A_4, %gt3A_152 : i32
    %convert_element_type3A_154 = arith.extui %gt3A_153 : i1 to i32
    %cond3A_155 = arith.constant 0 : i32
    %cond3A_156 = arith.cmpi ne, %convert_element_type3A_154, %cond3A_155 : i32
    scf.if %cond3A_156 {
      %dma_start3A_197 = arith.constant 78 : i32
      %dma_start3A_198 = arith.constant 6 : i32
      %dma_start3A_199 = arith.constant 0 : i32
      %dma_start3A_200 = arith.constant 0 : i32
      %dma_start3A_201 = tpu.memref_slice %arg8[%dma_start3A_198, %dma_start3A_199, %dma_start3A_200] : memref<8x128x32xf32, #tpu.memory_space<vmem>> -> memref<1x128x32xf32, #tpu.memory_space<vmem>>
      %dma_start3A_202 = tpu.memref_squeeze %dma_start3A_201 : memref<1x128x32xf32, #tpu.memory_space<vmem>> -> memref<128x32xf32, #tpu.memory_space<vmem>>
      %dma_start3A_203 = arith.constant 0 : i32
      %dma_start3A_204 = tpu.memref_slice %arg6[%dma_start3A_197, %dma_start3A_203] : memref<79x128xi32, #tpu.memory_space<vmem>> -> memref<1x128xi32, #tpu.memory_space<vmem>>
      %dma_start3A_205 = tpu.memref_squeeze %dma_start3A_204 : memref<1x128xi32, #tpu.memory_space<vmem>> -> memref<128xi32, #tpu.memory_space<vmem>>
      %dma_start3A_206 = arith.constant 0 : i32
      %dma_start3A_207 = arith.constant 0 : i32
      %dma_start3A_208 = tpu.memref_slice %arg2[%dma_start3A_206, %dma_start3A_207] : memref<10112x32xf32, #tpu.memory_space<hbm>> -> memref<10112x32xf32, #tpu.memory_space<hbm>>
      tpu.enqueue_indirect_dma source(%dma_start3A_208 : memref<10112x32xf32, #tpu.memory_space<hbm>>) target(%dma_start3A_202 : memref<128x32xf32, #tpu.memory_space<vmem>>) offsets(%dma_start3A_205 : memref<128xi32, #tpu.memory_space<vmem>>) semaphore(%arg17 : memref<!tpu.dma_semaphore, #tpu.memory_space<semaphore_mem>>)
    } else {
    }
    %gt3A_157 = arith.constant 72 : i32
    %gt3A_158 = arith.cmpi sgt, %add3A_4, %gt3A_157 : i32
    %convert_element_type3A_159 = arith.extui %gt3A_158 : i1 to i32
    %cond3A_160 = arith.constant 0 : i32
    %cond3A_161 = arith.cmpi ne, %convert_element_type3A_159, %cond3A_160 : i32
    scf.if %cond3A_161 {
      %dma_wait3A = arith.constant 72 : i32
      %dma_wait3A_197 = arith.constant 0 : i32
      %dma_wait3A_198 = arith.constant 0 : i32
      %dma_wait3A_199 = arith.constant 0 : i32
      %dma_wait3A_200 = tpu.memref_slice %arg8[%dma_wait3A_197, %dma_wait3A_198, %dma_wait3A_199] : memref<8x128x32xf32, #tpu.memory_space<vmem>> -> memref<1x128x32xf32, #tpu.memory_space<vmem>>
      %dma_wait3A_201 = tpu.memref_squeeze %dma_wait3A_200 : memref<1x128x32xf32, #tpu.memory_space<vmem>> -> memref<128x32xf32, #tpu.memory_space<vmem>>
      %dma_wait3A_202 = arith.constant 0 : i32
      %dma_wait3A_203 = tpu.memref_slice %arg6[%dma_wait3A, %dma_wait3A_202] : memref<79x128xi32, #tpu.memory_space<vmem>> -> memref<1x128xi32, #tpu.memory_space<vmem>>
      %dma_wait3A_204 = tpu.memref_squeeze %dma_wait3A_203 : memref<1x128xi32, #tpu.memory_space<vmem>> -> memref<128xi32, #tpu.memory_space<vmem>>
      %dma_wait3A_205 = arith.constant 0 : i32
      %dma_wait3A_206 = arith.constant 0 : i32
      %dma_wait3A_207 = tpu.memref_slice %arg2[%dma_wait3A_205, %dma_wait3A_206] : memref<10112x32xf32, #tpu.memory_space<hbm>> -> memref<10112x32xf32, #tpu.memory_space<hbm>>
      tpu.wait_indirect_dma semaphore(%arg11 : memref<!tpu.dma_semaphore, #tpu.memory_space<semaphore_mem>>) src(%dma_wait3A_207 : memref<10112x32xf32, #tpu.memory_space<hbm>>) dst(%dma_wait3A_201 : memref<128x32xf32, #tpu.memory_space<vmem>>)
      %run_scoped3A = arith.constant 0 : i32
      %run_scoped3A_208 = arith.constant 72 : i32
      "tpu.region"() ({
        %run_scoped3A_209 = tpu.sem_alloc : memref<!tpu.dma_semaphore, #tpu.memory_space<semaphore_mem>>
        %dma_start3A_210 = arith.constant 0 : i32
        %dma_start3A_211 = arith.constant 0 : i32
        %dma_start3A_212 = tpu.memref_slice %arg8[%run_scoped3A, %dma_start3A_210, %dma_start3A_211] : memref<8x128x32xf32, #tpu.memory_space<vmem>> -> memref<1x128x32xf32, #tpu.memory_space<vmem>>
        %dma_start3A_213 = tpu.memref_squeeze %dma_start3A_212 : memref<1x128x32xf32, #tpu.memory_space<vmem>> -> memref<128x32xf32, #tpu.memory_space<vmem>>
        %dma_start3A_214 = arith.constant 0 : i32
        %dma_start3A_215 = tpu.memref_slice %arg7[%run_scoped3A_208, %dma_start3A_214] : memref<79x128xi32, #tpu.memory_space<vmem>> -> memref<1x128xi32, #tpu.memory_space<vmem>>
        %dma_start3A_216 = tpu.memref_squeeze %dma_start3A_215 : memref<1x128xi32, #tpu.memory_space<vmem>> -> memref<128xi32, #tpu.memory_space<vmem>>
        %dma_start3A_217 = arith.constant 0 : i32
        %dma_start3A_218 = arith.constant 0 : i32
        %dma_start3A_219 = tpu.memref_slice %arg10[%dma_start3A_217, %dma_start3A_218] : memref<10112x32xf32, #tpu.memory_space<vmem_shared>> -> memref<10112x32xf32, #tpu.memory_space<vmem_shared>>
        tpu.enqueue_indirect_dma source(%dma_start3A_213 : memref<128x32xf32, #tpu.memory_space<vmem>>) target(%dma_start3A_219 : memref<10112x32xf32, #tpu.memory_space<vmem_shared>>) offsets(%dma_start3A_216 : memref<128xi32, #tpu.memory_space<vmem>>) semaphore(%run_scoped3A_209 : memref<!tpu.dma_semaphore, #tpu.memory_space<semaphore_mem>>) {add = true}
        %dma_wait3A_220 = arith.constant 0 : i32
        %dma_wait3A_221 = arith.constant 0 : i32
        %dma_wait3A_222 = tpu.memref_slice %arg8[%run_scoped3A, %dma_wait3A_220, %dma_wait3A_221] : memref<8x128x32xf32, #tpu.memory_space<vmem>> -> memref<1x128x32xf32, #tpu.memory_space<vmem>>
        %dma_wait3A_223 = tpu.memref_squeeze %dma_wait3A_222 : memref<1x128x32xf32, #tpu.memory_space<vmem>> -> memref<128x32xf32, #tpu.memory_space<vmem>>
        %dma_wait3A_224 = arith.constant 0 : i32
        %dma_wait3A_225 = tpu.memref_slice %arg7[%run_scoped3A_208, %dma_wait3A_224] : memref<79x128xi32, #tpu.memory_space<vmem>> -> memref<1x128xi32, #tpu.memory_space<vmem>>
        %dma_wait3A_226 = tpu.memref_squeeze %dma_wait3A_225 : memref<1x128xi32, #tpu.memory_space<vmem>> -> memref<128xi32, #tpu.memory_space<vmem>>
        %dma_wait3A_227 = arith.constant 0 : i32
        %dma_wait3A_228 = arith.constant 0 : i32
        %dma_wait3A_229 = tpu.memref_slice %arg10[%dma_wait3A_227, %dma_wait3A_228] : memref<10112x32xf32, #tpu.memory_space<vmem_shared>> -> memref<10112x32xf32, #tpu.memory_space<vmem_shared>>
        tpu.wait_indirect_dma semaphore(%run_scoped3A_209 : memref<!tpu.dma_semaphore, #tpu.memory_space<semaphore_mem>>) src(%dma_wait3A_223 : memref<128x32xf32, #tpu.memory_space<vmem>>) dst(%dma_wait3A_229 : memref<10112x32xf32, #tpu.memory_space<vmem_shared>>)
        tpu.yield
      }) : () -> ()
    } else {
    }
    %gt3A_162 = arith.constant 73 : i32
    %gt3A_163 = arith.cmpi sgt, %add3A_4, %gt3A_162 : i32
    %convert_element_type3A_164 = arith.extui %gt3A_163 : i1 to i32
    %cond3A_165 = arith.constant 0 : i32
    %cond3A_166 = arith.cmpi ne, %convert_element_type3A_164, %cond3A_165 : i32
    scf.if %cond3A_166 {
      %dma_wait3A = arith.constant 73 : i32
      %dma_wait3A_197 = arith.constant 1 : i32
      %dma_wait3A_198 = arith.constant 0 : i32
      %dma_wait3A_199 = arith.constant 0 : i32
      %dma_wait3A_200 = tpu.memref_slice %arg8[%dma_wait3A_197, %dma_wait3A_198, %dma_wait3A_199] : memref<8x128x32xf32, #tpu.memory_space<vmem>> -> memref<1x128x32xf32, #tpu.memory_space<vmem>>
      %dma_wait3A_201 = tpu.memref_squeeze %dma_wait3A_200 : memref<1x128x32xf32, #tpu.memory_space<vmem>> -> memref<128x32xf32, #tpu.memory_space<vmem>>
      %dma_wait3A_202 = arith.constant 0 : i32
      %dma_wait3A_203 = tpu.memref_slice %arg6[%dma_wait3A, %dma_wait3A_202] : memref<79x128xi32, #tpu.memory_space<vmem>> -> memref<1x128xi32, #tpu.memory_space<vmem>>
      %dma_wait3A_204 = tpu.memref_squeeze %dma_wait3A_203 : memref<1x128xi32, #tpu.memory_space<vmem>> -> memref<128xi32, #tpu.memory_space<vmem>>
      %dma_wait3A_205 = arith.constant 0 : i32
      %dma_wait3A_206 = arith.constant 0 : i32
      %dma_wait3A_207 = tpu.memref_slice %arg2[%dma_wait3A_205, %dma_wait3A_206] : memref<10112x32xf32, #tpu.memory_space<hbm>> -> memref<10112x32xf32, #tpu.memory_space<hbm>>
      tpu.wait_indirect_dma semaphore(%arg12 : memref<!tpu.dma_semaphore, #tpu.memory_space<semaphore_mem>>) src(%dma_wait3A_207 : memref<10112x32xf32, #tpu.memory_space<hbm>>) dst(%dma_wait3A_201 : memref<128x32xf32, #tpu.memory_space<vmem>>)
      %run_scoped3A = arith.constant 1 : i32
      %run_scoped3A_208 = arith.constant 73 : i32
      "tpu.region"() ({
        %run_scoped3A_209 = tpu.sem_alloc : memref<!tpu.dma_semaphore, #tpu.memory_space<semaphore_mem>>
        %dma_start3A_210 = arith.constant 0 : i32
        %dma_start3A_211 = arith.constant 0 : i32
        %dma_start3A_212 = tpu.memref_slice %arg8[%run_scoped3A, %dma_start3A_210, %dma_start3A_211] : memref<8x128x32xf32, #tpu.memory_space<vmem>> -> memref<1x128x32xf32, #tpu.memory_space<vmem>>
        %dma_start3A_213 = tpu.memref_squeeze %dma_start3A_212 : memref<1x128x32xf32, #tpu.memory_space<vmem>> -> memref<128x32xf32, #tpu.memory_space<vmem>>
        %dma_start3A_214 = arith.constant 0 : i32
        %dma_start3A_215 = tpu.memref_slice %arg7[%run_scoped3A_208, %dma_start3A_214] : memref<79x128xi32, #tpu.memory_space<vmem>> -> memref<1x128xi32, #tpu.memory_space<vmem>>
        %dma_start3A_216 = tpu.memref_squeeze %dma_start3A_215 : memref<1x128xi32, #tpu.memory_space<vmem>> -> memref<128xi32, #tpu.memory_space<vmem>>
        %dma_start3A_217 = arith.constant 0 : i32
        %dma_start3A_218 = arith.constant 0 : i32
        %dma_start3A_219 = tpu.memref_slice %arg10[%dma_start3A_217, %dma_start3A_218] : memref<10112x32xf32, #tpu.memory_space<vmem_shared>> -> memref<10112x32xf32, #tpu.memory_space<vmem_shared>>
        tpu.enqueue_indirect_dma source(%dma_start3A_213 : memref<128x32xf32, #tpu.memory_space<vmem>>) target(%dma_start3A_219 : memref<10112x32xf32, #tpu.memory_space<vmem_shared>>) offsets(%dma_start3A_216 : memref<128xi32, #tpu.memory_space<vmem>>) semaphore(%run_scoped3A_209 : memref<!tpu.dma_semaphore, #tpu.memory_space<semaphore_mem>>) {add = true}
        %dma_wait3A_220 = arith.constant 0 : i32
        %dma_wait3A_221 = arith.constant 0 : i32
        %dma_wait3A_222 = tpu.memref_slice %arg8[%run_scoped3A, %dma_wait3A_220, %dma_wait3A_221] : memref<8x128x32xf32, #tpu.memory_space<vmem>> -> memref<1x128x32xf32, #tpu.memory_space<vmem>>
        %dma_wait3A_223 = tpu.memref_squeeze %dma_wait3A_222 : memref<1x128x32xf32, #tpu.memory_space<vmem>> -> memref<128x32xf32, #tpu.memory_space<vmem>>
        %dma_wait3A_224 = arith.constant 0 : i32
        %dma_wait3A_225 = tpu.memref_slice %arg7[%run_scoped3A_208, %dma_wait3A_224] : memref<79x128xi32, #tpu.memory_space<vmem>> -> memref<1x128xi32, #tpu.memory_space<vmem>>
        %dma_wait3A_226 = tpu.memref_squeeze %dma_wait3A_225 : memref<1x128xi32, #tpu.memory_space<vmem>> -> memref<128xi32, #tpu.memory_space<vmem>>
        %dma_wait3A_227 = arith.constant 0 : i32
        %dma_wait3A_228 = arith.constant 0 : i32
        %dma_wait3A_229 = tpu.memref_slice %arg10[%dma_wait3A_227, %dma_wait3A_228] : memref<10112x32xf32, #tpu.memory_space<vmem_shared>> -> memref<10112x32xf32, #tpu.memory_space<vmem_shared>>
        tpu.wait_indirect_dma semaphore(%run_scoped3A_209 : memref<!tpu.dma_semaphore, #tpu.memory_space<semaphore_mem>>) src(%dma_wait3A_223 : memref<128x32xf32, #tpu.memory_space<vmem>>) dst(%dma_wait3A_229 : memref<10112x32xf32, #tpu.memory_space<vmem_shared>>)
        tpu.yield
      }) : () -> ()
    } else {
    }
    %gt3A_167 = arith.constant 74 : i32
    %gt3A_168 = arith.cmpi sgt, %add3A_4, %gt3A_167 : i32
    %convert_element_type3A_169 = arith.extui %gt3A_168 : i1 to i32
    %cond3A_170 = arith.constant 0 : i32
    %cond3A_171 = arith.cmpi ne, %convert_element_type3A_169, %cond3A_170 : i32
    scf.if %cond3A_171 {
      %dma_wait3A = arith.constant 74 : i32
      %dma_wait3A_197 = arith.constant 2 : i32
      %dma_wait3A_198 = arith.constant 0 : i32
      %dma_wait3A_199 = arith.constant 0 : i32
      %dma_wait3A_200 = tpu.memref_slice %arg8[%dma_wait3A_197, %dma_wait3A_198, %dma_wait3A_199] : memref<8x128x32xf32, #tpu.memory_space<vmem>> -> memref<1x128x32xf32, #tpu.memory_space<vmem>>
      %dma_wait3A_201 = tpu.memref_squeeze %dma_wait3A_200 : memref<1x128x32xf32, #tpu.memory_space<vmem>> -> memref<128x32xf32, #tpu.memory_space<vmem>>
      %dma_wait3A_202 = arith.constant 0 : i32
      %dma_wait3A_203 = tpu.memref_slice %arg6[%dma_wait3A, %dma_wait3A_202] : memref<79x128xi32, #tpu.memory_space<vmem>> -> memref<1x128xi32, #tpu.memory_space<vmem>>
      %dma_wait3A_204 = tpu.memref_squeeze %dma_wait3A_203 : memref<1x128xi32, #tpu.memory_space<vmem>> -> memref<128xi32, #tpu.memory_space<vmem>>
      %dma_wait3A_205 = arith.constant 0 : i32
      %dma_wait3A_206 = arith.constant 0 : i32
      %dma_wait3A_207 = tpu.memref_slice %arg2[%dma_wait3A_205, %dma_wait3A_206] : memref<10112x32xf32, #tpu.memory_space<hbm>> -> memref<10112x32xf32, #tpu.memory_space<hbm>>
      tpu.wait_indirect_dma semaphore(%arg13 : memref<!tpu.dma_semaphore, #tpu.memory_space<semaphore_mem>>) src(%dma_wait3A_207 : memref<10112x32xf32, #tpu.memory_space<hbm>>) dst(%dma_wait3A_201 : memref<128x32xf32, #tpu.memory_space<vmem>>)
      %run_scoped3A = arith.constant 2 : i32
      %run_scoped3A_208 = arith.constant 74 : i32
      "tpu.region"() ({
        %run_scoped3A_209 = tpu.sem_alloc : memref<!tpu.dma_semaphore, #tpu.memory_space<semaphore_mem>>
        %dma_start3A_210 = arith.constant 0 : i32
        %dma_start3A_211 = arith.constant 0 : i32
        %dma_start3A_212 = tpu.memref_slice %arg8[%run_scoped3A, %dma_start3A_210, %dma_start3A_211] : memref<8x128x32xf32, #tpu.memory_space<vmem>> -> memref<1x128x32xf32, #tpu.memory_space<vmem>>
        %dma_start3A_213 = tpu.memref_squeeze %dma_start3A_212 : memref<1x128x32xf32, #tpu.memory_space<vmem>> -> memref<128x32xf32, #tpu.memory_space<vmem>>
        %dma_start3A_214 = arith.constant 0 : i32
        %dma_start3A_215 = tpu.memref_slice %arg7[%run_scoped3A_208, %dma_start3A_214] : memref<79x128xi32, #tpu.memory_space<vmem>> -> memref<1x128xi32, #tpu.memory_space<vmem>>
        %dma_start3A_216 = tpu.memref_squeeze %dma_start3A_215 : memref<1x128xi32, #tpu.memory_space<vmem>> -> memref<128xi32, #tpu.memory_space<vmem>>
        %dma_start3A_217 = arith.constant 0 : i32
        %dma_start3A_218 = arith.constant 0 : i32
        %dma_start3A_219 = tpu.memref_slice %arg10[%dma_start3A_217, %dma_start3A_218] : memref<10112x32xf32, #tpu.memory_space<vmem_shared>> -> memref<10112x32xf32, #tpu.memory_space<vmem_shared>>
        tpu.enqueue_indirect_dma source(%dma_start3A_213 : memref<128x32xf32, #tpu.memory_space<vmem>>) target(%dma_start3A_219 : memref<10112x32xf32, #tpu.memory_space<vmem_shared>>) offsets(%dma_start3A_216 : memref<128xi32, #tpu.memory_space<vmem>>) semaphore(%run_scoped3A_209 : memref<!tpu.dma_semaphore, #tpu.memory_space<semaphore_mem>>) {add = true}
        %dma_wait3A_220 = arith.constant 0 : i32
        %dma_wait3A_221 = arith.constant 0 : i32
        %dma_wait3A_222 = tpu.memref_slice %arg8[%run_scoped3A, %dma_wait3A_220, %dma_wait3A_221] : memref<8x128x32xf32, #tpu.memory_space<vmem>> -> memref<1x128x32xf32, #tpu.memory_space<vmem>>
        %dma_wait3A_223 = tpu.memref_squeeze %dma_wait3A_222 : memref<1x128x32xf32, #tpu.memory_space<vmem>> -> memref<128x32xf32, #tpu.memory_space<vmem>>
        %dma_wait3A_224 = arith.constant 0 : i32
        %dma_wait3A_225 = tpu.memref_slice %arg7[%run_scoped3A_208, %dma_wait3A_224] : memref<79x128xi32, #tpu.memory_space<vmem>> -> memref<1x128xi32, #tpu.memory_space<vmem>>
        %dma_wait3A_226 = tpu.memref_squeeze %dma_wait3A_225 : memref<1x128xi32, #tpu.memory_space<vmem>> -> memref<128xi32, #tpu.memory_space<vmem>>
        %dma_wait3A_227 = arith.constant 0 : i32
        %dma_wait3A_228 = arith.constant 0 : i32
        %dma_wait3A_229 = tpu.memref_slice %arg10[%dma_wait3A_227, %dma_wait3A_228] : memref<10112x32xf32, #tpu.memory_space<vmem_shared>> -> memref<10112x32xf32, #tpu.memory_space<vmem_shared>>
        tpu.wait_indirect_dma semaphore(%run_scoped3A_209 : memref<!tpu.dma_semaphore, #tpu.memory_space<semaphore_mem>>) src(%dma_wait3A_223 : memref<128x32xf32, #tpu.memory_space<vmem>>) dst(%dma_wait3A_229 : memref<10112x32xf32, #tpu.memory_space<vmem_shared>>)
        tpu.yield
      }) : () -> ()
    } else {
    }
    %gt3A_172 = arith.constant 75 : i32
    %gt3A_173 = arith.cmpi sgt, %add3A_4, %gt3A_172 : i32
    %convert_element_type3A_174 = arith.extui %gt3A_173 : i1 to i32
    %cond3A_175 = arith.constant 0 : i32
    %cond3A_176 = arith.cmpi ne, %convert_element_type3A_174, %cond3A_175 : i32
    scf.if %cond3A_176 {
      %dma_wait3A = arith.constant 75 : i32
      %dma_wait3A_197 = arith.constant 3 : i32
      %dma_wait3A_198 = arith.constant 0 : i32
      %dma_wait3A_199 = arith.constant 0 : i32
      %dma_wait3A_200 = tpu.memref_slice %arg8[%dma_wait3A_197, %dma_wait3A_198, %dma_wait3A_199] : memref<8x128x32xf32, #tpu.memory_space<vmem>> -> memref<1x128x32xf32, #tpu.memory_space<vmem>>
      %dma_wait3A_201 = tpu.memref_squeeze %dma_wait3A_200 : memref<1x128x32xf32, #tpu.memory_space<vmem>> -> memref<128x32xf32, #tpu.memory_space<vmem>>
      %dma_wait3A_202 = arith.constant 0 : i32
      %dma_wait3A_203 = tpu.memref_slice %arg6[%dma_wait3A, %dma_wait3A_202] : memref<79x128xi32, #tpu.memory_space<vmem>> -> memref<1x128xi32, #tpu.memory_space<vmem>>
      %dma_wait3A_204 = tpu.memref_squeeze %dma_wait3A_203 : memref<1x128xi32, #tpu.memory_space<vmem>> -> memref<128xi32, #tpu.memory_space<vmem>>
      %dma_wait3A_205 = arith.constant 0 : i32
      %dma_wait3A_206 = arith.constant 0 : i32
      %dma_wait3A_207 = tpu.memref_slice %arg2[%dma_wait3A_205, %dma_wait3A_206] : memref<10112x32xf32, #tpu.memory_space<hbm>> -> memref<10112x32xf32, #tpu.memory_space<hbm>>
      tpu.wait_indirect_dma semaphore(%arg14 : memref<!tpu.dma_semaphore, #tpu.memory_space<semaphore_mem>>) src(%dma_wait3A_207 : memref<10112x32xf32, #tpu.memory_space<hbm>>) dst(%dma_wait3A_201 : memref<128x32xf32, #tpu.memory_space<vmem>>)
      %run_scoped3A = arith.constant 3 : i32
      %run_scoped3A_208 = arith.constant 75 : i32
      "tpu.region"() ({
        %run_scoped3A_209 = tpu.sem_alloc : memref<!tpu.dma_semaphore, #tpu.memory_space<semaphore_mem>>
        %dma_start3A_210 = arith.constant 0 : i32
        %dma_start3A_211 = arith.constant 0 : i32
        %dma_start3A_212 = tpu.memref_slice %arg8[%run_scoped3A, %dma_start3A_210, %dma_start3A_211] : memref<8x128x32xf32, #tpu.memory_space<vmem>> -> memref<1x128x32xf32, #tpu.memory_space<vmem>>
        %dma_start3A_213 = tpu.memref_squeeze %dma_start3A_212 : memref<1x128x32xf32, #tpu.memory_space<vmem>> -> memref<128x32xf32, #tpu.memory_space<vmem>>
        %dma_start3A_214 = arith.constant 0 : i32
        %dma_start3A_215 = tpu.memref_slice %arg7[%run_scoped3A_208, %dma_start3A_214] : memref<79x128xi32, #tpu.memory_space<vmem>> -> memref<1x128xi32, #tpu.memory_space<vmem>>
        %dma_start3A_216 = tpu.memref_squeeze %dma_start3A_215 : memref<1x128xi32, #tpu.memory_space<vmem>> -> memref<128xi32, #tpu.memory_space<vmem>>
        %dma_start3A_217 = arith.constant 0 : i32
        %dma_start3A_218 = arith.constant 0 : i32
        %dma_start3A_219 = tpu.memref_slice %arg10[%dma_start3A_217, %dma_start3A_218] : memref<10112x32xf32, #tpu.memory_space<vmem_shared>> -> memref<10112x32xf32, #tpu.memory_space<vmem_shared>>
        tpu.enqueue_indirect_dma source(%dma_start3A_213 : memref<128x32xf32, #tpu.memory_space<vmem>>) target(%dma_start3A_219 : memref<10112x32xf32, #tpu.memory_space<vmem_shared>>) offsets(%dma_start3A_216 : memref<128xi32, #tpu.memory_space<vmem>>) semaphore(%run_scoped3A_209 : memref<!tpu.dma_semaphore, #tpu.memory_space<semaphore_mem>>) {add = true}
        %dma_wait3A_220 = arith.constant 0 : i32
        %dma_wait3A_221 = arith.constant 0 : i32
        %dma_wait3A_222 = tpu.memref_slice %arg8[%run_scoped3A, %dma_wait3A_220, %dma_wait3A_221] : memref<8x128x32xf32, #tpu.memory_space<vmem>> -> memref<1x128x32xf32, #tpu.memory_space<vmem>>
        %dma_wait3A_223 = tpu.memref_squeeze %dma_wait3A_222 : memref<1x128x32xf32, #tpu.memory_space<vmem>> -> memref<128x32xf32, #tpu.memory_space<vmem>>
        %dma_wait3A_224 = arith.constant 0 : i32
        %dma_wait3A_225 = tpu.memref_slice %arg7[%run_scoped3A_208, %dma_wait3A_224] : memref<79x128xi32, #tpu.memory_space<vmem>> -> memref<1x128xi32, #tpu.memory_space<vmem>>
        %dma_wait3A_226 = tpu.memref_squeeze %dma_wait3A_225 : memref<1x128xi32, #tpu.memory_space<vmem>> -> memref<128xi32, #tpu.memory_space<vmem>>
        %dma_wait3A_227 = arith.constant 0 : i32
        %dma_wait3A_228 = arith.constant 0 : i32
        %dma_wait3A_229 = tpu.memref_slice %arg10[%dma_wait3A_227, %dma_wait3A_228] : memref<10112x32xf32, #tpu.memory_space<vmem_shared>> -> memref<10112x32xf32, #tpu.memory_space<vmem_shared>>
        tpu.wait_indirect_dma semaphore(%run_scoped3A_209 : memref<!tpu.dma_semaphore, #tpu.memory_space<semaphore_mem>>) src(%dma_wait3A_223 : memref<128x32xf32, #tpu.memory_space<vmem>>) dst(%dma_wait3A_229 : memref<10112x32xf32, #tpu.memory_space<vmem_shared>>)
        tpu.yield
      }) : () -> ()
    } else {
    }
    %gt3A_177 = arith.constant 76 : i32
    %gt3A_178 = arith.cmpi sgt, %add3A_4, %gt3A_177 : i32
    %convert_element_type3A_179 = arith.extui %gt3A_178 : i1 to i32
    %cond3A_180 = arith.constant 0 : i32
    %cond3A_181 = arith.cmpi ne, %convert_element_type3A_179, %cond3A_180 : i32
    scf.if %cond3A_181 {
      %dma_wait3A = arith.constant 76 : i32
      %dma_wait3A_197 = arith.constant 4 : i32
      %dma_wait3A_198 = arith.constant 0 : i32
      %dma_wait3A_199 = arith.constant 0 : i32
      %dma_wait3A_200 = tpu.memref_slice %arg8[%dma_wait3A_197, %dma_wait3A_198, %dma_wait3A_199] : memref<8x128x32xf32, #tpu.memory_space<vmem>> -> memref<1x128x32xf32, #tpu.memory_space<vmem>>
      %dma_wait3A_201 = tpu.memref_squeeze %dma_wait3A_200 : memref<1x128x32xf32, #tpu.memory_space<vmem>> -> memref<128x32xf32, #tpu.memory_space<vmem>>
      %dma_wait3A_202 = arith.constant 0 : i32
      %dma_wait3A_203 = tpu.memref_slice %arg6[%dma_wait3A, %dma_wait3A_202] : memref<79x128xi32, #tpu.memory_space<vmem>> -> memref<1x128xi32, #tpu.memory_space<vmem>>
      %dma_wait3A_204 = tpu.memref_squeeze %dma_wait3A_203 : memref<1x128xi32, #tpu.memory_space<vmem>> -> memref<128xi32, #tpu.memory_space<vmem>>
      %dma_wait3A_205 = arith.constant 0 : i32
      %dma_wait3A_206 = arith.constant 0 : i32
      %dma_wait3A_207 = tpu.memref_slice %arg2[%dma_wait3A_205, %dma_wait3A_206] : memref<10112x32xf32, #tpu.memory_space<hbm>> -> memref<10112x32xf32, #tpu.memory_space<hbm>>
      tpu.wait_indirect_dma semaphore(%arg15 : memref<!tpu.dma_semaphore, #tpu.memory_space<semaphore_mem>>) src(%dma_wait3A_207 : memref<10112x32xf32, #tpu.memory_space<hbm>>) dst(%dma_wait3A_201 : memref<128x32xf32, #tpu.memory_space<vmem>>)
      %run_scoped3A = arith.constant 4 : i32
      %run_scoped3A_208 = arith.constant 76 : i32
      "tpu.region"() ({
        %run_scoped3A_209 = tpu.sem_alloc : memref<!tpu.dma_semaphore, #tpu.memory_space<semaphore_mem>>
        %dma_start3A_210 = arith.constant 0 : i32
        %dma_start3A_211 = arith.constant 0 : i32
        %dma_start3A_212 = tpu.memref_slice %arg8[%run_scoped3A, %dma_start3A_210, %dma_start3A_211] : memref<8x128x32xf32, #tpu.memory_space<vmem>> -> memref<1x128x32xf32, #tpu.memory_space<vmem>>
        %dma_start3A_213 = tpu.memref_squeeze %dma_start3A_212 : memref<1x128x32xf32, #tpu.memory_space<vmem>> -> memref<128x32xf32, #tpu.memory_space<vmem>>
        %dma_start3A_214 = arith.constant 0 : i32
        %dma_start3A_215 = tpu.memref_slice %arg7[%run_scoped3A_208, %dma_start3A_214] : memref<79x128xi32, #tpu.memory_space<vmem>> -> memref<1x128xi32, #tpu.memory_space<vmem>>
        %dma_start3A_216 = tpu.memref_squeeze %dma_start3A_215 : memref<1x128xi32, #tpu.memory_space<vmem>> -> memref<128xi32, #tpu.memory_space<vmem>>
        %dma_start3A_217 = arith.constant 0 : i32
        %dma_start3A_218 = arith.constant 0 : i32
        %dma_start3A_219 = tpu.memref_slice %arg10[%dma_start3A_217, %dma_start3A_218] : memref<10112x32xf32, #tpu.memory_space<vmem_shared>> -> memref<10112x32xf32, #tpu.memory_space<vmem_shared>>
        tpu.enqueue_indirect_dma source(%dma_start3A_213 : memref<128x32xf32, #tpu.memory_space<vmem>>) target(%dma_start3A_219 : memref<10112x32xf32, #tpu.memory_space<vmem_shared>>) offsets(%dma_start3A_216 : memref<128xi32, #tpu.memory_space<vmem>>) semaphore(%run_scoped3A_209 : memref<!tpu.dma_semaphore, #tpu.memory_space<semaphore_mem>>) {add = true}
        %dma_wait3A_220 = arith.constant 0 : i32
        %dma_wait3A_221 = arith.constant 0 : i32
        %dma_wait3A_222 = tpu.memref_slice %arg8[%run_scoped3A, %dma_wait3A_220, %dma_wait3A_221] : memref<8x128x32xf32, #tpu.memory_space<vmem>> -> memref<1x128x32xf32, #tpu.memory_space<vmem>>
        %dma_wait3A_223 = tpu.memref_squeeze %dma_wait3A_222 : memref<1x128x32xf32, #tpu.memory_space<vmem>> -> memref<128x32xf32, #tpu.memory_space<vmem>>
        %dma_wait3A_224 = arith.constant 0 : i32
        %dma_wait3A_225 = tpu.memref_slice %arg7[%run_scoped3A_208, %dma_wait3A_224] : memref<79x128xi32, #tpu.memory_space<vmem>> -> memref<1x128xi32, #tpu.memory_space<vmem>>
        %dma_wait3A_226 = tpu.memref_squeeze %dma_wait3A_225 : memref<1x128xi32, #tpu.memory_space<vmem>> -> memref<128xi32, #tpu.memory_space<vmem>>
        %dma_wait3A_227 = arith.constant 0 : i32
        %dma_wait3A_228 = arith.constant 0 : i32
        %dma_wait3A_229 = tpu.memref_slice %arg10[%dma_wait3A_227, %dma_wait3A_228] : memref<10112x32xf32, #tpu.memory_space<vmem_shared>> -> memref<10112x32xf32, #tpu.memory_space<vmem_shared>>
        tpu.wait_indirect_dma semaphore(%run_scoped3A_209 : memref<!tpu.dma_semaphore, #tpu.memory_space<semaphore_mem>>) src(%dma_wait3A_223 : memref<128x32xf32, #tpu.memory_space<vmem>>) dst(%dma_wait3A_229 : memref<10112x32xf32, #tpu.memory_space<vmem_shared>>)
        tpu.yield
      }) : () -> ()
    } else {
    }
    %gt3A_182 = arith.constant 77 : i32
    %gt3A_183 = arith.cmpi sgt, %add3A_4, %gt3A_182 : i32
    %convert_element_type3A_184 = arith.extui %gt3A_183 : i1 to i32
    %cond3A_185 = arith.constant 0 : i32
    %cond3A_186 = arith.cmpi ne, %convert_element_type3A_184, %cond3A_185 : i32
    scf.if %cond3A_186 {
      %dma_wait3A = arith.constant 77 : i32
      %dma_wait3A_197 = arith.constant 5 : i32
      %dma_wait3A_198 = arith.constant 0 : i32
      %dma_wait3A_199 = arith.constant 0 : i32
      %dma_wait3A_200 = tpu.memref_slice %arg8[%dma_wait3A_197, %dma_wait3A_198, %dma_wait3A_199] : memref<8x128x32xf32, #tpu.memory_space<vmem>> -> memref<1x128x32xf32, #tpu.memory_space<vmem>>
      %dma_wait3A_201 = tpu.memref_squeeze %dma_wait3A_200 : memref<1x128x32xf32, #tpu.memory_space<vmem>> -> memref<128x32xf32, #tpu.memory_space<vmem>>
      %dma_wait3A_202 = arith.constant 0 : i32
      %dma_wait3A_203 = tpu.memref_slice %arg6[%dma_wait3A, %dma_wait3A_202] : memref<79x128xi32, #tpu.memory_space<vmem>> -> memref<1x128xi32, #tpu.memory_space<vmem>>
      %dma_wait3A_204 = tpu.memref_squeeze %dma_wait3A_203 : memref<1x128xi32, #tpu.memory_space<vmem>> -> memref<128xi32, #tpu.memory_space<vmem>>
      %dma_wait3A_205 = arith.constant 0 : i32
      %dma_wait3A_206 = arith.constant 0 : i32
      %dma_wait3A_207 = tpu.memref_slice %arg2[%dma_wait3A_205, %dma_wait3A_206] : memref<10112x32xf32, #tpu.memory_space<hbm>> -> memref<10112x32xf32, #tpu.memory_space<hbm>>
      tpu.wait_indirect_dma semaphore(%arg16 : memref<!tpu.dma_semaphore, #tpu.memory_space<semaphore_mem>>) src(%dma_wait3A_207 : memref<10112x32xf32, #tpu.memory_space<hbm>>) dst(%dma_wait3A_201 : memref<128x32xf32, #tpu.memory_space<vmem>>)
      %run_scoped3A = arith.constant 5 : i32
      %run_scoped3A_208 = arith.constant 77 : i32
      "tpu.region"() ({
        %run_scoped3A_209 = tpu.sem_alloc : memref<!tpu.dma_semaphore, #tpu.memory_space<semaphore_mem>>
        %dma_start3A_210 = arith.constant 0 : i32
        %dma_start3A_211 = arith.constant 0 : i32
        %dma_start3A_212 = tpu.memref_slice %arg8[%run_scoped3A, %dma_start3A_210, %dma_start3A_211] : memref<8x128x32xf32, #tpu.memory_space<vmem>> -> memref<1x128x32xf32, #tpu.memory_space<vmem>>
        %dma_start3A_213 = tpu.memref_squeeze %dma_start3A_212 : memref<1x128x32xf32, #tpu.memory_space<vmem>> -> memref<128x32xf32, #tpu.memory_space<vmem>>
        %dma_start3A_214 = arith.constant 0 : i32
        %dma_start3A_215 = tpu.memref_slice %arg7[%run_scoped3A_208, %dma_start3A_214] : memref<79x128xi32, #tpu.memory_space<vmem>> -> memref<1x128xi32, #tpu.memory_space<vmem>>
        %dma_start3A_216 = tpu.memref_squeeze %dma_start3A_215 : memref<1x128xi32, #tpu.memory_space<vmem>> -> memref<128xi32, #tpu.memory_space<vmem>>
        %dma_start3A_217 = arith.constant 0 : i32
        %dma_start3A_218 = arith.constant 0 : i32
        %dma_start3A_219 = tpu.memref_slice %arg10[%dma_start3A_217, %dma_start3A_218] : memref<10112x32xf32, #tpu.memory_space<vmem_shared>> -> memref<10112x32xf32, #tpu.memory_space<vmem_shared>>
        tpu.enqueue_indirect_dma source(%dma_start3A_213 : memref<128x32xf32, #tpu.memory_space<vmem>>) target(%dma_start3A_219 : memref<10112x32xf32, #tpu.memory_space<vmem_shared>>) offsets(%dma_start3A_216 : memref<128xi32, #tpu.memory_space<vmem>>) semaphore(%run_scoped3A_209 : memref<!tpu.dma_semaphore, #tpu.memory_space<semaphore_mem>>) {add = true}
        %dma_wait3A_220 = arith.constant 0 : i32
        %dma_wait3A_221 = arith.constant 0 : i32
        %dma_wait3A_222 = tpu.memref_slice %arg8[%run_scoped3A, %dma_wait3A_220, %dma_wait3A_221] : memref<8x128x32xf32, #tpu.memory_space<vmem>> -> memref<1x128x32xf32, #tpu.memory_space<vmem>>
        %dma_wait3A_223 = tpu.memref_squeeze %dma_wait3A_222 : memref<1x128x32xf32, #tpu.memory_space<vmem>> -> memref<128x32xf32, #tpu.memory_space<vmem>>
        %dma_wait3A_224 = arith.constant 0 : i32
        %dma_wait3A_225 = tpu.memref_slice %arg7[%run_scoped3A_208, %dma_wait3A_224] : memref<79x128xi32, #tpu.memory_space<vmem>> -> memref<1x128xi32, #tpu.memory_space<vmem>>
        %dma_wait3A_226 = tpu.memref_squeeze %dma_wait3A_225 : memref<1x128xi32, #tpu.memory_space<vmem>> -> memref<128xi32, #tpu.memory_space<vmem>>
        %dma_wait3A_227 = arith.constant 0 : i32
        %dma_wait3A_228 = arith.constant 0 : i32
        %dma_wait3A_229 = tpu.memref_slice %arg10[%dma_wait3A_227, %dma_wait3A_228] : memref<10112x32xf32, #tpu.memory_space<vmem_shared>> -> memref<10112x32xf32, #tpu.memory_space<vmem_shared>>
        tpu.wait_indirect_dma semaphore(%run_scoped3A_209 : memref<!tpu.dma_semaphore, #tpu.memory_space<semaphore_mem>>) src(%dma_wait3A_223 : memref<128x32xf32, #tpu.memory_space<vmem>>) dst(%dma_wait3A_229 : memref<10112x32xf32, #tpu.memory_space<vmem_shared>>)
        tpu.yield
      }) : () -> ()
    } else {
    }
    %gt3A_187 = arith.constant 78 : i32
    %gt3A_188 = arith.cmpi sgt, %add3A_4, %gt3A_187 : i32
    %convert_element_type3A_189 = arith.extui %gt3A_188 : i1 to i32
    %cond3A_190 = arith.constant 0 : i32
    %cond3A_191 = arith.cmpi ne, %convert_element_type3A_189, %cond3A_190 : i32
    scf.if %cond3A_191 {
      %dma_wait3A = arith.constant 78 : i32
      %dma_wait3A_197 = arith.constant 6 : i32
      %dma_wait3A_198 = arith.constant 0 : i32
      %dma_wait3A_199 = arith.constant 0 : i32
      %dma_wait3A_200 = tpu.memref_slice %arg8[%dma_wait3A_197, %dma_wait3A_198, %dma_wait3A_199] : memref<8x128x32xf32, #tpu.memory_space<vmem>> -> memref<1x128x32xf32, #tpu.memory_space<vmem>>
      %dma_wait3A_201 = tpu.memref_squeeze %dma_wait3A_200 : memref<1x128x32xf32, #tpu.memory_space<vmem>> -> memref<128x32xf32, #tpu.memory_space<vmem>>
      %dma_wait3A_202 = arith.constant 0 : i32
      %dma_wait3A_203 = tpu.memref_slice %arg6[%dma_wait3A, %dma_wait3A_202] : memref<79x128xi32, #tpu.memory_space<vmem>> -> memref<1x128xi32, #tpu.memory_space<vmem>>
      %dma_wait3A_204 = tpu.memref_squeeze %dma_wait3A_203 : memref<1x128xi32, #tpu.memory_space<vmem>> -> memref<128xi32, #tpu.memory_space<vmem>>
      %dma_wait3A_205 = arith.constant 0 : i32
      %dma_wait3A_206 = arith.constant 0 : i32
      %dma_wait3A_207 = tpu.memref_slice %arg2[%dma_wait3A_205, %dma_wait3A_206] : memref<10112x32xf32, #tpu.memory_space<hbm>> -> memref<10112x32xf32, #tpu.memory_space<hbm>>
      tpu.wait_indirect_dma semaphore(%arg17 : memref<!tpu.dma_semaphore, #tpu.memory_space<semaphore_mem>>) src(%dma_wait3A_207 : memref<10112x32xf32, #tpu.memory_space<hbm>>) dst(%dma_wait3A_201 : memref<128x32xf32, #tpu.memory_space<vmem>>)
      %run_scoped3A = arith.constant 6 : i32
      %run_scoped3A_208 = arith.constant 78 : i32
      "tpu.region"() ({
        %run_scoped3A_209 = tpu.sem_alloc : memref<!tpu.dma_semaphore, #tpu.memory_space<semaphore_mem>>
        %dma_start3A_210 = arith.constant 0 : i32
        %dma_start3A_211 = arith.constant 0 : i32
        %dma_start3A_212 = tpu.memref_slice %arg8[%run_scoped3A, %dma_start3A_210, %dma_start3A_211] : memref<8x128x32xf32, #tpu.memory_space<vmem>> -> memref<1x128x32xf32, #tpu.memory_space<vmem>>
        %dma_start3A_213 = tpu.memref_squeeze %dma_start3A_212 : memref<1x128x32xf32, #tpu.memory_space<vmem>> -> memref<128x32xf32, #tpu.memory_space<vmem>>
        %dma_start3A_214 = arith.constant 0 : i32
        %dma_start3A_215 = tpu.memref_slice %arg7[%run_scoped3A_208, %dma_start3A_214] : memref<79x128xi32, #tpu.memory_space<vmem>> -> memref<1x128xi32, #tpu.memory_space<vmem>>
        %dma_start3A_216 = tpu.memref_squeeze %dma_start3A_215 : memref<1x128xi32, #tpu.memory_space<vmem>> -> memref<128xi32, #tpu.memory_space<vmem>>
        %dma_start3A_217 = arith.constant 0 : i32
        %dma_start3A_218 = arith.constant 0 : i32
        %dma_start3A_219 = tpu.memref_slice %arg10[%dma_start3A_217, %dma_start3A_218] : memref<10112x32xf32, #tpu.memory_space<vmem_shared>> -> memref<10112x32xf32, #tpu.memory_space<vmem_shared>>
        tpu.enqueue_indirect_dma source(%dma_start3A_213 : memref<128x32xf32, #tpu.memory_space<vmem>>) target(%dma_start3A_219 : memref<10112x32xf32, #tpu.memory_space<vmem_shared>>) offsets(%dma_start3A_216 : memref<128xi32, #tpu.memory_space<vmem>>) semaphore(%run_scoped3A_209 : memref<!tpu.dma_semaphore, #tpu.memory_space<semaphore_mem>>) {add = true}
        %dma_wait3A_220 = arith.constant 0 : i32
        %dma_wait3A_221 = arith.constant 0 : i32
        %dma_wait3A_222 = tpu.memref_slice %arg8[%run_scoped3A, %dma_wait3A_220, %dma_wait3A_221] : memref<8x128x32xf32, #tpu.memory_space<vmem>> -> memref<1x128x32xf32, #tpu.memory_space<vmem>>
        %dma_wait3A_223 = tpu.memref_squeeze %dma_wait3A_222 : memref<1x128x32xf32, #tpu.memory_space<vmem>> -> memref<128x32xf32, #tpu.memory_space<vmem>>
        %dma_wait3A_224 = arith.constant 0 : i32
        %dma_wait3A_225 = tpu.memref_slice %arg7[%run_scoped3A_208, %dma_wait3A_224] : memref<79x128xi32, #tpu.memory_space<vmem>> -> memref<1x128xi32, #tpu.memory_space<vmem>>
        %dma_wait3A_226 = tpu.memref_squeeze %dma_wait3A_225 : memref<1x128xi32, #tpu.memory_space<vmem>> -> memref<128xi32, #tpu.memory_space<vmem>>
        %dma_wait3A_227 = arith.constant 0 : i32
        %dma_wait3A_228 = arith.constant 0 : i32
        %dma_wait3A_229 = tpu.memref_slice %arg10[%dma_wait3A_227, %dma_wait3A_228] : memref<10112x32xf32, #tpu.memory_space<vmem_shared>> -> memref<10112x32xf32, #tpu.memory_space<vmem_shared>>
        tpu.wait_indirect_dma semaphore(%run_scoped3A_209 : memref<!tpu.dma_semaphore, #tpu.memory_space<semaphore_mem>>) src(%dma_wait3A_223 : memref<128x32xf32, #tpu.memory_space<vmem>>) dst(%dma_wait3A_229 : memref<10112x32xf32, #tpu.memory_space<vmem_shared>>)
        tpu.yield
      }) : () -> ()
    } else {
    }
    %barrier3A_192 = arith.constant 0 : index
    tpu.barrier barrier_id(%barrier3A_192)
    %mul3A_193 = arith.constant 632 : i32
    %mul3A_194 = arith.muli %arg1, %mul3A_193 : i32
    %mul3A_195 = arith.constant 632 : i32
    %mul3A_196 = arith.muli %arg1, %mul3A_195 : i32
    "tpu.region"() ({
      %run_scoped3A = tpu.sem_alloc : memref<!tpu.dma_semaphore, #tpu.memory_space<semaphore_mem>>
      %dma_start3A_197 = arith.constant 0 : i32
      %dma_start3A_198 = tpu.memref_slice %arg5[%arg0, %mul3A_196, %dma_start3A_197] : memref<2x10112x32xf32, #tpu.memory_space<hbm>> -> memref<1x632x32xf32, #tpu.memory_space<hbm>>
      %dma_start3A_199 = tpu.memref_squeeze %dma_start3A_198 : memref<1x632x32xf32, #tpu.memory_space<hbm>> -> memref<632x32xf32, #tpu.memory_space<hbm>>
      %dma_start3A_200 = arith.constant 0 : i32
      %dma_start3A_201 = tpu.memref_slice %arg10[%mul3A_194, %dma_start3A_200] : memref<10112x32xf32, #tpu.memory_space<vmem_shared>> -> memref<632x32xf32, #tpu.memory_space<vmem_shared>>
      tpu.enqueue_dma source(%dma_start3A_201 : memref<632x32xf32, #tpu.memory_space<vmem_shared>>) target(%dma_start3A_199 : memref<632x32xf32, #tpu.memory_space<hbm>>) target_semaphore(%run_scoped3A : memref<!tpu.dma_semaphore, #tpu.memory_space<semaphore_mem>>)
      %dma_wait3A = arith.constant 0 : i32
      %dma_wait3A_202 = tpu.memref_slice %arg5[%arg0, %mul3A_196, %dma_wait3A] : memref<2x10112x32xf32, #tpu.memory_space<hbm>> -> memref<1x632x32xf32, #tpu.memory_space<hbm>>
      %dma_wait3A_203 = tpu.memref_squeeze %dma_wait3A_202 : memref<1x632x32xf32, #tpu.memory_space<hbm>> -> memref<632x32xf32, #tpu.memory_space<hbm>>
      %dma_wait3A_204 = arith.constant 0 : i32
      %dma_wait3A_205 = tpu.memref_slice %arg10[%mul3A_194, %dma_wait3A_204] : memref<10112x32xf32, #tpu.memory_space<vmem_shared>> -> memref<632x32xf32, #tpu.memory_space<vmem_shared>>
      tpu.wait_dma2 semaphore(%run_scoped3A : memref<!tpu.dma_semaphore, #tpu.memory_space<semaphore_mem>>) src(%dma_wait3A_205 : memref<632x32xf32, #tpu.memory_space<vmem_shared>>) dst(%dma_wait3A_203 : memref<632x32xf32, #tpu.memory_space<hbm>>)
      tpu.yield
    }) : () -> ()
    return
  }
}

#map = affine_map<(d0, d1) -> (0, 0)>
#map1 = affine_map<(d0, d1) -> (0, 0, 0)>
module attributes {stable_mosaic.version = 14 : i64} {
  func.func @_agg(%arg0: i32, %arg1: i32, %arg2: memref<10112x16xf32, #tpu.memory_space<hbm>>, %arg3: memref<2500x128xi32, #tpu.memory_space<hbm>>, %arg4: memref<2500x128xi32, #tpu.memory_space<hbm>>, %arg5: memref<2x10112x16xf32, #tpu.memory_space<hbm>>, %arg6: memref<79x128xi32, #tpu.memory_space<vmem>>, %arg7: memref<79x128xi32, #tpu.memory_space<vmem>>, %arg8: memref<8x128x16xf32, #tpu.memory_space<vmem>>, %arg9: memref<632x16xf32, #tpu.memory_space<vmem>>, %arg10: memref<10112x16xf32, #tpu.memory_space<vmem_shared>>, %arg11: memref<!tpu.dma_semaphore, #tpu.memory_space<semaphore_mem>>, %arg12: memref<!tpu.dma_semaphore, #tpu.memory_space<semaphore_mem>>, %arg13: memref<!tpu.dma_semaphore, #tpu.memory_space<semaphore_mem>>, %arg14: memref<!tpu.dma_semaphore, #tpu.memory_space<semaphore_mem>>, %arg15: memref<!tpu.dma_semaphore, #tpu.memory_space<semaphore_mem>>, %arg16: memref<!tpu.dma_semaphore, #tpu.memory_space<semaphore_mem>>, %arg17: memref<!tpu.dma_semaphore, #tpu.memory_space<semaphore_mem>>, %arg18: memref<!tpu.dma_semaphore, #tpu.memory_space<semaphore_mem>>, %arg19: memref<!tpu.dma_semaphore, #tpu.memory_space<semaphore_mem>>, %arg20: memref<!tpu.dma_semaphore, #tpu.memory_space<semaphore_mem>>, %arg21: memref<!tpu.dma_semaphore, #tpu.memory_space<semaphore_mem>>, %arg22: memref<!tpu.dma_semaphore, #tpu.memory_space<semaphore_mem>>, %arg23: memref<!tpu.dma_semaphore, #tpu.memory_space<semaphore_mem>>, %arg24: memref<!tpu.dma_semaphore, #tpu.memory_space<semaphore_mem>>, %arg25: memref<!tpu.dma_semaphore, #tpu.memory_space<semaphore_mem>>, %arg26: memref<!tpu.dma_semaphore, #tpu.memory_space<semaphore_mem>>) attributes {dimension_semantics = [#tpu.dimension_semantics<core_parallel>, #tpu.dimension_semantics<subcore_parallel>], iteration_bounds = array<i64: 2, 16>, scalar_prefetch = 0 : i64, scratch_operands = 21 : i64, tpu.core_type = #tpu.core_type<sc_vector_subcore>, window_params = [{transform_indices = #map}, {transform_indices = #map}, {transform_indices = #map}, {transform_indices = #map1}]} {
    %mul3A = arith.constant 16 : i32
    %mul3A_0 = arith.muli %arg0, %mul3A : i32
    %add3A = arith.addi %mul3A_0, %arg1 : i32
    %lt3A = arith.constant 4 : i32
    %lt3A_1 = arith.cmpi slt, %add3A, %lt3A : i32
    %jit3A = arith.constant 1 : i32
    %jit3A_2 = arith.constant 0 : i32
    %select_n3A = arith.select %lt3A_1, %jit3A, %jit3A_2 : i32
    %add3A_3 = arith.constant 78 : i32
    %add3A_4 = arith.addi %add3A_3, %select_n3A : i32
    %scan3A = arith.constant 0 : i32
    %scan3A_5 = arith.constant 632 : i32
    %scan3A_6 = arith.addi %scan3A, %scan3A_5 : i32
    %scan3A_7 = arith.constant 1 : i32
    scf.for %scan3A_197 = %scan3A to %scan3A_6 step %scan3A_7  : i32 {
      %mul3A_198 = arith.constant 1 : i32
      %mul3A_199 = arith.muli %scan3A_197, %mul3A_198 : i32
      %add3A_200 = arith.constant 0 : i32
      %add3A_201 = arith.addi %add3A_200, %mul3A_199 : i32
      %broadcast_in_dim3A = arith.constant 0.000000e+00 : f32
      %broadcast_in_dim3A_202 = vector.broadcast %broadcast_in_dim3A : f32 to vector<16xf32>
      %swap3A = arith.index_cast %add3A_201 : i32 to index
      %swap3A_203 = arith.constant 0 : index
      %swap3A_204 = tpu.vector_load %arg9[%swap3A, %swap3A_203] {strides = array<i32>} : memref<632x16xf32, #tpu.memory_space<vmem>>, vector<1x16xf32>,
      %swap3A_205 = vector.shape_cast %swap3A_204 : vector<1x16xf32> to vector<16xf32>
      %swap3A_206 = vector.shape_cast %broadcast_in_dim3A_202 : vector<16xf32> to vector<1x16xf32>
      tpu.vector_store %arg9[%swap3A, %swap3A_203], %swap3A_206 {strides = array<i32>} : memref<632x16xf32, #tpu.memory_space<vmem>>, vector<1x16xf32>,
    }
    %scan3A_8 = arith.constant 632 : i32
    %mul3A_9 = arith.constant 632 : i32
    %mul3A_10 = arith.muli %arg1, %mul3A_9 : i32
    "tpu.region"() ({
      %run_scoped3A = tpu.sem_alloc : memref<!tpu.dma_semaphore, #tpu.memory_space<semaphore_mem>>
      %dma_start3A_197 = arith.constant 0 : i32
      %dma_start3A_198 = tpu.memref_slice %arg10[%mul3A_10, %dma_start3A_197] : memref<10112x16xf32, #tpu.memory_space<vmem_shared>> -> memref<632x16xf32, #tpu.memory_space<vmem_shared>>
      %dma_start3A_199 = arith.constant 0 : i32
      %dma_start3A_200 = tpu.memref_slice %arg10[%mul3A_10, %dma_start3A_199] : memref<10112x16xf32, #tpu.memory_space<vmem_shared>> -> memref<632x16xf32, #tpu.memory_space<vmem_shared>>
      tpu.enqueue_dma source(%arg9 : memref<632x16xf32, #tpu.memory_space<vmem>>) target(%dma_start3A_200 : memref<632x16xf32, #tpu.memory_space<vmem_shared>>) target_semaphore(%run_scoped3A : memref<!tpu.dma_semaphore, #tpu.memory_space<semaphore_mem>>)
      %dma_wait3A = arith.constant 0 : i32
      %dma_wait3A_201 = tpu.memref_slice %arg10[%mul3A_10, %dma_wait3A] : memref<10112x16xf32, #tpu.memory_space<vmem_shared>> -> memref<632x16xf32, #tpu.memory_space<vmem_shared>>
      %dma_wait3A_202 = arith.constant 0 : i32
      %dma_wait3A_203 = tpu.memref_slice %arg10[%mul3A_10, %dma_wait3A_202] : memref<10112x16xf32, #tpu.memory_space<vmem_shared>> -> memref<632x16xf32, #tpu.memory_space<vmem_shared>>
      tpu.wait_dma2 semaphore(%run_scoped3A : memref<!tpu.dma_semaphore, #tpu.memory_space<semaphore_mem>>) src(%arg9 : memref<632x16xf32, #tpu.memory_space<vmem>>) dst(%dma_wait3A_203 : memref<632x16xf32, #tpu.memory_space<vmem_shared>>)
      tpu.yield
    }) : () -> ()
    %mul3A_11 = arith.constant 78 : i32
    %mul3A_12 = arith.muli %add3A, %mul3A_11 : i32
    "tpu.region"() ({
      %run_scoped3A = tpu.sem_alloc : memref<!tpu.dma_semaphore, #tpu.memory_space<semaphore_mem>>
      %dma_start3A_197 = arith.constant 0 : i32
      %dma_start3A_198 = arith.constant 0 : i32
      %dma_start3A_199 = tpu.memref_slice %arg6[%dma_start3A_197, %dma_start3A_198] : memref<79x128xi32, #tpu.memory_space<vmem>> -> memref<78x128xi32, #tpu.memory_space<vmem>>
      %dma_start3A_200 = arith.constant 0 : i32
      %dma_start3A_201 = tpu.memref_slice %arg3[%mul3A_12, %dma_start3A_200] : memref<2500x128xi32, #tpu.memory_space<hbm>> -> memref<78x128xi32, #tpu.memory_space<hbm>>
      %dma_start3A_202 = arith.constant 0 : i32
      %dma_start3A_203 = arith.constant 0 : i32
      %dma_start3A_204 = tpu.memref_slice %arg6[%dma_start3A_202, %dma_start3A_203] : memref<79x128xi32, #tpu.memory_space<vmem>> -> memref<78x128xi32, #tpu.memory_space<vmem>>
      %dma_start3A_205 = arith.constant 0 : i32
      %dma_start3A_206 = tpu.memref_slice %arg3[%mul3A_12, %dma_start3A_205] : memref<2500x128xi32, #tpu.memory_space<hbm>> -> memref<78x128xi32, #tpu.memory_space<hbm>>
      tpu.enqueue_dma source(%dma_start3A_206 : memref<78x128xi32, #tpu.memory_space<hbm>>) target(%dma_start3A_204 : memref<78x128xi32, #tpu.memory_space<vmem>>) target_semaphore(%run_scoped3A : memref<!tpu.dma_semaphore, #tpu.memory_space<semaphore_mem>>)
      %dma_wait3A = arith.constant 0 : i32
      %dma_wait3A_207 = arith.constant 0 : i32
      %dma_wait3A_208 = tpu.memref_slice %arg6[%dma_wait3A, %dma_wait3A_207] : memref<79x128xi32, #tpu.memory_space<vmem>> -> memref<78x128xi32, #tpu.memory_space<vmem>>
      %dma_wait3A_209 = arith.constant 0 : i32
      %dma_wait3A_210 = tpu.memref_slice %arg3[%mul3A_12, %dma_wait3A_209] : memref<2500x128xi32, #tpu.memory_space<hbm>> -> memref<78x128xi32, #tpu.memory_space<hbm>>
      %dma_wait3A_211 = arith.constant 0 : i32
      %dma_wait3A_212 = arith.constant 0 : i32
      %dma_wait3A_213 = tpu.memref_slice %arg6[%dma_wait3A_211, %dma_wait3A_212] : memref<79x128xi32, #tpu.memory_space<vmem>> -> memref<78x128xi32, #tpu.memory_space<vmem>>
      %dma_wait3A_214 = arith.constant 0 : i32
      %dma_wait3A_215 = tpu.memref_slice %arg3[%mul3A_12, %dma_wait3A_214] : memref<2500x128xi32, #tpu.memory_space<hbm>> -> memref<78x128xi32, #tpu.memory_space<hbm>>
      tpu.wait_dma2 semaphore(%run_scoped3A : memref<!tpu.dma_semaphore, #tpu.memory_space<semaphore_mem>>) src(%dma_wait3A_215 : memref<78x128xi32, #tpu.memory_space<hbm>>) dst(%dma_wait3A_213 : memref<78x128xi32, #tpu.memory_space<vmem>>)
      tpu.yield
    }) : () -> ()
    %lt3A_13 = arith.constant 4 : i32
    %lt3A_14 = arith.cmpi slt, %add3A, %lt3A_13 : i32
    %convert_element_type3A = arith.extui %lt3A_14 : i1 to i32
    %cond3A = arith.constant 0 : i32
    %cond3A_15 = arith.cmpi ne, %convert_element_type3A, %cond3A : i32
    scf.if %cond3A_15 {
      %add3A_197 = arith.constant 2496 : i32
      %add3A_198 = arith.addi %add3A_197, %add3A : i32
      "tpu.region"() ({
        %run_scoped3A = tpu.sem_alloc : memref<!tpu.dma_semaphore, #tpu.memory_space<semaphore_mem>>
        %dma_start3A_199 = arith.constant 78 : i32
        %dma_start3A_200 = arith.constant 0 : i32
        %dma_start3A_201 = tpu.memref_slice %arg6[%dma_start3A_199, %dma_start3A_200] : memref<79x128xi32, #tpu.memory_space<vmem>> -> memref<1x128xi32, #tpu.memory_space<vmem>>
        %dma_start3A_202 = arith.constant 0 : i32
        %dma_start3A_203 = tpu.memref_slice %arg3[%add3A_198, %dma_start3A_202] : memref<2500x128xi32, #tpu.memory_space<hbm>> -> memref<1x128xi32, #tpu.memory_space<hbm>>
        %dma_start3A_204 = arith.constant 78 : i32
        %dma_start3A_205 = arith.constant 0 : i32
        %dma_start3A_206 = tpu.memref_slice %arg6[%dma_start3A_204, %dma_start3A_205] : memref<79x128xi32, #tpu.memory_space<vmem>> -> memref<1x128xi32, #tpu.memory_space<vmem>>
        %dma_start3A_207 = arith.constant 0 : i32
        %dma_start3A_208 = tpu.memref_slice %arg3[%add3A_198, %dma_start3A_207] : memref<2500x128xi32, #tpu.memory_space<hbm>> -> memref<1x128xi32, #tpu.memory_space<hbm>>
        tpu.enqueue_dma source(%dma_start3A_208 : memref<1x128xi32, #tpu.memory_space<hbm>>) target(%dma_start3A_206 : memref<1x128xi32, #tpu.memory_space<vmem>>) target_semaphore(%run_scoped3A : memref<!tpu.dma_semaphore, #tpu.memory_space<semaphore_mem>>)
        %dma_wait3A = arith.constant 78 : i32
        %dma_wait3A_209 = arith.constant 0 : i32
        %dma_wait3A_210 = tpu.memref_slice %arg6[%dma_wait3A, %dma_wait3A_209] : memref<79x128xi32, #tpu.memory_space<vmem>> -> memref<1x128xi32, #tpu.memory_space<vmem>>
        %dma_wait3A_211 = arith.constant 0 : i32
        %dma_wait3A_212 = tpu.memref_slice %arg3[%add3A_198, %dma_wait3A_211] : memref<2500x128xi32, #tpu.memory_space<hbm>> -> memref<1x128xi32, #tpu.memory_space<hbm>>
        %dma_wait3A_213 = arith.constant 78 : i32
        %dma_wait3A_214 = arith.constant 0 : i32
        %dma_wait3A_215 = tpu.memref_slice %arg6[%dma_wait3A_213, %dma_wait3A_214] : memref<79x128xi32, #tpu.memory_space<vmem>> -> memref<1x128xi32, #tpu.memory_space<vmem>>
        %dma_wait3A_216 = arith.constant 0 : i32
        %dma_wait3A_217 = tpu.memref_slice %arg3[%add3A_198, %dma_wait3A_216] : memref<2500x128xi32, #tpu.memory_space<hbm>> -> memref<1x128xi32, #tpu.memory_space<hbm>>
        tpu.wait_dma2 semaphore(%run_scoped3A : memref<!tpu.dma_semaphore, #tpu.memory_space<semaphore_mem>>) src(%dma_wait3A_217 : memref<1x128xi32, #tpu.memory_space<hbm>>) dst(%dma_wait3A_215 : memref<1x128xi32, #tpu.memory_space<vmem>>)
        tpu.yield
      }) : () -> ()
    } else {
    }
    %mul3A_16 = arith.constant 78 : i32
    %mul3A_17 = arith.muli %add3A, %mul3A_16 : i32
    "tpu.region"() ({
      %run_scoped3A = tpu.sem_alloc : memref<!tpu.dma_semaphore, #tpu.memory_space<semaphore_mem>>
      %dma_start3A_197 = arith.constant 0 : i32
      %dma_start3A_198 = arith.constant 0 : i32
      %dma_start3A_199 = tpu.memref_slice %arg7[%dma_start3A_197, %dma_start3A_198] : memref<79x128xi32, #tpu.memory_space<vmem>> -> memref<78x128xi32, #tpu.memory_space<vmem>>
      %dma_start3A_200 = arith.constant 0 : i32
      %dma_start3A_201 = tpu.memref_slice %arg4[%mul3A_17, %dma_start3A_200] : memref<2500x128xi32, #tpu.memory_space<hbm>> -> memref<78x128xi32, #tpu.memory_space<hbm>>
      %dma_start3A_202 = arith.constant 0 : i32
      %dma_start3A_203 = arith.constant 0 : i32
      %dma_start3A_204 = tpu.memref_slice %arg7[%dma_start3A_202, %dma_start3A_203] : memref<79x128xi32, #tpu.memory_space<vmem>> -> memref<78x128xi32, #tpu.memory_space<vmem>>
      %dma_start3A_205 = arith.constant 0 : i32
      %dma_start3A_206 = tpu.memref_slice %arg4[%mul3A_17, %dma_start3A_205] : memref<2500x128xi32, #tpu.memory_space<hbm>> -> memref<78x128xi32, #tpu.memory_space<hbm>>
      tpu.enqueue_dma source(%dma_start3A_206 : memref<78x128xi32, #tpu.memory_space<hbm>>) target(%dma_start3A_204 : memref<78x128xi32, #tpu.memory_space<vmem>>) target_semaphore(%run_scoped3A : memref<!tpu.dma_semaphore, #tpu.memory_space<semaphore_mem>>)
      %dma_wait3A = arith.constant 0 : i32
      %dma_wait3A_207 = arith.constant 0 : i32
      %dma_wait3A_208 = tpu.memref_slice %arg7[%dma_wait3A, %dma_wait3A_207] : memref<79x128xi32, #tpu.memory_space<vmem>> -> memref<78x128xi32, #tpu.memory_space<vmem>>
      %dma_wait3A_209 = arith.constant 0 : i32
      %dma_wait3A_210 = tpu.memref_slice %arg4[%mul3A_17, %dma_wait3A_209] : memref<2500x128xi32, #tpu.memory_space<hbm>> -> memref<78x128xi32, #tpu.memory_space<hbm>>
      %dma_wait3A_211 = arith.constant 0 : i32
      %dma_wait3A_212 = arith.constant 0 : i32
      %dma_wait3A_213 = tpu.memref_slice %arg7[%dma_wait3A_211, %dma_wait3A_212] : memref<79x128xi32, #tpu.memory_space<vmem>> -> memref<78x128xi32, #tpu.memory_space<vmem>>
      %dma_wait3A_214 = arith.constant 0 : i32
      %dma_wait3A_215 = tpu.memref_slice %arg4[%mul3A_17, %dma_wait3A_214] : memref<2500x128xi32, #tpu.memory_space<hbm>> -> memref<78x128xi32, #tpu.memory_space<hbm>>
      tpu.wait_dma2 semaphore(%run_scoped3A : memref<!tpu.dma_semaphore, #tpu.memory_space<semaphore_mem>>) src(%dma_wait3A_215 : memref<78x128xi32, #tpu.memory_space<hbm>>) dst(%dma_wait3A_213 : memref<78x128xi32, #tpu.memory_space<vmem>>)
      tpu.yield
    }) : () -> ()
    %lt3A_18 = arith.constant 4 : i32
    %lt3A_19 = arith.cmpi slt, %add3A, %lt3A_18 : i32
    %convert_element_type3A_20 = arith.extui %lt3A_19 : i1 to i32
    %cond3A_21 = arith.constant 0 : i32
    %cond3A_22 = arith.cmpi ne, %convert_element_type3A_20, %cond3A_21 : i32
    scf.if %cond3A_22 {
      %add3A_197 = arith.constant 2496 : i32
      %add3A_198 = arith.addi %add3A_197, %add3A : i32
      "tpu.region"() ({
        %run_scoped3A = tpu.sem_alloc : memref<!tpu.dma_semaphore, #tpu.memory_space<semaphore_mem>>
        %dma_start3A_199 = arith.constant 78 : i32
        %dma_start3A_200 = arith.constant 0 : i32
        %dma_start3A_201 = tpu.memref_slice %arg7[%dma_start3A_199, %dma_start3A_200] : memref<79x128xi32, #tpu.memory_space<vmem>> -> memref<1x128xi32, #tpu.memory_space<vmem>>
        %dma_start3A_202 = arith.constant 0 : i32
        %dma_start3A_203 = tpu.memref_slice %arg4[%add3A_198, %dma_start3A_202] : memref<2500x128xi32, #tpu.memory_space<hbm>> -> memref<1x128xi32, #tpu.memory_space<hbm>>
        %dma_start3A_204 = arith.constant 78 : i32
        %dma_start3A_205 = arith.constant 0 : i32
        %dma_start3A_206 = tpu.memref_slice %arg7[%dma_start3A_204, %dma_start3A_205] : memref<79x128xi32, #tpu.memory_space<vmem>> -> memref<1x128xi32, #tpu.memory_space<vmem>>
        %dma_start3A_207 = arith.constant 0 : i32
        %dma_start3A_208 = tpu.memref_slice %arg4[%add3A_198, %dma_start3A_207] : memref<2500x128xi32, #tpu.memory_space<hbm>> -> memref<1x128xi32, #tpu.memory_space<hbm>>
        tpu.enqueue_dma source(%dma_start3A_208 : memref<1x128xi32, #tpu.memory_space<hbm>>) target(%dma_start3A_206 : memref<1x128xi32, #tpu.memory_space<vmem>>) target_semaphore(%run_scoped3A : memref<!tpu.dma_semaphore, #tpu.memory_space<semaphore_mem>>)
        %dma_wait3A = arith.constant 78 : i32
        %dma_wait3A_209 = arith.constant 0 : i32
        %dma_wait3A_210 = tpu.memref_slice %arg7[%dma_wait3A, %dma_wait3A_209] : memref<79x128xi32, #tpu.memory_space<vmem>> -> memref<1x128xi32, #tpu.memory_space<vmem>>
        %dma_wait3A_211 = arith.constant 0 : i32
        %dma_wait3A_212 = tpu.memref_slice %arg4[%add3A_198, %dma_wait3A_211] : memref<2500x128xi32, #tpu.memory_space<hbm>> -> memref<1x128xi32, #tpu.memory_space<hbm>>
        %dma_wait3A_213 = arith.constant 78 : i32
        %dma_wait3A_214 = arith.constant 0 : i32
        %dma_wait3A_215 = tpu.memref_slice %arg7[%dma_wait3A_213, %dma_wait3A_214] : memref<79x128xi32, #tpu.memory_space<vmem>> -> memref<1x128xi32, #tpu.memory_space<vmem>>
        %dma_wait3A_216 = arith.constant 0 : i32
        %dma_wait3A_217 = tpu.memref_slice %arg4[%add3A_198, %dma_wait3A_216] : memref<2500x128xi32, #tpu.memory_space<hbm>> -> memref<1x128xi32, #tpu.memory_space<hbm>>
        tpu.wait_dma2 semaphore(%run_scoped3A : memref<!tpu.dma_semaphore, #tpu.memory_space<semaphore_mem>>) src(%dma_wait3A_217 : memref<1x128xi32, #tpu.memory_space<hbm>>) dst(%dma_wait3A_215 : memref<1x128xi32, #tpu.memory_space<vmem>>)
        tpu.yield
      }) : () -> ()
    } else {
    }
    %dma_start3A = arith.constant 0 : i32
    %dma_start3A_23 = arith.constant 0 : i32
    %dma_start3A_24 = arith.constant 0 : i32
    %dma_start3A_25 = arith.constant 0 : i32
    %dma_start3A_26 = tpu.memref_slice %arg8[%dma_start3A_23, %dma_start3A_24, %dma_start3A_25] : memref<8x128x16xf32, #tpu.memory_space<vmem>> -> memref<1x128x16xf32, #tpu.memory_space<vmem>>
    %dma_start3A_27 = tpu.memref_squeeze %dma_start3A_26 : memref<1x128x16xf32, #tpu.memory_space<vmem>> -> memref<128x16xf32, #tpu.memory_space<vmem>>
    %dma_start3A_28 = arith.constant 0 : i32
    %dma_start3A_29 = tpu.memref_slice %arg6[%dma_start3A, %dma_start3A_28] : memref<79x128xi32, #tpu.memory_space<vmem>> -> memref<1x128xi32, #tpu.memory_space<vmem>>
    %dma_start3A_30 = tpu.memref_squeeze %dma_start3A_29 : memref<1x128xi32, #tpu.memory_space<vmem>> -> memref<128xi32, #tpu.memory_space<vmem>>
    %dma_start3A_31 = arith.constant 0 : i32
    %dma_start3A_32 = arith.constant 0 : i32
    %dma_start3A_33 = tpu.memref_slice %arg2[%dma_start3A_31, %dma_start3A_32] : memref<10112x16xf32, #tpu.memory_space<hbm>> -> memref<10112x16xf32, #tpu.memory_space<hbm>>
    tpu.enqueue_indirect_dma source(%dma_start3A_33 : memref<10112x16xf32, #tpu.memory_space<hbm>>) target(%dma_start3A_27 : memref<128x16xf32, #tpu.memory_space<vmem>>) offsets(%dma_start3A_30 : memref<128xi32, #tpu.memory_space<vmem>>) semaphore(%arg11 : memref<!tpu.dma_semaphore, #tpu.memory_space<semaphore_mem>>)
    %dma_start3A_34 = arith.constant 1 : i32
    %dma_start3A_35 = arith.constant 1 : i32
    %dma_start3A_36 = arith.constant 0 : i32
    %dma_start3A_37 = arith.constant 0 : i32
    %dma_start3A_38 = tpu.memref_slice %arg8[%dma_start3A_35, %dma_start3A_36, %dma_start3A_37] : memref<8x128x16xf32, #tpu.memory_space<vmem>> -> memref<1x128x16xf32, #tpu.memory_space<vmem>>
    %dma_start3A_39 = tpu.memref_squeeze %dma_start3A_38 : memref<1x128x16xf32, #tpu.memory_space<vmem>> -> memref<128x16xf32, #tpu.memory_space<vmem>>
    %dma_start3A_40 = arith.constant 0 : i32
    %dma_start3A_41 = tpu.memref_slice %arg6[%dma_start3A_34, %dma_start3A_40] : memref<79x128xi32, #tpu.memory_space<vmem>> -> memref<1x128xi32, #tpu.memory_space<vmem>>
    %dma_start3A_42 = tpu.memref_squeeze %dma_start3A_41 : memref<1x128xi32, #tpu.memory_space<vmem>> -> memref<128xi32, #tpu.memory_space<vmem>>
    %dma_start3A_43 = arith.constant 0 : i32
    %dma_start3A_44 = arith.constant 0 : i32
    %dma_start3A_45 = tpu.memref_slice %arg2[%dma_start3A_43, %dma_start3A_44] : memref<10112x16xf32, #tpu.memory_space<hbm>> -> memref<10112x16xf32, #tpu.memory_space<hbm>>
    tpu.enqueue_indirect_dma source(%dma_start3A_45 : memref<10112x16xf32, #tpu.memory_space<hbm>>) target(%dma_start3A_39 : memref<128x16xf32, #tpu.memory_space<vmem>>) offsets(%dma_start3A_42 : memref<128xi32, #tpu.memory_space<vmem>>) semaphore(%arg12 : memref<!tpu.dma_semaphore, #tpu.memory_space<semaphore_mem>>)
    %dma_start3A_46 = arith.constant 2 : i32
    %dma_start3A_47 = arith.constant 2 : i32
    %dma_start3A_48 = arith.constant 0 : i32
    %dma_start3A_49 = arith.constant 0 : i32
    %dma_start3A_50 = tpu.memref_slice %arg8[%dma_start3A_47, %dma_start3A_48, %dma_start3A_49] : memref<8x128x16xf32, #tpu.memory_space<vmem>> -> memref<1x128x16xf32, #tpu.memory_space<vmem>>
    %dma_start3A_51 = tpu.memref_squeeze %dma_start3A_50 : memref<1x128x16xf32, #tpu.memory_space<vmem>> -> memref<128x16xf32, #tpu.memory_space<vmem>>
    %dma_start3A_52 = arith.constant 0 : i32
    %dma_start3A_53 = tpu.memref_slice %arg6[%dma_start3A_46, %dma_start3A_52] : memref<79x128xi32, #tpu.memory_space<vmem>> -> memref<1x128xi32, #tpu.memory_space<vmem>>
    %dma_start3A_54 = tpu.memref_squeeze %dma_start3A_53 : memref<1x128xi32, #tpu.memory_space<vmem>> -> memref<128xi32, #tpu.memory_space<vmem>>
    %dma_start3A_55 = arith.constant 0 : i32
    %dma_start3A_56 = arith.constant 0 : i32
    %dma_start3A_57 = tpu.memref_slice %arg2[%dma_start3A_55, %dma_start3A_56] : memref<10112x16xf32, #tpu.memory_space<hbm>> -> memref<10112x16xf32, #tpu.memory_space<hbm>>
    tpu.enqueue_indirect_dma source(%dma_start3A_57 : memref<10112x16xf32, #tpu.memory_space<hbm>>) target(%dma_start3A_51 : memref<128x16xf32, #tpu.memory_space<vmem>>) offsets(%dma_start3A_54 : memref<128xi32, #tpu.memory_space<vmem>>) semaphore(%arg13 : memref<!tpu.dma_semaphore, #tpu.memory_space<semaphore_mem>>)
    %dma_start3A_58 = arith.constant 3 : i32
    %dma_start3A_59 = arith.constant 3 : i32
    %dma_start3A_60 = arith.constant 0 : i32
    %dma_start3A_61 = arith.constant 0 : i32
    %dma_start3A_62 = tpu.memref_slice %arg8[%dma_start3A_59, %dma_start3A_60, %dma_start3A_61] : memref<8x128x16xf32, #tpu.memory_space<vmem>> -> memref<1x128x16xf32, #tpu.memory_space<vmem>>
    %dma_start3A_63 = tpu.memref_squeeze %dma_start3A_62 : memref<1x128x16xf32, #tpu.memory_space<vmem>> -> memref<128x16xf32, #tpu.memory_space<vmem>>
    %dma_start3A_64 = arith.constant 0 : i32
    %dma_start3A_65 = tpu.memref_slice %arg6[%dma_start3A_58, %dma_start3A_64] : memref<79x128xi32, #tpu.memory_space<vmem>> -> memref<1x128xi32, #tpu.memory_space<vmem>>
    %dma_start3A_66 = tpu.memref_squeeze %dma_start3A_65 : memref<1x128xi32, #tpu.memory_space<vmem>> -> memref<128xi32, #tpu.memory_space<vmem>>
    %dma_start3A_67 = arith.constant 0 : i32
    %dma_start3A_68 = arith.constant 0 : i32
    %dma_start3A_69 = tpu.memref_slice %arg2[%dma_start3A_67, %dma_start3A_68] : memref<10112x16xf32, #tpu.memory_space<hbm>> -> memref<10112x16xf32, #tpu.memory_space<hbm>>
    tpu.enqueue_indirect_dma source(%dma_start3A_69 : memref<10112x16xf32, #tpu.memory_space<hbm>>) target(%dma_start3A_63 : memref<128x16xf32, #tpu.memory_space<vmem>>) offsets(%dma_start3A_66 : memref<128xi32, #tpu.memory_space<vmem>>) semaphore(%arg14 : memref<!tpu.dma_semaphore, #tpu.memory_space<semaphore_mem>>)
    %dma_start3A_70 = arith.constant 4 : i32
    %dma_start3A_71 = arith.constant 4 : i32
    %dma_start3A_72 = arith.constant 0 : i32
    %dma_start3A_73 = arith.constant 0 : i32
    %dma_start3A_74 = tpu.memref_slice %arg8[%dma_start3A_71, %dma_start3A_72, %dma_start3A_73] : memref<8x128x16xf32, #tpu.memory_space<vmem>> -> memref<1x128x16xf32, #tpu.memory_space<vmem>>
    %dma_start3A_75 = tpu.memref_squeeze %dma_start3A_74 : memref<1x128x16xf32, #tpu.memory_space<vmem>> -> memref<128x16xf32, #tpu.memory_space<vmem>>
    %dma_start3A_76 = arith.constant 0 : i32
    %dma_start3A_77 = tpu.memref_slice %arg6[%dma_start3A_70, %dma_start3A_76] : memref<79x128xi32, #tpu.memory_space<vmem>> -> memref<1x128xi32, #tpu.memory_space<vmem>>
    %dma_start3A_78 = tpu.memref_squeeze %dma_start3A_77 : memref<1x128xi32, #tpu.memory_space<vmem>> -> memref<128xi32, #tpu.memory_space<vmem>>
    %dma_start3A_79 = arith.constant 0 : i32
    %dma_start3A_80 = arith.constant 0 : i32
    %dma_start3A_81 = tpu.memref_slice %arg2[%dma_start3A_79, %dma_start3A_80] : memref<10112x16xf32, #tpu.memory_space<hbm>> -> memref<10112x16xf32, #tpu.memory_space<hbm>>
    tpu.enqueue_indirect_dma source(%dma_start3A_81 : memref<10112x16xf32, #tpu.memory_space<hbm>>) target(%dma_start3A_75 : memref<128x16xf32, #tpu.memory_space<vmem>>) offsets(%dma_start3A_78 : memref<128xi32, #tpu.memory_space<vmem>>) semaphore(%arg15 : memref<!tpu.dma_semaphore, #tpu.memory_space<semaphore_mem>>)
    %dma_start3A_82 = arith.constant 5 : i32
    %dma_start3A_83 = arith.constant 5 : i32
    %dma_start3A_84 = arith.constant 0 : i32
    %dma_start3A_85 = arith.constant 0 : i32
    %dma_start3A_86 = tpu.memref_slice %arg8[%dma_start3A_83, %dma_start3A_84, %dma_start3A_85] : memref<8x128x16xf32, #tpu.memory_space<vmem>> -> memref<1x128x16xf32, #tpu.memory_space<vmem>>
    %dma_start3A_87 = tpu.memref_squeeze %dma_start3A_86 : memref<1x128x16xf32, #tpu.memory_space<vmem>> -> memref<128x16xf32, #tpu.memory_space<vmem>>
    %dma_start3A_88 = arith.constant 0 : i32
    %dma_start3A_89 = tpu.memref_slice %arg6[%dma_start3A_82, %dma_start3A_88] : memref<79x128xi32, #tpu.memory_space<vmem>> -> memref<1x128xi32, #tpu.memory_space<vmem>>
    %dma_start3A_90 = tpu.memref_squeeze %dma_start3A_89 : memref<1x128xi32, #tpu.memory_space<vmem>> -> memref<128xi32, #tpu.memory_space<vmem>>
    %dma_start3A_91 = arith.constant 0 : i32
    %dma_start3A_92 = arith.constant 0 : i32
    %dma_start3A_93 = tpu.memref_slice %arg2[%dma_start3A_91, %dma_start3A_92] : memref<10112x16xf32, #tpu.memory_space<hbm>> -> memref<10112x16xf32, #tpu.memory_space<hbm>>
    tpu.enqueue_indirect_dma source(%dma_start3A_93 : memref<10112x16xf32, #tpu.memory_space<hbm>>) target(%dma_start3A_87 : memref<128x16xf32, #tpu.memory_space<vmem>>) offsets(%dma_start3A_90 : memref<128xi32, #tpu.memory_space<vmem>>) semaphore(%arg16 : memref<!tpu.dma_semaphore, #tpu.memory_space<semaphore_mem>>)
    %dma_start3A_94 = arith.constant 6 : i32
    %dma_start3A_95 = arith.constant 6 : i32
    %dma_start3A_96 = arith.constant 0 : i32
    %dma_start3A_97 = arith.constant 0 : i32
    %dma_start3A_98 = tpu.memref_slice %arg8[%dma_start3A_95, %dma_start3A_96, %dma_start3A_97] : memref<8x128x16xf32, #tpu.memory_space<vmem>> -> memref<1x128x16xf32, #tpu.memory_space<vmem>>
    %dma_start3A_99 = tpu.memref_squeeze %dma_start3A_98 : memref<1x128x16xf32, #tpu.memory_space<vmem>> -> memref<128x16xf32, #tpu.memory_space<vmem>>
    %dma_start3A_100 = arith.constant 0 : i32
    %dma_start3A_101 = tpu.memref_slice %arg6[%dma_start3A_94, %dma_start3A_100] : memref<79x128xi32, #tpu.memory_space<vmem>> -> memref<1x128xi32, #tpu.memory_space<vmem>>
    %dma_start3A_102 = tpu.memref_squeeze %dma_start3A_101 : memref<1x128xi32, #tpu.memory_space<vmem>> -> memref<128xi32, #tpu.memory_space<vmem>>
    %dma_start3A_103 = arith.constant 0 : i32
    %dma_start3A_104 = arith.constant 0 : i32
    %dma_start3A_105 = tpu.memref_slice %arg2[%dma_start3A_103, %dma_start3A_104] : memref<10112x16xf32, #tpu.memory_space<hbm>> -> memref<10112x16xf32, #tpu.memory_space<hbm>>
    tpu.enqueue_indirect_dma source(%dma_start3A_105 : memref<10112x16xf32, #tpu.memory_space<hbm>>) target(%dma_start3A_99 : memref<128x16xf32, #tpu.memory_space<vmem>>) offsets(%dma_start3A_102 : memref<128xi32, #tpu.memory_space<vmem>>) semaphore(%arg17 : memref<!tpu.dma_semaphore, #tpu.memory_space<semaphore_mem>>)
    %dma_start3A_106 = arith.constant 7 : i32
    %dma_start3A_107 = arith.constant 7 : i32
    %dma_start3A_108 = arith.constant 0 : i32
    %dma_start3A_109 = arith.constant 0 : i32
    %dma_start3A_110 = tpu.memref_slice %arg8[%dma_start3A_107, %dma_start3A_108, %dma_start3A_109] : memref<8x128x16xf32, #tpu.memory_space<vmem>> -> memref<1x128x16xf32, #tpu.memory_space<vmem>>
    %dma_start3A_111 = tpu.memref_squeeze %dma_start3A_110 : memref<1x128x16xf32, #tpu.memory_space<vmem>> -> memref<128x16xf32, #tpu.memory_space<vmem>>
    %dma_start3A_112 = arith.constant 0 : i32
    %dma_start3A_113 = tpu.memref_slice %arg6[%dma_start3A_106, %dma_start3A_112] : memref<79x128xi32, #tpu.memory_space<vmem>> -> memref<1x128xi32, #tpu.memory_space<vmem>>
    %dma_start3A_114 = tpu.memref_squeeze %dma_start3A_113 : memref<1x128xi32, #tpu.memory_space<vmem>> -> memref<128xi32, #tpu.memory_space<vmem>>
    %dma_start3A_115 = arith.constant 0 : i32
    %dma_start3A_116 = arith.constant 0 : i32
    %dma_start3A_117 = tpu.memref_slice %arg2[%dma_start3A_115, %dma_start3A_116] : memref<10112x16xf32, #tpu.memory_space<hbm>> -> memref<10112x16xf32, #tpu.memory_space<hbm>>
    tpu.enqueue_indirect_dma source(%dma_start3A_117 : memref<10112x16xf32, #tpu.memory_space<hbm>>) target(%dma_start3A_111 : memref<128x16xf32, #tpu.memory_space<vmem>>) offsets(%dma_start3A_114 : memref<128xi32, #tpu.memory_space<vmem>>) semaphore(%arg18 : memref<!tpu.dma_semaphore, #tpu.memory_space<semaphore_mem>>)
    %barrier3A = arith.constant 0 : index
    tpu.barrier barrier_id(%barrier3A)
    %scan3A_118 = arith.constant 0 : i32
    %scan3A_119 = arith.constant 9 : i32
    %scan3A_120 = arith.addi %scan3A_118, %scan3A_119 : i32
    %scan3A_121 = arith.constant 1 : i32
    scf.for %scan3A_197 = %scan3A_118 to %scan3A_120 step %scan3A_121  : i32 {
      %mul3A_198 = arith.constant 8 : i32
      %mul3A_199 = arith.muli %scan3A_197, %mul3A_198 : i32
      %add3A_200 = arith.constant 0 : i32
      %add3A_201 = arith.addi %add3A_200, %mul3A_199 : i32
      %add3A_202 = arith.constant 0 : i32
      %add3A_203 = arith.addi %add3A_201, %add3A_202 : i32
      %dma_wait3A = arith.constant 0 : i32
      %dma_wait3A_204 = arith.constant 0 : i32
      %dma_wait3A_205 = arith.constant 0 : i32
      %dma_wait3A_206 = tpu.memref_slice %arg8[%dma_wait3A, %dma_wait3A_204, %dma_wait3A_205] : memref<8x128x16xf32, #tpu.memory_space<vmem>> -> memref<1x128x16xf32, #tpu.memory_space<vmem>>
      %dma_wait3A_207 = tpu.memref_squeeze %dma_wait3A_206 : memref<1x128x16xf32, #tpu.memory_space<vmem>> -> memref<128x16xf32, #tpu.memory_space<vmem>>
      %dma_wait3A_208 = arith.constant 0 : i32
      %dma_wait3A_209 = tpu.memref_slice %arg6[%add3A_203, %dma_wait3A_208] : memref<79x128xi32, #tpu.memory_space<vmem>> -> memref<1x128xi32, #tpu.memory_space<vmem>>
      %dma_wait3A_210 = tpu.memref_squeeze %dma_wait3A_209 : memref<1x128xi32, #tpu.memory_space<vmem>> -> memref<128xi32, #tpu.memory_space<vmem>>
      %dma_wait3A_211 = arith.constant 0 : i32
      %dma_wait3A_212 = arith.constant 0 : i32
      %dma_wait3A_213 = tpu.memref_slice %arg2[%dma_wait3A_211, %dma_wait3A_212] : memref<10112x16xf32, #tpu.memory_space<hbm>> -> memref<10112x16xf32, #tpu.memory_space<hbm>>
      tpu.wait_indirect_dma semaphore(%arg11 : memref<!tpu.dma_semaphore, #tpu.memory_space<semaphore_mem>>) src(%dma_wait3A_213 : memref<10112x16xf32, #tpu.memory_space<hbm>>) dst(%dma_wait3A_207 : memref<128x16xf32, #tpu.memory_space<vmem>>)
      %add3A_214 = arith.constant 0 : i32
      %add3A_215 = arith.addi %add3A_201, %add3A_214 : i32
      %dma_start3A_216 = arith.constant 0 : i32
      %dma_start3A_217 = arith.constant 0 : i32
      %dma_start3A_218 = arith.constant 0 : i32
      %dma_start3A_219 = tpu.memref_slice %arg8[%dma_start3A_216, %dma_start3A_217, %dma_start3A_218] : memref<8x128x16xf32, #tpu.memory_space<vmem>> -> memref<1x128x16xf32, #tpu.memory_space<vmem>>
      %dma_start3A_220 = tpu.memref_squeeze %dma_start3A_219 : memref<1x128x16xf32, #tpu.memory_space<vmem>> -> memref<128x16xf32, #tpu.memory_space<vmem>>
      %dma_start3A_221 = arith.constant 0 : i32
      %dma_start3A_222 = tpu.memref_slice %arg7[%add3A_215, %dma_start3A_221] : memref<79x128xi32, #tpu.memory_space<vmem>> -> memref<1x128xi32, #tpu.memory_space<vmem>>
      %dma_start3A_223 = tpu.memref_squeeze %dma_start3A_222 : memref<1x128xi32, #tpu.memory_space<vmem>> -> memref<128xi32, #tpu.memory_space<vmem>>
      %dma_start3A_224 = arith.constant 0 : i32
      %dma_start3A_225 = arith.constant 0 : i32
      %dma_start3A_226 = tpu.memref_slice %arg10[%dma_start3A_224, %dma_start3A_225] : memref<10112x16xf32, #tpu.memory_space<vmem_shared>> -> memref<10112x16xf32, #tpu.memory_space<vmem_shared>>
      tpu.enqueue_indirect_dma source(%dma_start3A_220 : memref<128x16xf32, #tpu.memory_space<vmem>>) target(%dma_start3A_226 : memref<10112x16xf32, #tpu.memory_space<vmem_shared>>) offsets(%dma_start3A_223 : memref<128xi32, #tpu.memory_space<vmem>>) semaphore(%arg19 : memref<!tpu.dma_semaphore, #tpu.memory_space<semaphore_mem>>) {add = true}
      %add3A_227 = arith.constant 1 : i32
      %add3A_228 = arith.addi %add3A_201, %add3A_227 : i32
      %dma_wait3A_229 = arith.constant 1 : i32
      %dma_wait3A_230 = arith.constant 0 : i32
      %dma_wait3A_231 = arith.constant 0 : i32
      %dma_wait3A_232 = tpu.memref_slice %arg8[%dma_wait3A_229, %dma_wait3A_230, %dma_wait3A_231] : memref<8x128x16xf32, #tpu.memory_space<vmem>> -> memref<1x128x16xf32, #tpu.memory_space<vmem>>
      %dma_wait3A_233 = tpu.memref_squeeze %dma_wait3A_232 : memref<1x128x16xf32, #tpu.memory_space<vmem>> -> memref<128x16xf32, #tpu.memory_space<vmem>>
      %dma_wait3A_234 = arith.constant 0 : i32
      %dma_wait3A_235 = tpu.memref_slice %arg6[%add3A_228, %dma_wait3A_234] : memref<79x128xi32, #tpu.memory_space<vmem>> -> memref<1x128xi32, #tpu.memory_space<vmem>>
      %dma_wait3A_236 = tpu.memref_squeeze %dma_wait3A_235 : memref<1x128xi32, #tpu.memory_space<vmem>> -> memref<128xi32, #tpu.memory_space<vmem>>
      %dma_wait3A_237 = arith.constant 0 : i32
      %dma_wait3A_238 = arith.constant 0 : i32
      %dma_wait3A_239 = tpu.memref_slice %arg2[%dma_wait3A_237, %dma_wait3A_238] : memref<10112x16xf32, #tpu.memory_space<hbm>> -> memref<10112x16xf32, #tpu.memory_space<hbm>>
      tpu.wait_indirect_dma semaphore(%arg12 : memref<!tpu.dma_semaphore, #tpu.memory_space<semaphore_mem>>) src(%dma_wait3A_239 : memref<10112x16xf32, #tpu.memory_space<hbm>>) dst(%dma_wait3A_233 : memref<128x16xf32, #tpu.memory_space<vmem>>)
      %add3A_240 = arith.constant 1 : i32
      %add3A_241 = arith.addi %add3A_201, %add3A_240 : i32
      %dma_start3A_242 = arith.constant 1 : i32
      %dma_start3A_243 = arith.constant 0 : i32
      %dma_start3A_244 = arith.constant 0 : i32
      %dma_start3A_245 = tpu.memref_slice %arg8[%dma_start3A_242, %dma_start3A_243, %dma_start3A_244] : memref<8x128x16xf32, #tpu.memory_space<vmem>> -> memref<1x128x16xf32, #tpu.memory_space<vmem>>
      %dma_start3A_246 = tpu.memref_squeeze %dma_start3A_245 : memref<1x128x16xf32, #tpu.memory_space<vmem>> -> memref<128x16xf32, #tpu.memory_space<vmem>>
      %dma_start3A_247 = arith.constant 0 : i32
      %dma_start3A_248 = tpu.memref_slice %arg7[%add3A_241, %dma_start3A_247] : memref<79x128xi32, #tpu.memory_space<vmem>> -> memref<1x128xi32, #tpu.memory_space<vmem>>
      %dma_start3A_249 = tpu.memref_squeeze %dma_start3A_248 : memref<1x128xi32, #tpu.memory_space<vmem>> -> memref<128xi32, #tpu.memory_space<vmem>>
      %dma_start3A_250 = arith.constant 0 : i32
      %dma_start3A_251 = arith.constant 0 : i32
      %dma_start3A_252 = tpu.memref_slice %arg10[%dma_start3A_250, %dma_start3A_251] : memref<10112x16xf32, #tpu.memory_space<vmem_shared>> -> memref<10112x16xf32, #tpu.memory_space<vmem_shared>>
      tpu.enqueue_indirect_dma source(%dma_start3A_246 : memref<128x16xf32, #tpu.memory_space<vmem>>) target(%dma_start3A_252 : memref<10112x16xf32, #tpu.memory_space<vmem_shared>>) offsets(%dma_start3A_249 : memref<128xi32, #tpu.memory_space<vmem>>) semaphore(%arg20 : memref<!tpu.dma_semaphore, #tpu.memory_space<semaphore_mem>>) {add = true}
      %add3A_253 = arith.constant 2 : i32
      %add3A_254 = arith.addi %add3A_201, %add3A_253 : i32
      %dma_wait3A_255 = arith.constant 2 : i32
      %dma_wait3A_256 = arith.constant 0 : i32
      %dma_wait3A_257 = arith.constant 0 : i32
      %dma_wait3A_258 = tpu.memref_slice %arg8[%dma_wait3A_255, %dma_wait3A_256, %dma_wait3A_257] : memref<8x128x16xf32, #tpu.memory_space<vmem>> -> memref<1x128x16xf32, #tpu.memory_space<vmem>>
      %dma_wait3A_259 = tpu.memref_squeeze %dma_wait3A_258 : memref<1x128x16xf32, #tpu.memory_space<vmem>> -> memref<128x16xf32, #tpu.memory_space<vmem>>
      %dma_wait3A_260 = arith.constant 0 : i32
      %dma_wait3A_261 = tpu.memref_slice %arg6[%add3A_254, %dma_wait3A_260] : memref<79x128xi32, #tpu.memory_space<vmem>> -> memref<1x128xi32, #tpu.memory_space<vmem>>
      %dma_wait3A_262 = tpu.memref_squeeze %dma_wait3A_261 : memref<1x128xi32, #tpu.memory_space<vmem>> -> memref<128xi32, #tpu.memory_space<vmem>>
      %dma_wait3A_263 = arith.constant 0 : i32
      %dma_wait3A_264 = arith.constant 0 : i32
      %dma_wait3A_265 = tpu.memref_slice %arg2[%dma_wait3A_263, %dma_wait3A_264] : memref<10112x16xf32, #tpu.memory_space<hbm>> -> memref<10112x16xf32, #tpu.memory_space<hbm>>
      tpu.wait_indirect_dma semaphore(%arg13 : memref<!tpu.dma_semaphore, #tpu.memory_space<semaphore_mem>>) src(%dma_wait3A_265 : memref<10112x16xf32, #tpu.memory_space<hbm>>) dst(%dma_wait3A_259 : memref<128x16xf32, #tpu.memory_space<vmem>>)
      %add3A_266 = arith.constant 2 : i32
      %add3A_267 = arith.addi %add3A_201, %add3A_266 : i32
      %dma_start3A_268 = arith.constant 2 : i32
      %dma_start3A_269 = arith.constant 0 : i32
      %dma_start3A_270 = arith.constant 0 : i32
      %dma_start3A_271 = tpu.memref_slice %arg8[%dma_start3A_268, %dma_start3A_269, %dma_start3A_270] : memref<8x128x16xf32, #tpu.memory_space<vmem>> -> memref<1x128x16xf32, #tpu.memory_space<vmem>>
      %dma_start3A_272 = tpu.memref_squeeze %dma_start3A_271 : memref<1x128x16xf32, #tpu.memory_space<vmem>> -> memref<128x16xf32, #tpu.memory_space<vmem>>
      %dma_start3A_273 = arith.constant 0 : i32
      %dma_start3A_274 = tpu.memref_slice %arg7[%add3A_267, %dma_start3A_273] : memref<79x128xi32, #tpu.memory_space<vmem>> -> memref<1x128xi32, #tpu.memory_space<vmem>>
      %dma_start3A_275 = tpu.memref_squeeze %dma_start3A_274 : memref<1x128xi32, #tpu.memory_space<vmem>> -> memref<128xi32, #tpu.memory_space<vmem>>
      %dma_start3A_276 = arith.constant 0 : i32
      %dma_start3A_277 = arith.constant 0 : i32
      %dma_start3A_278 = tpu.memref_slice %arg10[%dma_start3A_276, %dma_start3A_277] : memref<10112x16xf32, #tpu.memory_space<vmem_shared>> -> memref<10112x16xf32, #tpu.memory_space<vmem_shared>>
      tpu.enqueue_indirect_dma source(%dma_start3A_272 : memref<128x16xf32, #tpu.memory_space<vmem>>) target(%dma_start3A_278 : memref<10112x16xf32, #tpu.memory_space<vmem_shared>>) offsets(%dma_start3A_275 : memref<128xi32, #tpu.memory_space<vmem>>) semaphore(%arg21 : memref<!tpu.dma_semaphore, #tpu.memory_space<semaphore_mem>>) {add = true}
      %add3A_279 = arith.constant 3 : i32
      %add3A_280 = arith.addi %add3A_201, %add3A_279 : i32
      %dma_wait3A_281 = arith.constant 3 : i32
      %dma_wait3A_282 = arith.constant 0 : i32
      %dma_wait3A_283 = arith.constant 0 : i32
      %dma_wait3A_284 = tpu.memref_slice %arg8[%dma_wait3A_281, %dma_wait3A_282, %dma_wait3A_283] : memref<8x128x16xf32, #tpu.memory_space<vmem>> -> memref<1x128x16xf32, #tpu.memory_space<vmem>>
      %dma_wait3A_285 = tpu.memref_squeeze %dma_wait3A_284 : memref<1x128x16xf32, #tpu.memory_space<vmem>> -> memref<128x16xf32, #tpu.memory_space<vmem>>
      %dma_wait3A_286 = arith.constant 0 : i32
      %dma_wait3A_287 = tpu.memref_slice %arg6[%add3A_280, %dma_wait3A_286] : memref<79x128xi32, #tpu.memory_space<vmem>> -> memref<1x128xi32, #tpu.memory_space<vmem>>
      %dma_wait3A_288 = tpu.memref_squeeze %dma_wait3A_287 : memref<1x128xi32, #tpu.memory_space<vmem>> -> memref<128xi32, #tpu.memory_space<vmem>>
      %dma_wait3A_289 = arith.constant 0 : i32
      %dma_wait3A_290 = arith.constant 0 : i32
      %dma_wait3A_291 = tpu.memref_slice %arg2[%dma_wait3A_289, %dma_wait3A_290] : memref<10112x16xf32, #tpu.memory_space<hbm>> -> memref<10112x16xf32, #tpu.memory_space<hbm>>
      tpu.wait_indirect_dma semaphore(%arg14 : memref<!tpu.dma_semaphore, #tpu.memory_space<semaphore_mem>>) src(%dma_wait3A_291 : memref<10112x16xf32, #tpu.memory_space<hbm>>) dst(%dma_wait3A_285 : memref<128x16xf32, #tpu.memory_space<vmem>>)
      %add3A_292 = arith.constant 3 : i32
      %add3A_293 = arith.addi %add3A_201, %add3A_292 : i32
      %dma_start3A_294 = arith.constant 3 : i32
      %dma_start3A_295 = arith.constant 0 : i32
      %dma_start3A_296 = arith.constant 0 : i32
      %dma_start3A_297 = tpu.memref_slice %arg8[%dma_start3A_294, %dma_start3A_295, %dma_start3A_296] : memref<8x128x16xf32, #tpu.memory_space<vmem>> -> memref<1x128x16xf32, #tpu.memory_space<vmem>>
      %dma_start3A_298 = tpu.memref_squeeze %dma_start3A_297 : memref<1x128x16xf32, #tpu.memory_space<vmem>> -> memref<128x16xf32, #tpu.memory_space<vmem>>
      %dma_start3A_299 = arith.constant 0 : i32
      %dma_start3A_300 = tpu.memref_slice %arg7[%add3A_293, %dma_start3A_299] : memref<79x128xi32, #tpu.memory_space<vmem>> -> memref<1x128xi32, #tpu.memory_space<vmem>>
      %dma_start3A_301 = tpu.memref_squeeze %dma_start3A_300 : memref<1x128xi32, #tpu.memory_space<vmem>> -> memref<128xi32, #tpu.memory_space<vmem>>
      %dma_start3A_302 = arith.constant 0 : i32
      %dma_start3A_303 = arith.constant 0 : i32
      %dma_start3A_304 = tpu.memref_slice %arg10[%dma_start3A_302, %dma_start3A_303] : memref<10112x16xf32, #tpu.memory_space<vmem_shared>> -> memref<10112x16xf32, #tpu.memory_space<vmem_shared>>
      tpu.enqueue_indirect_dma source(%dma_start3A_298 : memref<128x16xf32, #tpu.memory_space<vmem>>) target(%dma_start3A_304 : memref<10112x16xf32, #tpu.memory_space<vmem_shared>>) offsets(%dma_start3A_301 : memref<128xi32, #tpu.memory_space<vmem>>) semaphore(%arg22 : memref<!tpu.dma_semaphore, #tpu.memory_space<semaphore_mem>>) {add = true}
      %add3A_305 = arith.constant 4 : i32
      %add3A_306 = arith.addi %add3A_201, %add3A_305 : i32
      %dma_wait3A_307 = arith.constant 4 : i32
      %dma_wait3A_308 = arith.constant 0 : i32
      %dma_wait3A_309 = arith.constant 0 : i32
      %dma_wait3A_310 = tpu.memref_slice %arg8[%dma_wait3A_307, %dma_wait3A_308, %dma_wait3A_309] : memref<8x128x16xf32, #tpu.memory_space<vmem>> -> memref<1x128x16xf32, #tpu.memory_space<vmem>>
      %dma_wait3A_311 = tpu.memref_squeeze %dma_wait3A_310 : memref<1x128x16xf32, #tpu.memory_space<vmem>> -> memref<128x16xf32, #tpu.memory_space<vmem>>
      %dma_wait3A_312 = arith.constant 0 : i32
      %dma_wait3A_313 = tpu.memref_slice %arg6[%add3A_306, %dma_wait3A_312] : memref<79x128xi32, #tpu.memory_space<vmem>> -> memref<1x128xi32, #tpu.memory_space<vmem>>
      %dma_wait3A_314 = tpu.memref_squeeze %dma_wait3A_313 : memref<1x128xi32, #tpu.memory_space<vmem>> -> memref<128xi32, #tpu.memory_space<vmem>>
      %dma_wait3A_315 = arith.constant 0 : i32
      %dma_wait3A_316 = arith.constant 0 : i32
      %dma_wait3A_317 = tpu.memref_slice %arg2[%dma_wait3A_315, %dma_wait3A_316] : memref<10112x16xf32, #tpu.memory_space<hbm>> -> memref<10112x16xf32, #tpu.memory_space<hbm>>
      tpu.wait_indirect_dma semaphore(%arg15 : memref<!tpu.dma_semaphore, #tpu.memory_space<semaphore_mem>>) src(%dma_wait3A_317 : memref<10112x16xf32, #tpu.memory_space<hbm>>) dst(%dma_wait3A_311 : memref<128x16xf32, #tpu.memory_space<vmem>>)
      %add3A_318 = arith.constant 4 : i32
      %add3A_319 = arith.addi %add3A_201, %add3A_318 : i32
      %dma_start3A_320 = arith.constant 4 : i32
      %dma_start3A_321 = arith.constant 0 : i32
      %dma_start3A_322 = arith.constant 0 : i32
      %dma_start3A_323 = tpu.memref_slice %arg8[%dma_start3A_320, %dma_start3A_321, %dma_start3A_322] : memref<8x128x16xf32, #tpu.memory_space<vmem>> -> memref<1x128x16xf32, #tpu.memory_space<vmem>>
      %dma_start3A_324 = tpu.memref_squeeze %dma_start3A_323 : memref<1x128x16xf32, #tpu.memory_space<vmem>> -> memref<128x16xf32, #tpu.memory_space<vmem>>
      %dma_start3A_325 = arith.constant 0 : i32
      %dma_start3A_326 = tpu.memref_slice %arg7[%add3A_319, %dma_start3A_325] : memref<79x128xi32, #tpu.memory_space<vmem>> -> memref<1x128xi32, #tpu.memory_space<vmem>>
      %dma_start3A_327 = tpu.memref_squeeze %dma_start3A_326 : memref<1x128xi32, #tpu.memory_space<vmem>> -> memref<128xi32, #tpu.memory_space<vmem>>
      %dma_start3A_328 = arith.constant 0 : i32
      %dma_start3A_329 = arith.constant 0 : i32
      %dma_start3A_330 = tpu.memref_slice %arg10[%dma_start3A_328, %dma_start3A_329] : memref<10112x16xf32, #tpu.memory_space<vmem_shared>> -> memref<10112x16xf32, #tpu.memory_space<vmem_shared>>
      tpu.enqueue_indirect_dma source(%dma_start3A_324 : memref<128x16xf32, #tpu.memory_space<vmem>>) target(%dma_start3A_330 : memref<10112x16xf32, #tpu.memory_space<vmem_shared>>) offsets(%dma_start3A_327 : memref<128xi32, #tpu.memory_space<vmem>>) semaphore(%arg23 : memref<!tpu.dma_semaphore, #tpu.memory_space<semaphore_mem>>) {add = true}
      %add3A_331 = arith.constant 5 : i32
      %add3A_332 = arith.addi %add3A_201, %add3A_331 : i32
      %dma_wait3A_333 = arith.constant 5 : i32
      %dma_wait3A_334 = arith.constant 0 : i32
      %dma_wait3A_335 = arith.constant 0 : i32
      %dma_wait3A_336 = tpu.memref_slice %arg8[%dma_wait3A_333, %dma_wait3A_334, %dma_wait3A_335] : memref<8x128x16xf32, #tpu.memory_space<vmem>> -> memref<1x128x16xf32, #tpu.memory_space<vmem>>
      %dma_wait3A_337 = tpu.memref_squeeze %dma_wait3A_336 : memref<1x128x16xf32, #tpu.memory_space<vmem>> -> memref<128x16xf32, #tpu.memory_space<vmem>>
      %dma_wait3A_338 = arith.constant 0 : i32
      %dma_wait3A_339 = tpu.memref_slice %arg6[%add3A_332, %dma_wait3A_338] : memref<79x128xi32, #tpu.memory_space<vmem>> -> memref<1x128xi32, #tpu.memory_space<vmem>>
      %dma_wait3A_340 = tpu.memref_squeeze %dma_wait3A_339 : memref<1x128xi32, #tpu.memory_space<vmem>> -> memref<128xi32, #tpu.memory_space<vmem>>
      %dma_wait3A_341 = arith.constant 0 : i32
      %dma_wait3A_342 = arith.constant 0 : i32
      %dma_wait3A_343 = tpu.memref_slice %arg2[%dma_wait3A_341, %dma_wait3A_342] : memref<10112x16xf32, #tpu.memory_space<hbm>> -> memref<10112x16xf32, #tpu.memory_space<hbm>>
      tpu.wait_indirect_dma semaphore(%arg16 : memref<!tpu.dma_semaphore, #tpu.memory_space<semaphore_mem>>) src(%dma_wait3A_343 : memref<10112x16xf32, #tpu.memory_space<hbm>>) dst(%dma_wait3A_337 : memref<128x16xf32, #tpu.memory_space<vmem>>)
      %add3A_344 = arith.constant 5 : i32
      %add3A_345 = arith.addi %add3A_201, %add3A_344 : i32
      %dma_start3A_346 = arith.constant 5 : i32
      %dma_start3A_347 = arith.constant 0 : i32
      %dma_start3A_348 = arith.constant 0 : i32
      %dma_start3A_349 = tpu.memref_slice %arg8[%dma_start3A_346, %dma_start3A_347, %dma_start3A_348] : memref<8x128x16xf32, #tpu.memory_space<vmem>> -> memref<1x128x16xf32, #tpu.memory_space<vmem>>
      %dma_start3A_350 = tpu.memref_squeeze %dma_start3A_349 : memref<1x128x16xf32, #tpu.memory_space<vmem>> -> memref<128x16xf32, #tpu.memory_space<vmem>>
      %dma_start3A_351 = arith.constant 0 : i32
      %dma_start3A_352 = tpu.memref_slice %arg7[%add3A_345, %dma_start3A_351] : memref<79x128xi32, #tpu.memory_space<vmem>> -> memref<1x128xi32, #tpu.memory_space<vmem>>
      %dma_start3A_353 = tpu.memref_squeeze %dma_start3A_352 : memref<1x128xi32, #tpu.memory_space<vmem>> -> memref<128xi32, #tpu.memory_space<vmem>>
      %dma_start3A_354 = arith.constant 0 : i32
      %dma_start3A_355 = arith.constant 0 : i32
      %dma_start3A_356 = tpu.memref_slice %arg10[%dma_start3A_354, %dma_start3A_355] : memref<10112x16xf32, #tpu.memory_space<vmem_shared>> -> memref<10112x16xf32, #tpu.memory_space<vmem_shared>>
      tpu.enqueue_indirect_dma source(%dma_start3A_350 : memref<128x16xf32, #tpu.memory_space<vmem>>) target(%dma_start3A_356 : memref<10112x16xf32, #tpu.memory_space<vmem_shared>>) offsets(%dma_start3A_353 : memref<128xi32, #tpu.memory_space<vmem>>) semaphore(%arg24 : memref<!tpu.dma_semaphore, #tpu.memory_space<semaphore_mem>>) {add = true}
      %add3A_357 = arith.constant 6 : i32
      %add3A_358 = arith.addi %add3A_201, %add3A_357 : i32
      %dma_wait3A_359 = arith.constant 6 : i32
      %dma_wait3A_360 = arith.constant 0 : i32
      %dma_wait3A_361 = arith.constant 0 : i32
      %dma_wait3A_362 = tpu.memref_slice %arg8[%dma_wait3A_359, %dma_wait3A_360, %dma_wait3A_361] : memref<8x128x16xf32, #tpu.memory_space<vmem>> -> memref<1x128x16xf32, #tpu.memory_space<vmem>>
      %dma_wait3A_363 = tpu.memref_squeeze %dma_wait3A_362 : memref<1x128x16xf32, #tpu.memory_space<vmem>> -> memref<128x16xf32, #tpu.memory_space<vmem>>
      %dma_wait3A_364 = arith.constant 0 : i32
      %dma_wait3A_365 = tpu.memref_slice %arg6[%add3A_358, %dma_wait3A_364] : memref<79x128xi32, #tpu.memory_space<vmem>> -> memref<1x128xi32, #tpu.memory_space<vmem>>
      %dma_wait3A_366 = tpu.memref_squeeze %dma_wait3A_365 : memref<1x128xi32, #tpu.memory_space<vmem>> -> memref<128xi32, #tpu.memory_space<vmem>>
      %dma_wait3A_367 = arith.constant 0 : i32
      %dma_wait3A_368 = arith.constant 0 : i32
      %dma_wait3A_369 = tpu.memref_slice %arg2[%dma_wait3A_367, %dma_wait3A_368] : memref<10112x16xf32, #tpu.memory_space<hbm>> -> memref<10112x16xf32, #tpu.memory_space<hbm>>
      tpu.wait_indirect_dma semaphore(%arg17 : memref<!tpu.dma_semaphore, #tpu.memory_space<semaphore_mem>>) src(%dma_wait3A_369 : memref<10112x16xf32, #tpu.memory_space<hbm>>) dst(%dma_wait3A_363 : memref<128x16xf32, #tpu.memory_space<vmem>>)
      %add3A_370 = arith.constant 6 : i32
      %add3A_371 = arith.addi %add3A_201, %add3A_370 : i32
      %dma_start3A_372 = arith.constant 6 : i32
      %dma_start3A_373 = arith.constant 0 : i32
      %dma_start3A_374 = arith.constant 0 : i32
      %dma_start3A_375 = tpu.memref_slice %arg8[%dma_start3A_372, %dma_start3A_373, %dma_start3A_374] : memref<8x128x16xf32, #tpu.memory_space<vmem>> -> memref<1x128x16xf32, #tpu.memory_space<vmem>>
      %dma_start3A_376 = tpu.memref_squeeze %dma_start3A_375 : memref<1x128x16xf32, #tpu.memory_space<vmem>> -> memref<128x16xf32, #tpu.memory_space<vmem>>
      %dma_start3A_377 = arith.constant 0 : i32
      %dma_start3A_378 = tpu.memref_slice %arg7[%add3A_371, %dma_start3A_377] : memref<79x128xi32, #tpu.memory_space<vmem>> -> memref<1x128xi32, #tpu.memory_space<vmem>>
      %dma_start3A_379 = tpu.memref_squeeze %dma_start3A_378 : memref<1x128xi32, #tpu.memory_space<vmem>> -> memref<128xi32, #tpu.memory_space<vmem>>
      %dma_start3A_380 = arith.constant 0 : i32
      %dma_start3A_381 = arith.constant 0 : i32
      %dma_start3A_382 = tpu.memref_slice %arg10[%dma_start3A_380, %dma_start3A_381] : memref<10112x16xf32, #tpu.memory_space<vmem_shared>> -> memref<10112x16xf32, #tpu.memory_space<vmem_shared>>
      tpu.enqueue_indirect_dma source(%dma_start3A_376 : memref<128x16xf32, #tpu.memory_space<vmem>>) target(%dma_start3A_382 : memref<10112x16xf32, #tpu.memory_space<vmem_shared>>) offsets(%dma_start3A_379 : memref<128xi32, #tpu.memory_space<vmem>>) semaphore(%arg25 : memref<!tpu.dma_semaphore, #tpu.memory_space<semaphore_mem>>) {add = true}
      %add3A_383 = arith.constant 7 : i32
      %add3A_384 = arith.addi %add3A_201, %add3A_383 : i32
      %dma_wait3A_385 = arith.constant 7 : i32
      %dma_wait3A_386 = arith.constant 0 : i32
      %dma_wait3A_387 = arith.constant 0 : i32
      %dma_wait3A_388 = tpu.memref_slice %arg8[%dma_wait3A_385, %dma_wait3A_386, %dma_wait3A_387] : memref<8x128x16xf32, #tpu.memory_space<vmem>> -> memref<1x128x16xf32, #tpu.memory_space<vmem>>
      %dma_wait3A_389 = tpu.memref_squeeze %dma_wait3A_388 : memref<1x128x16xf32, #tpu.memory_space<vmem>> -> memref<128x16xf32, #tpu.memory_space<vmem>>
      %dma_wait3A_390 = arith.constant 0 : i32
      %dma_wait3A_391 = tpu.memref_slice %arg6[%add3A_384, %dma_wait3A_390] : memref<79x128xi32, #tpu.memory_space<vmem>> -> memref<1x128xi32, #tpu.memory_space<vmem>>
      %dma_wait3A_392 = tpu.memref_squeeze %dma_wait3A_391 : memref<1x128xi32, #tpu.memory_space<vmem>> -> memref<128xi32, #tpu.memory_space<vmem>>
      %dma_wait3A_393 = arith.constant 0 : i32
      %dma_wait3A_394 = arith.constant 0 : i32
      %dma_wait3A_395 = tpu.memref_slice %arg2[%dma_wait3A_393, %dma_wait3A_394] : memref<10112x16xf32, #tpu.memory_space<hbm>> -> memref<10112x16xf32, #tpu.memory_space<hbm>>
      tpu.wait_indirect_dma semaphore(%arg18 : memref<!tpu.dma_semaphore, #tpu.memory_space<semaphore_mem>>) src(%dma_wait3A_395 : memref<10112x16xf32, #tpu.memory_space<hbm>>) dst(%dma_wait3A_389 : memref<128x16xf32, #tpu.memory_space<vmem>>)
      %add3A_396 = arith.constant 7 : i32
      %add3A_397 = arith.addi %add3A_201, %add3A_396 : i32
      %dma_start3A_398 = arith.constant 7 : i32
      %dma_start3A_399 = arith.constant 0 : i32
      %dma_start3A_400 = arith.constant 0 : i32
      %dma_start3A_401 = tpu.memref_slice %arg8[%dma_start3A_398, %dma_start3A_399, %dma_start3A_400] : memref<8x128x16xf32, #tpu.memory_space<vmem>> -> memref<1x128x16xf32, #tpu.memory_space<vmem>>
      %dma_start3A_402 = tpu.memref_squeeze %dma_start3A_401 : memref<1x128x16xf32, #tpu.memory_space<vmem>> -> memref<128x16xf32, #tpu.memory_space<vmem>>
      %dma_start3A_403 = arith.constant 0 : i32
      %dma_start3A_404 = tpu.memref_slice %arg7[%add3A_397, %dma_start3A_403] : memref<79x128xi32, #tpu.memory_space<vmem>> -> memref<1x128xi32, #tpu.memory_space<vmem>>
      %dma_start3A_405 = tpu.memref_squeeze %dma_start3A_404 : memref<1x128xi32, #tpu.memory_space<vmem>> -> memref<128xi32, #tpu.memory_space<vmem>>
      %dma_start3A_406 = arith.constant 0 : i32
      %dma_start3A_407 = arith.constant 0 : i32
      %dma_start3A_408 = tpu.memref_slice %arg10[%dma_start3A_406, %dma_start3A_407] : memref<10112x16xf32, #tpu.memory_space<vmem_shared>> -> memref<10112x16xf32, #tpu.memory_space<vmem_shared>>
      tpu.enqueue_indirect_dma source(%dma_start3A_402 : memref<128x16xf32, #tpu.memory_space<vmem>>) target(%dma_start3A_408 : memref<10112x16xf32, #tpu.memory_space<vmem_shared>>) offsets(%dma_start3A_405 : memref<128xi32, #tpu.memory_space<vmem>>) semaphore(%arg26 : memref<!tpu.dma_semaphore, #tpu.memory_space<semaphore_mem>>) {add = true}
      %add3A_409 = arith.constant 0 : i32
      %add3A_410 = arith.addi %add3A_201, %add3A_409 : i32
      %dma_wait3A_411 = arith.constant 0 : i32
      %dma_wait3A_412 = arith.constant 0 : i32
      %dma_wait3A_413 = arith.constant 0 : i32
      %dma_wait3A_414 = tpu.memref_slice %arg8[%dma_wait3A_411, %dma_wait3A_412, %dma_wait3A_413] : memref<8x128x16xf32, #tpu.memory_space<vmem>> -> memref<1x128x16xf32, #tpu.memory_space<vmem>>
      %dma_wait3A_415 = tpu.memref_squeeze %dma_wait3A_414 : memref<1x128x16xf32, #tpu.memory_space<vmem>> -> memref<128x16xf32, #tpu.memory_space<vmem>>
      %dma_wait3A_416 = arith.constant 0 : i32
      %dma_wait3A_417 = tpu.memref_slice %arg7[%add3A_410, %dma_wait3A_416] : memref<79x128xi32, #tpu.memory_space<vmem>> -> memref<1x128xi32, #tpu.memory_space<vmem>>
      %dma_wait3A_418 = tpu.memref_squeeze %dma_wait3A_417 : memref<1x128xi32, #tpu.memory_space<vmem>> -> memref<128xi32, #tpu.memory_space<vmem>>
      %dma_wait3A_419 = arith.constant 0 : i32
      %dma_wait3A_420 = arith.constant 0 : i32
      %dma_wait3A_421 = tpu.memref_slice %arg10[%dma_wait3A_419, %dma_wait3A_420] : memref<10112x16xf32, #tpu.memory_space<vmem_shared>> -> memref<10112x16xf32, #tpu.memory_space<vmem_shared>>
      tpu.wait_indirect_dma semaphore(%arg19 : memref<!tpu.dma_semaphore, #tpu.memory_space<semaphore_mem>>) src(%dma_wait3A_415 : memref<128x16xf32, #tpu.memory_space<vmem>>) dst(%dma_wait3A_421 : memref<10112x16xf32, #tpu.memory_space<vmem_shared>>)
      %add3A_422 = arith.constant 8 : i32
      %add3A_423 = arith.addi %add3A_201, %add3A_422 : i32
      %add3A_424 = arith.constant 0 : i32
      %add3A_425 = arith.addi %add3A_423, %add3A_424 : i32
      %lt3A_426 = arith.constant 72 : i32
      %lt3A_427 = arith.cmpi slt, %add3A_425, %lt3A_426 : i32
      %convert_element_type3A_428 = arith.extui %lt3A_427 : i1 to i32
      %cond3A_429 = arith.constant 0 : i32
      %cond3A_430 = arith.cmpi ne, %convert_element_type3A_428, %cond3A_429 : i32
      scf.if %cond3A_430 {
        %add3A_585 = arith.constant 8 : i32
        %add3A_586 = arith.addi %add3A_201, %add3A_585 : i32
        %add3A_587 = arith.constant 0 : i32
        %add3A_588 = arith.addi %add3A_586, %add3A_587 : i32
        %dma_start3A_589 = arith.constant 0 : i32
        %dma_start3A_590 = arith.constant 0 : i32
        %dma_start3A_591 = arith.constant 0 : i32
        %dma_start3A_592 = tpu.memref_slice %arg8[%dma_start3A_589, %dma_start3A_590, %dma_start3A_591] : memref<8x128x16xf32, #tpu.memory_space<vmem>> -> memref<1x128x16xf32, #tpu.memory_space<vmem>>
        %dma_start3A_593 = tpu.memref_squeeze %dma_start3A_592 : memref<1x128x16xf32, #tpu.memory_space<vmem>> -> memref<128x16xf32, #tpu.memory_space<vmem>>
        %dma_start3A_594 = arith.constant 0 : i32
        %dma_start3A_595 = tpu.memref_slice %arg6[%add3A_588, %dma_start3A_594] : memref<79x128xi32, #tpu.memory_space<vmem>> -> memref<1x128xi32, #tpu.memory_space<vmem>>
        %dma_start3A_596 = tpu.memref_squeeze %dma_start3A_595 : memref<1x128xi32, #tpu.memory_space<vmem>> -> memref<128xi32, #tpu.memory_space<vmem>>
        %dma_start3A_597 = arith.constant 0 : i32
        %dma_start3A_598 = arith.constant 0 : i32
        %dma_start3A_599 = tpu.memref_slice %arg2[%dma_start3A_597, %dma_start3A_598] : memref<10112x16xf32, #tpu.memory_space<hbm>> -> memref<10112x16xf32, #tpu.memory_space<hbm>>
        tpu.enqueue_indirect_dma source(%dma_start3A_599 : memref<10112x16xf32, #tpu.memory_space<hbm>>) target(%dma_start3A_593 : memref<128x16xf32, #tpu.memory_space<vmem>>) offsets(%dma_start3A_596 : memref<128xi32, #tpu.memory_space<vmem>>) semaphore(%arg11 : memref<!tpu.dma_semaphore, #tpu.memory_space<semaphore_mem>>)
      } else {
      }
      %add3A_431 = arith.constant 1 : i32
      %add3A_432 = arith.addi %add3A_201, %add3A_431 : i32
      %dma_wait3A_433 = arith.constant 1 : i32
      %dma_wait3A_434 = arith.constant 0 : i32
      %dma_wait3A_435 = arith.constant 0 : i32
      %dma_wait3A_436 = tpu.memref_slice %arg8[%dma_wait3A_433, %dma_wait3A_434, %dma_wait3A_435] : memref<8x128x16xf32, #tpu.memory_space<vmem>> -> memref<1x128x16xf32, #tpu.memory_space<vmem>>
      %dma_wait3A_437 = tpu.memref_squeeze %dma_wait3A_436 : memref<1x128x16xf32, #tpu.memory_space<vmem>> -> memref<128x16xf32, #tpu.memory_space<vmem>>
      %dma_wait3A_438 = arith.constant 0 : i32
      %dma_wait3A_439 = tpu.memref_slice %arg7[%add3A_432, %dma_wait3A_438] : memref<79x128xi32, #tpu.memory_space<vmem>> -> memref<1x128xi32, #tpu.memory_space<vmem>>
      %dma_wait3A_440 = tpu.memref_squeeze %dma_wait3A_439 : memref<1x128xi32, #tpu.memory_space<vmem>> -> memref<128xi32, #tpu.memory_space<vmem>>
      %dma_wait3A_441 = arith.constant 0 : i32
      %dma_wait3A_442 = arith.constant 0 : i32
      %dma_wait3A_443 = tpu.memref_slice %arg10[%dma_wait3A_441, %dma_wait3A_442] : memref<10112x16xf32, #tpu.memory_space<vmem_shared>> -> memref<10112x16xf32, #tpu.memory_space<vmem_shared>>
      tpu.wait_indirect_dma semaphore(%arg20 : memref<!tpu.dma_semaphore, #tpu.memory_space<semaphore_mem>>) src(%dma_wait3A_437 : memref<128x16xf32, #tpu.memory_space<vmem>>) dst(%dma_wait3A_443 : memref<10112x16xf32, #tpu.memory_space<vmem_shared>>)
      %add3A_444 = arith.constant 8 : i32
      %add3A_445 = arith.addi %add3A_201, %add3A_444 : i32
      %add3A_446 = arith.constant 1 : i32
      %add3A_447 = arith.addi %add3A_445, %add3A_446 : i32
      %lt3A_448 = arith.constant 72 : i32
      %lt3A_449 = arith.cmpi slt, %add3A_447, %lt3A_448 : i32
      %convert_element_type3A_450 = arith.extui %lt3A_449 : i1 to i32
      %cond3A_451 = arith.constant 0 : i32
      %cond3A_452 = arith.cmpi ne, %convert_element_type3A_450, %cond3A_451 : i32
      scf.if %cond3A_452 {
        %add3A_585 = arith.constant 8 : i32
        %add3A_586 = arith.addi %add3A_201, %add3A_585 : i32
        %add3A_587 = arith.constant 1 : i32
        %add3A_588 = arith.addi %add3A_586, %add3A_587 : i32
        %dma_start3A_589 = arith.constant 1 : i32
        %dma_start3A_590 = arith.constant 0 : i32
        %dma_start3A_591 = arith.constant 0 : i32
        %dma_start3A_592 = tpu.memref_slice %arg8[%dma_start3A_589, %dma_start3A_590, %dma_start3A_591] : memref<8x128x16xf32, #tpu.memory_space<vmem>> -> memref<1x128x16xf32, #tpu.memory_space<vmem>>
        %dma_start3A_593 = tpu.memref_squeeze %dma_start3A_592 : memref<1x128x16xf32, #tpu.memory_space<vmem>> -> memref<128x16xf32, #tpu.memory_space<vmem>>
        %dma_start3A_594 = arith.constant 0 : i32
        %dma_start3A_595 = tpu.memref_slice %arg6[%add3A_588, %dma_start3A_594] : memref<79x128xi32, #tpu.memory_space<vmem>> -> memref<1x128xi32, #tpu.memory_space<vmem>>
        %dma_start3A_596 = tpu.memref_squeeze %dma_start3A_595 : memref<1x128xi32, #tpu.memory_space<vmem>> -> memref<128xi32, #tpu.memory_space<vmem>>
        %dma_start3A_597 = arith.constant 0 : i32
        %dma_start3A_598 = arith.constant 0 : i32
        %dma_start3A_599 = tpu.memref_slice %arg2[%dma_start3A_597, %dma_start3A_598] : memref<10112x16xf32, #tpu.memory_space<hbm>> -> memref<10112x16xf32, #tpu.memory_space<hbm>>
        tpu.enqueue_indirect_dma source(%dma_start3A_599 : memref<10112x16xf32, #tpu.memory_space<hbm>>) target(%dma_start3A_593 : memref<128x16xf32, #tpu.memory_space<vmem>>) offsets(%dma_start3A_596 : memref<128xi32, #tpu.memory_space<vmem>>) semaphore(%arg12 : memref<!tpu.dma_semaphore, #tpu.memory_space<semaphore_mem>>)
      } else {
      }
      %add3A_453 = arith.constant 2 : i32
      %add3A_454 = arith.addi %add3A_201, %add3A_453 : i32
      %dma_wait3A_455 = arith.constant 2 : i32
      %dma_wait3A_456 = arith.constant 0 : i32
      %dma_wait3A_457 = arith.constant 0 : i32
      %dma_wait3A_458 = tpu.memref_slice %arg8[%dma_wait3A_455, %dma_wait3A_456, %dma_wait3A_457] : memref<8x128x16xf32, #tpu.memory_space<vmem>> -> memref<1x128x16xf32, #tpu.memory_space<vmem>>
      %dma_wait3A_459 = tpu.memref_squeeze %dma_wait3A_458 : memref<1x128x16xf32, #tpu.memory_space<vmem>> -> memref<128x16xf32, #tpu.memory_space<vmem>>
      %dma_wait3A_460 = arith.constant 0 : i32
      %dma_wait3A_461 = tpu.memref_slice %arg7[%add3A_454, %dma_wait3A_460] : memref<79x128xi32, #tpu.memory_space<vmem>> -> memref<1x128xi32, #tpu.memory_space<vmem>>
      %dma_wait3A_462 = tpu.memref_squeeze %dma_wait3A_461 : memref<1x128xi32, #tpu.memory_space<vmem>> -> memref<128xi32, #tpu.memory_space<vmem>>
      %dma_wait3A_463 = arith.constant 0 : i32
      %dma_wait3A_464 = arith.constant 0 : i32
      %dma_wait3A_465 = tpu.memref_slice %arg10[%dma_wait3A_463, %dma_wait3A_464] : memref<10112x16xf32, #tpu.memory_space<vmem_shared>> -> memref<10112x16xf32, #tpu.memory_space<vmem_shared>>
      tpu.wait_indirect_dma semaphore(%arg21 : memref<!tpu.dma_semaphore, #tpu.memory_space<semaphore_mem>>) src(%dma_wait3A_459 : memref<128x16xf32, #tpu.memory_space<vmem>>) dst(%dma_wait3A_465 : memref<10112x16xf32, #tpu.memory_space<vmem_shared>>)
      %add3A_466 = arith.constant 8 : i32
      %add3A_467 = arith.addi %add3A_201, %add3A_466 : i32
      %add3A_468 = arith.constant 2 : i32
      %add3A_469 = arith.addi %add3A_467, %add3A_468 : i32
      %lt3A_470 = arith.constant 72 : i32
      %lt3A_471 = arith.cmpi slt, %add3A_469, %lt3A_470 : i32
      %convert_element_type3A_472 = arith.extui %lt3A_471 : i1 to i32
      %cond3A_473 = arith.constant 0 : i32
      %cond3A_474 = arith.cmpi ne, %convert_element_type3A_472, %cond3A_473 : i32
      scf.if %cond3A_474 {
        %add3A_585 = arith.constant 8 : i32
        %add3A_586 = arith.addi %add3A_201, %add3A_585 : i32
        %add3A_587 = arith.constant 2 : i32
        %add3A_588 = arith.addi %add3A_586, %add3A_587 : i32
        %dma_start3A_589 = arith.constant 2 : i32
        %dma_start3A_590 = arith.constant 0 : i32
        %dma_start3A_591 = arith.constant 0 : i32
        %dma_start3A_592 = tpu.memref_slice %arg8[%dma_start3A_589, %dma_start3A_590, %dma_start3A_591] : memref<8x128x16xf32, #tpu.memory_space<vmem>> -> memref<1x128x16xf32, #tpu.memory_space<vmem>>
        %dma_start3A_593 = tpu.memref_squeeze %dma_start3A_592 : memref<1x128x16xf32, #tpu.memory_space<vmem>> -> memref<128x16xf32, #tpu.memory_space<vmem>>
        %dma_start3A_594 = arith.constant 0 : i32
        %dma_start3A_595 = tpu.memref_slice %arg6[%add3A_588, %dma_start3A_594] : memref<79x128xi32, #tpu.memory_space<vmem>> -> memref<1x128xi32, #tpu.memory_space<vmem>>
        %dma_start3A_596 = tpu.memref_squeeze %dma_start3A_595 : memref<1x128xi32, #tpu.memory_space<vmem>> -> memref<128xi32, #tpu.memory_space<vmem>>
        %dma_start3A_597 = arith.constant 0 : i32
        %dma_start3A_598 = arith.constant 0 : i32
        %dma_start3A_599 = tpu.memref_slice %arg2[%dma_start3A_597, %dma_start3A_598] : memref<10112x16xf32, #tpu.memory_space<hbm>> -> memref<10112x16xf32, #tpu.memory_space<hbm>>
        tpu.enqueue_indirect_dma source(%dma_start3A_599 : memref<10112x16xf32, #tpu.memory_space<hbm>>) target(%dma_start3A_593 : memref<128x16xf32, #tpu.memory_space<vmem>>) offsets(%dma_start3A_596 : memref<128xi32, #tpu.memory_space<vmem>>) semaphore(%arg13 : memref<!tpu.dma_semaphore, #tpu.memory_space<semaphore_mem>>)
      } else {
      }
      %add3A_475 = arith.constant 3 : i32
      %add3A_476 = arith.addi %add3A_201, %add3A_475 : i32
      %dma_wait3A_477 = arith.constant 3 : i32
      %dma_wait3A_478 = arith.constant 0 : i32
      %dma_wait3A_479 = arith.constant 0 : i32
      %dma_wait3A_480 = tpu.memref_slice %arg8[%dma_wait3A_477, %dma_wait3A_478, %dma_wait3A_479] : memref<8x128x16xf32, #tpu.memory_space<vmem>> -> memref<1x128x16xf32, #tpu.memory_space<vmem>>
      %dma_wait3A_481 = tpu.memref_squeeze %dma_wait3A_480 : memref<1x128x16xf32, #tpu.memory_space<vmem>> -> memref<128x16xf32, #tpu.memory_space<vmem>>
      %dma_wait3A_482 = arith.constant 0 : i32
      %dma_wait3A_483 = tpu.memref_slice %arg7[%add3A_476, %dma_wait3A_482] : memref<79x128xi32, #tpu.memory_space<vmem>> -> memref<1x128xi32, #tpu.memory_space<vmem>>
      %dma_wait3A_484 = tpu.memref_squeeze %dma_wait3A_483 : memref<1x128xi32, #tpu.memory_space<vmem>> -> memref<128xi32, #tpu.memory_space<vmem>>
      %dma_wait3A_485 = arith.constant 0 : i32
      %dma_wait3A_486 = arith.constant 0 : i32
      %dma_wait3A_487 = tpu.memref_slice %arg10[%dma_wait3A_485, %dma_wait3A_486] : memref<10112x16xf32, #tpu.memory_space<vmem_shared>> -> memref<10112x16xf32, #tpu.memory_space<vmem_shared>>
      tpu.wait_indirect_dma semaphore(%arg22 : memref<!tpu.dma_semaphore, #tpu.memory_space<semaphore_mem>>) src(%dma_wait3A_481 : memref<128x16xf32, #tpu.memory_space<vmem>>) dst(%dma_wait3A_487 : memref<10112x16xf32, #tpu.memory_space<vmem_shared>>)
      %add3A_488 = arith.constant 8 : i32
      %add3A_489 = arith.addi %add3A_201, %add3A_488 : i32
      %add3A_490 = arith.constant 3 : i32
      %add3A_491 = arith.addi %add3A_489, %add3A_490 : i32
      %lt3A_492 = arith.constant 72 : i32
      %lt3A_493 = arith.cmpi slt, %add3A_491, %lt3A_492 : i32
      %convert_element_type3A_494 = arith.extui %lt3A_493 : i1 to i32
      %cond3A_495 = arith.constant 0 : i32
      %cond3A_496 = arith.cmpi ne, %convert_element_type3A_494, %cond3A_495 : i32
      scf.if %cond3A_496 {
        %add3A_585 = arith.constant 8 : i32
        %add3A_586 = arith.addi %add3A_201, %add3A_585 : i32
        %add3A_587 = arith.constant 3 : i32
        %add3A_588 = arith.addi %add3A_586, %add3A_587 : i32
        %dma_start3A_589 = arith.constant 3 : i32
        %dma_start3A_590 = arith.constant 0 : i32
        %dma_start3A_591 = arith.constant 0 : i32
        %dma_start3A_592 = tpu.memref_slice %arg8[%dma_start3A_589, %dma_start3A_590, %dma_start3A_591] : memref<8x128x16xf32, #tpu.memory_space<vmem>> -> memref<1x128x16xf32, #tpu.memory_space<vmem>>
        %dma_start3A_593 = tpu.memref_squeeze %dma_start3A_592 : memref<1x128x16xf32, #tpu.memory_space<vmem>> -> memref<128x16xf32, #tpu.memory_space<vmem>>
        %dma_start3A_594 = arith.constant 0 : i32
        %dma_start3A_595 = tpu.memref_slice %arg6[%add3A_588, %dma_start3A_594] : memref<79x128xi32, #tpu.memory_space<vmem>> -> memref<1x128xi32, #tpu.memory_space<vmem>>
        %dma_start3A_596 = tpu.memref_squeeze %dma_start3A_595 : memref<1x128xi32, #tpu.memory_space<vmem>> -> memref<128xi32, #tpu.memory_space<vmem>>
        %dma_start3A_597 = arith.constant 0 : i32
        %dma_start3A_598 = arith.constant 0 : i32
        %dma_start3A_599 = tpu.memref_slice %arg2[%dma_start3A_597, %dma_start3A_598] : memref<10112x16xf32, #tpu.memory_space<hbm>> -> memref<10112x16xf32, #tpu.memory_space<hbm>>
        tpu.enqueue_indirect_dma source(%dma_start3A_599 : memref<10112x16xf32, #tpu.memory_space<hbm>>) target(%dma_start3A_593 : memref<128x16xf32, #tpu.memory_space<vmem>>) offsets(%dma_start3A_596 : memref<128xi32, #tpu.memory_space<vmem>>) semaphore(%arg14 : memref<!tpu.dma_semaphore, #tpu.memory_space<semaphore_mem>>)
      } else {
      }
      %add3A_497 = arith.constant 4 : i32
      %add3A_498 = arith.addi %add3A_201, %add3A_497 : i32
      %dma_wait3A_499 = arith.constant 4 : i32
      %dma_wait3A_500 = arith.constant 0 : i32
      %dma_wait3A_501 = arith.constant 0 : i32
      %dma_wait3A_502 = tpu.memref_slice %arg8[%dma_wait3A_499, %dma_wait3A_500, %dma_wait3A_501] : memref<8x128x16xf32, #tpu.memory_space<vmem>> -> memref<1x128x16xf32, #tpu.memory_space<vmem>>
      %dma_wait3A_503 = tpu.memref_squeeze %dma_wait3A_502 : memref<1x128x16xf32, #tpu.memory_space<vmem>> -> memref<128x16xf32, #tpu.memory_space<vmem>>
      %dma_wait3A_504 = arith.constant 0 : i32
      %dma_wait3A_505 = tpu.memref_slice %arg7[%add3A_498, %dma_wait3A_504] : memref<79x128xi32, #tpu.memory_space<vmem>> -> memref<1x128xi32, #tpu.memory_space<vmem>>
      %dma_wait3A_506 = tpu.memref_squeeze %dma_wait3A_505 : memref<1x128xi32, #tpu.memory_space<vmem>> -> memref<128xi32, #tpu.memory_space<vmem>>
      %dma_wait3A_507 = arith.constant 0 : i32
      %dma_wait3A_508 = arith.constant 0 : i32
      %dma_wait3A_509 = tpu.memref_slice %arg10[%dma_wait3A_507, %dma_wait3A_508] : memref<10112x16xf32, #tpu.memory_space<vmem_shared>> -> memref<10112x16xf32, #tpu.memory_space<vmem_shared>>
      tpu.wait_indirect_dma semaphore(%arg23 : memref<!tpu.dma_semaphore, #tpu.memory_space<semaphore_mem>>) src(%dma_wait3A_503 : memref<128x16xf32, #tpu.memory_space<vmem>>) dst(%dma_wait3A_509 : memref<10112x16xf32, #tpu.memory_space<vmem_shared>>)
      %add3A_510 = arith.constant 8 : i32
      %add3A_511 = arith.addi %add3A_201, %add3A_510 : i32
      %add3A_512 = arith.constant 4 : i32
      %add3A_513 = arith.addi %add3A_511, %add3A_512 : i32
      %lt3A_514 = arith.constant 72 : i32
      %lt3A_515 = arith.cmpi slt, %add3A_513, %lt3A_514 : i32
      %convert_element_type3A_516 = arith.extui %lt3A_515 : i1 to i32
      %cond3A_517 = arith.constant 0 : i32
      %cond3A_518 = arith.cmpi ne, %convert_element_type3A_516, %cond3A_517 : i32
      scf.if %cond3A_518 {
        %add3A_585 = arith.constant 8 : i32
        %add3A_586 = arith.addi %add3A_201, %add3A_585 : i32
        %add3A_587 = arith.constant 4 : i32
        %add3A_588 = arith.addi %add3A_586, %add3A_587 : i32
        %dma_start3A_589 = arith.constant 4 : i32
        %dma_start3A_590 = arith.constant 0 : i32
        %dma_start3A_591 = arith.constant 0 : i32
        %dma_start3A_592 = tpu.memref_slice %arg8[%dma_start3A_589, %dma_start3A_590, %dma_start3A_591] : memref<8x128x16xf32, #tpu.memory_space<vmem>> -> memref<1x128x16xf32, #tpu.memory_space<vmem>>
        %dma_start3A_593 = tpu.memref_squeeze %dma_start3A_592 : memref<1x128x16xf32, #tpu.memory_space<vmem>> -> memref<128x16xf32, #tpu.memory_space<vmem>>
        %dma_start3A_594 = arith.constant 0 : i32
        %dma_start3A_595 = tpu.memref_slice %arg6[%add3A_588, %dma_start3A_594] : memref<79x128xi32, #tpu.memory_space<vmem>> -> memref<1x128xi32, #tpu.memory_space<vmem>>
        %dma_start3A_596 = tpu.memref_squeeze %dma_start3A_595 : memref<1x128xi32, #tpu.memory_space<vmem>> -> memref<128xi32, #tpu.memory_space<vmem>>
        %dma_start3A_597 = arith.constant 0 : i32
        %dma_start3A_598 = arith.constant 0 : i32
        %dma_start3A_599 = tpu.memref_slice %arg2[%dma_start3A_597, %dma_start3A_598] : memref<10112x16xf32, #tpu.memory_space<hbm>> -> memref<10112x16xf32, #tpu.memory_space<hbm>>
        tpu.enqueue_indirect_dma source(%dma_start3A_599 : memref<10112x16xf32, #tpu.memory_space<hbm>>) target(%dma_start3A_593 : memref<128x16xf32, #tpu.memory_space<vmem>>) offsets(%dma_start3A_596 : memref<128xi32, #tpu.memory_space<vmem>>) semaphore(%arg15 : memref<!tpu.dma_semaphore, #tpu.memory_space<semaphore_mem>>)
      } else {
      }
      %add3A_519 = arith.constant 5 : i32
      %add3A_520 = arith.addi %add3A_201, %add3A_519 : i32
      %dma_wait3A_521 = arith.constant 5 : i32
      %dma_wait3A_522 = arith.constant 0 : i32
      %dma_wait3A_523 = arith.constant 0 : i32
      %dma_wait3A_524 = tpu.memref_slice %arg8[%dma_wait3A_521, %dma_wait3A_522, %dma_wait3A_523] : memref<8x128x16xf32, #tpu.memory_space<vmem>> -> memref<1x128x16xf32, #tpu.memory_space<vmem>>
      %dma_wait3A_525 = tpu.memref_squeeze %dma_wait3A_524 : memref<1x128x16xf32, #tpu.memory_space<vmem>> -> memref<128x16xf32, #tpu.memory_space<vmem>>
      %dma_wait3A_526 = arith.constant 0 : i32
      %dma_wait3A_527 = tpu.memref_slice %arg7[%add3A_520, %dma_wait3A_526] : memref<79x128xi32, #tpu.memory_space<vmem>> -> memref<1x128xi32, #tpu.memory_space<vmem>>
      %dma_wait3A_528 = tpu.memref_squeeze %dma_wait3A_527 : memref<1x128xi32, #tpu.memory_space<vmem>> -> memref<128xi32, #tpu.memory_space<vmem>>
      %dma_wait3A_529 = arith.constant 0 : i32
      %dma_wait3A_530 = arith.constant 0 : i32
      %dma_wait3A_531 = tpu.memref_slice %arg10[%dma_wait3A_529, %dma_wait3A_530] : memref<10112x16xf32, #tpu.memory_space<vmem_shared>> -> memref<10112x16xf32, #tpu.memory_space<vmem_shared>>
      tpu.wait_indirect_dma semaphore(%arg24 : memref<!tpu.dma_semaphore, #tpu.memory_space<semaphore_mem>>) src(%dma_wait3A_525 : memref<128x16xf32, #tpu.memory_space<vmem>>) dst(%dma_wait3A_531 : memref<10112x16xf32, #tpu.memory_space<vmem_shared>>)
      %add3A_532 = arith.constant 8 : i32
      %add3A_533 = arith.addi %add3A_201, %add3A_532 : i32
      %add3A_534 = arith.constant 5 : i32
      %add3A_535 = arith.addi %add3A_533, %add3A_534 : i32
      %lt3A_536 = arith.constant 72 : i32
      %lt3A_537 = arith.cmpi slt, %add3A_535, %lt3A_536 : i32
      %convert_element_type3A_538 = arith.extui %lt3A_537 : i1 to i32
      %cond3A_539 = arith.constant 0 : i32
      %cond3A_540 = arith.cmpi ne, %convert_element_type3A_538, %cond3A_539 : i32
      scf.if %cond3A_540 {
        %add3A_585 = arith.constant 8 : i32
        %add3A_586 = arith.addi %add3A_201, %add3A_585 : i32
        %add3A_587 = arith.constant 5 : i32
        %add3A_588 = arith.addi %add3A_586, %add3A_587 : i32
        %dma_start3A_589 = arith.constant 5 : i32
        %dma_start3A_590 = arith.constant 0 : i32
        %dma_start3A_591 = arith.constant 0 : i32
        %dma_start3A_592 = tpu.memref_slice %arg8[%dma_start3A_589, %dma_start3A_590, %dma_start3A_591] : memref<8x128x16xf32, #tpu.memory_space<vmem>> -> memref<1x128x16xf32, #tpu.memory_space<vmem>>
        %dma_start3A_593 = tpu.memref_squeeze %dma_start3A_592 : memref<1x128x16xf32, #tpu.memory_space<vmem>> -> memref<128x16xf32, #tpu.memory_space<vmem>>
        %dma_start3A_594 = arith.constant 0 : i32
        %dma_start3A_595 = tpu.memref_slice %arg6[%add3A_588, %dma_start3A_594] : memref<79x128xi32, #tpu.memory_space<vmem>> -> memref<1x128xi32, #tpu.memory_space<vmem>>
        %dma_start3A_596 = tpu.memref_squeeze %dma_start3A_595 : memref<1x128xi32, #tpu.memory_space<vmem>> -> memref<128xi32, #tpu.memory_space<vmem>>
        %dma_start3A_597 = arith.constant 0 : i32
        %dma_start3A_598 = arith.constant 0 : i32
        %dma_start3A_599 = tpu.memref_slice %arg2[%dma_start3A_597, %dma_start3A_598] : memref<10112x16xf32, #tpu.memory_space<hbm>> -> memref<10112x16xf32, #tpu.memory_space<hbm>>
        tpu.enqueue_indirect_dma source(%dma_start3A_599 : memref<10112x16xf32, #tpu.memory_space<hbm>>) target(%dma_start3A_593 : memref<128x16xf32, #tpu.memory_space<vmem>>) offsets(%dma_start3A_596 : memref<128xi32, #tpu.memory_space<vmem>>) semaphore(%arg16 : memref<!tpu.dma_semaphore, #tpu.memory_space<semaphore_mem>>)
      } else {
      }
      %add3A_541 = arith.constant 6 : i32
      %add3A_542 = arith.addi %add3A_201, %add3A_541 : i32
      %dma_wait3A_543 = arith.constant 6 : i32
      %dma_wait3A_544 = arith.constant 0 : i32
      %dma_wait3A_545 = arith.constant 0 : i32
      %dma_wait3A_546 = tpu.memref_slice %arg8[%dma_wait3A_543, %dma_wait3A_544, %dma_wait3A_545] : memref<8x128x16xf32, #tpu.memory_space<vmem>> -> memref<1x128x16xf32, #tpu.memory_space<vmem>>
      %dma_wait3A_547 = tpu.memref_squeeze %dma_wait3A_546 : memref<1x128x16xf32, #tpu.memory_space<vmem>> -> memref<128x16xf32, #tpu.memory_space<vmem>>
      %dma_wait3A_548 = arith.constant 0 : i32
      %dma_wait3A_549 = tpu.memref_slice %arg7[%add3A_542, %dma_wait3A_548] : memref<79x128xi32, #tpu.memory_space<vmem>> -> memref<1x128xi32, #tpu.memory_space<vmem>>
      %dma_wait3A_550 = tpu.memref_squeeze %dma_wait3A_549 : memref<1x128xi32, #tpu.memory_space<vmem>> -> memref<128xi32, #tpu.memory_space<vmem>>
      %dma_wait3A_551 = arith.constant 0 : i32
      %dma_wait3A_552 = arith.constant 0 : i32
      %dma_wait3A_553 = tpu.memref_slice %arg10[%dma_wait3A_551, %dma_wait3A_552] : memref<10112x16xf32, #tpu.memory_space<vmem_shared>> -> memref<10112x16xf32, #tpu.memory_space<vmem_shared>>
      tpu.wait_indirect_dma semaphore(%arg25 : memref<!tpu.dma_semaphore, #tpu.memory_space<semaphore_mem>>) src(%dma_wait3A_547 : memref<128x16xf32, #tpu.memory_space<vmem>>) dst(%dma_wait3A_553 : memref<10112x16xf32, #tpu.memory_space<vmem_shared>>)
      %add3A_554 = arith.constant 8 : i32
      %add3A_555 = arith.addi %add3A_201, %add3A_554 : i32
      %add3A_556 = arith.constant 6 : i32
      %add3A_557 = arith.addi %add3A_555, %add3A_556 : i32
      %lt3A_558 = arith.constant 72 : i32
      %lt3A_559 = arith.cmpi slt, %add3A_557, %lt3A_558 : i32
      %convert_element_type3A_560 = arith.extui %lt3A_559 : i1 to i32
      %cond3A_561 = arith.constant 0 : i32
      %cond3A_562 = arith.cmpi ne, %convert_element_type3A_560, %cond3A_561 : i32
      scf.if %cond3A_562 {
        %add3A_585 = arith.constant 8 : i32
        %add3A_586 = arith.addi %add3A_201, %add3A_585 : i32
        %add3A_587 = arith.constant 6 : i32
        %add3A_588 = arith.addi %add3A_586, %add3A_587 : i32
        %dma_start3A_589 = arith.constant 6 : i32
        %dma_start3A_590 = arith.constant 0 : i32
        %dma_start3A_591 = arith.constant 0 : i32
        %dma_start3A_592 = tpu.memref_slice %arg8[%dma_start3A_589, %dma_start3A_590, %dma_start3A_591] : memref<8x128x16xf32, #tpu.memory_space<vmem>> -> memref<1x128x16xf32, #tpu.memory_space<vmem>>
        %dma_start3A_593 = tpu.memref_squeeze %dma_start3A_592 : memref<1x128x16xf32, #tpu.memory_space<vmem>> -> memref<128x16xf32, #tpu.memory_space<vmem>>
        %dma_start3A_594 = arith.constant 0 : i32
        %dma_start3A_595 = tpu.memref_slice %arg6[%add3A_588, %dma_start3A_594] : memref<79x128xi32, #tpu.memory_space<vmem>> -> memref<1x128xi32, #tpu.memory_space<vmem>>
        %dma_start3A_596 = tpu.memref_squeeze %dma_start3A_595 : memref<1x128xi32, #tpu.memory_space<vmem>> -> memref<128xi32, #tpu.memory_space<vmem>>
        %dma_start3A_597 = arith.constant 0 : i32
        %dma_start3A_598 = arith.constant 0 : i32
        %dma_start3A_599 = tpu.memref_slice %arg2[%dma_start3A_597, %dma_start3A_598] : memref<10112x16xf32, #tpu.memory_space<hbm>> -> memref<10112x16xf32, #tpu.memory_space<hbm>>
        tpu.enqueue_indirect_dma source(%dma_start3A_599 : memref<10112x16xf32, #tpu.memory_space<hbm>>) target(%dma_start3A_593 : memref<128x16xf32, #tpu.memory_space<vmem>>) offsets(%dma_start3A_596 : memref<128xi32, #tpu.memory_space<vmem>>) semaphore(%arg17 : memref<!tpu.dma_semaphore, #tpu.memory_space<semaphore_mem>>)
      } else {
      }
      %add3A_563 = arith.constant 7 : i32
      %add3A_564 = arith.addi %add3A_201, %add3A_563 : i32
      %dma_wait3A_565 = arith.constant 7 : i32
      %dma_wait3A_566 = arith.constant 0 : i32
      %dma_wait3A_567 = arith.constant 0 : i32
      %dma_wait3A_568 = tpu.memref_slice %arg8[%dma_wait3A_565, %dma_wait3A_566, %dma_wait3A_567] : memref<8x128x16xf32, #tpu.memory_space<vmem>> -> memref<1x128x16xf32, #tpu.memory_space<vmem>>
      %dma_wait3A_569 = tpu.memref_squeeze %dma_wait3A_568 : memref<1x128x16xf32, #tpu.memory_space<vmem>> -> memref<128x16xf32, #tpu.memory_space<vmem>>
      %dma_wait3A_570 = arith.constant 0 : i32
      %dma_wait3A_571 = tpu.memref_slice %arg7[%add3A_564, %dma_wait3A_570] : memref<79x128xi32, #tpu.memory_space<vmem>> -> memref<1x128xi32, #tpu.memory_space<vmem>>
      %dma_wait3A_572 = tpu.memref_squeeze %dma_wait3A_571 : memref<1x128xi32, #tpu.memory_space<vmem>> -> memref<128xi32, #tpu.memory_space<vmem>>
      %dma_wait3A_573 = arith.constant 0 : i32
      %dma_wait3A_574 = arith.constant 0 : i32
      %dma_wait3A_575 = tpu.memref_slice %arg10[%dma_wait3A_573, %dma_wait3A_574] : memref<10112x16xf32, #tpu.memory_space<vmem_shared>> -> memref<10112x16xf32, #tpu.memory_space<vmem_shared>>
      tpu.wait_indirect_dma semaphore(%arg26 : memref<!tpu.dma_semaphore, #tpu.memory_space<semaphore_mem>>) src(%dma_wait3A_569 : memref<128x16xf32, #tpu.memory_space<vmem>>) dst(%dma_wait3A_575 : memref<10112x16xf32, #tpu.memory_space<vmem_shared>>)
      %add3A_576 = arith.constant 8 : i32
      %add3A_577 = arith.addi %add3A_201, %add3A_576 : i32
      %add3A_578 = arith.constant 7 : i32
      %add3A_579 = arith.addi %add3A_577, %add3A_578 : i32
      %lt3A_580 = arith.constant 72 : i32
      %lt3A_581 = arith.cmpi slt, %add3A_579, %lt3A_580 : i32
      %convert_element_type3A_582 = arith.extui %lt3A_581 : i1 to i32
      %cond3A_583 = arith.constant 0 : i32
      %cond3A_584 = arith.cmpi ne, %convert_element_type3A_582, %cond3A_583 : i32
      scf.if %cond3A_584 {
        %add3A_585 = arith.constant 8 : i32
        %add3A_586 = arith.addi %add3A_201, %add3A_585 : i32
        %add3A_587 = arith.constant 7 : i32
        %add3A_588 = arith.addi %add3A_586, %add3A_587 : i32
        %dma_start3A_589 = arith.constant 7 : i32
        %dma_start3A_590 = arith.constant 0 : i32
        %dma_start3A_591 = arith.constant 0 : i32
        %dma_start3A_592 = tpu.memref_slice %arg8[%dma_start3A_589, %dma_start3A_590, %dma_start3A_591] : memref<8x128x16xf32, #tpu.memory_space<vmem>> -> memref<1x128x16xf32, #tpu.memory_space<vmem>>
        %dma_start3A_593 = tpu.memref_squeeze %dma_start3A_592 : memref<1x128x16xf32, #tpu.memory_space<vmem>> -> memref<128x16xf32, #tpu.memory_space<vmem>>
        %dma_start3A_594 = arith.constant 0 : i32
        %dma_start3A_595 = tpu.memref_slice %arg6[%add3A_588, %dma_start3A_594] : memref<79x128xi32, #tpu.memory_space<vmem>> -> memref<1x128xi32, #tpu.memory_space<vmem>>
        %dma_start3A_596 = tpu.memref_squeeze %dma_start3A_595 : memref<1x128xi32, #tpu.memory_space<vmem>> -> memref<128xi32, #tpu.memory_space<vmem>>
        %dma_start3A_597 = arith.constant 0 : i32
        %dma_start3A_598 = arith.constant 0 : i32
        %dma_start3A_599 = tpu.memref_slice %arg2[%dma_start3A_597, %dma_start3A_598] : memref<10112x16xf32, #tpu.memory_space<hbm>> -> memref<10112x16xf32, #tpu.memory_space<hbm>>
        tpu.enqueue_indirect_dma source(%dma_start3A_599 : memref<10112x16xf32, #tpu.memory_space<hbm>>) target(%dma_start3A_593 : memref<128x16xf32, #tpu.memory_space<vmem>>) offsets(%dma_start3A_596 : memref<128xi32, #tpu.memory_space<vmem>>) semaphore(%arg18 : memref<!tpu.dma_semaphore, #tpu.memory_space<semaphore_mem>>)
      } else {
      }
    }
    %scan3A_122 = arith.constant 9 : i32
    %gt3A = arith.constant 72 : i32
    %gt3A_123 = arith.cmpi sgt, %add3A_4, %gt3A : i32
    %convert_element_type3A_124 = arith.extui %gt3A_123 : i1 to i32
    %cond3A_125 = arith.constant 0 : i32
    %cond3A_126 = arith.cmpi ne, %convert_element_type3A_124, %cond3A_125 : i32
    scf.if %cond3A_126 {
      %dma_start3A_197 = arith.constant 72 : i32
      %dma_start3A_198 = arith.constant 0 : i32
      %dma_start3A_199 = arith.constant 0 : i32
      %dma_start3A_200 = arith.constant 0 : i32
      %dma_start3A_201 = tpu.memref_slice %arg8[%dma_start3A_198, %dma_start3A_199, %dma_start3A_200] : memref<8x128x16xf32, #tpu.memory_space<vmem>> -> memref<1x128x16xf32, #tpu.memory_space<vmem>>
      %dma_start3A_202 = tpu.memref_squeeze %dma_start3A_201 : memref<1x128x16xf32, #tpu.memory_space<vmem>> -> memref<128x16xf32, #tpu.memory_space<vmem>>
      %dma_start3A_203 = arith.constant 0 : i32
      %dma_start3A_204 = tpu.memref_slice %arg6[%dma_start3A_197, %dma_start3A_203] : memref<79x128xi32, #tpu.memory_space<vmem>> -> memref<1x128xi32, #tpu.memory_space<vmem>>
      %dma_start3A_205 = tpu.memref_squeeze %dma_start3A_204 : memref<1x128xi32, #tpu.memory_space<vmem>> -> memref<128xi32, #tpu.memory_space<vmem>>
      %dma_start3A_206 = arith.constant 0 : i32
      %dma_start3A_207 = arith.constant 0 : i32
      %dma_start3A_208 = tpu.memref_slice %arg2[%dma_start3A_206, %dma_start3A_207] : memref<10112x16xf32, #tpu.memory_space<hbm>> -> memref<10112x16xf32, #tpu.memory_space<hbm>>
      tpu.enqueue_indirect_dma source(%dma_start3A_208 : memref<10112x16xf32, #tpu.memory_space<hbm>>) target(%dma_start3A_202 : memref<128x16xf32, #tpu.memory_space<vmem>>) offsets(%dma_start3A_205 : memref<128xi32, #tpu.memory_space<vmem>>) semaphore(%arg11 : memref<!tpu.dma_semaphore, #tpu.memory_space<semaphore_mem>>)
    } else {
    }
    %gt3A_127 = arith.constant 73 : i32
    %gt3A_128 = arith.cmpi sgt, %add3A_4, %gt3A_127 : i32
    %convert_element_type3A_129 = arith.extui %gt3A_128 : i1 to i32
    %cond3A_130 = arith.constant 0 : i32
    %cond3A_131 = arith.cmpi ne, %convert_element_type3A_129, %cond3A_130 : i32
    scf.if %cond3A_131 {
      %dma_start3A_197 = arith.constant 73 : i32
      %dma_start3A_198 = arith.constant 1 : i32
      %dma_start3A_199 = arith.constant 0 : i32
      %dma_start3A_200 = arith.constant 0 : i32
      %dma_start3A_201 = tpu.memref_slice %arg8[%dma_start3A_198, %dma_start3A_199, %dma_start3A_200] : memref<8x128x16xf32, #tpu.memory_space<vmem>> -> memref<1x128x16xf32, #tpu.memory_space<vmem>>
      %dma_start3A_202 = tpu.memref_squeeze %dma_start3A_201 : memref<1x128x16xf32, #tpu.memory_space<vmem>> -> memref<128x16xf32, #tpu.memory_space<vmem>>
      %dma_start3A_203 = arith.constant 0 : i32
      %dma_start3A_204 = tpu.memref_slice %arg6[%dma_start3A_197, %dma_start3A_203] : memref<79x128xi32, #tpu.memory_space<vmem>> -> memref<1x128xi32, #tpu.memory_space<vmem>>
      %dma_start3A_205 = tpu.memref_squeeze %dma_start3A_204 : memref<1x128xi32, #tpu.memory_space<vmem>> -> memref<128xi32, #tpu.memory_space<vmem>>
      %dma_start3A_206 = arith.constant 0 : i32
      %dma_start3A_207 = arith.constant 0 : i32
      %dma_start3A_208 = tpu.memref_slice %arg2[%dma_start3A_206, %dma_start3A_207] : memref<10112x16xf32, #tpu.memory_space<hbm>> -> memref<10112x16xf32, #tpu.memory_space<hbm>>
      tpu.enqueue_indirect_dma source(%dma_start3A_208 : memref<10112x16xf32, #tpu.memory_space<hbm>>) target(%dma_start3A_202 : memref<128x16xf32, #tpu.memory_space<vmem>>) offsets(%dma_start3A_205 : memref<128xi32, #tpu.memory_space<vmem>>) semaphore(%arg12 : memref<!tpu.dma_semaphore, #tpu.memory_space<semaphore_mem>>)
    } else {
    }
    %gt3A_132 = arith.constant 74 : i32
    %gt3A_133 = arith.cmpi sgt, %add3A_4, %gt3A_132 : i32
    %convert_element_type3A_134 = arith.extui %gt3A_133 : i1 to i32
    %cond3A_135 = arith.constant 0 : i32
    %cond3A_136 = arith.cmpi ne, %convert_element_type3A_134, %cond3A_135 : i32
    scf.if %cond3A_136 {
      %dma_start3A_197 = arith.constant 74 : i32
      %dma_start3A_198 = arith.constant 2 : i32
      %dma_start3A_199 = arith.constant 0 : i32
      %dma_start3A_200 = arith.constant 0 : i32
      %dma_start3A_201 = tpu.memref_slice %arg8[%dma_start3A_198, %dma_start3A_199, %dma_start3A_200] : memref<8x128x16xf32, #tpu.memory_space<vmem>> -> memref<1x128x16xf32, #tpu.memory_space<vmem>>
      %dma_start3A_202 = tpu.memref_squeeze %dma_start3A_201 : memref<1x128x16xf32, #tpu.memory_space<vmem>> -> memref<128x16xf32, #tpu.memory_space<vmem>>
      %dma_start3A_203 = arith.constant 0 : i32
      %dma_start3A_204 = tpu.memref_slice %arg6[%dma_start3A_197, %dma_start3A_203] : memref<79x128xi32, #tpu.memory_space<vmem>> -> memref<1x128xi32, #tpu.memory_space<vmem>>
      %dma_start3A_205 = tpu.memref_squeeze %dma_start3A_204 : memref<1x128xi32, #tpu.memory_space<vmem>> -> memref<128xi32, #tpu.memory_space<vmem>>
      %dma_start3A_206 = arith.constant 0 : i32
      %dma_start3A_207 = arith.constant 0 : i32
      %dma_start3A_208 = tpu.memref_slice %arg2[%dma_start3A_206, %dma_start3A_207] : memref<10112x16xf32, #tpu.memory_space<hbm>> -> memref<10112x16xf32, #tpu.memory_space<hbm>>
      tpu.enqueue_indirect_dma source(%dma_start3A_208 : memref<10112x16xf32, #tpu.memory_space<hbm>>) target(%dma_start3A_202 : memref<128x16xf32, #tpu.memory_space<vmem>>) offsets(%dma_start3A_205 : memref<128xi32, #tpu.memory_space<vmem>>) semaphore(%arg13 : memref<!tpu.dma_semaphore, #tpu.memory_space<semaphore_mem>>)
    } else {
    }
    %gt3A_137 = arith.constant 75 : i32
    %gt3A_138 = arith.cmpi sgt, %add3A_4, %gt3A_137 : i32
    %convert_element_type3A_139 = arith.extui %gt3A_138 : i1 to i32
    %cond3A_140 = arith.constant 0 : i32
    %cond3A_141 = arith.cmpi ne, %convert_element_type3A_139, %cond3A_140 : i32
    scf.if %cond3A_141 {
      %dma_start3A_197 = arith.constant 75 : i32
      %dma_start3A_198 = arith.constant 3 : i32
      %dma_start3A_199 = arith.constant 0 : i32
      %dma_start3A_200 = arith.constant 0 : i32
      %dma_start3A_201 = tpu.memref_slice %arg8[%dma_start3A_198, %dma_start3A_199, %dma_start3A_200] : memref<8x128x16xf32, #tpu.memory_space<vmem>> -> memref<1x128x16xf32, #tpu.memory_space<vmem>>
      %dma_start3A_202 = tpu.memref_squeeze %dma_start3A_201 : memref<1x128x16xf32, #tpu.memory_space<vmem>> -> memref<128x16xf32, #tpu.memory_space<vmem>>
      %dma_start3A_203 = arith.constant 0 : i32
      %dma_start3A_204 = tpu.memref_slice %arg6[%dma_start3A_197, %dma_start3A_203] : memref<79x128xi32, #tpu.memory_space<vmem>> -> memref<1x128xi32, #tpu.memory_space<vmem>>
      %dma_start3A_205 = tpu.memref_squeeze %dma_start3A_204 : memref<1x128xi32, #tpu.memory_space<vmem>> -> memref<128xi32, #tpu.memory_space<vmem>>
      %dma_start3A_206 = arith.constant 0 : i32
      %dma_start3A_207 = arith.constant 0 : i32
      %dma_start3A_208 = tpu.memref_slice %arg2[%dma_start3A_206, %dma_start3A_207] : memref<10112x16xf32, #tpu.memory_space<hbm>> -> memref<10112x16xf32, #tpu.memory_space<hbm>>
      tpu.enqueue_indirect_dma source(%dma_start3A_208 : memref<10112x16xf32, #tpu.memory_space<hbm>>) target(%dma_start3A_202 : memref<128x16xf32, #tpu.memory_space<vmem>>) offsets(%dma_start3A_205 : memref<128xi32, #tpu.memory_space<vmem>>) semaphore(%arg14 : memref<!tpu.dma_semaphore, #tpu.memory_space<semaphore_mem>>)
    } else {
    }
    %gt3A_142 = arith.constant 76 : i32
    %gt3A_143 = arith.cmpi sgt, %add3A_4, %gt3A_142 : i32
    %convert_element_type3A_144 = arith.extui %gt3A_143 : i1 to i32
    %cond3A_145 = arith.constant 0 : i32
    %cond3A_146 = arith.cmpi ne, %convert_element_type3A_144, %cond3A_145 : i32
    scf.if %cond3A_146 {
      %dma_start3A_197 = arith.constant 76 : i32
      %dma_start3A_198 = arith.constant 4 : i32
      %dma_start3A_199 = arith.constant 0 : i32
      %dma_start3A_200 = arith.constant 0 : i32
      %dma_start3A_201 = tpu.memref_slice %arg8[%dma_start3A_198, %dma_start3A_199, %dma_start3A_200] : memref<8x128x16xf32, #tpu.memory_space<vmem>> -> memref<1x128x16xf32, #tpu.memory_space<vmem>>
      %dma_start3A_202 = tpu.memref_squeeze %dma_start3A_201 : memref<1x128x16xf32, #tpu.memory_space<vmem>> -> memref<128x16xf32, #tpu.memory_space<vmem>>
      %dma_start3A_203 = arith.constant 0 : i32
      %dma_start3A_204 = tpu.memref_slice %arg6[%dma_start3A_197, %dma_start3A_203] : memref<79x128xi32, #tpu.memory_space<vmem>> -> memref<1x128xi32, #tpu.memory_space<vmem>>
      %dma_start3A_205 = tpu.memref_squeeze %dma_start3A_204 : memref<1x128xi32, #tpu.memory_space<vmem>> -> memref<128xi32, #tpu.memory_space<vmem>>
      %dma_start3A_206 = arith.constant 0 : i32
      %dma_start3A_207 = arith.constant 0 : i32
      %dma_start3A_208 = tpu.memref_slice %arg2[%dma_start3A_206, %dma_start3A_207] : memref<10112x16xf32, #tpu.memory_space<hbm>> -> memref<10112x16xf32, #tpu.memory_space<hbm>>
      tpu.enqueue_indirect_dma source(%dma_start3A_208 : memref<10112x16xf32, #tpu.memory_space<hbm>>) target(%dma_start3A_202 : memref<128x16xf32, #tpu.memory_space<vmem>>) offsets(%dma_start3A_205 : memref<128xi32, #tpu.memory_space<vmem>>) semaphore(%arg15 : memref<!tpu.dma_semaphore, #tpu.memory_space<semaphore_mem>>)
    } else {
    }
    %gt3A_147 = arith.constant 77 : i32
    %gt3A_148 = arith.cmpi sgt, %add3A_4, %gt3A_147 : i32
    %convert_element_type3A_149 = arith.extui %gt3A_148 : i1 to i32
    %cond3A_150 = arith.constant 0 : i32
    %cond3A_151 = arith.cmpi ne, %convert_element_type3A_149, %cond3A_150 : i32
    scf.if %cond3A_151 {
      %dma_start3A_197 = arith.constant 77 : i32
      %dma_start3A_198 = arith.constant 5 : i32
      %dma_start3A_199 = arith.constant 0 : i32
      %dma_start3A_200 = arith.constant 0 : i32
      %dma_start3A_201 = tpu.memref_slice %arg8[%dma_start3A_198, %dma_start3A_199, %dma_start3A_200] : memref<8x128x16xf32, #tpu.memory_space<vmem>> -> memref<1x128x16xf32, #tpu.memory_space<vmem>>
      %dma_start3A_202 = tpu.memref_squeeze %dma_start3A_201 : memref<1x128x16xf32, #tpu.memory_space<vmem>> -> memref<128x16xf32, #tpu.memory_space<vmem>>
      %dma_start3A_203 = arith.constant 0 : i32
      %dma_start3A_204 = tpu.memref_slice %arg6[%dma_start3A_197, %dma_start3A_203] : memref<79x128xi32, #tpu.memory_space<vmem>> -> memref<1x128xi32, #tpu.memory_space<vmem>>
      %dma_start3A_205 = tpu.memref_squeeze %dma_start3A_204 : memref<1x128xi32, #tpu.memory_space<vmem>> -> memref<128xi32, #tpu.memory_space<vmem>>
      %dma_start3A_206 = arith.constant 0 : i32
      %dma_start3A_207 = arith.constant 0 : i32
      %dma_start3A_208 = tpu.memref_slice %arg2[%dma_start3A_206, %dma_start3A_207] : memref<10112x16xf32, #tpu.memory_space<hbm>> -> memref<10112x16xf32, #tpu.memory_space<hbm>>
      tpu.enqueue_indirect_dma source(%dma_start3A_208 : memref<10112x16xf32, #tpu.memory_space<hbm>>) target(%dma_start3A_202 : memref<128x16xf32, #tpu.memory_space<vmem>>) offsets(%dma_start3A_205 : memref<128xi32, #tpu.memory_space<vmem>>) semaphore(%arg16 : memref<!tpu.dma_semaphore, #tpu.memory_space<semaphore_mem>>)
    } else {
    }
    %gt3A_152 = arith.constant 78 : i32
    %gt3A_153 = arith.cmpi sgt, %add3A_4, %gt3A_152 : i32
    %convert_element_type3A_154 = arith.extui %gt3A_153 : i1 to i32
    %cond3A_155 = arith.constant 0 : i32
    %cond3A_156 = arith.cmpi ne, %convert_element_type3A_154, %cond3A_155 : i32
    scf.if %cond3A_156 {
      %dma_start3A_197 = arith.constant 78 : i32
      %dma_start3A_198 = arith.constant 6 : i32
      %dma_start3A_199 = arith.constant 0 : i32
      %dma_start3A_200 = arith.constant 0 : i32
      %dma_start3A_201 = tpu.memref_slice %arg8[%dma_start3A_198, %dma_start3A_199, %dma_start3A_200] : memref<8x128x16xf32, #tpu.memory_space<vmem>> -> memref<1x128x16xf32, #tpu.memory_space<vmem>>
      %dma_start3A_202 = tpu.memref_squeeze %dma_start3A_201 : memref<1x128x16xf32, #tpu.memory_space<vmem>> -> memref<128x16xf32, #tpu.memory_space<vmem>>
      %dma_start3A_203 = arith.constant 0 : i32
      %dma_start3A_204 = tpu.memref_slice %arg6[%dma_start3A_197, %dma_start3A_203] : memref<79x128xi32, #tpu.memory_space<vmem>> -> memref<1x128xi32, #tpu.memory_space<vmem>>
      %dma_start3A_205 = tpu.memref_squeeze %dma_start3A_204 : memref<1x128xi32, #tpu.memory_space<vmem>> -> memref<128xi32, #tpu.memory_space<vmem>>
      %dma_start3A_206 = arith.constant 0 : i32
      %dma_start3A_207 = arith.constant 0 : i32
      %dma_start3A_208 = tpu.memref_slice %arg2[%dma_start3A_206, %dma_start3A_207] : memref<10112x16xf32, #tpu.memory_space<hbm>> -> memref<10112x16xf32, #tpu.memory_space<hbm>>
      tpu.enqueue_indirect_dma source(%dma_start3A_208 : memref<10112x16xf32, #tpu.memory_space<hbm>>) target(%dma_start3A_202 : memref<128x16xf32, #tpu.memory_space<vmem>>) offsets(%dma_start3A_205 : memref<128xi32, #tpu.memory_space<vmem>>) semaphore(%arg17 : memref<!tpu.dma_semaphore, #tpu.memory_space<semaphore_mem>>)
    } else {
    }
    %gt3A_157 = arith.constant 72 : i32
    %gt3A_158 = arith.cmpi sgt, %add3A_4, %gt3A_157 : i32
    %convert_element_type3A_159 = arith.extui %gt3A_158 : i1 to i32
    %cond3A_160 = arith.constant 0 : i32
    %cond3A_161 = arith.cmpi ne, %convert_element_type3A_159, %cond3A_160 : i32
    scf.if %cond3A_161 {
      %dma_wait3A = arith.constant 72 : i32
      %dma_wait3A_197 = arith.constant 0 : i32
      %dma_wait3A_198 = arith.constant 0 : i32
      %dma_wait3A_199 = arith.constant 0 : i32
      %dma_wait3A_200 = tpu.memref_slice %arg8[%dma_wait3A_197, %dma_wait3A_198, %dma_wait3A_199] : memref<8x128x16xf32, #tpu.memory_space<vmem>> -> memref<1x128x16xf32, #tpu.memory_space<vmem>>
      %dma_wait3A_201 = tpu.memref_squeeze %dma_wait3A_200 : memref<1x128x16xf32, #tpu.memory_space<vmem>> -> memref<128x16xf32, #tpu.memory_space<vmem>>
      %dma_wait3A_202 = arith.constant 0 : i32
      %dma_wait3A_203 = tpu.memref_slice %arg6[%dma_wait3A, %dma_wait3A_202] : memref<79x128xi32, #tpu.memory_space<vmem>> -> memref<1x128xi32, #tpu.memory_space<vmem>>
      %dma_wait3A_204 = tpu.memref_squeeze %dma_wait3A_203 : memref<1x128xi32, #tpu.memory_space<vmem>> -> memref<128xi32, #tpu.memory_space<vmem>>
      %dma_wait3A_205 = arith.constant 0 : i32
      %dma_wait3A_206 = arith.constant 0 : i32
      %dma_wait3A_207 = tpu.memref_slice %arg2[%dma_wait3A_205, %dma_wait3A_206] : memref<10112x16xf32, #tpu.memory_space<hbm>> -> memref<10112x16xf32, #tpu.memory_space<hbm>>
      tpu.wait_indirect_dma semaphore(%arg11 : memref<!tpu.dma_semaphore, #tpu.memory_space<semaphore_mem>>) src(%dma_wait3A_207 : memref<10112x16xf32, #tpu.memory_space<hbm>>) dst(%dma_wait3A_201 : memref<128x16xf32, #tpu.memory_space<vmem>>)
      %run_scoped3A = arith.constant 0 : i32
      %run_scoped3A_208 = arith.constant 72 : i32
      "tpu.region"() ({
        %run_scoped3A_209 = tpu.sem_alloc : memref<!tpu.dma_semaphore, #tpu.memory_space<semaphore_mem>>
        %dma_start3A_210 = arith.constant 0 : i32
        %dma_start3A_211 = arith.constant 0 : i32
        %dma_start3A_212 = tpu.memref_slice %arg8[%run_scoped3A, %dma_start3A_210, %dma_start3A_211] : memref<8x128x16xf32, #tpu.memory_space<vmem>> -> memref<1x128x16xf32, #tpu.memory_space<vmem>>
        %dma_start3A_213 = tpu.memref_squeeze %dma_start3A_212 : memref<1x128x16xf32, #tpu.memory_space<vmem>> -> memref<128x16xf32, #tpu.memory_space<vmem>>
        %dma_start3A_214 = arith.constant 0 : i32
        %dma_start3A_215 = tpu.memref_slice %arg7[%run_scoped3A_208, %dma_start3A_214] : memref<79x128xi32, #tpu.memory_space<vmem>> -> memref<1x128xi32, #tpu.memory_space<vmem>>
        %dma_start3A_216 = tpu.memref_squeeze %dma_start3A_215 : memref<1x128xi32, #tpu.memory_space<vmem>> -> memref<128xi32, #tpu.memory_space<vmem>>
        %dma_start3A_217 = arith.constant 0 : i32
        %dma_start3A_218 = arith.constant 0 : i32
        %dma_start3A_219 = tpu.memref_slice %arg10[%dma_start3A_217, %dma_start3A_218] : memref<10112x16xf32, #tpu.memory_space<vmem_shared>> -> memref<10112x16xf32, #tpu.memory_space<vmem_shared>>
        tpu.enqueue_indirect_dma source(%dma_start3A_213 : memref<128x16xf32, #tpu.memory_space<vmem>>) target(%dma_start3A_219 : memref<10112x16xf32, #tpu.memory_space<vmem_shared>>) offsets(%dma_start3A_216 : memref<128xi32, #tpu.memory_space<vmem>>) semaphore(%run_scoped3A_209 : memref<!tpu.dma_semaphore, #tpu.memory_space<semaphore_mem>>) {add = true}
        %dma_wait3A_220 = arith.constant 0 : i32
        %dma_wait3A_221 = arith.constant 0 : i32
        %dma_wait3A_222 = tpu.memref_slice %arg8[%run_scoped3A, %dma_wait3A_220, %dma_wait3A_221] : memref<8x128x16xf32, #tpu.memory_space<vmem>> -> memref<1x128x16xf32, #tpu.memory_space<vmem>>
        %dma_wait3A_223 = tpu.memref_squeeze %dma_wait3A_222 : memref<1x128x16xf32, #tpu.memory_space<vmem>> -> memref<128x16xf32, #tpu.memory_space<vmem>>
        %dma_wait3A_224 = arith.constant 0 : i32
        %dma_wait3A_225 = tpu.memref_slice %arg7[%run_scoped3A_208, %dma_wait3A_224] : memref<79x128xi32, #tpu.memory_space<vmem>> -> memref<1x128xi32, #tpu.memory_space<vmem>>
        %dma_wait3A_226 = tpu.memref_squeeze %dma_wait3A_225 : memref<1x128xi32, #tpu.memory_space<vmem>> -> memref<128xi32, #tpu.memory_space<vmem>>
        %dma_wait3A_227 = arith.constant 0 : i32
        %dma_wait3A_228 = arith.constant 0 : i32
        %dma_wait3A_229 = tpu.memref_slice %arg10[%dma_wait3A_227, %dma_wait3A_228] : memref<10112x16xf32, #tpu.memory_space<vmem_shared>> -> memref<10112x16xf32, #tpu.memory_space<vmem_shared>>
        tpu.wait_indirect_dma semaphore(%run_scoped3A_209 : memref<!tpu.dma_semaphore, #tpu.memory_space<semaphore_mem>>) src(%dma_wait3A_223 : memref<128x16xf32, #tpu.memory_space<vmem>>) dst(%dma_wait3A_229 : memref<10112x16xf32, #tpu.memory_space<vmem_shared>>)
        tpu.yield
      }) : () -> ()
    } else {
    }
    %gt3A_162 = arith.constant 73 : i32
    %gt3A_163 = arith.cmpi sgt, %add3A_4, %gt3A_162 : i32
    %convert_element_type3A_164 = arith.extui %gt3A_163 : i1 to i32
    %cond3A_165 = arith.constant 0 : i32
    %cond3A_166 = arith.cmpi ne, %convert_element_type3A_164, %cond3A_165 : i32
    scf.if %cond3A_166 {
      %dma_wait3A = arith.constant 73 : i32
      %dma_wait3A_197 = arith.constant 1 : i32
      %dma_wait3A_198 = arith.constant 0 : i32
      %dma_wait3A_199 = arith.constant 0 : i32
      %dma_wait3A_200 = tpu.memref_slice %arg8[%dma_wait3A_197, %dma_wait3A_198, %dma_wait3A_199] : memref<8x128x16xf32, #tpu.memory_space<vmem>> -> memref<1x128x16xf32, #tpu.memory_space<vmem>>
      %dma_wait3A_201 = tpu.memref_squeeze %dma_wait3A_200 : memref<1x128x16xf32, #tpu.memory_space<vmem>> -> memref<128x16xf32, #tpu.memory_space<vmem>>
      %dma_wait3A_202 = arith.constant 0 : i32
      %dma_wait3A_203 = tpu.memref_slice %arg6[%dma_wait3A, %dma_wait3A_202] : memref<79x128xi32, #tpu.memory_space<vmem>> -> memref<1x128xi32, #tpu.memory_space<vmem>>
      %dma_wait3A_204 = tpu.memref_squeeze %dma_wait3A_203 : memref<1x128xi32, #tpu.memory_space<vmem>> -> memref<128xi32, #tpu.memory_space<vmem>>
      %dma_wait3A_205 = arith.constant 0 : i32
      %dma_wait3A_206 = arith.constant 0 : i32
      %dma_wait3A_207 = tpu.memref_slice %arg2[%dma_wait3A_205, %dma_wait3A_206] : memref<10112x16xf32, #tpu.memory_space<hbm>> -> memref<10112x16xf32, #tpu.memory_space<hbm>>
      tpu.wait_indirect_dma semaphore(%arg12 : memref<!tpu.dma_semaphore, #tpu.memory_space<semaphore_mem>>) src(%dma_wait3A_207 : memref<10112x16xf32, #tpu.memory_space<hbm>>) dst(%dma_wait3A_201 : memref<128x16xf32, #tpu.memory_space<vmem>>)
      %run_scoped3A = arith.constant 1 : i32
      %run_scoped3A_208 = arith.constant 73 : i32
      "tpu.region"() ({
        %run_scoped3A_209 = tpu.sem_alloc : memref<!tpu.dma_semaphore, #tpu.memory_space<semaphore_mem>>
        %dma_start3A_210 = arith.constant 0 : i32
        %dma_start3A_211 = arith.constant 0 : i32
        %dma_start3A_212 = tpu.memref_slice %arg8[%run_scoped3A, %dma_start3A_210, %dma_start3A_211] : memref<8x128x16xf32, #tpu.memory_space<vmem>> -> memref<1x128x16xf32, #tpu.memory_space<vmem>>
        %dma_start3A_213 = tpu.memref_squeeze %dma_start3A_212 : memref<1x128x16xf32, #tpu.memory_space<vmem>> -> memref<128x16xf32, #tpu.memory_space<vmem>>
        %dma_start3A_214 = arith.constant 0 : i32
        %dma_start3A_215 = tpu.memref_slice %arg7[%run_scoped3A_208, %dma_start3A_214] : memref<79x128xi32, #tpu.memory_space<vmem>> -> memref<1x128xi32, #tpu.memory_space<vmem>>
        %dma_start3A_216 = tpu.memref_squeeze %dma_start3A_215 : memref<1x128xi32, #tpu.memory_space<vmem>> -> memref<128xi32, #tpu.memory_space<vmem>>
        %dma_start3A_217 = arith.constant 0 : i32
        %dma_start3A_218 = arith.constant 0 : i32
        %dma_start3A_219 = tpu.memref_slice %arg10[%dma_start3A_217, %dma_start3A_218] : memref<10112x16xf32, #tpu.memory_space<vmem_shared>> -> memref<10112x16xf32, #tpu.memory_space<vmem_shared>>
        tpu.enqueue_indirect_dma source(%dma_start3A_213 : memref<128x16xf32, #tpu.memory_space<vmem>>) target(%dma_start3A_219 : memref<10112x16xf32, #tpu.memory_space<vmem_shared>>) offsets(%dma_start3A_216 : memref<128xi32, #tpu.memory_space<vmem>>) semaphore(%run_scoped3A_209 : memref<!tpu.dma_semaphore, #tpu.memory_space<semaphore_mem>>) {add = true}
        %dma_wait3A_220 = arith.constant 0 : i32
        %dma_wait3A_221 = arith.constant 0 : i32
        %dma_wait3A_222 = tpu.memref_slice %arg8[%run_scoped3A, %dma_wait3A_220, %dma_wait3A_221] : memref<8x128x16xf32, #tpu.memory_space<vmem>> -> memref<1x128x16xf32, #tpu.memory_space<vmem>>
        %dma_wait3A_223 = tpu.memref_squeeze %dma_wait3A_222 : memref<1x128x16xf32, #tpu.memory_space<vmem>> -> memref<128x16xf32, #tpu.memory_space<vmem>>
        %dma_wait3A_224 = arith.constant 0 : i32
        %dma_wait3A_225 = tpu.memref_slice %arg7[%run_scoped3A_208, %dma_wait3A_224] : memref<79x128xi32, #tpu.memory_space<vmem>> -> memref<1x128xi32, #tpu.memory_space<vmem>>
        %dma_wait3A_226 = tpu.memref_squeeze %dma_wait3A_225 : memref<1x128xi32, #tpu.memory_space<vmem>> -> memref<128xi32, #tpu.memory_space<vmem>>
        %dma_wait3A_227 = arith.constant 0 : i32
        %dma_wait3A_228 = arith.constant 0 : i32
        %dma_wait3A_229 = tpu.memref_slice %arg10[%dma_wait3A_227, %dma_wait3A_228] : memref<10112x16xf32, #tpu.memory_space<vmem_shared>> -> memref<10112x16xf32, #tpu.memory_space<vmem_shared>>
        tpu.wait_indirect_dma semaphore(%run_scoped3A_209 : memref<!tpu.dma_semaphore, #tpu.memory_space<semaphore_mem>>) src(%dma_wait3A_223 : memref<128x16xf32, #tpu.memory_space<vmem>>) dst(%dma_wait3A_229 : memref<10112x16xf32, #tpu.memory_space<vmem_shared>>)
        tpu.yield
      }) : () -> ()
    } else {
    }
    %gt3A_167 = arith.constant 74 : i32
    %gt3A_168 = arith.cmpi sgt, %add3A_4, %gt3A_167 : i32
    %convert_element_type3A_169 = arith.extui %gt3A_168 : i1 to i32
    %cond3A_170 = arith.constant 0 : i32
    %cond3A_171 = arith.cmpi ne, %convert_element_type3A_169, %cond3A_170 : i32
    scf.if %cond3A_171 {
      %dma_wait3A = arith.constant 74 : i32
      %dma_wait3A_197 = arith.constant 2 : i32
      %dma_wait3A_198 = arith.constant 0 : i32
      %dma_wait3A_199 = arith.constant 0 : i32
      %dma_wait3A_200 = tpu.memref_slice %arg8[%dma_wait3A_197, %dma_wait3A_198, %dma_wait3A_199] : memref<8x128x16xf32, #tpu.memory_space<vmem>> -> memref<1x128x16xf32, #tpu.memory_space<vmem>>
      %dma_wait3A_201 = tpu.memref_squeeze %dma_wait3A_200 : memref<1x128x16xf32, #tpu.memory_space<vmem>> -> memref<128x16xf32, #tpu.memory_space<vmem>>
      %dma_wait3A_202 = arith.constant 0 : i32
      %dma_wait3A_203 = tpu.memref_slice %arg6[%dma_wait3A, %dma_wait3A_202] : memref<79x128xi32, #tpu.memory_space<vmem>> -> memref<1x128xi32, #tpu.memory_space<vmem>>
      %dma_wait3A_204 = tpu.memref_squeeze %dma_wait3A_203 : memref<1x128xi32, #tpu.memory_space<vmem>> -> memref<128xi32, #tpu.memory_space<vmem>>
      %dma_wait3A_205 = arith.constant 0 : i32
      %dma_wait3A_206 = arith.constant 0 : i32
      %dma_wait3A_207 = tpu.memref_slice %arg2[%dma_wait3A_205, %dma_wait3A_206] : memref<10112x16xf32, #tpu.memory_space<hbm>> -> memref<10112x16xf32, #tpu.memory_space<hbm>>
      tpu.wait_indirect_dma semaphore(%arg13 : memref<!tpu.dma_semaphore, #tpu.memory_space<semaphore_mem>>) src(%dma_wait3A_207 : memref<10112x16xf32, #tpu.memory_space<hbm>>) dst(%dma_wait3A_201 : memref<128x16xf32, #tpu.memory_space<vmem>>)
      %run_scoped3A = arith.constant 2 : i32
      %run_scoped3A_208 = arith.constant 74 : i32
      "tpu.region"() ({
        %run_scoped3A_209 = tpu.sem_alloc : memref<!tpu.dma_semaphore, #tpu.memory_space<semaphore_mem>>
        %dma_start3A_210 = arith.constant 0 : i32
        %dma_start3A_211 = arith.constant 0 : i32
        %dma_start3A_212 = tpu.memref_slice %arg8[%run_scoped3A, %dma_start3A_210, %dma_start3A_211] : memref<8x128x16xf32, #tpu.memory_space<vmem>> -> memref<1x128x16xf32, #tpu.memory_space<vmem>>
        %dma_start3A_213 = tpu.memref_squeeze %dma_start3A_212 : memref<1x128x16xf32, #tpu.memory_space<vmem>> -> memref<128x16xf32, #tpu.memory_space<vmem>>
        %dma_start3A_214 = arith.constant 0 : i32
        %dma_start3A_215 = tpu.memref_slice %arg7[%run_scoped3A_208, %dma_start3A_214] : memref<79x128xi32, #tpu.memory_space<vmem>> -> memref<1x128xi32, #tpu.memory_space<vmem>>
        %dma_start3A_216 = tpu.memref_squeeze %dma_start3A_215 : memref<1x128xi32, #tpu.memory_space<vmem>> -> memref<128xi32, #tpu.memory_space<vmem>>
        %dma_start3A_217 = arith.constant 0 : i32
        %dma_start3A_218 = arith.constant 0 : i32
        %dma_start3A_219 = tpu.memref_slice %arg10[%dma_start3A_217, %dma_start3A_218] : memref<10112x16xf32, #tpu.memory_space<vmem_shared>> -> memref<10112x16xf32, #tpu.memory_space<vmem_shared>>
        tpu.enqueue_indirect_dma source(%dma_start3A_213 : memref<128x16xf32, #tpu.memory_space<vmem>>) target(%dma_start3A_219 : memref<10112x16xf32, #tpu.memory_space<vmem_shared>>) offsets(%dma_start3A_216 : memref<128xi32, #tpu.memory_space<vmem>>) semaphore(%run_scoped3A_209 : memref<!tpu.dma_semaphore, #tpu.memory_space<semaphore_mem>>) {add = true}
        %dma_wait3A_220 = arith.constant 0 : i32
        %dma_wait3A_221 = arith.constant 0 : i32
        %dma_wait3A_222 = tpu.memref_slice %arg8[%run_scoped3A, %dma_wait3A_220, %dma_wait3A_221] : memref<8x128x16xf32, #tpu.memory_space<vmem>> -> memref<1x128x16xf32, #tpu.memory_space<vmem>>
        %dma_wait3A_223 = tpu.memref_squeeze %dma_wait3A_222 : memref<1x128x16xf32, #tpu.memory_space<vmem>> -> memref<128x16xf32, #tpu.memory_space<vmem>>
        %dma_wait3A_224 = arith.constant 0 : i32
        %dma_wait3A_225 = tpu.memref_slice %arg7[%run_scoped3A_208, %dma_wait3A_224] : memref<79x128xi32, #tpu.memory_space<vmem>> -> memref<1x128xi32, #tpu.memory_space<vmem>>
        %dma_wait3A_226 = tpu.memref_squeeze %dma_wait3A_225 : memref<1x128xi32, #tpu.memory_space<vmem>> -> memref<128xi32, #tpu.memory_space<vmem>>
        %dma_wait3A_227 = arith.constant 0 : i32
        %dma_wait3A_228 = arith.constant 0 : i32
        %dma_wait3A_229 = tpu.memref_slice %arg10[%dma_wait3A_227, %dma_wait3A_228] : memref<10112x16xf32, #tpu.memory_space<vmem_shared>> -> memref<10112x16xf32, #tpu.memory_space<vmem_shared>>
        tpu.wait_indirect_dma semaphore(%run_scoped3A_209 : memref<!tpu.dma_semaphore, #tpu.memory_space<semaphore_mem>>) src(%dma_wait3A_223 : memref<128x16xf32, #tpu.memory_space<vmem>>) dst(%dma_wait3A_229 : memref<10112x16xf32, #tpu.memory_space<vmem_shared>>)
        tpu.yield
      }) : () -> ()
    } else {
    }
    %gt3A_172 = arith.constant 75 : i32
    %gt3A_173 = arith.cmpi sgt, %add3A_4, %gt3A_172 : i32
    %convert_element_type3A_174 = arith.extui %gt3A_173 : i1 to i32
    %cond3A_175 = arith.constant 0 : i32
    %cond3A_176 = arith.cmpi ne, %convert_element_type3A_174, %cond3A_175 : i32
    scf.if %cond3A_176 {
      %dma_wait3A = arith.constant 75 : i32
      %dma_wait3A_197 = arith.constant 3 : i32
      %dma_wait3A_198 = arith.constant 0 : i32
      %dma_wait3A_199 = arith.constant 0 : i32
      %dma_wait3A_200 = tpu.memref_slice %arg8[%dma_wait3A_197, %dma_wait3A_198, %dma_wait3A_199] : memref<8x128x16xf32, #tpu.memory_space<vmem>> -> memref<1x128x16xf32, #tpu.memory_space<vmem>>
      %dma_wait3A_201 = tpu.memref_squeeze %dma_wait3A_200 : memref<1x128x16xf32, #tpu.memory_space<vmem>> -> memref<128x16xf32, #tpu.memory_space<vmem>>
      %dma_wait3A_202 = arith.constant 0 : i32
      %dma_wait3A_203 = tpu.memref_slice %arg6[%dma_wait3A, %dma_wait3A_202] : memref<79x128xi32, #tpu.memory_space<vmem>> -> memref<1x128xi32, #tpu.memory_space<vmem>>
      %dma_wait3A_204 = tpu.memref_squeeze %dma_wait3A_203 : memref<1x128xi32, #tpu.memory_space<vmem>> -> memref<128xi32, #tpu.memory_space<vmem>>
      %dma_wait3A_205 = arith.constant 0 : i32
      %dma_wait3A_206 = arith.constant 0 : i32
      %dma_wait3A_207 = tpu.memref_slice %arg2[%dma_wait3A_205, %dma_wait3A_206] : memref<10112x16xf32, #tpu.memory_space<hbm>> -> memref<10112x16xf32, #tpu.memory_space<hbm>>
      tpu.wait_indirect_dma semaphore(%arg14 : memref<!tpu.dma_semaphore, #tpu.memory_space<semaphore_mem>>) src(%dma_wait3A_207 : memref<10112x16xf32, #tpu.memory_space<hbm>>) dst(%dma_wait3A_201 : memref<128x16xf32, #tpu.memory_space<vmem>>)
      %run_scoped3A = arith.constant 3 : i32
      %run_scoped3A_208 = arith.constant 75 : i32
      "tpu.region"() ({
        %run_scoped3A_209 = tpu.sem_alloc : memref<!tpu.dma_semaphore, #tpu.memory_space<semaphore_mem>>
        %dma_start3A_210 = arith.constant 0 : i32
        %dma_start3A_211 = arith.constant 0 : i32
        %dma_start3A_212 = tpu.memref_slice %arg8[%run_scoped3A, %dma_start3A_210, %dma_start3A_211] : memref<8x128x16xf32, #tpu.memory_space<vmem>> -> memref<1x128x16xf32, #tpu.memory_space<vmem>>
        %dma_start3A_213 = tpu.memref_squeeze %dma_start3A_212 : memref<1x128x16xf32, #tpu.memory_space<vmem>> -> memref<128x16xf32, #tpu.memory_space<vmem>>
        %dma_start3A_214 = arith.constant 0 : i32
        %dma_start3A_215 = tpu.memref_slice %arg7[%run_scoped3A_208, %dma_start3A_214] : memref<79x128xi32, #tpu.memory_space<vmem>> -> memref<1x128xi32, #tpu.memory_space<vmem>>
        %dma_start3A_216 = tpu.memref_squeeze %dma_start3A_215 : memref<1x128xi32, #tpu.memory_space<vmem>> -> memref<128xi32, #tpu.memory_space<vmem>>
        %dma_start3A_217 = arith.constant 0 : i32
        %dma_start3A_218 = arith.constant 0 : i32
        %dma_start3A_219 = tpu.memref_slice %arg10[%dma_start3A_217, %dma_start3A_218] : memref<10112x16xf32, #tpu.memory_space<vmem_shared>> -> memref<10112x16xf32, #tpu.memory_space<vmem_shared>>
        tpu.enqueue_indirect_dma source(%dma_start3A_213 : memref<128x16xf32, #tpu.memory_space<vmem>>) target(%dma_start3A_219 : memref<10112x16xf32, #tpu.memory_space<vmem_shared>>) offsets(%dma_start3A_216 : memref<128xi32, #tpu.memory_space<vmem>>) semaphore(%run_scoped3A_209 : memref<!tpu.dma_semaphore, #tpu.memory_space<semaphore_mem>>) {add = true}
        %dma_wait3A_220 = arith.constant 0 : i32
        %dma_wait3A_221 = arith.constant 0 : i32
        %dma_wait3A_222 = tpu.memref_slice %arg8[%run_scoped3A, %dma_wait3A_220, %dma_wait3A_221] : memref<8x128x16xf32, #tpu.memory_space<vmem>> -> memref<1x128x16xf32, #tpu.memory_space<vmem>>
        %dma_wait3A_223 = tpu.memref_squeeze %dma_wait3A_222 : memref<1x128x16xf32, #tpu.memory_space<vmem>> -> memref<128x16xf32, #tpu.memory_space<vmem>>
        %dma_wait3A_224 = arith.constant 0 : i32
        %dma_wait3A_225 = tpu.memref_slice %arg7[%run_scoped3A_208, %dma_wait3A_224] : memref<79x128xi32, #tpu.memory_space<vmem>> -> memref<1x128xi32, #tpu.memory_space<vmem>>
        %dma_wait3A_226 = tpu.memref_squeeze %dma_wait3A_225 : memref<1x128xi32, #tpu.memory_space<vmem>> -> memref<128xi32, #tpu.memory_space<vmem>>
        %dma_wait3A_227 = arith.constant 0 : i32
        %dma_wait3A_228 = arith.constant 0 : i32
        %dma_wait3A_229 = tpu.memref_slice %arg10[%dma_wait3A_227, %dma_wait3A_228] : memref<10112x16xf32, #tpu.memory_space<vmem_shared>> -> memref<10112x16xf32, #tpu.memory_space<vmem_shared>>
        tpu.wait_indirect_dma semaphore(%run_scoped3A_209 : memref<!tpu.dma_semaphore, #tpu.memory_space<semaphore_mem>>) src(%dma_wait3A_223 : memref<128x16xf32, #tpu.memory_space<vmem>>) dst(%dma_wait3A_229 : memref<10112x16xf32, #tpu.memory_space<vmem_shared>>)
        tpu.yield
      }) : () -> ()
    } else {
    }
    %gt3A_177 = arith.constant 76 : i32
    %gt3A_178 = arith.cmpi sgt, %add3A_4, %gt3A_177 : i32
    %convert_element_type3A_179 = arith.extui %gt3A_178 : i1 to i32
    %cond3A_180 = arith.constant 0 : i32
    %cond3A_181 = arith.cmpi ne, %convert_element_type3A_179, %cond3A_180 : i32
    scf.if %cond3A_181 {
      %dma_wait3A = arith.constant 76 : i32
      %dma_wait3A_197 = arith.constant 4 : i32
      %dma_wait3A_198 = arith.constant 0 : i32
      %dma_wait3A_199 = arith.constant 0 : i32
      %dma_wait3A_200 = tpu.memref_slice %arg8[%dma_wait3A_197, %dma_wait3A_198, %dma_wait3A_199] : memref<8x128x16xf32, #tpu.memory_space<vmem>> -> memref<1x128x16xf32, #tpu.memory_space<vmem>>
      %dma_wait3A_201 = tpu.memref_squeeze %dma_wait3A_200 : memref<1x128x16xf32, #tpu.memory_space<vmem>> -> memref<128x16xf32, #tpu.memory_space<vmem>>
      %dma_wait3A_202 = arith.constant 0 : i32
      %dma_wait3A_203 = tpu.memref_slice %arg6[%dma_wait3A, %dma_wait3A_202] : memref<79x128xi32, #tpu.memory_space<vmem>> -> memref<1x128xi32, #tpu.memory_space<vmem>>
      %dma_wait3A_204 = tpu.memref_squeeze %dma_wait3A_203 : memref<1x128xi32, #tpu.memory_space<vmem>> -> memref<128xi32, #tpu.memory_space<vmem>>
      %dma_wait3A_205 = arith.constant 0 : i32
      %dma_wait3A_206 = arith.constant 0 : i32
      %dma_wait3A_207 = tpu.memref_slice %arg2[%dma_wait3A_205, %dma_wait3A_206] : memref<10112x16xf32, #tpu.memory_space<hbm>> -> memref<10112x16xf32, #tpu.memory_space<hbm>>
      tpu.wait_indirect_dma semaphore(%arg15 : memref<!tpu.dma_semaphore, #tpu.memory_space<semaphore_mem>>) src(%dma_wait3A_207 : memref<10112x16xf32, #tpu.memory_space<hbm>>) dst(%dma_wait3A_201 : memref<128x16xf32, #tpu.memory_space<vmem>>)
      %run_scoped3A = arith.constant 4 : i32
      %run_scoped3A_208 = arith.constant 76 : i32
      "tpu.region"() ({
        %run_scoped3A_209 = tpu.sem_alloc : memref<!tpu.dma_semaphore, #tpu.memory_space<semaphore_mem>>
        %dma_start3A_210 = arith.constant 0 : i32
        %dma_start3A_211 = arith.constant 0 : i32
        %dma_start3A_212 = tpu.memref_slice %arg8[%run_scoped3A, %dma_start3A_210, %dma_start3A_211] : memref<8x128x16xf32, #tpu.memory_space<vmem>> -> memref<1x128x16xf32, #tpu.memory_space<vmem>>
        %dma_start3A_213 = tpu.memref_squeeze %dma_start3A_212 : memref<1x128x16xf32, #tpu.memory_space<vmem>> -> memref<128x16xf32, #tpu.memory_space<vmem>>
        %dma_start3A_214 = arith.constant 0 : i32
        %dma_start3A_215 = tpu.memref_slice %arg7[%run_scoped3A_208, %dma_start3A_214] : memref<79x128xi32, #tpu.memory_space<vmem>> -> memref<1x128xi32, #tpu.memory_space<vmem>>
        %dma_start3A_216 = tpu.memref_squeeze %dma_start3A_215 : memref<1x128xi32, #tpu.memory_space<vmem>> -> memref<128xi32, #tpu.memory_space<vmem>>
        %dma_start3A_217 = arith.constant 0 : i32
        %dma_start3A_218 = arith.constant 0 : i32
        %dma_start3A_219 = tpu.memref_slice %arg10[%dma_start3A_217, %dma_start3A_218] : memref<10112x16xf32, #tpu.memory_space<vmem_shared>> -> memref<10112x16xf32, #tpu.memory_space<vmem_shared>>
        tpu.enqueue_indirect_dma source(%dma_start3A_213 : memref<128x16xf32, #tpu.memory_space<vmem>>) target(%dma_start3A_219 : memref<10112x16xf32, #tpu.memory_space<vmem_shared>>) offsets(%dma_start3A_216 : memref<128xi32, #tpu.memory_space<vmem>>) semaphore(%run_scoped3A_209 : memref<!tpu.dma_semaphore, #tpu.memory_space<semaphore_mem>>) {add = true}
        %dma_wait3A_220 = arith.constant 0 : i32
        %dma_wait3A_221 = arith.constant 0 : i32
        %dma_wait3A_222 = tpu.memref_slice %arg8[%run_scoped3A, %dma_wait3A_220, %dma_wait3A_221] : memref<8x128x16xf32, #tpu.memory_space<vmem>> -> memref<1x128x16xf32, #tpu.memory_space<vmem>>
        %dma_wait3A_223 = tpu.memref_squeeze %dma_wait3A_222 : memref<1x128x16xf32, #tpu.memory_space<vmem>> -> memref<128x16xf32, #tpu.memory_space<vmem>>
        %dma_wait3A_224 = arith.constant 0 : i32
        %dma_wait3A_225 = tpu.memref_slice %arg7[%run_scoped3A_208, %dma_wait3A_224] : memref<79x128xi32, #tpu.memory_space<vmem>> -> memref<1x128xi32, #tpu.memory_space<vmem>>
        %dma_wait3A_226 = tpu.memref_squeeze %dma_wait3A_225 : memref<1x128xi32, #tpu.memory_space<vmem>> -> memref<128xi32, #tpu.memory_space<vmem>>
        %dma_wait3A_227 = arith.constant 0 : i32
        %dma_wait3A_228 = arith.constant 0 : i32
        %dma_wait3A_229 = tpu.memref_slice %arg10[%dma_wait3A_227, %dma_wait3A_228] : memref<10112x16xf32, #tpu.memory_space<vmem_shared>> -> memref<10112x16xf32, #tpu.memory_space<vmem_shared>>
        tpu.wait_indirect_dma semaphore(%run_scoped3A_209 : memref<!tpu.dma_semaphore, #tpu.memory_space<semaphore_mem>>) src(%dma_wait3A_223 : memref<128x16xf32, #tpu.memory_space<vmem>>) dst(%dma_wait3A_229 : memref<10112x16xf32, #tpu.memory_space<vmem_shared>>)
        tpu.yield
      }) : () -> ()
    } else {
    }
    %gt3A_182 = arith.constant 77 : i32
    %gt3A_183 = arith.cmpi sgt, %add3A_4, %gt3A_182 : i32
    %convert_element_type3A_184 = arith.extui %gt3A_183 : i1 to i32
    %cond3A_185 = arith.constant 0 : i32
    %cond3A_186 = arith.cmpi ne, %convert_element_type3A_184, %cond3A_185 : i32
    scf.if %cond3A_186 {
      %dma_wait3A = arith.constant 77 : i32
      %dma_wait3A_197 = arith.constant 5 : i32
      %dma_wait3A_198 = arith.constant 0 : i32
      %dma_wait3A_199 = arith.constant 0 : i32
      %dma_wait3A_200 = tpu.memref_slice %arg8[%dma_wait3A_197, %dma_wait3A_198, %dma_wait3A_199] : memref<8x128x16xf32, #tpu.memory_space<vmem>> -> memref<1x128x16xf32, #tpu.memory_space<vmem>>
      %dma_wait3A_201 = tpu.memref_squeeze %dma_wait3A_200 : memref<1x128x16xf32, #tpu.memory_space<vmem>> -> memref<128x16xf32, #tpu.memory_space<vmem>>
      %dma_wait3A_202 = arith.constant 0 : i32
      %dma_wait3A_203 = tpu.memref_slice %arg6[%dma_wait3A, %dma_wait3A_202] : memref<79x128xi32, #tpu.memory_space<vmem>> -> memref<1x128xi32, #tpu.memory_space<vmem>>
      %dma_wait3A_204 = tpu.memref_squeeze %dma_wait3A_203 : memref<1x128xi32, #tpu.memory_space<vmem>> -> memref<128xi32, #tpu.memory_space<vmem>>
      %dma_wait3A_205 = arith.constant 0 : i32
      %dma_wait3A_206 = arith.constant 0 : i32
      %dma_wait3A_207 = tpu.memref_slice %arg2[%dma_wait3A_205, %dma_wait3A_206] : memref<10112x16xf32, #tpu.memory_space<hbm>> -> memref<10112x16xf32, #tpu.memory_space<hbm>>
      tpu.wait_indirect_dma semaphore(%arg16 : memref<!tpu.dma_semaphore, #tpu.memory_space<semaphore_mem>>) src(%dma_wait3A_207 : memref<10112x16xf32, #tpu.memory_space<hbm>>) dst(%dma_wait3A_201 : memref<128x16xf32, #tpu.memory_space<vmem>>)
      %run_scoped3A = arith.constant 5 : i32
      %run_scoped3A_208 = arith.constant 77 : i32
      "tpu.region"() ({
        %run_scoped3A_209 = tpu.sem_alloc : memref<!tpu.dma_semaphore, #tpu.memory_space<semaphore_mem>>
        %dma_start3A_210 = arith.constant 0 : i32
        %dma_start3A_211 = arith.constant 0 : i32
        %dma_start3A_212 = tpu.memref_slice %arg8[%run_scoped3A, %dma_start3A_210, %dma_start3A_211] : memref<8x128x16xf32, #tpu.memory_space<vmem>> -> memref<1x128x16xf32, #tpu.memory_space<vmem>>
        %dma_start3A_213 = tpu.memref_squeeze %dma_start3A_212 : memref<1x128x16xf32, #tpu.memory_space<vmem>> -> memref<128x16xf32, #tpu.memory_space<vmem>>
        %dma_start3A_214 = arith.constant 0 : i32
        %dma_start3A_215 = tpu.memref_slice %arg7[%run_scoped3A_208, %dma_start3A_214] : memref<79x128xi32, #tpu.memory_space<vmem>> -> memref<1x128xi32, #tpu.memory_space<vmem>>
        %dma_start3A_216 = tpu.memref_squeeze %dma_start3A_215 : memref<1x128xi32, #tpu.memory_space<vmem>> -> memref<128xi32, #tpu.memory_space<vmem>>
        %dma_start3A_217 = arith.constant 0 : i32
        %dma_start3A_218 = arith.constant 0 : i32
        %dma_start3A_219 = tpu.memref_slice %arg10[%dma_start3A_217, %dma_start3A_218] : memref<10112x16xf32, #tpu.memory_space<vmem_shared>> -> memref<10112x16xf32, #tpu.memory_space<vmem_shared>>
        tpu.enqueue_indirect_dma source(%dma_start3A_213 : memref<128x16xf32, #tpu.memory_space<vmem>>) target(%dma_start3A_219 : memref<10112x16xf32, #tpu.memory_space<vmem_shared>>) offsets(%dma_start3A_216 : memref<128xi32, #tpu.memory_space<vmem>>) semaphore(%run_scoped3A_209 : memref<!tpu.dma_semaphore, #tpu.memory_space<semaphore_mem>>) {add = true}
        %dma_wait3A_220 = arith.constant 0 : i32
        %dma_wait3A_221 = arith.constant 0 : i32
        %dma_wait3A_222 = tpu.memref_slice %arg8[%run_scoped3A, %dma_wait3A_220, %dma_wait3A_221] : memref<8x128x16xf32, #tpu.memory_space<vmem>> -> memref<1x128x16xf32, #tpu.memory_space<vmem>>
        %dma_wait3A_223 = tpu.memref_squeeze %dma_wait3A_222 : memref<1x128x16xf32, #tpu.memory_space<vmem>> -> memref<128x16xf32, #tpu.memory_space<vmem>>
        %dma_wait3A_224 = arith.constant 0 : i32
        %dma_wait3A_225 = tpu.memref_slice %arg7[%run_scoped3A_208, %dma_wait3A_224] : memref<79x128xi32, #tpu.memory_space<vmem>> -> memref<1x128xi32, #tpu.memory_space<vmem>>
        %dma_wait3A_226 = tpu.memref_squeeze %dma_wait3A_225 : memref<1x128xi32, #tpu.memory_space<vmem>> -> memref<128xi32, #tpu.memory_space<vmem>>
        %dma_wait3A_227 = arith.constant 0 : i32
        %dma_wait3A_228 = arith.constant 0 : i32
        %dma_wait3A_229 = tpu.memref_slice %arg10[%dma_wait3A_227, %dma_wait3A_228] : memref<10112x16xf32, #tpu.memory_space<vmem_shared>> -> memref<10112x16xf32, #tpu.memory_space<vmem_shared>>
        tpu.wait_indirect_dma semaphore(%run_scoped3A_209 : memref<!tpu.dma_semaphore, #tpu.memory_space<semaphore_mem>>) src(%dma_wait3A_223 : memref<128x16xf32, #tpu.memory_space<vmem>>) dst(%dma_wait3A_229 : memref<10112x16xf32, #tpu.memory_space<vmem_shared>>)
        tpu.yield
      }) : () -> ()
    } else {
    }
    %gt3A_187 = arith.constant 78 : i32
    %gt3A_188 = arith.cmpi sgt, %add3A_4, %gt3A_187 : i32
    %convert_element_type3A_189 = arith.extui %gt3A_188 : i1 to i32
    %cond3A_190 = arith.constant 0 : i32
    %cond3A_191 = arith.cmpi ne, %convert_element_type3A_189, %cond3A_190 : i32
    scf.if %cond3A_191 {
      %dma_wait3A = arith.constant 78 : i32
      %dma_wait3A_197 = arith.constant 6 : i32
      %dma_wait3A_198 = arith.constant 0 : i32
      %dma_wait3A_199 = arith.constant 0 : i32
      %dma_wait3A_200 = tpu.memref_slice %arg8[%dma_wait3A_197, %dma_wait3A_198, %dma_wait3A_199] : memref<8x128x16xf32, #tpu.memory_space<vmem>> -> memref<1x128x16xf32, #tpu.memory_space<vmem>>
      %dma_wait3A_201 = tpu.memref_squeeze %dma_wait3A_200 : memref<1x128x16xf32, #tpu.memory_space<vmem>> -> memref<128x16xf32, #tpu.memory_space<vmem>>
      %dma_wait3A_202 = arith.constant 0 : i32
      %dma_wait3A_203 = tpu.memref_slice %arg6[%dma_wait3A, %dma_wait3A_202] : memref<79x128xi32, #tpu.memory_space<vmem>> -> memref<1x128xi32, #tpu.memory_space<vmem>>
      %dma_wait3A_204 = tpu.memref_squeeze %dma_wait3A_203 : memref<1x128xi32, #tpu.memory_space<vmem>> -> memref<128xi32, #tpu.memory_space<vmem>>
      %dma_wait3A_205 = arith.constant 0 : i32
      %dma_wait3A_206 = arith.constant 0 : i32
      %dma_wait3A_207 = tpu.memref_slice %arg2[%dma_wait3A_205, %dma_wait3A_206] : memref<10112x16xf32, #tpu.memory_space<hbm>> -> memref<10112x16xf32, #tpu.memory_space<hbm>>
      tpu.wait_indirect_dma semaphore(%arg17 : memref<!tpu.dma_semaphore, #tpu.memory_space<semaphore_mem>>) src(%dma_wait3A_207 : memref<10112x16xf32, #tpu.memory_space<hbm>>) dst(%dma_wait3A_201 : memref<128x16xf32, #tpu.memory_space<vmem>>)
      %run_scoped3A = arith.constant 6 : i32
      %run_scoped3A_208 = arith.constant 78 : i32
      "tpu.region"() ({
        %run_scoped3A_209 = tpu.sem_alloc : memref<!tpu.dma_semaphore, #tpu.memory_space<semaphore_mem>>
        %dma_start3A_210 = arith.constant 0 : i32
        %dma_start3A_211 = arith.constant 0 : i32
        %dma_start3A_212 = tpu.memref_slice %arg8[%run_scoped3A, %dma_start3A_210, %dma_start3A_211] : memref<8x128x16xf32, #tpu.memory_space<vmem>> -> memref<1x128x16xf32, #tpu.memory_space<vmem>>
        %dma_start3A_213 = tpu.memref_squeeze %dma_start3A_212 : memref<1x128x16xf32, #tpu.memory_space<vmem>> -> memref<128x16xf32, #tpu.memory_space<vmem>>
        %dma_start3A_214 = arith.constant 0 : i32
        %dma_start3A_215 = tpu.memref_slice %arg7[%run_scoped3A_208, %dma_start3A_214] : memref<79x128xi32, #tpu.memory_space<vmem>> -> memref<1x128xi32, #tpu.memory_space<vmem>>
        %dma_start3A_216 = tpu.memref_squeeze %dma_start3A_215 : memref<1x128xi32, #tpu.memory_space<vmem>> -> memref<128xi32, #tpu.memory_space<vmem>>
        %dma_start3A_217 = arith.constant 0 : i32
        %dma_start3A_218 = arith.constant 0 : i32
        %dma_start3A_219 = tpu.memref_slice %arg10[%dma_start3A_217, %dma_start3A_218] : memref<10112x16xf32, #tpu.memory_space<vmem_shared>> -> memref<10112x16xf32, #tpu.memory_space<vmem_shared>>
        tpu.enqueue_indirect_dma source(%dma_start3A_213 : memref<128x16xf32, #tpu.memory_space<vmem>>) target(%dma_start3A_219 : memref<10112x16xf32, #tpu.memory_space<vmem_shared>>) offsets(%dma_start3A_216 : memref<128xi32, #tpu.memory_space<vmem>>) semaphore(%run_scoped3A_209 : memref<!tpu.dma_semaphore, #tpu.memory_space<semaphore_mem>>) {add = true}
        %dma_wait3A_220 = arith.constant 0 : i32
        %dma_wait3A_221 = arith.constant 0 : i32
        %dma_wait3A_222 = tpu.memref_slice %arg8[%run_scoped3A, %dma_wait3A_220, %dma_wait3A_221] : memref<8x128x16xf32, #tpu.memory_space<vmem>> -> memref<1x128x16xf32, #tpu.memory_space<vmem>>
        %dma_wait3A_223 = tpu.memref_squeeze %dma_wait3A_222 : memref<1x128x16xf32, #tpu.memory_space<vmem>> -> memref<128x16xf32, #tpu.memory_space<vmem>>
        %dma_wait3A_224 = arith.constant 0 : i32
        %dma_wait3A_225 = tpu.memref_slice %arg7[%run_scoped3A_208, %dma_wait3A_224] : memref<79x128xi32, #tpu.memory_space<vmem>> -> memref<1x128xi32, #tpu.memory_space<vmem>>
        %dma_wait3A_226 = tpu.memref_squeeze %dma_wait3A_225 : memref<1x128xi32, #tpu.memory_space<vmem>> -> memref<128xi32, #tpu.memory_space<vmem>>
        %dma_wait3A_227 = arith.constant 0 : i32
        %dma_wait3A_228 = arith.constant 0 : i32
        %dma_wait3A_229 = tpu.memref_slice %arg10[%dma_wait3A_227, %dma_wait3A_228] : memref<10112x16xf32, #tpu.memory_space<vmem_shared>> -> memref<10112x16xf32, #tpu.memory_space<vmem_shared>>
        tpu.wait_indirect_dma semaphore(%run_scoped3A_209 : memref<!tpu.dma_semaphore, #tpu.memory_space<semaphore_mem>>) src(%dma_wait3A_223 : memref<128x16xf32, #tpu.memory_space<vmem>>) dst(%dma_wait3A_229 : memref<10112x16xf32, #tpu.memory_space<vmem_shared>>)
        tpu.yield
      }) : () -> ()
    } else {
    }
    %barrier3A_192 = arith.constant 0 : index
    tpu.barrier barrier_id(%barrier3A_192)
    %mul3A_193 = arith.constant 632 : i32
    %mul3A_194 = arith.muli %arg1, %mul3A_193 : i32
    %mul3A_195 = arith.constant 632 : i32
    %mul3A_196 = arith.muli %arg1, %mul3A_195 : i32
    "tpu.region"() ({
      %run_scoped3A = tpu.sem_alloc : memref<!tpu.dma_semaphore, #tpu.memory_space<semaphore_mem>>
      %dma_start3A_197 = arith.constant 0 : i32
      %dma_start3A_198 = tpu.memref_slice %arg5[%arg0, %mul3A_196, %dma_start3A_197] : memref<2x10112x16xf32, #tpu.memory_space<hbm>> -> memref<1x632x16xf32, #tpu.memory_space<hbm>>
      %dma_start3A_199 = tpu.memref_squeeze %dma_start3A_198 : memref<1x632x16xf32, #tpu.memory_space<hbm>> -> memref<632x16xf32, #tpu.memory_space<hbm>>
      %dma_start3A_200 = arith.constant 0 : i32
      %dma_start3A_201 = tpu.memref_slice %arg10[%mul3A_194, %dma_start3A_200] : memref<10112x16xf32, #tpu.memory_space<vmem_shared>> -> memref<632x16xf32, #tpu.memory_space<vmem_shared>>
      tpu.enqueue_dma source(%dma_start3A_201 : memref<632x16xf32, #tpu.memory_space<vmem_shared>>) target(%dma_start3A_199 : memref<632x16xf32, #tpu.memory_space<hbm>>) target_semaphore(%run_scoped3A : memref<!tpu.dma_semaphore, #tpu.memory_space<semaphore_mem>>)
      %dma_wait3A = arith.constant 0 : i32
      %dma_wait3A_202 = tpu.memref_slice %arg5[%arg0, %mul3A_196, %dma_wait3A] : memref<2x10112x16xf32, #tpu.memory_space<hbm>> -> memref<1x632x16xf32, #tpu.memory_space<hbm>>
      %dma_wait3A_203 = tpu.memref_squeeze %dma_wait3A_202 : memref<1x632x16xf32, #tpu.memory_space<hbm>> -> memref<632x16xf32, #tpu.memory_space<hbm>>
      %dma_wait3A_204 = arith.constant 0 : i32
      %dma_wait3A_205 = tpu.memref_slice %arg10[%mul3A_194, %dma_wait3A_204] : memref<10112x16xf32, #tpu.memory_space<vmem_shared>> -> memref<632x16xf32, #tpu.memory_space<vmem_shared>>
      tpu.wait_dma2 semaphore(%run_scoped3A : memref<!tpu.dma_semaphore, #tpu.memory_space<semaphore_mem>>) src(%dma_wait3A_205 : memref<632x16xf32, #tpu.memory_space<vmem_shared>>) dst(%dma_wait3A_203 : memref<632x16xf32, #tpu.memory_space<hbm>>)
      tpu.yield
    }) : () -> ()
    return
  }
}

module attributes {stable_mosaic.version = 14 : i64} {
  func.func @body(%arg0: memref<10000x128xf32, #tpu.memory_space<vmem>>, %arg1: memref<128x32xf32, #tpu.memory_space<vmem>>, %arg2: memref<10112x32xf32, #tpu.memory_space<vmem>>) attributes {dimension_semantics = [], scalar_prefetch = 0 : i64, scratch_operands = 0 : i64, tpu.core_type = #tpu.core_type<tc>} {
    %get3A = arith.constant 0 : index
    %get3A_0 = arith.constant 0 : index
    %get3A_1 = vector.load %arg0[%get3A, %get3A_0] : memref<10000x128xf32, #tpu.memory_space<vmem>>, vector<10000x128xf32>
    %get3A_2 = arith.constant 0 : index
    %get3A_3 = arith.constant 0 : index
    %get3A_4 = vector.load %arg1[%get3A_2, %get3A_3] : memref<128x32xf32, #tpu.memory_space<vmem>>, vector<128x32xf32>
    %dot_general3A = arith.constant dense<0.000000e+00> : vector<10000x32xf32>
    %dot_general3A_5 = tpu.matmul %get3A_1, %get3A_4, %dot_general3A {dimension_numbers = #tpu.dot_dimension_numbers<[1], [0], [0], [1], [0, 0, 1, 1], [], []>, transpose_lhs_hint = false} : vector<10000x128xf32>, vector<128x32xf32>, vector<10000x32xf32> -> vector<10000x32xf32>
    %swap3A = arith.constant 0 : index
    %swap3A_6 = arith.constant 0 : index
    %swap3A_7 = vector.load %arg2[%swap3A, %swap3A_6] : memref<10112x32xf32, #tpu.memory_space<vmem>>, vector<10000x32xf32>
    tpu.vector_store %arg2[%swap3A, %swap3A_6], %dot_general3A_5 {strides = array<i32>} : memref<10112x32xf32, #tpu.memory_space<vmem>>, vector<10000x32xf32>,
    %broadcast_in_dim3A = arith.constant 0.000000e+00 : f32
    %broadcast_in_dim3A_8 = vector.broadcast %broadcast_in_dim3A : f32 to vector<112x32xf32>
    %swap3A_9 = arith.constant 10000 : index
    %swap3A_10 = arith.constant 0 : index
    %swap3A_11 = vector.load %arg2[%swap3A_9, %swap3A_10] : memref<10112x32xf32, #tpu.memory_space<vmem>>, vector<112x32xf32>
    tpu.vector_store %arg2[%swap3A_9, %swap3A_10], %broadcast_in_dim3A_8 {strides = array<i32>} : memref<10112x32xf32, #tpu.memory_space<vmem>>, vector<112x32xf32>,
    return
  }
}

module attributes {stable_mosaic.version = 14 : i64} {
  func.func @body(%arg0: memref<2x10112x16xf32, #tpu.memory_space<vmem>>, %arg1: memref<10112x32xf32, #tpu.memory_space<vmem>>, %arg2: memref<10112x1xf32, #tpu.memory_space<vmem>>, %arg3: memref<10112x32xf32, #tpu.memory_space<vmem>>) attributes {dimension_semantics = [], scalar_prefetch = 0 : i64, scratch_operands = 0 : i64, tpu.core_type = #tpu.core_type<tc>} {
    %get3A = arith.constant 0 : index
    %get3A_0 = arith.constant 0 : index
    %get3A_1 = arith.constant 0 : index
    %get3A_2 = vector.load %arg0[%get3A, %get3A_0, %get3A_1] : memref<2x10112x16xf32, #tpu.memory_space<vmem>>, vector<2x10112x16xf32>
    %slice3A = vector.extract_strided_slice %get3A_2 {offsets = [0, 0, 0], sizes = [1, 10112, 1], strides = [1, 1, 1]} : vector<2x10112x16xf32> to vector<1x10112x1xf32>
    %squeeze3A = vector.shape_cast %slice3A : vector<1x10112x1xf32> to vector<10112x1xf32>
    %slice3A_3 = vector.extract_strided_slice %get3A_2 {offsets = [1, 0, 0], sizes = [1, 10112, 1], strides = [1, 1, 1]} : vector<2x10112x16xf32> to vector<1x10112x1xf32>
    %squeeze3A_4 = vector.shape_cast %slice3A_3 : vector<1x10112x1xf32> to vector<10112x1xf32>
    %add3A = arith.addf %squeeze3A, %squeeze3A_4 : vector<10112x1xf32>
    %add3A_5 = arith.constant 1.000000e+00 : f32
    %add3A_6 = vector.broadcast %add3A_5 : f32 to vector<10112x1xf32>
    %add3A_7 = arith.addf %add3A, %add3A_6 : vector<10112x1xf32>
    %rsqrt3A = math.rsqrt %add3A_7 : vector<10112x1xf32>
    %swap3A = arith.constant 0 : index
    %swap3A_8 = arith.constant 0 : index
    %swap3A_9 = vector.load %arg2[%swap3A, %swap3A_8] : memref<10112x1xf32, #tpu.memory_space<vmem>>, vector<10112x1xf32>
    tpu.vector_store %arg2[%swap3A, %swap3A_8], %rsqrt3A {strides = array<i32>} : memref<10112x1xf32, #tpu.memory_space<vmem>>, vector<10112x1xf32>,
    %get3A_10 = arith.constant 0 : index
    %get3A_11 = arith.constant 0 : index
    %get3A_12 = vector.load %arg1[%get3A_10, %get3A_11] : memref<10112x32xf32, #tpu.memory_space<vmem>>, vector<10112x32xf32>
    %mul3A = vector.broadcast %rsqrt3A : vector<10112x1xf32> to vector<10112x32xf32>
    %mul3A_13 = arith.mulf %get3A_12, %mul3A : vector<10112x32xf32>
    %swap3A_14 = arith.constant 0 : index
    %swap3A_15 = arith.constant 0 : index
    %swap3A_16 = vector.load %arg3[%swap3A_14, %swap3A_15] : memref<10112x32xf32, #tpu.memory_space<vmem>>, vector<10112x32xf32>
    tpu.vector_store %arg3[%swap3A_14, %swap3A_15], %mul3A_13 {strides = array<i32>} : memref<10112x32xf32, #tpu.memory_space<vmem>>, vector<10112x32xf32>,
    return
  }
}

module attributes {stable_mosaic.version = 14 : i64} {
  func.func @body(%arg0: memref<2x10112x32xf32, #tpu.memory_space<vmem>>, %arg1: memref<10112x32xf32, #tpu.memory_space<vmem>>, %arg2: memref<10112x1xf32, #tpu.memory_space<vmem>>, %arg3: memref<1x32xf32, #tpu.memory_space<vmem>>, %arg4: memref<32x16xf32, #tpu.memory_space<vmem>>, %arg5: memref<10112x16xf32, #tpu.memory_space<vmem>>) attributes {dimension_semantics = [], scalar_prefetch = 0 : i64, scratch_operands = 0 : i64, tpu.core_type = #tpu.core_type<tc>} {
    %get3A = arith.constant 0 : index
    %get3A_0 = arith.constant 0 : index
    %get3A_1 = arith.constant 0 : index
    %get3A_2 = vector.load %arg0[%get3A, %get3A_0, %get3A_1] : memref<2x10112x32xf32, #tpu.memory_space<vmem>>, vector<2x10112x32xf32>
    %get3A_3 = arith.constant 0 : index
    %get3A_4 = arith.constant 0 : index
    %get3A_5 = vector.load %arg2[%get3A_3, %get3A_4] : memref<10112x1xf32, #tpu.memory_space<vmem>>, vector<10112x1xf32>
    %slice3A = vector.extract_strided_slice %get3A_2 {offsets = [0, 0, 0], sizes = [1, 10112, 32], strides = [1, 1, 1]} : vector<2x10112x32xf32> to vector<1x10112x32xf32>
    %squeeze3A = vector.shape_cast %slice3A : vector<1x10112x32xf32> to vector<10112x32xf32>
    %slice3A_6 = vector.extract_strided_slice %get3A_2 {offsets = [1, 0, 0], sizes = [1, 10112, 32], strides = [1, 1, 1]} : vector<2x10112x32xf32> to vector<1x10112x32xf32>
    %squeeze3A_7 = vector.shape_cast %slice3A_6 : vector<1x10112x32xf32> to vector<10112x32xf32>
    %add3A = arith.addf %squeeze3A, %squeeze3A_7 : vector<10112x32xf32>
    %get3A_8 = arith.constant 0 : index
    %get3A_9 = arith.constant 0 : index
    %get3A_10 = vector.load %arg1[%get3A_8, %get3A_9] : memref<10112x32xf32, #tpu.memory_space<vmem>>, vector<10112x32xf32>
    %add3A_11 = arith.addf %add3A, %get3A_10 : vector<10112x32xf32>
    %mul3A = vector.broadcast %get3A_5 : vector<10112x1xf32> to vector<10112x32xf32>
    %mul3A_12 = arith.mulf %add3A_11, %mul3A : vector<10112x32xf32>
    %get3A_13 = arith.constant 0 : index
    %get3A_14 = arith.constant 0 : index
    %get3A_15 = vector.load %arg3[%get3A_13, %get3A_14] : memref<1x32xf32, #tpu.memory_space<vmem>>, vector<1x32xf32>
    %add3A_16 = vector.broadcast %get3A_15 : vector<1x32xf32> to vector<10112x32xf32>
    %add3A_17 = arith.addf %mul3A_12, %add3A_16 : vector<10112x32xf32>
    %tanh3A = math.tanh %add3A_17 : vector<10112x32xf32>
    %get3A_18 = arith.constant 0 : index
    %get3A_19 = arith.constant 0 : index
    %get3A_20 = vector.load %arg4[%get3A_18, %get3A_19] : memref<32x16xf32, #tpu.memory_space<vmem>>, vector<32x16xf32>
    %dot_general3A = arith.constant dense<0.000000e+00> : vector<10112x16xf32>
    %dot_general3A_21 = tpu.matmul %tanh3A, %get3A_20, %dot_general3A {dimension_numbers = #tpu.dot_dimension_numbers<[1], [0], [0], [1], [0, 0, 1, 1], [], []>, transpose_lhs_hint = false} : vector<10112x32xf32>, vector<32x16xf32>, vector<10112x16xf32> -> vector<10112x16xf32>
    %mul3A_22 = vector.broadcast %get3A_5 : vector<10112x1xf32> to vector<10112x16xf32>
    %mul3A_23 = arith.mulf %dot_general3A_21, %mul3A_22 : vector<10112x16xf32>
    %swap3A = arith.constant 0 : index
    %swap3A_24 = arith.constant 0 : index
    %swap3A_25 = vector.load %arg5[%swap3A, %swap3A_24] : memref<10112x16xf32, #tpu.memory_space<vmem>>, vector<10112x16xf32>
    tpu.vector_store %arg5[%swap3A, %swap3A_24], %mul3A_23 {strides = array<i32>} : memref<10112x16xf32, #tpu.memory_space<vmem>>, vector<10112x16xf32>,
    return
  }
}

module attributes {stable_mosaic.version = 14 : i64} {
  func.func @body(%arg0: memref<2x10112x16xf32, #tpu.memory_space<vmem>>, %arg1: memref<10112x16xf32, #tpu.memory_space<vmem>>, %arg2: memref<10112x1xf32, #tpu.memory_space<vmem>>, %arg3: memref<1x16xf32, #tpu.memory_space<vmem>>, %arg4: memref<10000x10xf32, #tpu.memory_space<vmem>>) attributes {dimension_semantics = [], scalar_prefetch = 0 : i64, scratch_operands = 0 : i64, tpu.core_type = #tpu.core_type<tc>} {
    %get3A = arith.constant 0 : index
    %get3A_0 = arith.constant 0 : index
    %get3A_1 = arith.constant 0 : index
    %get3A_2 = vector.load %arg0[%get3A, %get3A_0, %get3A_1] : memref<2x10112x16xf32, #tpu.memory_space<vmem>>, vector<2x10112x16xf32>
    %slice3A = vector.extract_strided_slice %get3A_2 {offsets = [0, 0, 0], sizes = [1, 10112, 16], strides = [1, 1, 1]} : vector<2x10112x16xf32> to vector<1x10112x16xf32>
    %squeeze3A = vector.shape_cast %slice3A : vector<1x10112x16xf32> to vector<10112x16xf32>
    %slice3A_3 = vector.extract_strided_slice %get3A_2 {offsets = [1, 0, 0], sizes = [1, 10112, 16], strides = [1, 1, 1]} : vector<2x10112x16xf32> to vector<1x10112x16xf32>
    %squeeze3A_4 = vector.shape_cast %slice3A_3 : vector<1x10112x16xf32> to vector<10112x16xf32>
    %add3A = arith.addf %squeeze3A, %squeeze3A_4 : vector<10112x16xf32>
    %get3A_5 = arith.constant 0 : index
    %get3A_6 = arith.constant 0 : index
    %get3A_7 = vector.load %arg1[%get3A_5, %get3A_6] : memref<10112x16xf32, #tpu.memory_space<vmem>>, vector<10112x16xf32>
    %add3A_8 = arith.addf %add3A, %get3A_7 : vector<10112x16xf32>
    %get3A_9 = arith.constant 0 : index
    %get3A_10 = arith.constant 0 : index
    %get3A_11 = vector.load %arg2[%get3A_9, %get3A_10] : memref<10112x1xf32, #tpu.memory_space<vmem>>, vector<10112x1xf32>
    %mul3A = vector.broadcast %get3A_11 : vector<10112x1xf32> to vector<10112x16xf32>
    %mul3A_12 = arith.mulf %add3A_8, %mul3A : vector<10112x16xf32>
    %get3A_13 = arith.constant 0 : index
    %get3A_14 = arith.constant 0 : index
    %get3A_15 = vector.load %arg3[%get3A_13, %get3A_14] : memref<1x16xf32, #tpu.memory_space<vmem>>, vector<1x16xf32>
    %add3A_16 = vector.broadcast %get3A_15 : vector<1x16xf32> to vector<10112x16xf32>
    %add3A_17 = arith.addf %mul3A_12, %add3A_16 : vector<10112x16xf32>
    %slice3A_18 = vector.extract_strided_slice %add3A_17 {offsets = [0, 0], sizes = [10000, 10], strides = [1, 1]} : vector<10112x16xf32> to vector<10000x10xf32>
    %reduce_max3A = arith.constant dense<0xFF800000> : vector<10000xf32>
    %reduce_max3A_19 = vector.multi_reduction <maximumf>, %slice3A_18, %reduce_max3A [1] : vector<10000x10xf32> to vector<10000xf32>
    %broadcast_in_dim3A = vector.shape_cast %reduce_max3A_19 : vector<10000xf32> to vector<10000x1xf32>
    %sub3A = vector.broadcast %broadcast_in_dim3A : vector<10000x1xf32> to vector<10000x10xf32>
    %sub3A_20 = arith.subf %slice3A_18, %sub3A : vector<10000x10xf32>
    %exp3A = math.exp %sub3A_20 : vector<10000x10xf32>
    %reduce_sum3A = arith.constant dense<0.000000e+00> : vector<10000xf32>
    %reduce_sum3A_21 = vector.multi_reduction <add>, %exp3A, %reduce_sum3A [1] : vector<10000x10xf32> to vector<10000xf32>
    %broadcast_in_dim3A_22 = vector.shape_cast %reduce_sum3A_21 : vector<10000xf32> to vector<10000x1xf32>
    %log3A = math.log %broadcast_in_dim3A_22 : vector<10000x1xf32>
    %sub3A_23 = vector.broadcast %log3A : vector<10000x1xf32> to vector<10000x10xf32>
    %sub3A_24 = arith.subf %sub3A_20, %sub3A_23 : vector<10000x10xf32>
    %swap3A = arith.constant 0 : index
    %swap3A_25 = arith.constant 0 : index
    %swap3A_26 = vector.load %arg4[%swap3A, %swap3A_25] : memref<10000x10xf32, #tpu.memory_space<vmem>>, vector<10000x10xf32>
    tpu.vector_store %arg4[%swap3A, %swap3A_25], %sub3A_24 {strides = array<i32>} : memref<10000x10xf32, #tpu.memory_space<vmem>>, vector<10000x10xf32>,
    return
  }
}

</mosaic_0001>

<sc_bundles>
// kernel: kernel.12.cloned.1.call-start
scs
__scs_entry_jumppad:
0x0: {  	(pc) =	sbr.rel $0x88, $3  }
0x1: {  	(tag) =	ssettag $0x0;
	lr =	simm.s32 $0x1  }
0x2: {  	[smem:$0x3F9B] =	sst lr;
	_ =	strace $0xD0000000  }
0x3: {  	_ = 	snop  }
0x4: {  	_ = 	snop  }
0x5: {  	_ = 	snop  }
0x6: {  	_ = 	snop  }
0x7: {  	_ = 	snop  }
__scs_overlays_trampoline_lowered:
0x8: {  	[smem:$0x3FAA] =	sst s0  }
0x9: {  	[smem:$0x3FAB] =	sst s1  }
0xa: {  	[smem:$0x3FAC] =	sst s2  }
0xb: {  	[smem:$0x3FAD] =	sst s3  }
0xc: {  	[smem:$0x3FAE] =	sst s4  }
0xd: {  	[smem:$0x3FAF] =	sst s5  }
0xe: {  	[smem:$0x3FB0] =	sst s6  }
0xf: {  	[smem:$0x3FB1] =	sst s7  }
0x10: {  	[smem:$0x3FB2] =	sst s8  }
0x11: {  	[smem:$0x3FB3] =	sst s9;
	s0 =	simm.s32 @!p0 $0x0  }
0x12: {  	s1 =	sld [smem:$0x3F99];
	s0 =	simm.s32 @p0 $0x1  }
0x13: {  	[smem:$0x3FB4] =	sst s0;
	s0 =	simm.s32 @!p1 $0x0  }
0x14: {  	s2 =	sld [smem:$0x3F98];
	s0 =	simm.s32 @p1 $0x1  }
0x15: {  	[smem:$0x3FB5] =	sst s0;
	s0 =	simm.s32 @!p2 $0x0  }
0x16: {  	s3 =	sld [smem:$0x3FDB];
	s0 =	simm.s32 @p2 $0x1  }
0x17: {  	s4 =	simm.s32 $0x1BF5;
	[smem:$0x3FB7] =	sst s0  }
0x18: {  	s0 =	sld [smem:$0x3F9A];
	_ =	swait.ge [sflag:s4], $0x0  }
0x19: {  	s7 =	sld [smem:$0x3F9B]  }
0x1a: {  	s8 =	sadd.s32 $0xFFFFE003, lr  }
0x1b: {  	s9 =	sadd.s32 $0xFFFFFEF7, lr;
	s5 =	simm.s32 $0xFFFFFFFF;
	p2 =	slt.u32 s8, $0xFFFFF086  }
0x1c: {  	p1 =	slt.u32 s9, $0xF7A;
	s5 =	simm.s32 @!p2 $0x0  }
0x1d: {  	s5 =	simm.s32 @p1 $0x1;
	p0 =	seq.s32 s7, s2  }
0x1e: {  	s7 =	smul.u32 @!p0 $0xF7A, s2;
	p2 =	seq.s32 @!p0 s5, $0x0  }
0x1f: {  	s9 =	smul.u32 $0xF7A, s1;
	s8 =	simm.s32 @!p0 $0x1BF5;
	p2 =	por !p2, p0  }
0x20: {  	[sflag:s8] =	ssyncset.s32 @!p0 $0xFFFFF086;
	s6 =	sadd.s32 @!p0 s3, s7;
	s7 =	simm.s32 @!p0 $0x108  }
0x21: {  	s3 =	sadd.s32 s3, s9;
	s6 =	sadd.s32 @!p0 $0x88, s6;
	s7 =	simm.s32 @p2 $0x1082  }
0x22: {  	[simem:s7], [sflag:s8] =	dma.local @!p0 [hbm:s6], $0xF7A  }
0x23: {  	s9 =	sor.u32 $0xD0000000, s2;
	s6 =	simm.s32 $0x108;
	_ =	swait.ge @!p0 [sflag:s8], $0x0  }
0x24: {  	s3 =	sadd.s32 $0x88, s3;
	s6 =	simm.s32 @!p1 $0x1082;
	[sflag:s4] =	ssyncset.s32 $0xFFFFF086  }
0x25: {  	[simem:s6], [sflag:s4] =	dma.local [hbm:s3], $0xF7A  }
0x26: {  	[smem:$0x3F9B] =	sst s1;
	(tag) =	ssettag s2;
	_ =	strace s9  }
0x27: {  	s1 =	sld [smem:$0x3FAB]  }
0x28: {  	s2 =	sld [smem:$0x3FAC]  }
0x29: {  	s4 =	sld [smem:$0x3FAE]  }
0x2a: {  	p0 =	seq.s32 s5, $0x0;
	s5 =	sld [smem:$0x3FAF]  }
0x2b: {  	s6 =	sld [smem:$0x3FB0]  }
0x2c: {  	s7 =	sld [smem:$0x3FB1]  }
0x2d: {  	s3 =	simm.s32 $0x108;
	s8 =	sld [smem:$0x3FB2]  }
0x2e: {  	s3 =	simm.s32 @!p0 $0x1082;
	s9 =	sld [smem:$0x3FB3]  }
0x2f: {  	lr =	sadd.s32 s0, s3;
	s0 =	sld [smem:$0x3FAA]  }
0x30: {  	s3 =	sld [smem:$0x3FAD]  }
0x31: {  	[smem:$0x3FB6] =	sst s10  }
0x32: {  	s10 =	sld [smem:$0x3FB4];
	_ =	sdelay $0x3  }
0x33: {  	p0 =	seq.s32 s10, $0x1;
	s10 =	sld [smem:$0x3FB6];
	_ =	sdelay $0x3  }
0x34: {  	[smem:$0x3FB6] =	sst s10  }
0x35: {  	s10 =	sld [smem:$0x3FB5];
	_ =	sdelay $0x3  }
0x36: {  	p1 =	seq.s32 s10, $0x1;
	s10 =	sld [smem:$0x3FB6];
	_ =	sdelay $0x3  }
0x37: {  	[smem:$0x3FB6] =	sst s10  }
0x38: {  	s10 =	sld [smem:$0x3FB7]  }
0x39: {  	_ = 	snop;
	(pc) =	sbr.ind lr, $3  }
0x3a: {  	_ = 	snop  }
0x3b: {  	_ = 	snop  }
0x3c: {  	p2 =	seq.s32 s10, $0x1;
	s10 =	sld [smem:$0x3FB6]  }
0x3d: {  	_ =	shalt  }
0x3e: {  	_ =	shalt  }
0x3f: {  	_ =	shalt  }
0x40: {  	_ =	shalt  }
0x41: {  	_ =	shalt  }
0x42: {  	_ =	shalt  }
0x43: {  	_ =	shalt  }
0x44: {  	_ =	shalt  }
0x45: {  	_ =	shalt  }
0x46: {  	_ =	shalt  }
0x47: {  	_ =	shalt  }
0x48: {  	_ =	shalt  }
0x49: {  	_ =	shalt  }
0x4a: {  	_ =	shalt  }
0x4b: {  	_ =	shalt  }
0x4c: {  	_ =	shalt  }
0x4d: {  	_ =	shalt  }
0x4e: {  	_ =	shalt  }
0x4f: {  	_ =	shalt  }
0x50: {  	_ =	shalt  }
0x51: {  	_ =	shalt  }
0x52: {  	_ =	shalt  }
0x53: {  	_ =	shalt  }
0x54: {  	_ =	shalt  }
0x55: {  	_ =	shalt  }
0x56: {  	_ =	shalt  }
0x57: {  	_ =	shalt  }
0x58: {  	_ =	shalt  }
0x59: {  	_ =	shalt  }
0x5a: {  	_ =	shalt  }
0x5b: {  	_ =	shalt  }
0x5c: {  	_ =	shalt  }
0x5d: {  	_ =	shalt  }
0x5e: {  	_ =	shalt  }
0x5f: {  	_ =	shalt  }
0x60: {  	_ =	shalt  }
0x61: {  	_ =	shalt  }
0x62: {  	_ =	shalt  }
0x63: {  	_ =	shalt  }
0x64: {  	_ =	shalt  }
0x65: {  	_ =	shalt  }
0x66: {  	_ =	shalt  }
0x67: {  	_ =	shalt  }
0x68: {  	_ =	shalt  }
0x69: {  	_ =	shalt  }
0x6a: {  	_ =	shalt  }
0x6b: {  	_ =	shalt  }
0x6c: {  	_ =	shalt  }
0x6d: {  	_ =	shalt  }
0x6e: {  	_ =	shalt  }
0x6f: {  	_ =	shalt  }
0x70: {  	_ =	shalt  }
0x71: {  	_ =	shalt  }
0x72: {  	_ =	shalt  }
0x73: {  	_ =	shalt  }
0x74: {  	_ =	shalt  }
0x75: {  	_ =	shalt  }
0x76: {  	_ =	shalt  }
0x77: {  	_ =	shalt  }
0x78: {  	_ =	shalt  }
0x79: {  	_ =	shalt  }
0x7a: {  	_ =	shalt  }
0x7b: {  	_ =	shalt  }
0x7c: {  	_ =	shalt  }
0x7d: {  	_ =	shalt  }
0x7e: {  	_ =	shalt  }
0x7f: {  	_ =	shalt  }
0x80: {  	_ =	shalt  }
0x81: {  	_ =	shalt  }
0x82: {  	_ =	shalt  }
0x83: {  	_ =	shalt  }
0x84: {  	_ =	shalt  }
0x85: {  	_ =	shalt  }
0x86: {  	_ =	shalt  }
0x87: {  	_ =	shalt  }
.Lfunc_end0:
.L_simem_size_0:
called_computation.1_lowered:
.L_overlay_start_0:
0x88: {  	s2 =	sld [smem:$0x3FD9]  }
0x89: {  	s3 =	sld [smem:$0x3FFE];
	_ =	sdelay $0x1  }
0x8a: {  	s1 =	srdreg.scid  }
0x8b: {  	s0 =	sand.u32 $0x1, s1  }
0x8c: {  	s16 =	sshll.u32 s0, $0xA;
	s2 =	sadd.s32 s3, s2  }
0x8d: {  	s2 =	sadd.s32 s2, s16  }
0x8e: {  	[smem:$0x3FC2] =	sst s2  }
0x8f: {  	_ = 	snop  }
0x90: {  	(tm) =	ssettm $0x1  }
0x91: {  	s17 =	sld [smem:$0x3FFB];
	_ =	sdelay $0x3  }
0x92: {  	_ =	strace s17  }
0x93: {  	s2 =	sld [smem:$0x3FFC];
	_ =	sdelay $0x3  }
0x94: {  	_ =	strace s2  }
0x95: {  	s2 =	sld [smem:$0x3FFD];
	_ =	sdelay $0x3  }
0x96: {  	_ =	strace s2  }
0x97: {  	_ =	strace $0x8FFFFFFF  }
0x98: {  	s18 =	sld [smem:$0x3FDB];
	_ =	sdelay $0x1  }
0x99: {  	s19 =	simm.s32 $_scs_section_size  }
0x9a: {  	s4 =	simm.s32 $_size__tile_overlayer_lowered;
	s5 =	simm.s32 $_tile_overlayer_lowered  }
0x9b: {  	s22 =	simm.s32 $0x1BFF;
	s21 =	sshll.u32 s5, $0x1;
	s2 =	sadd.s32 s19, s18  }
0x9c: {  	s6 =	simm.s32 $0x0;
	s20 =	sshll.u32 s4, $0x1;
	s4 =	sadd.s32 s21, s2  }
0x9d: {  	[timem:s6], [sflag:s22] =	dma.local [hbm:s4], s20  }
0x9e: {  	_ =	swait.ge [sflag:s22], s20  }
0x9f: {  	s3 =	ssub.s32 $0x0, s20;
	[sflag:s22] =	ssyncset.done $0x0  }
0xa0: {  	[sflag:s22] =	ssyncadd.s32 s3;
	_ =	sdelay $0x1  }
0xa1: {  	s23 =	simm.s32 $0x1B8B  }
0xa2: {  	_ =	swait.ge [sflag:s23], $0x1  }
0xa3: {  	[sflag:s23] =	ssyncset.done $0x0  }
0xa4: {  	s25 =	simm.s32 $0x1B8E;
	s24 =	sld [smem:$0x3FFE];
	[sflag:s23] =	ssyncadd.s32 $0xFFFFFFFF  }
0xa5: {  	s26 =	simm.s32 $execute0_lowered;
	[smem:$0x3FD2] =	sst s25  }
0xa6: {  	s4 =	sshll.u32 s26, $0x1;
	_ =	strace $0x80000049;
	[dreg:$0x1] =	wrdreg $0xFFFFFFFF  }
0xa7: {  	s28 =	simm.s32 $_size_execute0_lowered;
	s2 =	sadd.s32 s2, s4;
	[dreg:$0x0] =	wrdreg $0x0  }
0xa8: {  	s4 =	sshll.u32 s28, $0x1;
	[dreg:$0x2] =	wrdreg s2  }
0xa9: {  	[dreg:$0x3] =	wrdreg s4  }
0xaa: {  	[dreg:$0x4] =	wrdreg $0xC0  }
0xab: {  	_ =	task [dreg:s6], $0x5FFFF  }
0xac: {  	[dreg:$0x1] =	wrdreg $0xFFFFFFFF  }
0xad: {  	[dreg:$0x0] =	wrdreg $0x60  }
0xae: {  	[dreg:$0x2] =	wrdreg s24  }
0xaf: {  	[dreg:$0x3] =	wrdreg $0x11E000  }
0xb0: {  	[dreg:$0x4] =	wrdreg $0x9  }
0xb1: {  	_ =	task.clear_ibuf [dreg:s6], $0x5FFFF;
	_ =	strace $0x90000049  }
0xb2: {  	s29 =	simm.s32 $0x9;
	_ =	strace $0x8000004B  }
0xb3: {  	_ =	swait.ge [sflag:s29], $0x1  }
0xb4: {  	[sflag:s29] =	ssyncadd.s32 $0xFFFFFFFF  }
0xb5: {  	_ =	strace $0x9000004B  }
0xb6: {  	_ =	sfence  }
0xb7: {  	s30 =	sld [smem:$0x0];
	_ =	sdelay $0x2  }
0xb8: {  	s31 =	sshll.u32 s1, $0xD;
	s1 =	sshrl.u32 s1, $0x2  }
0xb9: {  	s3 =	sand.u32 $0x4000, s31;
	s1 =	sadd.s32 s1, s30  }
0xba: {  	s0 =	sor.u32 s3, s0;
	s1 =	sshll.u32 s1, $0x11  }
0xbb: {  	s0 =	sor.u32 s1, s0  }
0xbc: {  	s0 =	sadd.s32 $0x8F2B, s0  }
0xbd: {  	[sflag:s0] =	ssyncadd.remote.s32 $0x1  }
0xbe: {  	_ =	sfence.sel $0xFFFF  }
0xbf: {  	[dreg:$0x0] =	wrdreg $0xFFFFFFFF;
	(pc) =	sbr.abs _section_cstart, $3  }
0xc0: {  	[dreg:$0x1] =	wrdreg $0xFFFFFFFF  }
0xc1: {  	_ =	task.clear_ibuf [dreg:s6], $0x2FFFF;
	_ =	strace $0x9FFFFFFF  }
0xc2: {  	(tm) =	ssettm $0x7FFFFFFF  }
0xc3: {  	_ =	shalt  }
tec
execute0_lowered:
.L_overlay_start_1:
0x0: {  	(tag) =	ssettag $0x1  }
0x1: {  	s0 =	rddreg [dreg:$0x0]  }
0x2: {  	s2 =	rddreg [dreg:$0x1]  }
0x3: {  	s1 =	srdreg.scid;
	s10 =	stileid.u32  }
0x4: {  	s4 =	simm.s32 $0x0;
	s13 =	simm.s32 $0x11;
	s14 =	simm.s32 $0x80  }
0x5: {  	s15 =	simm.s32 $0x4F00;
	s16 =	simm.s32 $0x5F00;
	s18 =	simm.s32 $0x6F00  }
0x6: {  	s20 =	simm.s32 $0x7F00;
	s29 =	simm.s32 $0xBF00;
	s30 =	simm.s32 $0x1  }
0x7: {  	s31 =	simm.s32 $0x2;
	s12 =	simm.s32 $0x5;
	s17 =	simm.s32 $0x7  }
0x8: {  	s19 =	simm.s32 $0x8;
	s28 =	simm.s32 $0xC;
	s1 =	sand.u32 $0x1, s1  }
0x9: {  	s3 =	smul.u32 $0x4F00, s10;
	[smem:$0x7FF] =	sst s4;
	s4 =	sadd.s32 $0x15200, s0  }
0xa: {  	s6 =	sadd.s32 $0x1600, s0;
	s7 =	sadd.s32 $0xB400, s0;
	s22 =	sshll.u32 s10, $0x4  }
0xb: {  	s5 =	smul.u32 $0x4F000, s1;
	s8 =	sshll.u32 s1, $0x4;
	s1 =	ssub.s32 $0x2, s1  }
0xc: {  	_ =	strace $0x8000004A;
	s8 =	sor.u32 s10, s8;
	s21 =	sshrl.u32 s1, $0x1  }
0xd: {  	s10 =	simm.s32 $0x10;
	s5 =	sadd.s32 s3, s5;
	s9 =	smul.u32 $0x4E0, s8  }
0xe: {  	s1 =	ssub.s32 s1, s21;
	s3 =	sadd.s32 s3, s2;
	p0 =	sgt.u32 s8, $0x3  }
0xf: {  	s21 =	simm.s32 $0x9;
	s8 =	simm.s32 $0xE;
	s5 =	sshrl.u32 s5, $0x3  }
0x10: {  	[dreg:$0x3] =	wrdreg s3;
	s3 =	sor.u32 $0x9C00, s22;
	s26 =	smax.u32 s1, $0x1  }
0x11: {  	s22 =	simm.s32 $0x8F00;
	s1 =	simm.s32 $0x6;
	s0 =	sadd.s32 s5, s0  }
0x12: {  	s23 =	sadd.s32 s6, s9;
	s24 =	sadd.s32 s7, s9;
	[dreg:$0x9] =	wrdreg s26  }
0x13: {  	s25 =	sadd.s32 s6, s3;
	s3 =	sadd.s32 s7, s3;
	[dreg:$0x4] =	wrdreg s23  }
.Ltmp0:
0x14: {  	s26 =	simm.s32 $0xAF00;
	[dreg:$0x5] =	wrdreg s24;
	(pc) =	sbr.rel .LBB2_1-.Ltmp0, $4  }
0x15: {  	s6 =	simm.s32 $0xD;
	s9 =	simm.s32 $0xF;
	[dreg:$0x6] =	wrdreg s25  }
0x16: {  	s7 =	simm.s32 $0x0;
	[dreg:$0x7] =	wrdreg s3;
	s0 =	sadd.s32 $0x1F000, s0  }
0x17: {  	s24 =	simm.s32 $0x9F00;
	s3 =	simm.s32 $0x4;
	s23 =	simm.s32 $0xA  }
0x18: {  	v0 =	vimm.f32 $0.0e+00;
	s25 =	simm.s32 $0xB;
	[dreg:$0x8] =	wrdreg s0;
	s0 =	simm.s32 $0x3  }
.LBB2_6:
0x19: {  	_ =	swait.ge [sflag:s23], $0x1000  }
0x1a: {  	[sflag:s23] =	ssyncset.done $0x0  }
0x1b: {  	[sflag:s23] =	ssyncadd.s32 $0xFFFFF000  }
0x1c: {  	_ =	swait.ge [sflag:s25], $0x1000  }
0x1d: {  	[sflag:s25] =	ssyncset.done $0x0  }
0x1e: {  	[sflag:s25] =	ssyncadd.s32 $0xFFFFF000  }
0x1f: {  	_ =	swait.ge [sflag:s28], $0x1000  }
0x20: {  	[sflag:s28] =	ssyncset.done $0x0  }
0x21: {  	[sflag:s28] =	ssyncadd.s32 $0xFFFFF000  }
0x22: {  	_ =	swait.ge [sflag:s6], $0x1000  }
0x23: {  	[sflag:s6] =	ssyncset.done $0x0  }
0x24: {  	[sflag:s6] =	ssyncadd.s32 $0xFFFFF000  }
0x25: {  	_ =	swait.ge [sflag:s8], $0x1000  }
0x26: {  	[sflag:s8] =	ssyncset.done $0x0  }
0x27: {  	[sflag:s8] =	ssyncadd.s32 $0xFFFFF000  }
0x28: {  	_ =	swait.ge [sflag:s9], $0x1000  }
0x29: {  	[sflag:s9] =	ssyncset.done $0x0  }
0x2a: {  	[sflag:s9] =	ssyncadd.s32 $0xFFFFF000  }
0x2b: {  	_ =	swait.ge [sflag:s10], $0x1000  }
0x2c: {  	[sflag:s10] =	ssyncset.done $0x0  }
0x2d: {  	s5 =	simm.s32 $0x2400;
	[sflag:s10] =	ssyncadd.s32 $0xFFFFF000  }
0x2e: {  	[tilespmem:s15], [sflag:$0x1] =	stream.indirect.gather [hbm4b:s4+s14], $0x20, s5, s14, $0xb8;
	[tilespmem:$0x16D00] =	vst v63  }
0x2f: {  	s7 =	simm.s32 $0x2480  }
0x30: {  	[tilespmem:s16], [sflag:$0x2] =	stream.indirect.gather [hbm4b:s4+s14], $0x20, s7, s14, $0xb8;
	[tilespmem:$0x16D00] =	vst v63  }
0x31: {  	s11 =	simm.s32 $0x2500  }
0x32: {  	[tilespmem:s18], [sflag:$0x3] =	stream.indirect.gather [hbm4b:s4+s14], $0x20, s11, s14, $0xb8;
	[tilespmem:$0x16D00] =	vst v63  }
0x33: {  	s13 =	simm.s32 $0x2580  }
0x34: {  	[tilespmem:s20], [sflag:$0x4] =	stream.indirect.gather [hbm4b:s4+s14], $0x20, s13, s14, $0xb8;
	[tilespmem:$0x16D00] =	vst v63  }
0x35: {  	s7 =	simm.s32 $0x2600  }
0x36: {  	[tilespmem:s22], [sflag:$0x5] =	stream.indirect.gather [hbm4b:s4+s14], $0x20, s7, s14, $0xb8;
	[tilespmem:$0x16D00] =	vst v63  }
0x37: {  	s11 =	simm.s32 $0x2680  }
0x38: {  	[tilespmem:s24], [sflag:$0x6] =	stream.indirect.gather [hbm4b:s4+s14], $0x20, s11, s14, $0xb8;
	[tilespmem:$0x16D00] =	vst v63  }
0x39: {  	s5 =	simm.s32 @!p0 $0x80;
	s7 =	simm.s32 @!p0 $0x2700;
	s11 =	simm.s32 @!p0 $0xAF00  }
0x3a: {  	[tilespmem:s11], [sflag:$0x7] =	stream.indirect.gather @!p0 [hbm4b:s4+s5], $0x20, s7, s5, $0xb8;
	[tilespmem:$0x16D00] =	vst v63  }
0x3b: {  	_ =	swait.ge [sflag:s30], $0x1000  }
0x3c: {  	[sflag:s30] =	ssyncset.done $0x0  }
0x3d: {  	s13 =	simm.s32 $0x4B80;
	[sflag:s30] =	ssyncadd.s32 $0xFFFFF000  }
0x3e: {  	[spmem:s2] =	stream.indirect.scatter.add.f32 [tilespmem:s15], [sflag:$0x11], $0x20, s13, s14, $0xb8;
	[tilespmem:$0x16D00] =	vst v63  }
0x3f: {  	s13 =	simm.s32 $0x11  }
0x40: {  	_ =	swait.ge [sflag:s13], $0x1000  }
0x41: {  	[sflag:s13] =	ssyncset.done $0x0  }
0x42: {  	[sflag:s13] =	ssyncadd.s32 $0xFFFFF000  }
0x43: {  	_ =	swait.ge [sflag:s31], $0x1000  }
0x44: {  	[sflag:s31] =	ssyncset.done $0x0  }
0x45: {  	s7 =	simm.s32 $0x4C00;
	[sflag:s31] =	ssyncadd.s32 $0xFFFFF000  }
0x46: {  	[spmem:s2] =	stream.indirect.scatter.add.f32 [tilespmem:s16], [sflag:$0x11], $0x20, s7, s14, $0xb8;
	[tilespmem:$0x16D00] =	vst v63  }
0x47: {  	_ =	swait.ge [sflag:s13], $0x1000  }
0x48: {  	[sflag:s13] =	ssyncset.done $0x0  }
0x49: {  	[sflag:s13] =	ssyncadd.s32 $0xFFFFF000  }
0x4a: {  	_ =	swait.ge [sflag:s0], $0x1000  }
0x4b: {  	[sflag:s0] =	ssyncset.done $0x0  }
0x4c: {  	s7 =	simm.s32 $0x4C80;
	[sflag:s0] =	ssyncadd.s32 $0xFFFFF000  }
0x4d: {  	[spmem:s2] =	stream.indirect.scatter.add.f32 [tilespmem:s18], [sflag:$0x11], $0x20, s7, s14, $0xb8;
	[tilespmem:$0x16D00] =	vst v63  }
0x4e: {  	_ =	swait.ge [sflag:s13], $0x1000  }
0x4f: {  	[sflag:s13] =	ssyncset.done $0x0  }
0x50: {  	[sflag:s13] =	ssyncadd.s32 $0xFFFFF000  }
0x51: {  	_ =	swait.ge [sflag:s3], $0x1000  }
0x52: {  	[sflag:s3] =	ssyncset.done $0x0  }
0x53: {  	s7 =	simm.s32 $0x4D00;
	[sflag:s3] =	ssyncadd.s32 $0xFFFFF000  }
0x54: {  	[spmem:s2] =	stream.indirect.scatter.add.f32 [tilespmem:s20], [sflag:$0x11], $0x20, s7, s14, $0xb8;
	[tilespmem:$0x16D00] =	vst v63  }
0x55: {  	_ =	swait.ge [sflag:s13], $0x1000  }
0x56: {  	[sflag:s13] =	ssyncset.done $0x0  }
0x57: {  	[sflag:s13] =	ssyncadd.s32 $0xFFFFF000  }
0x58: {  	_ =	swait.ge [sflag:s12], $0x1000  }
0x59: {  	[sflag:s12] =	ssyncset.done $0x0  }
0x5a: {  	s7 =	simm.s32 $0x4D80;
	[sflag:s12] =	ssyncadd.s32 $0xFFFFF000  }
0x5b: {  	[spmem:s2] =	stream.indirect.scatter.add.f32 [tilespmem:s22], [sflag:$0x11], $0x20, s7, s14, $0xb8;
	[tilespmem:$0x16D00] =	vst v63  }
0x5c: {  	_ =	swait.ge [sflag:s13], $0x1000  }
0x5d: {  	[sflag:s13] =	ssyncset.done $0x0  }
0x5e: {  	[sflag:s13] =	ssyncadd.s32 $0xFFFFF000  }
0x5f: {  	_ =	swait.ge [sflag:s1], $0x1000  }
0x60: {  	[sflag:s1] =	ssyncset.done $0x0  }
0x61: {  	s7 =	simm.s32 $0x4E00;
	[sflag:s1] =	ssyncadd.s32 $0xFFFFF000  }
0x62: {  	[spmem:s2] =	stream.indirect.scatter.add.f32 [tilespmem:s24], [sflag:$0x11], $0x20, s7, s14, $0xb8;
	[tilespmem:$0x16D00] =	vst v63  }
0x63: {  	_ =	swait.ge [sflag:s13], $0x1000  }
0x64: {  	[sflag:s13] =	ssyncset.done $0x0  }
0x65: {  	s7 =	simm.s32 @!p0 $0x7;
	[sflag:s13] =	ssyncadd.s32 $0xFFFFF000  }
0x66: {  	_ =	swait.ge @!p0 [sflag:s7], $0x1000  }
0x67: {  	[sflag:s7] =	ssyncset.done @!p0 $0x0  }
0x68: {  	[sflag:s7] =	ssyncadd.s32 @!p0 $0xFFFFF000;
	s7 =	simm.s32 @!p0 $0x4E80  }
0x69: {  	[spmem:s2] =	stream.indirect.scatter.add.f32 @!p0 [tilespmem:s11], [sflag:$0x11], $0x20, s7, s5, $0xb8;
	[tilespmem:$0x16D00] =	vst v63  }
0x6a: {  	s5 =	simm.s32 @!p0 $0x11  }
0x6b: {  	_ =	swait.ge @!p0 [sflag:s5], $0x1000  }
0x6c: {  	[sflag:s5] =	ssyncset.done @!p0 $0x0  }
0x6d: {  	[sflag:s5] =	ssyncadd.s32 @!p0 $0xFFFFF000  }
0x6e: {  	s7 =	stileid.u32;
	[bflag:$0x0] =	sbarrier.arrive $0xFFFF  }
0x6f: {  	s5 =	sshll.u32 s7, $0x6;
	s11 =	rddreg [dreg:$0x3]  }
0x70: {  	s5 =	sor.u32 $0x1C11, s5;
	s7 =	sshrl.u32 s11, $0x3;
	s11 =	rddreg [dreg:$0x8]  }
0x71: {  	[hbm:s11], [sflag:s5] =	dma.local [spmem:s7], $0x9E0  }
0x72: {  	_ =	swait.ge [sflag:s13], $0x9E0  }
0x73: {  	s5 =	rddreg [dreg:$0xa]  }
0x74: {  	s11 =	rddreg [dreg:$0x9];
	s7 =	sadd.s32 $0x1, s5  }
0x75: {  	p1 =	sne.s32 s7, s11  }
.Ltmp1:
0x76: {  	_ = 	snop;
	(pc) =	sbr.rel @!p1 .LBB2_7-.Ltmp1, $3  }
0x77: {  	_ =	sdelay $0x1  }
0x78: {  	[sflag:s13] =	ssyncset.done $0x0  }
0x79: {  	[sflag:s13] =	ssyncadd.s32 $0xFFFFF620  }
.LBB2_1:
0x7a: {  	[dreg:$0xa] =	wrdreg s7;
	s5 =	simm.s32 $0x80;
	s7 =	simm.s32 $0x0  }
.LBB2_2:
0x7b: {  	p1 =	sne.s32 s5, $0x13B80;
	[tilespmem:s7+$0xCF00] =	vst v0;
	s11 =	smov.u32 s5;
	s5 =	sadd.s32 $0x80, s5  }
.Ltmp2:
0x7c: {  	[tilespmem:s7+$0xCF10] =	vst v0;
	(pc) =	sbr.rel @p1 .LBB2_2-.Ltmp2, $2  }
0x7d: {  	_ =	sdelay $0x2  }
0x7e: {  	s7 =	sshra.s32 s11, $0x2  }
0x7f: {  	[tilespmem:s7+$0xCF00] =	vst v0  }
0x80: {  	[tilespmem:s7+$0xCF10] =	vst v0;
	s5 =	rddreg [dreg:$0x3];
	s11 =	simm.s32 $0xCF00  }
0x81: {  	[spmem:s5] =	stream.linear.scatter [tilespmem:s11], [sflag:$0x11], $0x4F00, $0x38;
	[tilespmem:$0x16D00] =	vst v63  }
0x82: {  	_ =	swait.ge [sflag:s13], $0x4F00  }
0x83: {  	[sflag:s13] =	ssyncset.done $0x0  }
0x84: {  	s7 =	simm.s32 $0x0;
	s11 =	rddreg [dreg:$0x4];
	[sflag:s13] =	ssyncadd.s32 $0xFFFFB100  }
0x85: {  	[tilespmem:s7], [sflag:$0x11] =	stream.linear.gather [hbm4b:s11+s7], $0x2700, $0x38;
	[tilespmem:$0x16D00] =	vst v63  }
0x86: {  	_ =	swait.ge [sflag:s13], $0x2700  }
0x87: {  	s5 =	simm.s32 @p0 $0x0;
	[sflag:s13] =	ssyncset.done $0x0  }
0x88: {  	s7 =	simm.s32 @p0 $0x2780;
	[sflag:s13] =	ssyncadd.s32 $0xFFFFD900;
	s13 =	rddreg [dreg:$0x5]  }
0x89: {  	[tilespmem:s7], [sflag:$0x11] =	stream.linear.gather @p0 [hbm4b:s13+s5], $0x2700, $0x38;
	[tilespmem:$0x16D00] =	vst v63  }
0x8a: {  	s5 =	simm.s32 @p0 $0x11  }
0x8b: {  	_ =	swait.ge @p0 [sflag:s5], $0x2700  }
0x8c: {  	s7 =	simm.s32 @!p0 $0x2700;
	[sflag:s5] =	ssyncset.done @p0 $0x0  }
0x8d: {  	s11 =	rddreg [dreg:$0x6];
	[sflag:s5] =	ssyncadd.s32 @p0 $0xFFFFD900;
	s5 =	simm.s32 @!p0 $0x0  }
0x8e: {  	[tilespmem:s7], [sflag:$0x11] =	stream.linear.gather @!p0 [hbm4b:s11+s5], $0x80, $0x38;
	[tilespmem:$0x16D00] =	vst v63  }
0x8f: {  	s7 =	simm.s32 @!p0 $0x11  }
0x90: {  	_ =	swait.ge @!p0 [sflag:s7], $0x80  }
0x91: {  	[sflag:s7] =	ssyncset.done @!p0 $0x0  }
0x92: {  	s11 =	simm.s32 @!p0 $0x2780;
	[sflag:s7] =	ssyncadd.s32 @!p0 $0xFFFFFF80  }
0x93: {  	[tilespmem:s11], [sflag:$0x11] =	stream.linear.gather @!p0 [hbm4b:s13+s5], $0x2700, $0x38;
	[tilespmem:$0x16D00] =	vst v63  }
0x94: {  	_ =	swait.ge @!p0 [sflag:s7], $0x2700  }
0x95: {  	[sflag:s7] =	ssyncset.done @!p0 $0x0  }
0x96: {  	s11 =	simm.s32 @!p0 $0x4E80;
	s13 =	rddreg [dreg:$0x7];
	[sflag:s7] =	ssyncadd.s32 @!p0 $0xFFFFD900  }
0x97: {  	[tilespmem:s11], [sflag:$0x11] =	stream.linear.gather @!p0 [hbm4b:s13+s5], $0x80, $0x38;
	[tilespmem:$0x16D00] =	vst v63  }
0x98: {  	_ =	swait.ge @!p0 [sflag:s7], $0x80  }
0x99: {  	[sflag:s7] =	ssyncset.done @!p0 $0x0  }
0x9a: {  	s5 =	simm.s32 $0x0;
	[sflag:s7] =	ssyncadd.s32 @!p0 $0xFFFFFF80  }
0x9b: {  	[tilespmem:s15], [sflag:$0x1] =	stream.indirect.gather [hbm4b:s4+s14], $0x20, s5, s14, $0xb8;
	[tilespmem:$0x16D00] =	vst v63  }
0x9c: {  	_ = 	snop  }
0x9d: {  	[tilespmem:s16], [sflag:$0x2] =	stream.indirect.gather [hbm4b:s4+s14], $0x20, s14, s14, $0xb8;
	[tilespmem:$0x16D00] =	vst v63  }
0x9e: {  	s11 =	simm.s32 $0x100  }
0x9f: {  	[tilespmem:s18], [sflag:$0x3] =	stream.indirect.gather [hbm4b:s4+s14], $0x20, s11, s14, $0xb8;
	[tilespmem:$0x16D00] =	vst v63  }
0xa0: {  	s13 =	simm.s32 $0x180  }
0xa1: {  	[tilespmem:s20], [sflag:$0x4] =	stream.indirect.gather [hbm4b:s4+s14], $0x20, s13, s14, $0xb8;
	[tilespmem:$0x16D00] =	vst v63  }
0xa2: {  	s11 =	simm.s32 $0x200  }
0xa3: {  	[tilespmem:s22], [sflag:$0x5] =	stream.indirect.gather [hbm4b:s4+s14], $0x20, s11, s14, $0xb8;
	[tilespmem:$0x16D00] =	vst v63  }
0xa4: {  	s13 =	simm.s32 $0x280  }
0xa5: {  	[tilespmem:s24], [sflag:$0x6] =	stream.indirect.gather [hbm4b:s4+s14], $0x20, s13, s14, $0xb8;
	[tilespmem:$0x16D00] =	vst v63  }
0xa6: {  	s11 =	simm.s32 $0x300  }
0xa7: {  	[tilespmem:s26], [sflag:$0x7] =	stream.indirect.gather [hbm4b:s4+s14], $0x20, s11, s14, $0xb8;
	[tilespmem:$0x16D00] =	vst v63  }
0xa8: {  	s13 =	simm.s32 $0x380  }
0xa9: {  	[tilespmem:s29], [sflag:$0x8] =	stream.indirect.gather [hbm4b:s4+s14], $0x20, s13, s14, $0xb8;
	[tilespmem:$0x16D00] =	vst v63  }
0xaa: {  	[bflag:$0x0] =	sbarrier.arrive $0xFFFF  }
.LBB2_4:
0xab: {  	_ =	swait.ge [sflag:s30], $0x1000  }
0xac: {  	s7 =	sshra.s32 s5, $0x2;
	[sflag:s30] =	ssyncset.done $0x0  }
0xad: {  	s11 =	sadd.s32 $0x2780, s7;
	[sflag:s30] =	ssyncadd.s32 $0xFFFFF000  }
0xae: {  	[spmem:s2] =	stream.indirect.scatter.add.f32 [tilespmem:s15], [sflag:$0x9], $0x20, s11, s14, $0xb8;
	[tilespmem:$0x16D00] =	vst v63  }
0xaf: {  	_ =	swait.ge [sflag:s31], $0x1000  }
0xb0: {  	[sflag:s31] =	ssyncset.done $0x0  }
0xb1: {  	s13 =	sadd.s32 $0x2800, s7;
	[sflag:s31] =	ssyncadd.s32 $0xFFFFF000  }
0xb2: {  	[spmem:s2] =	stream.indirect.scatter.add.f32 [tilespmem:s16], [sflag:$0xA], $0x20, s13, s14, $0xb8;
	[tilespmem:$0x16D00] =	vst v63  }
0xb3: {  	_ =	swait.ge [sflag:s0], $0x1000  }
0xb4: {  	[sflag:s0] =	ssyncset.done $0x0  }
0xb5: {  	s13 =	sadd.s32 $0x2880, s7;
	[sflag:s0] =	ssyncadd.s32 $0xFFFFF000  }
0xb6: {  	[spmem:s2] =	stream.indirect.scatter.add.f32 [tilespmem:s18], [sflag:$0xB], $0x20, s13, s14, $0xb8;
	[tilespmem:$0x16D00] =	vst v63  }
0xb7: {  	_ =	swait.ge [sflag:s3], $0x1000  }
0xb8: {  	[sflag:s3] =	ssyncset.done $0x0  }
0xb9: {  	s13 =	sadd.s32 $0x2900, s7;
	[sflag:s3] =	ssyncadd.s32 $0xFFFFF000  }
0xba: {  	[spmem:s2] =	stream.indirect.scatter.add.f32 [tilespmem:s20], [sflag:$0xC], $0x20, s13, s14, $0xb8;
	[tilespmem:$0x16D00] =	vst v63  }
0xbb: {  	_ =	swait.ge [sflag:s12], $0x1000  }
0xbc: {  	[sflag:s12] =	ssyncset.done $0x0  }
0xbd: {  	s13 =	sadd.s32 $0x2980, s7;
	[sflag:s12] =	ssyncadd.s32 $0xFFFFF000  }
0xbe: {  	[spmem:s2] =	stream.indirect.scatter.add.f32 [tilespmem:s22], [sflag:$0xD], $0x20, s13, s14, $0xb8;
	[tilespmem:$0x16D00] =	vst v63  }
0xbf: {  	_ =	swait.ge [sflag:s1], $0x1000  }
0xc0: {  	[sflag:s1] =	ssyncset.done $0x0  }
0xc1: {  	s13 =	sadd.s32 $0x2A00, s7;
	[sflag:s1] =	ssyncadd.s32 $0xFFFFF000  }
0xc2: {  	[spmem:s2] =	stream.indirect.scatter.add.f32 [tilespmem:s24], [sflag:$0xE], $0x20, s13, s14, $0xb8;
	[tilespmem:$0x16D00] =	vst v63  }
0xc3: {  	_ =	swait.ge [sflag:s17], $0x1000  }
0xc4: {  	[sflag:s17] =	ssyncset.done $0x0  }
0xc5: {  	s13 =	sadd.s32 $0x2A80, s7;
	[sflag:s17] =	ssyncadd.s32 $0xFFFFF000  }
0xc6: {  	[spmem:s2] =	stream.indirect.scatter.add.f32 [tilespmem:s26], [sflag:$0xF], $0x20, s13, s14, $0xb8;
	[tilespmem:$0x16D00] =	vst v63  }
0xc7: {  	_ =	swait.ge [sflag:s19], $0x1000  }
0xc8: {  	p1 =	seq.s32 s5, $0x8000;
	[sflag:s19] =	ssyncset.done $0x0  }
.Ltmp3:
0xc9: {  	s13 =	sadd.s32 $0x2B00, s7;
	[sflag:s19] =	ssyncadd.s32 $0xFFFFF000;
	(pc) =	sbr.rel @p1 .LBB2_6-.Ltmp3, $4  }
0xca: {  	[spmem:s2] =	stream.indirect.scatter.add.f32 [tilespmem:s29], [sflag:$0x10], $0x20, s13, s14, $0xb8;
	[tilespmem:$0x16D00] =	vst v63  }
0xcb: {  	_ =	swait.ge [sflag:s21], $0x1000  }
0xcc: {  	[sflag:s21] =	ssyncset.done $0x0  }
0xcd: {  	[sflag:s21] =	ssyncadd.s32 $0xFFFFF000  }
0xce: {  	s11 =	sadd.s32 $0x400, s7  }
0xcf: {  	[tilespmem:s15], [sflag:$0x1] =	stream.indirect.gather [hbm4b:s4+s14], $0x20, s11, s14, $0xb8;
	[tilespmem:$0x16D00] =	vst v63  }
0xd0: {  	_ =	swait.ge [sflag:s23], $0x1000  }
0xd1: {  	[sflag:s23] =	ssyncset.done $0x0  }
0xd2: {  	s13 =	sadd.s32 $0x480, s7;
	[sflag:s23] =	ssyncadd.s32 $0xFFFFF000  }
0xd3: {  	[tilespmem:s16], [sflag:$0x2] =	stream.indirect.gather [hbm4b:s4+s14], $0x20, s13, s14, $0xb8;
	[tilespmem:$0x16D00] =	vst v63  }
0xd4: {  	_ =	swait.ge [sflag:s25], $0x1000  }
0xd5: {  	[sflag:s25] =	ssyncset.done $0x0  }
0xd6: {  	s13 =	sadd.s32 $0x500, s7;
	[sflag:s25] =	ssyncadd.s32 $0xFFFFF000  }
0xd7: {  	[tilespmem:s18], [sflag:$0x3] =	stream.indirect.gather [hbm4b:s4+s14], $0x20, s13, s14, $0xb8;
	[tilespmem:$0x16D00] =	vst v63  }
0xd8: {  	_ =	swait.ge [sflag:s28], $0x1000  }
0xd9: {  	[sflag:s28] =	ssyncset.done $0x0  }
0xda: {  	s13 =	sadd.s32 $0x580, s7;
	[sflag:s28] =	ssyncadd.s32 $0xFFFFF000  }
0xdb: {  	[tilespmem:s20], [sflag:$0x4] =	stream.indirect.gather [hbm4b:s4+s14], $0x20, s13, s14, $0xb8;
	[tilespmem:$0x16D00] =	vst v63  }
0xdc: {  	_ =	swait.ge [sflag:s6], $0x1000  }
0xdd: {  	[sflag:s6] =	ssyncset.done $0x0  }
0xde: {  	s13 =	sadd.s32 $0x600, s7;
	[sflag:s6] =	ssyncadd.s32 $0xFFFFF000  }
0xdf: {  	[tilespmem:s22], [sflag:$0x5] =	stream.indirect.gather [hbm4b:s4+s14], $0x20, s13, s14, $0xb8;
	[tilespmem:$0x16D00] =	vst v63  }
0xe0: {  	_ =	swait.ge [sflag:s8], $0x1000  }
0xe1: {  	[sflag:s8] =	ssyncset.done $0x0  }
0xe2: {  	s13 =	sadd.s32 $0x680, s7;
	[sflag:s8] =	ssyncadd.s32 $0xFFFFF000  }
0xe3: {  	[tilespmem:s24], [sflag:$0x6] =	stream.indirect.gather [hbm4b:s4+s14], $0x20, s13, s14, $0xb8;
	[tilespmem:$0x16D00] =	vst v63  }
0xe4: {  	_ =	swait.ge [sflag:s9], $0x1000  }
0xe5: {  	[sflag:s9] =	ssyncset.done $0x0  }
0xe6: {  	s13 =	sadd.s32 $0x700, s7;
	[sflag:s9] =	ssyncadd.s32 $0xFFFFF000  }
0xe7: {  	[tilespmem:s26], [sflag:$0x7] =	stream.indirect.gather [hbm4b:s4+s14], $0x20, s13, s14, $0xb8;
	[tilespmem:$0x16D00] =	vst v63  }
.Ltmp4:
0xe8: {  	_ = 	snop;
	(pc) =	sbr.rel .LBB2_4-.Ltmp4, $4  }
0xe9: {  	_ =	swait.ge [sflag:s10], $0x1000  }
0xea: {  	[sflag:s10] =	ssyncset.done $0x0  }
0xeb: {  	s5 =	sadd.s32 $0x1000, s5;
	s13 =	sadd.s32 $0x780, s7;
	[sflag:s10] =	ssyncadd.s32 $0xFFFFF000  }
0xec: {  	[tilespmem:s29], [sflag:$0x8] =	stream.indirect.gather [hbm4b:s4+s14], $0x20, s13, s14, $0xb8;
	[tilespmem:$0x16D00] =	vst v63  }
.LBB2_7:
0xed: {  	_ =	sfence.sel $0x180000  }
0xee: {  	[bflag:$0x0] =	sbarrier.arrive $0xFFFF  }
0xef: {  	_ =	strace $0x9000004A  }
0xf0: {  	s0 =	stileid.u32;
	[bflag:$0x2] =	sbarrier.arrive $0xFFFF  }
0xf1: {  	p0 =	sne.s32 s0, $0x0;
	s0 =	rddreg [dreg:$0x2]  }
0xf2: {  	s0 =	sadd.s32 @!p0 $0x100000, s0  }
0xf3: {  	[sflag:s0] =	ssyncadd.tile.s32 @!p0 $0x1;
	_ =	shalt  }
.Lfunc_end2:
_tile_overlayer_lowered:
.L_overlay_start_2:
0xf4: {  	(tag) =	ssettag $0x2  }
0xf5: {  	s0 =	rddreg [dreg:$0x0];
	s2 =	stileid.u32  }
0xf6: {  	s1 =	rddreg [dreg:$0x1];
	p0 =	sne.s32 s2, $0x0  }
0xf7: {  	s3 =	rddreg [dreg:$0x2];
	[bflag:$0x3] =	sbarrier.arrive $0xFFFF;
	s2 =	simm.s32 @!p0 $0x1C11  }
0xf8: {  	[timem:s3], [sflag:s2] =	dma.local @!p0 [hbm:s0], s1  }
0xf9: {  	s0 =	simm.s32 @!p0 $0x11  }
0xfa: {  	_ =	swait.ge @!p0 [sflag:s0], s1  }
0xfb: {  	s1 =	ssub.s32 @!p0 $0x0, s1;
	[sflag:s0] =	ssyncset.done @!p0 $0x0  }
0xfc: {  	[sflag:s0] =	ssyncadd.s32 @!p0 s1  }
0xfd: {  	[bflag:$0x3] =	sbarrier.arrive $0xFFFF  }
0xfe: {  	_ =	shalt  }

// kernel: kernel.15.cloned.1.call-start
scs
__scs_entry_jumppad:
0x0: {  	(pc) =	sbr.rel $0x88, $3  }
0x1: {  	(tag) =	ssettag $0x0;
	lr =	simm.s32 $0x1  }
0x2: {  	[smem:$0x3F9B] =	sst lr;
	_ =	strace $0xD0000000  }
0x3: {  	_ = 	snop  }
0x4: {  	_ = 	snop  }
0x5: {  	_ = 	snop  }
0x6: {  	_ = 	snop  }
0x7: {  	_ = 	snop  }
__scs_overlays_trampoline_lowered:
0x8: {  	[smem:$0x3FAA] =	sst s0  }
0x9: {  	[smem:$0x3FAB] =	sst s1  }
0xa: {  	[smem:$0x3FAC] =	sst s2  }
0xb: {  	[smem:$0x3FAD] =	sst s3  }
0xc: {  	[smem:$0x3FAE] =	sst s4  }
0xd: {  	[smem:$0x3FAF] =	sst s5  }
0xe: {  	[smem:$0x3FB0] =	sst s6  }
0xf: {  	[smem:$0x3FB1] =	sst s7  }
0x10: {  	[smem:$0x3FB2] =	sst s8  }
0x11: {  	[smem:$0x3FB3] =	sst s9;
	s0 =	simm.s32 @!p0 $0x0  }
0x12: {  	s1 =	sld [smem:$0x3F99];
	s0 =	simm.s32 @p0 $0x1  }
0x13: {  	[smem:$0x3FB4] =	sst s0;
	s0 =	simm.s32 @!p1 $0x0  }
0x14: {  	s2 =	sld [smem:$0x3F98];
	s0 =	simm.s32 @p1 $0x1  }
0x15: {  	[smem:$0x3FB5] =	sst s0;
	s0 =	simm.s32 @!p2 $0x0  }
0x16: {  	s3 =	sld [smem:$0x3FDB];
	s0 =	simm.s32 @p2 $0x1  }
0x17: {  	s4 =	simm.s32 $0x1BF5;
	[smem:$0x3FB7] =	sst s0  }
0x18: {  	s0 =	sld [smem:$0x3F9A];
	_ =	swait.ge [sflag:s4], $0x0  }
0x19: {  	s7 =	sld [smem:$0x3F9B]  }
0x1a: {  	s8 =	sadd.s32 $0xFFFFE003, lr  }
0x1b: {  	s9 =	sadd.s32 $0xFFFFFEF7, lr;
	s5 =	simm.s32 $0xFFFFFFFF;
	p2 =	slt.u32 s8, $0xFFFFF086  }
0x1c: {  	p1 =	slt.u32 s9, $0xF7A;
	s5 =	simm.s32 @!p2 $0x0  }
0x1d: {  	s5 =	simm.s32 @p1 $0x1;
	p0 =	seq.s32 s7, s2  }
0x1e: {  	s7 =	smul.u32 @!p0 $0xF7A, s2;
	p2 =	seq.s32 @!p0 s5, $0x0  }
0x1f: {  	s9 =	smul.u32 $0xF7A, s1;
	s8 =	simm.s32 @!p0 $0x1BF5;
	p2 =	por !p2, p0  }
0x20: {  	[sflag:s8] =	ssyncset.s32 @!p0 $0xFFFFF086;
	s6 =	sadd.s32 @!p0 s3, s7;
	s7 =	simm.s32 @!p0 $0x108  }
0x21: {  	s3 =	sadd.s32 s3, s9;
	s6 =	sadd.s32 @!p0 $0x88, s6;
	s7 =	simm.s32 @p2 $0x1082  }
0x22: {  	[simem:s7], [sflag:s8] =	dma.local @!p0 [hbm:s6], $0xF7A  }
0x23: {  	s9 =	sor.u32 $0xD0000000, s2;
	s6 =	simm.s32 $0x108;
	_ =	swait.ge @!p0 [sflag:s8], $0x0  }
0x24: {  	s3 =	sadd.s32 $0x88, s3;
	s6 =	simm.s32 @!p1 $0x1082;
	[sflag:s4] =	ssyncset.s32 $0xFFFFF086  }
0x25: {  	[simem:s6], [sflag:s4] =	dma.local [hbm:s3], $0xF7A  }
0x26: {  	[smem:$0x3F9B] =	sst s1;
	(tag) =	ssettag s2;
	_ =	strace s9  }
0x27: {  	s1 =	sld [smem:$0x3FAB]  }
0x28: {  	s2 =	sld [smem:$0x3FAC]  }
0x29: {  	s4 =	sld [smem:$0x3FAE]  }
0x2a: {  	p0 =	seq.s32 s5, $0x0;
	s5 =	sld [smem:$0x3FAF]  }
0x2b: {  	s6 =	sld [smem:$0x3FB0]  }
0x2c: {  	s7 =	sld [smem:$0x3FB1]  }
0x2d: {  	s3 =	simm.s32 $0x108;
	s8 =	sld [smem:$0x3FB2]  }
0x2e: {  	s3 =	simm.s32 @!p0 $0x1082;
	s9 =	sld [smem:$0x3FB3]  }
0x2f: {  	lr =	sadd.s32 s0, s3;
	s0 =	sld [smem:$0x3FAA]  }
0x30: {  	s3 =	sld [smem:$0x3FAD]  }
0x31: {  	[smem:$0x3FB6] =	sst s10  }
0x32: {  	s10 =	sld [smem:$0x3FB4];
	_ =	sdelay $0x3  }
0x33: {  	p0 =	seq.s32 s10, $0x1;
	s10 =	sld [smem:$0x3FB6];
	_ =	sdelay $0x3  }
0x34: {  	[smem:$0x3FB6] =	sst s10  }
0x35: {  	s10 =	sld [smem:$0x3FB5];
	_ =	sdelay $0x3  }
0x36: {  	p1 =	seq.s32 s10, $0x1;
	s10 =	sld [smem:$0x3FB6];
	_ =	sdelay $0x3  }
0x37: {  	[smem:$0x3FB6] =	sst s10  }
0x38: {  	s10 =	sld [smem:$0x3FB7]  }
0x39: {  	_ = 	snop;
	(pc) =	sbr.ind lr, $3  }
0x3a: {  	_ = 	snop  }
0x3b: {  	_ = 	snop  }
0x3c: {  	p2 =	seq.s32 s10, $0x1;
	s10 =	sld [smem:$0x3FB6]  }
0x3d: {  	_ =	shalt  }
0x3e: {  	_ =	shalt  }
0x3f: {  	_ =	shalt  }
0x40: {  	_ =	shalt  }
0x41: {  	_ =	shalt  }
0x42: {  	_ =	shalt  }
0x43: {  	_ =	shalt  }
0x44: {  	_ =	shalt  }
0x45: {  	_ =	shalt  }
0x46: {  	_ =	shalt  }
0x47: {  	_ =	shalt  }
0x48: {  	_ =	shalt  }
0x49: {  	_ =	shalt  }
0x4a: {  	_ =	shalt  }
0x4b: {  	_ =	shalt  }
0x4c: {  	_ =	shalt  }
0x4d: {  	_ =	shalt  }
0x4e: {  	_ =	shalt  }
0x4f: {  	_ =	shalt  }
0x50: {  	_ =	shalt  }
0x51: {  	_ =	shalt  }
0x52: {  	_ =	shalt  }
0x53: {  	_ =	shalt  }
0x54: {  	_ =	shalt  }
0x55: {  	_ =	shalt  }
0x56: {  	_ =	shalt  }
0x57: {  	_ =	shalt  }
0x58: {  	_ =	shalt  }
0x59: {  	_ =	shalt  }
0x5a: {  	_ =	shalt  }
0x5b: {  	_ =	shalt  }
0x5c: {  	_ =	shalt  }
0x5d: {  	_ =	shalt  }
0x5e: {  	_ =	shalt  }
0x5f: {  	_ =	shalt  }
0x60: {  	_ =	shalt  }
0x61: {  	_ =	shalt  }
0x62: {  	_ =	shalt  }
0x63: {  	_ =	shalt  }
0x64: {  	_ =	shalt  }
0x65: {  	_ =	shalt  }
0x66: {  	_ =	shalt  }
0x67: {  	_ =	shalt  }
0x68: {  	_ =	shalt  }
0x69: {  	_ =	shalt  }
0x6a: {  	_ =	shalt  }
0x6b: {  	_ =	shalt  }
0x6c: {  	_ =	shalt  }
0x6d: {  	_ =	shalt  }
0x6e: {  	_ =	shalt  }
0x6f: {  	_ =	shalt  }
0x70: {  	_ =	shalt  }
0x71: {  	_ =	shalt  }
0x72: {  	_ =	shalt  }
0x73: {  	_ =	shalt  }
0x74: {  	_ =	shalt  }
0x75: {  	_ =	shalt  }
0x76: {  	_ =	shalt  }
0x77: {  	_ =	shalt  }
0x78: {  	_ =	shalt  }
0x79: {  	_ =	shalt  }
0x7a: {  	_ =	shalt  }
0x7b: {  	_ =	shalt  }
0x7c: {  	_ =	shalt  }
0x7d: {  	_ =	shalt  }
0x7e: {  	_ =	shalt  }
0x7f: {  	_ =	shalt  }
0x80: {  	_ =	shalt  }
0x81: {  	_ =	shalt  }
0x82: {  	_ =	shalt  }
0x83: {  	_ =	shalt  }
0x84: {  	_ =	shalt  }
0x85: {  	_ =	shalt  }
0x86: {  	_ =	shalt  }
0x87: {  	_ =	shalt  }
.Lfunc_end0:
.L_simem_size_0:
called_computation.2_lowered:
.L_overlay_start_0:
0x88: {  	s2 =	sld [smem:$0x3FD9]  }
0x89: {  	s3 =	sld [smem:$0x3FFE];
	_ =	sdelay $0x1  }
0x8a: {  	s1 =	srdreg.scid  }
0x8b: {  	s0 =	sand.u32 $0x1, s1  }
0x8c: {  	s17 =	sshll.u32 s0, $0xA;
	s2 =	sadd.s32 s3, s2  }
0x8d: {  	s2 =	sadd.s32 s2, s17  }
0x8e: {  	[smem:$0x3FC2] =	sst s2  }
0x8f: {  	_ = 	snop  }
0x90: {  	s2 =	sld [smem:$0x3FD0];
	(tm) =	ssettm $0x1  }
0x91: {  	s18 =	sld [smem:$0x3FFB];
	_ =	sdelay $0x3  }
0x92: {  	_ =	strace s18  }
0x93: {  	s3 =	sld [smem:$0x3FFC];
	_ =	sdelay $0x3  }
0x94: {  	_ =	strace s3  }
0x95: {  	s3 =	sld [smem:$0x3FFD];
	_ =	sdelay $0x3  }
0x96: {  	_ =	strace s3  }
0x97: {  	_ =	strace $0x8FFFFFFF  }
0x98: {  	s19 =	sld [smem:$0x3FDB];
	_ =	sdelay $0x1  }
0x99: {  	s4 =	simm.s32 $_scs_section_size  }
0x9a: {  	s5 =	simm.s32 $_size__tile_overlayer_lowered;
	s6 =	simm.s32 $_tile_overlayer_lowered  }
0x9b: {  	s22 =	simm.s32 $0x1BFF;
	s21 =	sshll.u32 s6, $0x1;
	s3 =	sadd.s32 s4, s19  }
0x9c: {  	s7 =	simm.s32 $0x0;
	s20 =	sshll.u32 s5, $0x1;
	s5 =	sadd.s32 s21, s3  }
0x9d: {  	[timem:s7], [sflag:s22] =	dma.local [hbm:s5], s20  }
0x9e: {  	_ =	swait.ge [sflag:s22], s20  }
0x9f: {  	s4 =	ssub.s32 $0x0, s20;
	[sflag:s22] =	ssyncset.done $0x0  }
0xa0: {  	[sflag:s22] =	ssyncadd.s32 s4;
	_ =	sdelay $0x1  }
0xa1: {  	s23 =	simm.s32 $0x1B8B  }
0xa2: {  	_ =	swait.ge [sflag:s23], $0x1  }
0xa3: {  	[sflag:s23] =	ssyncset.done $0x0  }
0xa4: {  	s25 =	simm.s32 $0x1B8E;
	s24 =	sld [smem:$0x3FFE];
	[sflag:s23] =	ssyncadd.s32 $0xFFFFFFFF  }
0xa5: {  	s26 =	simm.s32 $execute0_lowered;
	[smem:$0x3FD2] =	sst s25  }
0xa6: {  	s5 =	sshll.u32 s26, $0x1;
	_ =	strace $0x8000004C;
	[dreg:$0x1] =	wrdreg $0xFFFFFFFF  }
0xa7: {  	s28 =	simm.s32 $_size_execute0_lowered;
	s3 =	sadd.s32 s3, s5;
	[dreg:$0x0] =	wrdreg $0x0  }
0xa8: {  	s5 =	sshll.u32 s28, $0x1;
	[dreg:$0x2] =	wrdreg s3  }
0xa9: {  	[dreg:$0x3] =	wrdreg s5  }
0xaa: {  	[dreg:$0x4] =	wrdreg $0xC0  }
0xab: {  	_ =	task [dreg:s7], $0x5FFFF  }
0xac: {  	[dreg:$0x1] =	wrdreg $0xFFFFFFFF  }
0xad: {  	[dreg:$0x0] =	wrdreg $0x60  }
0xae: {  	[dreg:$0x2] =	wrdreg s2  }
0xaf: {  	[dreg:$0x3] =	wrdreg s24  }
0xb0: {  	[dreg:$0x4] =	wrdreg $0xB6800  }
0xb1: {  	[dreg:$0x5] =	wrdreg $0x9  }
0xb2: {  	_ =	task.clear_ibuf [dreg:s7], $0x6FFFF;
	_ =	strace $0x9000004C  }
0xb3: {  	s29 =	simm.s32 $0x9;
	_ =	strace $0x8000004E  }
0xb4: {  	_ =	swait.ge [sflag:s29], $0x1  }
0xb5: {  	[sflag:s29] =	ssyncadd.s32 $0xFFFFFFFF  }
0xb6: {  	_ =	strace $0x9000004E  }
0xb7: {  	_ =	sfence  }
0xb8: {  	s30 =	sld [smem:$0x0];
	_ =	sdelay $0x2  }
0xb9: {  	s31 =	sshll.u32 s1, $0xD;
	s1 =	sshrl.u32 s1, $0x2  }
0xba: {  	s3 =	sand.u32 $0x4000, s31;
	s1 =	sadd.s32 s1, s30  }
0xbb: {  	s0 =	sor.u32 s3, s0;
	s1 =	sshll.u32 s1, $0x11  }
0xbc: {  	s0 =	sor.u32 s1, s0  }
0xbd: {  	s0 =	sadd.s32 $0x8F2B, s0  }
0xbe: {  	[sflag:s0] =	ssyncadd.remote.s32 $0x1  }
0xbf: {  	_ =	sfence.sel $0xFFFF  }
0xc0: {  	[dreg:$0x0] =	wrdreg $0xFFFFFFFF;
	(pc) =	sbr.abs _section_cstart, $3  }
0xc1: {  	[dreg:$0x1] =	wrdreg $0xFFFFFFFF  }
0xc2: {  	_ =	task.clear_ibuf [dreg:s7], $0x2FFFF;
	_ =	strace $0x9FFFFFFF  }
0xc3: {  	(tm) =	ssettm $0x7FFFFFFF  }
tec
execute0_lowered:
.L_overlay_start_1:
0x0: {  	(tag) =	ssettag $0x1  }
0x1: {  	s1 =	rddreg [dreg:$0x0]  }
0x2: {  	s0 =	rddreg [dreg:$0x1]  }
0x3: {  	s3 =	rddreg [dreg:$0x2]  }
0x4: {  	s2 =	srdreg.scid;
	s10 =	stileid.u32;
	s5 =	simm.s32 $0x0  }
0x5: {  	s14 =	simm.s32 $0x80;
	s15 =	simm.s32 $0x4F00;
	s16 =	simm.s32 $0x5700  }
0x6: {  	s18 =	simm.s32 $0x5F00;
	s29 =	simm.s32 $0x8700;
	s30 =	simm.s32 $0x1  }
0x7: {  	s31 =	simm.s32 $0x2;
	s12 =	simm.s32 $0x5;
	s17 =	simm.s32 $0x6  }
0x8: {  	s19 =	simm.s32 $0x8;
	s28 =	simm.s32 $0xC;
	s2 =	sand.u32 $0x1, s2  }
0x9: {  	s4 =	smul.u32 $0x2780, s10;
	[smem:$0x7FF] =	sst s5;
	s6 =	sadd.s32 $0x1600, s0  }
0xa: {  	s7 =	sadd.s32 $0xB400, s0;
	s22 =	sshll.u32 s10, $0x4;
	s20 =	smul.u32 $0x27800, s2  }
0xb: {  	_ =	strace $0x8000004D;
	s8 =	sshll.u32 s2, $0x4;
	s2 =	ssub.s32 $0x2, s2  }
0xc: {  	s8 =	sor.u32 s10, s8;
	s21 =	sshrl.u32 s2, $0x1;
	s10 =	simm.s32 $0x10  }
0xd: {  	s5 =	sadd.s32 s4, s20;
	s9 =	smul.u32 $0x4E0, s8;
	s2 =	ssub.s32 s2, s21  }
0xe: {  	s4 =	sadd.s32 s4, s3;
	p0 =	sgt.u32 s8, $0x3;
	s20 =	simm.s32 $0x6700  }
0xf: {  	s21 =	simm.s32 $0x9;
	s8 =	simm.s32 $0xE;
	s5 =	sshrl.u32 s5, $0x3  }
0x10: {  	[dreg:$0x4] =	wrdreg s4;
	s4 =	sor.u32 $0x9C00, s22;
	s26 =	smax.u32 s2, $0x1  }
0x11: {  	s22 =	simm.s32 $0x6F00;
	s2 =	simm.s32 $0x7;
	s0 =	sadd.s32 s5, s0  }
0x12: {  	s23 =	sadd.s32 s6, s9;
	s24 =	sadd.s32 s7, s9;
	[dreg:$0xa] =	wrdreg s26  }
0x13: {  	s25 =	sadd.s32 s6, s4;
	s4 =	sadd.s32 s7, s4;
	[dreg:$0x5] =	wrdreg s23  }
.Ltmp0:
0x14: {  	s26 =	simm.s32 $0x7F00;
	[dreg:$0x6] =	wrdreg s24;
	(pc) =	sbr.rel .LBB2_1-.Ltmp0, $4  }
0x15: {  	s6 =	simm.s32 $0xD;
	s9 =	simm.s32 $0xF;
	[dreg:$0x7] =	wrdreg s25  }
0x16: {  	s7 =	simm.s32 $0x0;
	[dreg:$0x8] =	wrdreg s4;
	s0 =	sadd.s32 $0x15200, s0  }
0x17: {  	s24 =	simm.s32 $0x7700;
	s4 =	simm.s32 $0x4;
	s23 =	simm.s32 $0xA  }
0x18: {  	v0 =	vimm.f32 $0.0e+00;
	s25 =	simm.s32 $0xB;
	[dreg:$0x9] =	wrdreg s0;
	s0 =	simm.s32 $0x3  }
.LBB2_6:
0x19: {  	_ =	swait.ge [sflag:s23], $0x800  }
0x1a: {  	[sflag:s23] =	ssyncset.done $0x0  }
0x1b: {  	[sflag:s23] =	ssyncadd.s32 $0xFFFFF800  }
0x1c: {  	_ =	swait.ge [sflag:s25], $0x800  }
0x1d: {  	[sflag:s25] =	ssyncset.done $0x0  }
0x1e: {  	[sflag:s25] =	ssyncadd.s32 $0xFFFFF800  }
0x1f: {  	_ =	swait.ge [sflag:s28], $0x800  }
0x20: {  	[sflag:s28] =	ssyncset.done $0x0  }
0x21: {  	[sflag:s28] =	ssyncadd.s32 $0xFFFFF800  }
0x22: {  	_ =	swait.ge [sflag:s6], $0x800  }
0x23: {  	[sflag:s6] =	ssyncset.done $0x0  }
0x24: {  	[sflag:s6] =	ssyncadd.s32 $0xFFFFF800  }
0x25: {  	_ =	swait.ge [sflag:s8], $0x800  }
0x26: {  	[sflag:s8] =	ssyncset.done $0x0  }
0x27: {  	[sflag:s8] =	ssyncadd.s32 $0xFFFFF800  }
0x28: {  	_ =	swait.ge [sflag:s9], $0x800  }
0x29: {  	[sflag:s9] =	ssyncset.done $0x0  }
0x2a: {  	[sflag:s9] =	ssyncadd.s32 $0xFFFFF800  }
0x2b: {  	_ =	swait.ge [sflag:s10], $0x800  }
0x2c: {  	[sflag:s10] =	ssyncset.done $0x0  }
0x2d: {  	s5 =	simm.s32 $0x2400;
	[sflag:s10] =	ssyncadd.s32 $0xFFFFF800  }
0x2e: {  	[tilespmem:s15], [sflag:$0x1] =	stream.indirect.gather [hbm4b:s1+s14], $0x10, s5, s14, $0xb8;
	[tilespmem:$0xDE00] =	vst v63  }
0x2f: {  	s13 =	simm.s32 $0x2480  }
0x30: {  	[tilespmem:s16], [sflag:$0x2] =	stream.indirect.gather [hbm4b:s1+s14], $0x10, s13, s14, $0xb8;
	[tilespmem:$0xDE00] =	vst v63  }
0x31: {  	s7 =	simm.s32 $0x2500  }
0x32: {  	[tilespmem:s18], [sflag:$0x3] =	stream.indirect.gather [hbm4b:s1+s14], $0x10, s7, s14, $0xb8;
	[tilespmem:$0xDE00] =	vst v63  }
0x33: {  	s11 =	simm.s32 $0x2580  }
0x34: {  	[tilespmem:s20], [sflag:$0x4] =	stream.indirect.gather [hbm4b:s1+s14], $0x10, s11, s14, $0xb8;
	[tilespmem:$0xDE00] =	vst v63  }
0x35: {  	s13 =	simm.s32 $0x2600  }
0x36: {  	[tilespmem:s22], [sflag:$0x5] =	stream.indirect.gather [hbm4b:s1+s14], $0x10, s13, s14, $0xb8;
	[tilespmem:$0xDE00] =	vst v63  }
0x37: {  	s7 =	simm.s32 $0x2680  }
0x38: {  	[tilespmem:s24], [sflag:$0x6] =	stream.indirect.gather [hbm4b:s1+s14], $0x10, s7, s14, $0xb8;
	[tilespmem:$0xDE00] =	vst v63  }
0x39: {  	s5 =	simm.s32 @!p0 $0x80;
	s13 =	simm.s32 @!p0 $0x7F00;
	s7 =	simm.s32 @!p0 $0x2700  }
0x3a: {  	[tilespmem:s13], [sflag:$0x7] =	stream.indirect.gather @!p0 [hbm4b:s1+s5], $0x10, s7, s5, $0xb8;
	[tilespmem:$0xDE00] =	vst v63  }
0x3b: {  	_ =	swait.ge [sflag:s30], $0x800  }
0x3c: {  	[sflag:s30] =	ssyncset.done $0x0  }
0x3d: {  	s11 =	simm.s32 $0x4B80;
	[sflag:s30] =	ssyncadd.s32 $0xFFFFF800  }
0x3e: {  	[spmem:s3] =	stream.indirect.scatter.add.f32 [tilespmem:s15], [sflag:$0x11], $0x10, s11, s14, $0xb8;
	[tilespmem:$0xDE00] =	vst v63  }
0x3f: {  	s11 =	simm.s32 $0x11  }
0x40: {  	_ =	swait.ge [sflag:s11], $0x800  }
0x41: {  	[sflag:s11] =	ssyncset.done $0x0  }
0x42: {  	[sflag:s11] =	ssyncadd.s32 $0xFFFFF800  }
0x43: {  	_ =	swait.ge [sflag:s31], $0x800  }
0x44: {  	[sflag:s31] =	ssyncset.done $0x0  }
0x45: {  	s7 =	simm.s32 $0x4C00;
	[sflag:s31] =	ssyncadd.s32 $0xFFFFF800  }
0x46: {  	[spmem:s3] =	stream.indirect.scatter.add.f32 [tilespmem:s16], [sflag:$0x11], $0x10, s7, s14, $0xb8;
	[tilespmem:$0xDE00] =	vst v63  }
0x47: {  	_ =	swait.ge [sflag:s11], $0x800  }
0x48: {  	[sflag:s11] =	ssyncset.done $0x0  }
0x49: {  	[sflag:s11] =	ssyncadd.s32 $0xFFFFF800  }
0x4a: {  	_ =	swait.ge [sflag:s0], $0x800  }
0x4b: {  	[sflag:s0] =	ssyncset.done $0x0  }
0x4c: {  	s7 =	simm.s32 $0x4C80;
	[sflag:s0] =	ssyncadd.s32 $0xFFFFF800  }
0x4d: {  	[spmem:s3] =	stream.indirect.scatter.add.f32 [tilespmem:s18], [sflag:$0x11], $0x10, s7, s14, $0xb8;
	[tilespmem:$0xDE00] =	vst v63  }
0x4e: {  	_ =	swait.ge [sflag:s11], $0x800  }
0x4f: {  	[sflag:s11] =	ssyncset.done $0x0  }
0x50: {  	[sflag:s11] =	ssyncadd.s32 $0xFFFFF800  }
0x51: {  	_ =	swait.ge [sflag:s4], $0x800  }
0x52: {  	[sflag:s4] =	ssyncset.done $0x0  }
0x53: {  	s7 =	simm.s32 $0x4D00;
	[sflag:s4] =	ssyncadd.s32 $0xFFFFF800  }
0x54: {  	[spmem:s3] =	stream.indirect.scatter.add.f32 [tilespmem:s20], [sflag:$0x11], $0x10, s7, s14, $0xb8;
	[tilespmem:$0xDE00] =	vst v63  }
0x55: {  	_ =	swait.ge [sflag:s11], $0x800  }
0x56: {  	[sflag:s11] =	ssyncset.done $0x0  }
0x57: {  	[sflag:s11] =	ssyncadd.s32 $0xFFFFF800  }
0x58: {  	_ =	swait.ge [sflag:s12], $0x800  }
0x59: {  	[sflag:s12] =	ssyncset.done $0x0  }
0x5a: {  	s7 =	simm.s32 $0x4D80;
	[sflag:s12] =	ssyncadd.s32 $0xFFFFF800  }
0x5b: {  	[spmem:s3] =	stream.indirect.scatter.add.f32 [tilespmem:s22], [sflag:$0x11], $0x10, s7, s14, $0xb8;
	[tilespmem:$0xDE00] =	vst v63  }
0x5c: {  	_ =	swait.ge [sflag:s11], $0x800  }
0x5d: {  	[sflag:s11] =	ssyncset.done $0x0  }
0x5e: {  	[sflag:s11] =	ssyncadd.s32 $0xFFFFF800  }
0x5f: {  	_ =	swait.ge [sflag:s17], $0x800  }
0x60: {  	[sflag:s17] =	ssyncset.done $0x0  }
0x61: {  	s7 =	simm.s32 $0x4E00;
	[sflag:s17] =	ssyncadd.s32 $0xFFFFF800  }
0x62: {  	[spmem:s3] =	stream.indirect.scatter.add.f32 [tilespmem:s24], [sflag:$0x11], $0x10, s7, s14, $0xb8;
	[tilespmem:$0xDE00] =	vst v63  }
0x63: {  	_ =	swait.ge [sflag:s11], $0x800  }
0x64: {  	[sflag:s11] =	ssyncset.done $0x0  }
0x65: {  	s7 =	simm.s32 @!p0 $0x7;
	[sflag:s11] =	ssyncadd.s32 $0xFFFFF800  }
0x66: {  	_ =	swait.ge @!p0 [sflag:s7], $0x800  }
0x67: {  	[sflag:s7] =	ssyncset.done @!p0 $0x0  }
0x68: {  	[sflag:s7] =	ssyncadd.s32 @!p0 $0xFFFFF800;
	s7 =	simm.s32 @!p0 $0x4E80  }
0x69: {  	[spmem:s3] =	stream.indirect.scatter.add.f32 @!p0 [tilespmem:s13], [sflag:$0x11], $0x10, s7, s5, $0xb8;
	[tilespmem:$0xDE00] =	vst v63  }
0x6a: {  	s5 =	simm.s32 @!p0 $0x11  }
0x6b: {  	_ =	swait.ge @!p0 [sflag:s5], $0x800  }
0x6c: {  	[sflag:s5] =	ssyncset.done @!p0 $0x0  }
0x6d: {  	[sflag:s5] =	ssyncadd.s32 @!p0 $0xFFFFF800  }
0x6e: {  	s7 =	stileid.u32;
	[bflag:$0x0] =	sbarrier.arrive $0xFFFF  }
0x6f: {  	s5 =	sshll.u32 s7, $0x6;
	s13 =	rddreg [dreg:$0x4]  }
0x70: {  	s5 =	sor.u32 $0x1C11, s5;
	s7 =	sshrl.u32 s13, $0x3;
	s13 =	rddreg [dreg:$0x9]  }
0x71: {  	[hbm:s13], [sflag:s5] =	dma.local [spmem:s7], $0x4F0  }
0x72: {  	_ =	swait.ge [sflag:s11], $0x4F0  }
0x73: {  	s5 =	rddreg [dreg:$0xb]  }
0x74: {  	s13 =	rddreg [dreg:$0xa];
	s7 =	sadd.s32 $0x1, s5  }
0x75: {  	p1 =	sne.s32 s7, s13  }
.Ltmp1:
0x76: {  	_ = 	snop;
	(pc) =	sbr.rel @!p1 .LBB2_7-.Ltmp1, $3  }
0x77: {  	_ =	sdelay $0x1  }
0x78: {  	[sflag:s11] =	ssyncset.done $0x0  }
0x79: {  	[sflag:s11] =	ssyncadd.s32 $0xFFFFFB10  }
.LBB2_1:
0x7a: {  	[dreg:$0xb] =	wrdreg s7;
	s5 =	simm.s32 $0x40;
	s7 =	simm.s32 $0x0  }
.LBB2_2:
0x7b: {  	p1 =	sne.s32 s5, $0x9DC0;
	[tilespmem:s7+$0x8F00] =	vst v0;
	s7 =	smov.u32 s5;
	s5 =	sadd.s32 $0x40, s5  }
.Ltmp2:
0x7c: {  	(pc) =	sbr.rel @p1 .LBB2_2-.Ltmp2, $2  }
0x7d: {  	_ =	sdelay $0x2  }
0x7e: {  	s7 =	sshra.s32 s7, $0x2  }
0x7f: {  	[tilespmem:s7+$0x8F00] =	vst v0;
	s13 =	rddreg [dreg:$0x4];
	s5 =	simm.s32 $0x8F00;
	s11 =	simm.s32 $0x11  }
0x80: {  	[spmem:s13] =	stream.linear.scatter [tilespmem:s5], [sflag:$0x11], $0x2780, $0x38;
	[tilespmem:$0xDE00] =	vst v63  }
0x81: {  	_ =	swait.ge [sflag:s11], $0x2780  }
0x82: {  	[sflag:s11] =	ssyncset.done $0x0  }
0x83: {  	s7 =	simm.s32 $0x0;
	s13 =	rddreg [dreg:$0x5];
	[sflag:s11] =	ssyncadd.s32 $0xFFFFD880  }
0x84: {  	[tilespmem:s7], [sflag:$0x11] =	stream.linear.gather [hbm4b:s13+s7], $0x2700, $0x38;
	[tilespmem:$0xDE00] =	vst v63  }
0x85: {  	_ =	swait.ge [sflag:s11], $0x2700  }
0x86: {  	s5 =	simm.s32 @p0 $0x0;
	[sflag:s11] =	ssyncset.done $0x0  }
0x87: {  	s7 =	simm.s32 @p0 $0x2780;
	s13 =	rddreg [dreg:$0x6];
	[sflag:s11] =	ssyncadd.s32 $0xFFFFD900  }
0x88: {  	[tilespmem:s7], [sflag:$0x11] =	stream.linear.gather @p0 [hbm4b:s13+s5], $0x2700, $0x38;
	[tilespmem:$0xDE00] =	vst v63  }
0x89: {  	s5 =	simm.s32 @p0 $0x11  }
0x8a: {  	_ =	swait.ge @p0 [sflag:s5], $0x2700  }
0x8b: {  	s7 =	simm.s32 @!p0 $0x2700;
	[sflag:s5] =	ssyncset.done @p0 $0x0  }
0x8c: {  	s11 =	rddreg [dreg:$0x7];
	[sflag:s5] =	ssyncadd.s32 @p0 $0xFFFFD900;
	s5 =	simm.s32 @!p0 $0x0  }
0x8d: {  	[tilespmem:s7], [sflag:$0x11] =	stream.linear.gather @!p0 [hbm4b:s11+s5], $0x80, $0x38;
	[tilespmem:$0xDE00] =	vst v63  }
0x8e: {  	s7 =	simm.s32 @!p0 $0x11  }
0x8f: {  	_ =	swait.ge @!p0 [sflag:s7], $0x80  }
0x90: {  	[sflag:s7] =	ssyncset.done @!p0 $0x0  }
0x91: {  	s11 =	simm.s32 @!p0 $0x2780;
	[sflag:s7] =	ssyncadd.s32 @!p0 $0xFFFFFF80  }
0x92: {  	[tilespmem:s11], [sflag:$0x11] =	stream.linear.gather @!p0 [hbm4b:s13+s5], $0x2700, $0x38;
	[tilespmem:$0xDE00] =	vst v63  }
0x93: {  	_ =	swait.ge @!p0 [sflag:s7], $0x2700  }
0x94: {  	[sflag:s7] =	ssyncset.done @!p0 $0x0  }
0x95: {  	s11 =	simm.s32 @!p0 $0x4E80;
	s13 =	rddreg [dreg:$0x8];
	[sflag:s7] =	ssyncadd.s32 @!p0 $0xFFFFD900  }
0x96: {  	[tilespmem:s11], [sflag:$0x11] =	stream.linear.gather @!p0 [hbm4b:s13+s5], $0x80, $0x38;
	[tilespmem:$0xDE00] =	vst v63  }
0x97: {  	_ =	swait.ge @!p0 [sflag:s7], $0x80  }
0x98: {  	[sflag:s7] =	ssyncset.done @!p0 $0x0  }
0x99: {  	s5 =	simm.s32 $0x0;
	[sflag:s7] =	ssyncadd.s32 @!p0 $0xFFFFFF80  }
0x9a: {  	[tilespmem:s15], [sflag:$0x1] =	stream.indirect.gather [hbm4b:s1+s14], $0x10, s5, s14, $0xb8;
	[tilespmem:$0xDE00] =	vst v63  }
0x9b: {  	_ = 	snop  }
0x9c: {  	[tilespmem:s16], [sflag:$0x2] =	stream.indirect.gather [hbm4b:s1+s14], $0x10, s14, s14, $0xb8;
	[tilespmem:$0xDE00] =	vst v63  }
0x9d: {  	s11 =	simm.s32 $0x100  }
0x9e: {  	[tilespmem:s18], [sflag:$0x3] =	stream.indirect.gather [hbm4b:s1+s14], $0x10, s11, s14, $0xb8;
	[tilespmem:$0xDE00] =	vst v63  }
0x9f: {  	s13 =	simm.s32 $0x180  }
0xa0: {  	[tilespmem:s20], [sflag:$0x4] =	stream.indirect.gather [hbm4b:s1+s14], $0x10, s13, s14, $0xb8;
	[tilespmem:$0xDE00] =	vst v63  }
0xa1: {  	s11 =	simm.s32 $0x200  }
0xa2: {  	[tilespmem:s22], [sflag:$0x5] =	stream.indirect.gather [hbm4b:s1+s14], $0x10, s11, s14, $0xb8;
	[tilespmem:$0xDE00] =	vst v63  }
0xa3: {  	s13 =	simm.s32 $0x280  }
0xa4: {  	[tilespmem:s24], [sflag:$0x6] =	stream.indirect.gather [hbm4b:s1+s14], $0x10, s13, s14, $0xb8;
	[tilespmem:$0xDE00] =	vst v63  }
0xa5: {  	s11 =	simm.s32 $0x300  }
0xa6: {  	[tilespmem:s26], [sflag:$0x7] =	stream.indirect.gather [hbm4b:s1+s14], $0x10, s11, s14, $0xb8;
	[tilespmem:$0xDE00] =	vst v63  }
0xa7: {  	s13 =	simm.s32 $0x380  }
0xa8: {  	[tilespmem:s29], [sflag:$0x8] =	stream.indirect.gather [hbm4b:s1+s14], $0x10, s13, s14, $0xb8;
	[tilespmem:$0xDE00] =	vst v63  }
0xa9: {  	[bflag:$0x0] =	sbarrier.arrive $0xFFFF  }
.LBB2_4:
0xaa: {  	_ =	swait.ge [sflag:s30], $0x800  }
0xab: {  	s7 =	sshra.s32 s5, $0x2;
	[sflag:s30] =	ssyncset.done $0x0  }
0xac: {  	s11 =	sadd.s32 $0x2780, s7;
	[sflag:s30] =	ssyncadd.s32 $0xFFFFF800  }
0xad: {  	[spmem:s3] =	stream.indirect.scatter.add.f32 [tilespmem:s15], [sflag:$0x9], $0x10, s11, s14, $0xb8;
	[tilespmem:$0xDE00] =	vst v63  }
0xae: {  	_ =	swait.ge [sflag:s31], $0x800  }
0xaf: {  	[sflag:s31] =	ssyncset.done $0x0  }
0xb0: {  	s13 =	sadd.s32 $0x2800, s7;
	[sflag:s31] =	ssyncadd.s32 $0xFFFFF800  }
0xb1: {  	[spmem:s3] =	stream.indirect.scatter.add.f32 [tilespmem:s16], [sflag:$0xA], $0x10, s13, s14, $0xb8;
	[tilespmem:$0xDE00] =	vst v63  }
0xb2: {  	_ =	swait.ge [sflag:s0], $0x800  }
0xb3: {  	[sflag:s0] =	ssyncset.done $0x0  }
0xb4: {  	s13 =	sadd.s32 $0x2880, s7;
	[sflag:s0] =	ssyncadd.s32 $0xFFFFF800  }
0xb5: {  	[spmem:s3] =	stream.indirect.scatter.add.f32 [tilespmem:s18], [sflag:$0xB], $0x10, s13, s14, $0xb8;
	[tilespmem:$0xDE00] =	vst v63  }
0xb6: {  	_ =	swait.ge [sflag:s4], $0x800  }
0xb7: {  	[sflag:s4] =	ssyncset.done $0x0  }
0xb8: {  	s13 =	sadd.s32 $0x2900, s7;
	[sflag:s4] =	ssyncadd.s32 $0xFFFFF800  }
0xb9: {  	[spmem:s3] =	stream.indirect.scatter.add.f32 [tilespmem:s20], [sflag:$0xC], $0x10, s13, s14, $0xb8;
	[tilespmem:$0xDE00] =	vst v63  }
0xba: {  	_ =	swait.ge [sflag:s12], $0x800  }
0xbb: {  	[sflag:s12] =	ssyncset.done $0x0  }
0xbc: {  	s13 =	sadd.s32 $0x2980, s7;
	[sflag:s12] =	ssyncadd.s32 $0xFFFFF800  }
0xbd: {  	[spmem:s3] =	stream.indirect.scatter.add.f32 [tilespmem:s22], [sflag:$0xD], $0x10, s13, s14, $0xb8;
	[tilespmem:$0xDE00] =	vst v63  }
0xbe: {  	_ =	swait.ge [sflag:s17], $0x800  }
0xbf: {  	[sflag:s17] =	ssyncset.done $0x0  }
0xc0: {  	s13 =	sadd.s32 $0x2A00, s7;
	[sflag:s17] =	ssyncadd.s32 $0xFFFFF800  }
0xc1: {  	[spmem:s3] =	stream.indirect.scatter.add.f32 [tilespmem:s24], [sflag:$0xE], $0x10, s13, s14, $0xb8;
	[tilespmem:$0xDE00] =	vst v63  }
0xc2: {  	_ =	swait.ge [sflag:s2], $0x800  }
0xc3: {  	[sflag:s2] =	ssyncset.done $0x0  }
0xc4: {  	s13 =	sadd.s32 $0x2A80, s7;
	[sflag:s2] =	ssyncadd.s32 $0xFFFFF800  }
0xc5: {  	[spmem:s3] =	stream.indirect.scatter.add.f32 [tilespmem:s26], [sflag:$0xF], $0x10, s13, s14, $0xb8;
	[tilespmem:$0xDE00] =	vst v63  }
0xc6: {  	_ =	swait.ge [sflag:s19], $0x800  }
0xc7: {  	p1 =	seq.s32 s5, $0x8000;
	[sflag:s19] =	ssyncset.done $0x0  }
.Ltmp3:
0xc8: {  	s13 =	sadd.s32 $0x2B00, s7;
	[sflag:s19] =	ssyncadd.s32 $0xFFFFF800;
	(pc) =	sbr.rel @p1 .LBB2_6-.Ltmp3, $4  }
0xc9: {  	[spmem:s3] =	stream.indirect.scatter.add.f32 [tilespmem:s29], [sflag:$0x10], $0x10, s13, s14, $0xb8;
	[tilespmem:$0xDE00] =	vst v63  }
0xca: {  	_ =	swait.ge [sflag:s21], $0x800  }
0xcb: {  	[sflag:s21] =	ssyncset.done $0x0  }
0xcc: {  	[sflag:s21] =	ssyncadd.s32 $0xFFFFF800  }
0xcd: {  	s11 =	sadd.s32 $0x400, s7  }
0xce: {  	[tilespmem:s15], [sflag:$0x1] =	stream.indirect.gather [hbm4b:s1+s14], $0x10, s11, s14, $0xb8;
	[tilespmem:$0xDE00] =	vst v63  }
0xcf: {  	_ =	swait.ge [sflag:s23], $0x800  }
0xd0: {  	[sflag:s23] =	ssyncset.done $0x0  }
0xd1: {  	s13 =	sadd.s32 $0x480, s7;
	[sflag:s23] =	ssyncadd.s32 $0xFFFFF800  }
0xd2: {  	[tilespmem:s16], [sflag:$0x2] =	stream.indirect.gather [hbm4b:s1+s14], $0x10, s13, s14, $0xb8;
	[tilespmem:$0xDE00] =	vst v63  }
0xd3: {  	_ =	swait.ge [sflag:s25], $0x800  }
0xd4: {  	[sflag:s25] =	ssyncset.done $0x0  }
0xd5: {  	s13 =	sadd.s32 $0x500, s7;
	[sflag:s25] =	ssyncadd.s32 $0xFFFFF800  }
0xd6: {  	[tilespmem:s18], [sflag:$0x3] =	stream.indirect.gather [hbm4b:s1+s14], $0x10, s13, s14, $0xb8;
	[tilespmem:$0xDE00] =	vst v63  }
0xd7: {  	_ =	swait.ge [sflag:s28], $0x800  }
0xd8: {  	[sflag:s28] =	ssyncset.done $0x0  }
0xd9: {  	s13 =	sadd.s32 $0x580, s7;
	[sflag:s28] =	ssyncadd.s32 $0xFFFFF800  }
0xda: {  	[tilespmem:s20], [sflag:$0x4] =	stream.indirect.gather [hbm4b:s1+s14], $0x10, s13, s14, $0xb8;
	[tilespmem:$0xDE00] =	vst v63  }
0xdb: {  	_ =	swait.ge [sflag:s6], $0x800  }
0xdc: {  	[sflag:s6] =	ssyncset.done $0x0  }
0xdd: {  	s13 =	sadd.s32 $0x600, s7;
	[sflag:s6] =	ssyncadd.s32 $0xFFFFF800  }
0xde: {  	[tilespmem:s22], [sflag:$0x5] =	stream.indirect.gather [hbm4b:s1+s14], $0x10, s13, s14, $0xb8;
	[tilespmem:$0xDE00] =	vst v63  }
0xdf: {  	_ =	swait.ge [sflag:s8], $0x800  }
0xe0: {  	[sflag:s8] =	ssyncset.done $0x0  }
0xe1: {  	s13 =	sadd.s32 $0x680, s7;
	[sflag:s8] =	ssyncadd.s32 $0xFFFFF800  }
0xe2: {  	[tilespmem:s24], [sflag:$0x6] =	stream.indirect.gather [hbm4b:s1+s14], $0x10, s13, s14, $0xb8;
	[tilespmem:$0xDE00] =	vst v63  }
0xe3: {  	_ =	swait.ge [sflag:s9], $0x800  }
0xe4: {  	[sflag:s9] =	ssyncset.done $0x0  }
0xe5: {  	s13 =	sadd.s32 $0x700, s7;
	[sflag:s9] =	ssyncadd.s32 $0xFFFFF800  }
0xe6: {  	[tilespmem:s26], [sflag:$0x7] =	stream.indirect.gather [hbm4b:s1+s14], $0x10, s13, s14, $0xb8;
	[tilespmem:$0xDE00] =	vst v63  }
.Ltmp4:
0xe7: {  	_ = 	snop;
	(pc) =	sbr.rel .LBB2_4-.Ltmp4, $4  }
0xe8: {  	_ =	swait.ge [sflag:s10], $0x800  }
0xe9: {  	[sflag:s10] =	ssyncset.done $0x0  }
0xea: {  	s5 =	sadd.s32 $0x1000, s5;
	s13 =	sadd.s32 $0x780, s7;
	[sflag:s10] =	ssyncadd.s32 $0xFFFFF800  }
0xeb: {  	[tilespmem:s29], [sflag:$0x8] =	stream.indirect.gather [hbm4b:s1+s14], $0x10, s13, s14, $0xb8;
	[tilespmem:$0xDE00] =	vst v63  }
.LBB2_7:
0xec: {  	_ =	sfence.sel $0x180000  }
0xed: {  	[bflag:$0x0] =	sbarrier.arrive $0xFFFF  }
0xee: {  	_ =	strace $0x9000004D  }
0xef: {  	s0 =	stileid.u32;
	[bflag:$0x2] =	sbarrier.arrive $0xFFFF  }
0xf0: {  	p0 =	sne.s32 s0, $0x0;
	s0 =	rddreg [dreg:$0x3]  }
0xf1: {  	s0 =	sadd.s32 @!p0 $0x100000, s0  }
0xf2: {  	[sflag:s0] =	ssyncadd.tile.s32 @!p0 $0x1;
	_ =	shalt  }
.Lfunc_end2:
_tile_overlayer_lowered:
.L_overlay_start_2:
0xf3: {  	(tag) =	ssettag $0x2  }
0xf4: {  	s0 =	rddreg [dreg:$0x0];
	s2 =	stileid.u32  }
0xf5: {  	s1 =	rddreg [dreg:$0x1];
	p0 =	sne.s32 s2, $0x0  }
0xf6: {  	s3 =	rddreg [dreg:$0x2];
	[bflag:$0x3] =	sbarrier.arrive $0xFFFF;
	s2 =	simm.s32 @!p0 $0x1C11  }
0xf7: {  	[timem:s3], [sflag:s2] =	dma.local @!p0 [hbm:s0], s1  }
0xf8: {  	s0 =	simm.s32 @!p0 $0x11  }
0xf9: {  	_ =	swait.ge @!p0 [sflag:s0], s1  }
0xfa: {  	s1 =	ssub.s32 @!p0 $0x0, s1;
	[sflag:s0] =	ssyncset.done @!p0 $0x0  }
0xfb: {  	[sflag:s0] =	ssyncadd.s32 @!p0 s1  }
0xfc: {  	[bflag:$0x3] =	sbarrier.arrive $0xFFFF  }
0xfd: {  	_ =	shalt  }

// kernel: kernel.9.cloned.1.call-start
scs
__scs_entry_jumppad:
0x0: {  	(pc) =	sbr.rel $0x88, $3  }
0x1: {  	(tag) =	ssettag $0x0;
	lr =	simm.s32 $0x1  }
0x2: {  	[smem:$0x3F9B] =	sst lr;
	_ =	strace $0xD0000000  }
0x3: {  	_ = 	snop  }
0x4: {  	_ = 	snop  }
0x5: {  	_ = 	snop  }
0x6: {  	_ = 	snop  }
0x7: {  	_ = 	snop  }
__scs_overlays_trampoline_lowered:
0x8: {  	[smem:$0x3FAA] =	sst s0  }
0x9: {  	[smem:$0x3FAB] =	sst s1  }
0xa: {  	[smem:$0x3FAC] =	sst s2  }
0xb: {  	[smem:$0x3FAD] =	sst s3  }
0xc: {  	[smem:$0x3FAE] =	sst s4  }
0xd: {  	[smem:$0x3FAF] =	sst s5  }
0xe: {  	[smem:$0x3FB0] =	sst s6  }
0xf: {  	[smem:$0x3FB1] =	sst s7  }
0x10: {  	[smem:$0x3FB2] =	sst s8  }
0x11: {  	[smem:$0x3FB3] =	sst s9;
	s0 =	simm.s32 @!p0 $0x0  }
0x12: {  	s1 =	sld [smem:$0x3F99];
	s0 =	simm.s32 @p0 $0x1  }
0x13: {  	[smem:$0x3FB4] =	sst s0;
	s0 =	simm.s32 @!p1 $0x0  }
0x14: {  	s2 =	sld [smem:$0x3F98];
	s0 =	simm.s32 @p1 $0x1  }
0x15: {  	[smem:$0x3FB5] =	sst s0;
	s0 =	simm.s32 @!p2 $0x0  }
0x16: {  	s3 =	sld [smem:$0x3FDB];
	s0 =	simm.s32 @p2 $0x1  }
0x17: {  	s4 =	simm.s32 $0x1BF5;
	[smem:$0x3FB7] =	sst s0  }
0x18: {  	s0 =	sld [smem:$0x3F9A];
	_ =	swait.ge [sflag:s4], $0x0  }
0x19: {  	s7 =	sld [smem:$0x3F9B]  }
0x1a: {  	s8 =	sadd.s32 $0xFFFFE003, lr  }
0x1b: {  	s9 =	sadd.s32 $0xFFFFFEF7, lr;
	s5 =	simm.s32 $0xFFFFFFFF;
	p2 =	slt.u32 s8, $0xFFFFF086  }
0x1c: {  	p1 =	slt.u32 s9, $0xF7A;
	s5 =	simm.s32 @!p2 $0x0  }
0x1d: {  	s5 =	simm.s32 @p1 $0x1;
	p0 =	seq.s32 s7, s2  }
0x1e: {  	s7 =	smul.u32 @!p0 $0xF7A, s2;
	p2 =	seq.s32 @!p0 s5, $0x0  }
0x1f: {  	s9 =	smul.u32 $0xF7A, s1;
	s8 =	simm.s32 @!p0 $0x1BF5;
	p2 =	por !p2, p0  }
0x20: {  	[sflag:s8] =	ssyncset.s32 @!p0 $0xFFFFF086;
	s6 =	sadd.s32 @!p0 s3, s7;
	s7 =	simm.s32 @!p0 $0x108  }
0x21: {  	s3 =	sadd.s32 s3, s9;
	s6 =	sadd.s32 @!p0 $0x88, s6;
	s7 =	simm.s32 @p2 $0x1082  }
0x22: {  	[simem:s7], [sflag:s8] =	dma.local @!p0 [hbm:s6], $0xF7A  }
0x23: {  	s9 =	sor.u32 $0xD0000000, s2;
	s6 =	simm.s32 $0x108;
	_ =	swait.ge @!p0 [sflag:s8], $0x0  }
0x24: {  	s3 =	sadd.s32 $0x88, s3;
	s6 =	simm.s32 @!p1 $0x1082;
	[sflag:s4] =	ssyncset.s32 $0xFFFFF086  }
0x25: {  	[simem:s6], [sflag:s4] =	dma.local [hbm:s3], $0xF7A  }
0x26: {  	[smem:$0x3F9B] =	sst s1;
	(tag) =	ssettag s2;
	_ =	strace s9  }
0x27: {  	s1 =	sld [smem:$0x3FAB]  }
0x28: {  	s2 =	sld [smem:$0x3FAC]  }
0x29: {  	s4 =	sld [smem:$0x3FAE]  }
0x2a: {  	p0 =	seq.s32 s5, $0x0;
	s5 =	sld [smem:$0x3FAF]  }
0x2b: {  	s6 =	sld [smem:$0x3FB0]  }
0x2c: {  	s7 =	sld [smem:$0x3FB1]  }
0x2d: {  	s3 =	simm.s32 $0x108;
	s8 =	sld [smem:$0x3FB2]  }
0x2e: {  	s3 =	simm.s32 @!p0 $0x1082;
	s9 =	sld [smem:$0x3FB3]  }
0x2f: {  	lr =	sadd.s32 s0, s3;
	s0 =	sld [smem:$0x3FAA]  }
0x30: {  	s3 =	sld [smem:$0x3FAD]  }
0x31: {  	[smem:$0x3FB6] =	sst s10  }
0x32: {  	s10 =	sld [smem:$0x3FB4];
	_ =	sdelay $0x3  }
0x33: {  	p0 =	seq.s32 s10, $0x1;
	s10 =	sld [smem:$0x3FB6];
	_ =	sdelay $0x3  }
0x34: {  	[smem:$0x3FB6] =	sst s10  }
0x35: {  	s10 =	sld [smem:$0x3FB5];
	_ =	sdelay $0x3  }
0x36: {  	p1 =	seq.s32 s10, $0x1;
	s10 =	sld [smem:$0x3FB6];
	_ =	sdelay $0x3  }
0x37: {  	[smem:$0x3FB6] =	sst s10  }
0x38: {  	s10 =	sld [smem:$0x3FB7]  }
0x39: {  	_ = 	snop;
	(pc) =	sbr.ind lr, $3  }
0x3a: {  	_ = 	snop  }
0x3b: {  	_ = 	snop  }
0x3c: {  	p2 =	seq.s32 s10, $0x1;
	s10 =	sld [smem:$0x3FB6]  }
0x3d: {  	_ =	shalt  }
0x3e: {  	_ =	shalt  }
0x3f: {  	_ =	shalt  }
0x40: {  	_ =	shalt  }
0x41: {  	_ =	shalt  }
0x42: {  	_ =	shalt  }
0x43: {  	_ =	shalt  }
0x44: {  	_ =	shalt  }
0x45: {  	_ =	shalt  }
0x46: {  	_ =	shalt  }
0x47: {  	_ =	shalt  }
0x48: {  	_ =	shalt  }
0x49: {  	_ =	shalt  }
0x4a: {  	_ =	shalt  }
0x4b: {  	_ =	shalt  }
0x4c: {  	_ =	shalt  }
0x4d: {  	_ =	shalt  }
0x4e: {  	_ =	shalt  }
0x4f: {  	_ =	shalt  }
0x50: {  	_ =	shalt  }
0x51: {  	_ =	shalt  }
0x52: {  	_ =	shalt  }
0x53: {  	_ =	shalt  }
0x54: {  	_ =	shalt  }
0x55: {  	_ =	shalt  }
0x56: {  	_ =	shalt  }
0x57: {  	_ =	shalt  }
0x58: {  	_ =	shalt  }
0x59: {  	_ =	shalt  }
0x5a: {  	_ =	shalt  }
0x5b: {  	_ =	shalt  }
0x5c: {  	_ =	shalt  }
0x5d: {  	_ =	shalt  }
0x5e: {  	_ =	shalt  }
0x5f: {  	_ =	shalt  }
0x60: {  	_ =	shalt  }
0x61: {  	_ =	shalt  }
0x62: {  	_ =	shalt  }
0x63: {  	_ =	shalt  }
0x64: {  	_ =	shalt  }
0x65: {  	_ =	shalt  }
0x66: {  	_ =	shalt  }
0x67: {  	_ =	shalt  }
0x68: {  	_ =	shalt  }
0x69: {  	_ =	shalt  }
0x6a: {  	_ =	shalt  }
0x6b: {  	_ =	shalt  }
0x6c: {  	_ =	shalt  }
0x6d: {  	_ =	shalt  }
0x6e: {  	_ =	shalt  }
0x6f: {  	_ =	shalt  }
0x70: {  	_ =	shalt  }
0x71: {  	_ =	shalt  }
0x72: {  	_ =	shalt  }
0x73: {  	_ =	shalt  }
0x74: {  	_ =	shalt  }
0x75: {  	_ =	shalt  }
0x76: {  	_ =	shalt  }
0x77: {  	_ =	shalt  }
0x78: {  	_ =	shalt  }
0x79: {  	_ =	shalt  }
0x7a: {  	_ =	shalt  }
0x7b: {  	_ =	shalt  }
0x7c: {  	_ =	shalt  }
0x7d: {  	_ =	shalt  }
0x7e: {  	_ =	shalt  }
0x7f: {  	_ =	shalt  }
0x80: {  	_ =	shalt  }
0x81: {  	_ =	shalt  }
0x82: {  	_ =	shalt  }
0x83: {  	_ =	shalt  }
0x84: {  	_ =	shalt  }
0x85: {  	_ =	shalt  }
0x86: {  	_ =	shalt  }
0x87: {  	_ =	shalt  }
.Lfunc_end0:
.L_simem_size_0:
called_computation_lowered:
.L_overlay_start_0:
0x88: {  	s2 =	sld [smem:$0x3FD9]  }
0x89: {  	s3 =	sld [smem:$0x3FFE];
	_ =	sdelay $0x1  }
0x8a: {  	s1 =	srdreg.scid  }
0x8b: {  	s0 =	sand.u32 $0x1, s1  }
0x8c: {  	s16 =	sshll.u32 s0, $0xA;
	s2 =	sadd.s32 s3, s2  }
0x8d: {  	s2 =	sadd.s32 s2, s16  }
0x8e: {  	[smem:$0x3FC2] =	sst s2  }
0x8f: {  	_ = 	snop  }
0x90: {  	(tm) =	ssettm $0x1  }
0x91: {  	s17 =	sld [smem:$0x3FFB];
	_ =	sdelay $0x3  }
0x92: {  	_ =	strace s17  }
0x93: {  	s2 =	sld [smem:$0x3FFC];
	_ =	sdelay $0x3  }
0x94: {  	_ =	strace s2  }
0x95: {  	s2 =	sld [smem:$0x3FFD];
	_ =	sdelay $0x3  }
0x96: {  	_ =	strace s2  }
0x97: {  	_ =	strace $0x8FFFFFFF  }
0x98: {  	s18 =	sld [smem:$0x3FDB];
	_ =	sdelay $0x1  }
0x99: {  	s19 =	simm.s32 $_scs_section_size  }
0x9a: {  	s4 =	simm.s32 $_size__tile_overlayer_lowered;
	s5 =	simm.s32 $_tile_overlayer_lowered  }
0x9b: {  	s22 =	simm.s32 $0x1BFF;
	s21 =	sshll.u32 s5, $0x1;
	s2 =	sadd.s32 s19, s18  }
0x9c: {  	s6 =	simm.s32 $0x0;
	s20 =	sshll.u32 s4, $0x1;
	s4 =	sadd.s32 s21, s2  }
0x9d: {  	[timem:s6], [sflag:s22] =	dma.local [hbm:s4], s20  }
0x9e: {  	_ =	swait.ge [sflag:s22], s20  }
0x9f: {  	s3 =	ssub.s32 $0x0, s20;
	[sflag:s22] =	ssyncset.done $0x0  }
0xa0: {  	[sflag:s22] =	ssyncadd.s32 s3;
	_ =	sdelay $0x1  }
0xa1: {  	s23 =	simm.s32 $0x1B8B  }
0xa2: {  	_ =	swait.ge [sflag:s23], $0x1  }
0xa3: {  	[sflag:s23] =	ssyncset.done $0x0  }
0xa4: {  	s25 =	simm.s32 $0x1B8E;
	s24 =	sld [smem:$0x3FFE];
	[sflag:s23] =	ssyncadd.s32 $0xFFFFFFFF  }
0xa5: {  	s26 =	simm.s32 $execute0_lowered;
	[smem:$0x3FD2] =	sst s25  }
0xa6: {  	s4 =	sshll.u32 s26, $0x1;
	_ =	strace $0x80000046;
	[dreg:$0x1] =	wrdreg $0xFFFFFFFF  }
0xa7: {  	s28 =	simm.s32 $_size_execute0_lowered;
	s2 =	sadd.s32 s2, s4;
	[dreg:$0x0] =	wrdreg $0x0  }
0xa8: {  	s4 =	sshll.u32 s28, $0x1;
	[dreg:$0x2] =	wrdreg s2  }
0xa9: {  	[dreg:$0x3] =	wrdreg s4  }
0xaa: {  	[dreg:$0x4] =	wrdreg $0xC0  }
0xab: {  	_ =	task [dreg:s6], $0x5FFFF  }
0xac: {  	[dreg:$0x1] =	wrdreg $0xFFFFFFFF  }
0xad: {  	[dreg:$0x0] =	wrdreg $0x60  }
0xae: {  	[dreg:$0x2] =	wrdreg s24  }
0xaf: {  	[dreg:$0x3] =	wrdreg $0x57000  }
0xb0: {  	[dreg:$0x4] =	wrdreg $0x9  }
0xb1: {  	_ =	task.clear_ibuf [dreg:s6], $0x5FFFF;
	_ =	strace $0x90000046  }
0xb2: {  	s29 =	simm.s32 $0x9;
	_ =	strace $0x80000048  }
0xb3: {  	_ =	swait.ge [sflag:s29], $0x1  }
0xb4: {  	[sflag:s29] =	ssyncadd.s32 $0xFFFFFFFF  }
0xb5: {  	_ =	strace $0x90000048  }
0xb6: {  	_ =	sfence  }
0xb7: {  	s30 =	sld [smem:$0x0];
	_ =	sdelay $0x2  }
0xb8: {  	s31 =	sshll.u32 s1, $0xD;
	s1 =	sshrl.u32 s1, $0x2  }
0xb9: {  	s3 =	sand.u32 $0x4000, s31;
	s1 =	sadd.s32 s1, s30  }
0xba: {  	s0 =	sor.u32 s3, s0;
	s1 =	sshll.u32 s1, $0x11  }
0xbb: {  	s0 =	sor.u32 s1, s0  }
0xbc: {  	s0 =	sadd.s32 $0x8F2B, s0  }
0xbd: {  	[sflag:s0] =	ssyncadd.remote.s32 $0x1  }
0xbe: {  	_ =	sfence.sel $0xFFFF  }
0xbf: {  	[dreg:$0x0] =	wrdreg $0xFFFFFFFF;
	(pc) =	sbr.abs _section_cstart, $3  }
0xc0: {  	[dreg:$0x1] =	wrdreg $0xFFFFFFFF  }
0xc1: {  	_ =	task.clear_ibuf [dreg:s6], $0x2FFFF;
	_ =	strace $0x9FFFFFFF  }
0xc2: {  	(tm) =	ssettm $0x7FFFFFFF  }
0xc3: {  	_ =	shalt  }
tec
execute0_lowered:
.L_overlay_start_1:
0x0: {  	(tag) =	ssettag $0x1  }
0x1: {  	s4 =	rddreg [dreg:$0x0]  }
0x2: {  	s2 =	rddreg [dreg:$0x1]  }
0x3: {  	s0 =	rddreg [dreg:$0x2]  }
0x4: {  	s5 =	srdreg.scid;
	s1 =	stileid.u32  }
0x5: {  	s3 =	simm.s32 $0x0;
	s13 =	simm.s32 $0x100;
	s14 =	simm.s32 $0x180  }
0x6: {  	s15 =	simm.s32 $0x200;
	s16 =	simm.s32 $0x280;
	s17 =	simm.s32 $0x300  }
0x7: {  	s18 =	simm.s32 $0x380;
	s19 =	simm.s32 $0x1;
	s20 =	simm.s32 $0x2400  }
0x8: {  	s21 =	simm.s32 $0x2480;
	s22 =	simm.s32 $0x2500;
	s23 =	simm.s32 $0x2580  }
0x9: {  	s24 =	simm.s32 $0x2600;
	s25 =	simm.s32 $0x2680;
	s26 =	simm.s32 $0x0  }
0xa: {  	s5 =	sand.u32 $0x1, s5;
	s6 =	smul.u32 $0x2780, s1;
	[smem:$0x7FF] =	sst s3  }
0xb: {  	s8 =	sadd.s32 $0xB400, s4;
	s12 =	sshll.u32 s1, $0x4;
	s7 =	smul.u32 $0x27800, s5  }
0xc: {  	_ =	strace $0x80000047;
	s9 =	sshll.u32 s5, $0x4;
	s5 =	ssub.s32 $0x2, s5  }
0xd: {  	s12 =	sadd.s32 s12, s8;
	s9 =	sor.u32 s1, s9;
	s10 =	sshrl.u32 s5, $0x1  }
0xe: {  	s7 =	sadd.s32 s6, s7;
	s11 =	smul.u32 $0x4E0, s9;
	s10 =	ssub.s32 s5, s10  }
0xf: {  	p0 =	sgt.u32 s9, $0x3;
	s9 =	simm.s32 $0x2F80;
	s7 =	sshrl.u32 s7, $0x3  }
0x10: {  	s7 =	sadd.s32 s7, s4;
	s4 =	sadd.s32 s6, s2;
	s5 =	sadd.s32 s8, s11  }
0x11: {  	s6 =	sadd.s32 $0x9C00, s12;
	s8 =	smax.u32 s10, $0x1;
	s10 =	simm.s32 $0x2  }
0x12: {  	v0 =	vimm.f32 $1.000000000e+00;
	v1 =	vimm.f32 $0.0e+00;
	s11 =	simm.s32 $0x80;
	s12 =	simm.s32 $0x2780;
	s7 =	sadd.s32 $0x15200, s7  }
.LBB2_1:
0x13: {  	s28 =	simm.s32 $0x0  }
.LBB2_2:
0x14: {  	p1 =	sne.s32 s28, $0x1FC0  }
.Ltmp0:
0x15: {  	_ = 	snop;
	(pc) =	sbr.rel @p1 .LBB2_2-.Ltmp0, $3  }
0x16: {  	_ =	sdelay $0x1  }
0x17: {  	s29 =	sshra.s32 s28, $0x2  }
0x18: {  	s28 =	sadd.s32 $0x40, s28;
	[tilespmem:s29+$0x2780] =	vst v0  }
0x19: {  	s28 =	simm.s32 $0x40;
	s29 =	simm.s32 $0x0  }
.LBB2_4:
0x1a: {  	p1 =	sne.s32 s28, $0x9DC0;
	[tilespmem:s29+$0x2F80] =	vst v1;
	s29 =	smov.u32 s28;
	s28 =	sadd.s32 $0x40, s28  }
.Ltmp1:
0x1b: {  	(pc) =	sbr.rel @p1 .LBB2_4-.Ltmp1, $2  }
0x1c: {  	_ =	sdelay $0x2  }
0x1d: {  	s29 =	sshra.s32 s29, $0x2  }
0x1e: {  	[tilespmem:s29+$0x2F80] =	vst v1  }
0x1f: {  	[spmem:s4] =	stream.linear.scatter [tilespmem:s9], [sflag:$0x2], $0x2780, $0x38;
	[tilespmem:$0x7E80] =	vst v63  }
0x20: {  	_ =	swait.ge [sflag:s10], $0x2780  }
0x21: {  	[sflag:s10] =	ssyncset.done $0x0  }
0x22: {  	[sflag:s10] =	ssyncadd.s32 $0xFFFFD880  }
0x23: {  	[tilespmem:s3], [sflag:$0x2] =	stream.linear.gather [hbm4b:s5+s3], $0x2700, $0x38;
	[tilespmem:$0x7E80] =	vst v63  }
0x24: {  	_ =	swait.ge [sflag:s10], $0x2700  }
0x25: {  	[sflag:s10] =	ssyncset.done $0x0  }
0x26: {  	s28 =	simm.s32 @!p0 $0x0;
	s29 =	simm.s32 @!p0 $0x2700;
	[sflag:s10] =	ssyncadd.s32 $0xFFFFD900  }
0x27: {  	[tilespmem:s29], [sflag:$0x2] =	stream.linear.gather @!p0 [hbm4b:s6+s28], $0x80, $0x38;
	[tilespmem:$0x7E80] =	vst v63  }
0x28: {  	s28 =	simm.s32 @!p0 $0x2  }
0x29: {  	_ =	swait.ge @!p0 [sflag:s28], $0x80  }
0x2a: {  	[sflag:s28] =	ssyncset.done @!p0 $0x0  }
0x2b: {  	[sflag:s28] =	ssyncadd.s32 @!p0 $0xFFFFFF80  }
0x2c: {  	s28 =	simm.s32 $0x0;
	[bflag:$0x0] =	sbarrier.arrive $0xFFFF  }
0x2d: {  	[spmem:s2] =	stream.indirect.scatter.add.f32 [tilespmem:s12], [sflag:$0x1], $0x10, s28, s11, $0xb8;
	[tilespmem:$0x7E80] =	vst v63  }
0x2e: {  	_ = 	snop  }
0x2f: {  	[spmem:s2] =	stream.indirect.scatter.add.f32 [tilespmem:s12], [sflag:$0x1], $0x10, s11, s11, $0xb8;
	[tilespmem:$0x7E80] =	vst v63  }
0x30: {  	_ = 	snop  }
0x31: {  	[spmem:s2] =	stream.indirect.scatter.add.f32 [tilespmem:s12], [sflag:$0x1], $0x10, s13, s11, $0xb8;
	[tilespmem:$0x7E80] =	vst v63  }
0x32: {  	_ = 	snop  }
0x33: {  	[spmem:s2] =	stream.indirect.scatter.add.f32 [tilespmem:s12], [sflag:$0x1], $0x10, s14, s11, $0xb8;
	[tilespmem:$0x7E80] =	vst v63  }
0x34: {  	_ = 	snop  }
0x35: {  	[spmem:s2] =	stream.indirect.scatter.add.f32 [tilespmem:s12], [sflag:$0x1], $0x10, s15, s11, $0xb8;
	[tilespmem:$0x7E80] =	vst v63  }
0x36: {  	_ = 	snop  }
0x37: {  	[spmem:s2] =	stream.indirect.scatter.add.f32 [tilespmem:s12], [sflag:$0x1], $0x10, s16, s11, $0xb8;
	[tilespmem:$0x7E80] =	vst v63  }
0x38: {  	_ = 	snop  }
0x39: {  	[spmem:s2] =	stream.indirect.scatter.add.f32 [tilespmem:s12], [sflag:$0x1], $0x10, s17, s11, $0xb8;
	[tilespmem:$0x7E80] =	vst v63  }
0x3a: {  	_ = 	snop  }
0x3b: {  	[spmem:s2] =	stream.indirect.scatter.add.f32 [tilespmem:s12], [sflag:$0x1], $0x10, s18, s11, $0xb8;
	[tilespmem:$0x7E80] =	vst v63  }
0x3c: {  	_ =	swait.ge [sflag:s19], $0x800  }
0x3d: {  	[sflag:s19] =	ssyncset.done $0x0  }
0x3e: {  	s29 =	simm.s32 $0x400;
	s28 =	simm.s32 $0x200;
	[sflag:s19] =	ssyncadd.s32 $0xFFFFF800  }
.LBB2_6:
0x3f: {  	[spmem:s2] =	stream.indirect.scatter.add.f32 [tilespmem:s12], [sflag:$0x1], $0x10, s29, s11, $0xb8;
	[tilespmem:$0x7E80] =	vst v63  }
0x40: {  	s29 =	smov.u32 s28;
	p1 =	sne.s32 s28, $0x7E00  }
.Ltmp2:
0x41: {  	s28 =	sadd.s32 $0x200, s28;
	(pc) =	sbr.rel @p1 .LBB2_6-.Ltmp2, $4  }
0x42: {  	_ = 	snop  }
0x43: {  	_ =	swait.ge [sflag:s19], $0x800  }
0x44: {  	s29 =	sshra.s32 s29, $0x2;
	[sflag:s19] =	ssyncset.done $0x0  }
0x45: {  	s29 =	sadd.s32 $0x400, s29;
	[sflag:s19] =	ssyncadd.s32 $0xFFFFF800  }
0x46: {  	[spmem:s2] =	stream.indirect.scatter.add.f32 [tilespmem:s12], [sflag:$0x1], $0x10, s29, s11, $0xb8;
	[tilespmem:$0x7E80] =	vst v63  }
0x47: {  	_ =	swait.ge [sflag:s19], $0x800  }
0x48: {  	[sflag:s19] =	ssyncset.done $0x0  }
0x49: {  	[sflag:s19] =	ssyncadd.s32 $0xFFFFF800  }
0x4a: {  	_ =	swait.ge [sflag:s19], $0x800  }
0x4b: {  	[sflag:s19] =	ssyncset.done $0x0  }
0x4c: {  	[sflag:s19] =	ssyncadd.s32 $0xFFFFF800  }
0x4d: {  	_ =	swait.ge [sflag:s19], $0x800  }
0x4e: {  	[sflag:s19] =	ssyncset.done $0x0  }
0x4f: {  	[sflag:s19] =	ssyncadd.s32 $0xFFFFF800  }
0x50: {  	_ =	swait.ge [sflag:s19], $0x800  }
0x51: {  	[sflag:s19] =	ssyncset.done $0x0  }
0x52: {  	[sflag:s19] =	ssyncadd.s32 $0xFFFFF800  }
0x53: {  	_ =	swait.ge [sflag:s19], $0x800  }
0x54: {  	[sflag:s19] =	ssyncset.done $0x0  }
0x55: {  	[sflag:s19] =	ssyncadd.s32 $0xFFFFF800  }
0x56: {  	_ =	swait.ge [sflag:s19], $0x800  }
0x57: {  	[sflag:s19] =	ssyncset.done $0x0  }
0x58: {  	[sflag:s19] =	ssyncadd.s32 $0xFFFFF800  }
0x59: {  	_ =	swait.ge [sflag:s19], $0x800  }
0x5a: {  	[sflag:s19] =	ssyncset.done $0x0  }
0x5b: {  	[sflag:s19] =	ssyncadd.s32 $0xFFFFF800  }
0x5c: {  	_ =	swait.ge [sflag:s19], $0x800  }
0x5d: {  	[sflag:s19] =	ssyncset.done $0x0  }
0x5e: {  	[sflag:s19] =	ssyncadd.s32 $0xFFFFF800  }
0x5f: {  	[spmem:s2] =	stream.indirect.scatter.add.f32 [tilespmem:s12], [sflag:$0x2], $0x10, s20, s11, $0xb8;
	[tilespmem:$0x7E80] =	vst v63  }
0x60: {  	_ =	swait.ge [sflag:s10], $0x800  }
0x61: {  	[sflag:s10] =	ssyncset.done $0x0  }
0x62: {  	[sflag:s10] =	ssyncadd.s32 $0xFFFFF800  }
0x63: {  	[spmem:s2] =	stream.indirect.scatter.add.f32 [tilespmem:s12], [sflag:$0x2], $0x10, s21, s11, $0xb8;
	[tilespmem:$0x7E80] =	vst v63  }
0x64: {  	_ =	swait.ge [sflag:s10], $0x800  }
0x65: {  	[sflag:s10] =	ssyncset.done $0x0  }
0x66: {  	[sflag:s10] =	ssyncadd.s32 $0xFFFFF800  }
0x67: {  	[spmem:s2] =	stream.indirect.scatter.add.f32 [tilespmem:s12], [sflag:$0x2], $0x10, s22, s11, $0xb8;
	[tilespmem:$0x7E80] =	vst v63  }
0x68: {  	_ =	swait.ge [sflag:s10], $0x800  }
0x69: {  	[sflag:s10] =	ssyncset.done $0x0  }
0x6a: {  	[sflag:s10] =	ssyncadd.s32 $0xFFFFF800  }
0x6b: {  	[spmem:s2] =	stream.indirect.scatter.add.f32 [tilespmem:s12], [sflag:$0x2], $0x10, s23, s11, $0xb8;
	[tilespmem:$0x7E80] =	vst v63  }
0x6c: {  	_ =	swait.ge [sflag:s10], $0x800  }
0x6d: {  	[sflag:s10] =	ssyncset.done $0x0  }
0x6e: {  	[sflag:s10] =	ssyncadd.s32 $0xFFFFF800  }
0x6f: {  	[spmem:s2] =	stream.indirect.scatter.add.f32 [tilespmem:s12], [sflag:$0x2], $0x10, s24, s11, $0xb8;
	[tilespmem:$0x7E80] =	vst v63  }
0x70: {  	_ =	swait.ge [sflag:s10], $0x800  }
0x71: {  	[sflag:s10] =	ssyncset.done $0x0  }
0x72: {  	[sflag:s10] =	ssyncadd.s32 $0xFFFFF800  }
0x73: {  	[spmem:s2] =	stream.indirect.scatter.add.f32 [tilespmem:s12], [sflag:$0x2], $0x10, s25, s11, $0xb8;
	[tilespmem:$0x7E80] =	vst v63  }
0x74: {  	_ =	swait.ge [sflag:s10], $0x800  }
0x75: {  	s28 =	simm.s32 @!p0 $0x80;
	[sflag:s10] =	ssyncset.done $0x0  }
0x76: {  	s29 =	simm.s32 @!p0 $0x2700;
	s30 =	simm.s32 @!p0 $0x2780;
	[sflag:s10] =	ssyncadd.s32 $0xFFFFF800  }
0x77: {  	[spmem:s2] =	stream.indirect.scatter.add.f32 @!p0 [tilespmem:s30], [sflag:$0x2], $0x10, s29, s28, $0xb8;
	[tilespmem:$0x7E80] =	vst v63  }
0x78: {  	s28 =	simm.s32 @!p0 $0x2  }
0x79: {  	_ =	swait.ge @!p0 [sflag:s28], $0x800  }
0x7a: {  	s31 =	sshrl.u32 s4, $0x3;
	s26 =	sadd.s32 $0x1, s26;
	[sflag:s28] =	ssyncset.done @!p0 $0x0  }
0x7b: {  	p1 =	sne.s32 s26, s8;
	s30 =	sshll.u32 s1, $0x6;
	[sflag:s28] =	ssyncadd.s32 @!p0 $0xFFFFF800  }
.Ltmp3:
0x7c: {  	s28 =	sor.u32 $0x1C02, s30;
	[bflag:$0x0] =	sbarrier.arrive $0xFFFF;
	(pc) =	sbr.rel @p1 .LBB2_1-.Ltmp3, $4  }
0x7d: {  	[hbm:s7], [sflag:s28] =	dma.local [spmem:s31], $0x4F0  }
0x7e: {  	_ =	swait.ge [sflag:s10], $0x4F0  }
0x7f: {  	[sflag:s10] =	ssyncset.done $0x0  }
0x80: {  	[sflag:s10] =	ssyncadd.s32 $0xFFFFFB10  }
0x81: {  	_ =	sfence.sel $0x180000  }
0x82: {  	[bflag:$0x0] =	sbarrier.arrive $0xFFFF  }
0x83: {  	p0 =	sne.s32 s1, $0x0;
	_ =	strace $0x90000047  }
0x84: {  	s0 =	sadd.s32 @!p0 $0x100000, s0;
	[bflag:$0x2] =	sbarrier.arrive $0xFFFF  }
0x85: {  	[sflag:s0] =	ssyncadd.tile.s32 @!p0 $0x1;
	_ =	shalt  }
.Lfunc_end2:
_tile_overlayer_lowered:
.L_overlay_start_2:
0x86: {  	(tag) =	ssettag $0x2  }
0x87: {  	s0 =	rddreg [dreg:$0x0];
	s2 =	stileid.u32  }
0x88: {  	s1 =	rddreg [dreg:$0x1];
	p0 =	sne.s32 s2, $0x0  }
0x89: {  	s3 =	rddreg [dreg:$0x2];
	[bflag:$0x3] =	sbarrier.arrive $0xFFFF;
	s2 =	simm.s32 @!p0 $0x1C02  }
0x8a: {  	[timem:s3], [sflag:s2] =	dma.local @!p0 [hbm:s0], s1  }
0x8b: {  	s0 =	simm.s32 @!p0 $0x2  }
0x8c: {  	_ =	swait.ge @!p0 [sflag:s0], s1  }
0x8d: {  	s1 =	ssub.s32 @!p0 $0x0, s1;
	[sflag:s0] =	ssyncset.done @!p0 $0x0  }
0x8e: {  	[sflag:s0] =	ssyncadd.s32 @!p0 s1  }
0x8f: {  	[bflag:$0x3] =	sbarrier.arrive $0xFFFF  }
0x90: {  	_ =	shalt  }

</sc_bundles>
